<compile_context>
chip_gen: v7x
topology: tpu7x:2x2x1
jax: 0.10.2.dev20260603
libtpu: 0.0.44.dev20260713+nightly
codegen_flags: <defaults>
</compile_context>

<pallas_src>
import functools

import numpy as np
import jax
import jax.numpy as jnp
from jax import lax
from jax.experimental import pallas as pl
from jax.experimental.pallas import tpu as pltpu
from jax.experimental.pallas import tpu_sc as plsc

_L = 16
_NC, _NS = 2, 16
_NW = _NC * _NS
_U = 4
_TAIL_LEVELS = ((15, 8), (7, 8), (0, 7))


def _sc_body(k, B, N, atom_hbm, ca_hbm, sp_hbm, esm_hbm,
             atom0_v, atom1_v, ca_v, bits_v, cmp_v, hist0_v, histA_v,
             histB_v, sp_v, esm_v, cnt_s,
             sem_a0, sem_a1, sem_ca, sem_sp, sem_esm):
    NV = N // _L
    bpw = B // _NW
    wid = lax.axis_index("s") * _NC + lax.axis_index("c")
    b0 = wid * bpw

    lane = lax.iota(jnp.int32, _L)
    fz = jnp.zeros((_L,), jnp.float32)
    iz = jnp.zeros((_L,), jnp.int32)
    ones_i = jnp.ones((_L,), jnp.int32)

    atom_bufs = (atom0_v, atom1_v)
    atom_sems = (sem_a0, sem_a1)
    atom_cp = [pltpu.async_copy(atom_hbm.at[b0], atom0_v, sem_a0)]
    out_cp = []

    for bb in range(bpw):
        b = b0 + bb
        atom_v = atom_bufs[bb % 2]
        ca_cp = pltpu.async_copy(ca_hbm.at[b], ca_v, sem_ca)
        atom_cp[-1].wait()
        if bb + 1 < bpw:
            atom_cp.append(pltpu.async_copy(
                atom_hbm.at[b + 1], atom_bufs[(bb + 1) % 2],
                atom_sems[(bb + 1) % 2]))

        def cent_body(i, accs, atom_v=atom_v):
            ax0, ay0, az0, ax1, ay1, az1 = accs
            for u in range(4):
                hist0_v[pl.ds((4 * i + u) * _L, _L)] = iz
            for u in range(2 * _U):
                g = i * 2 * _U + u
                r = g >> 3
                c = (g & 7) * _L
                if u % 2 == 0:
                    ax0 = ax0 + atom_v[0, r, pl.ds(c, _L)]
                    ay0 = ay0 + atom_v[1, r, pl.ds(c, _L)]
                    az0 = az0 + atom_v[2, r, pl.ds(c, _L)]
                else:
                    ax1 = ax1 + atom_v[0, r, pl.ds(c, _L)]
                    ay1 = ay1 + atom_v[1, r, pl.ds(c, _L)]
                    az1 = az1 + atom_v[2, r, pl.ds(c, _L)]
            return (ax0, ay0, az0, ax1, ay1, az1)

        ax0, ay0, az0, ax1, ay1, az1 = lax.fori_loop(
            0, NV // (2 * _U), cent_body, (fz, fz, fz, fz, fz, fz))
        inv_n = 1.0 / float(N)
        cx = jnp.sum(ax0 + ax1) * inv_n
        cy = jnp.sum(ay0 + ay1) * inv_n
        cz = jnp.sum(az0 + az1) * inv_n

        ca_cp.wait()

        def dist_body(i, _):
            for u in range(2 * _U):
                g = i * 2 * _U + u
                r = g >> 3
                c = (g & 7) * _L
                dx = ca_v[0, r, pl.ds(c, _L)] - cx
                dy = ca_v[1, r, pl.ds(c, _L)] - cy
                dz = ca_v[2, r, pl.ds(c, _L)] - cz
                d2 = dx * dx + dy * dy + dz * dz
                bts = lax.bitcast_convert_type(d2, jnp.int32)
                bits_v[pl.ds(g * _L, _L)] = bts
                plsc.addupdate_scatter(hist0_v, [(bts >> 23) * _L + lane],
                                       ones_i)
            return 0

        lax.fori_loop(0, NV // (2 * _U), dist_body, 0)

        def scan0_body(i, carry):
            cnt, found, bucket, below = carry
            for u in range(2):
                d = i * 2 + u
                histA_v[pl.ds(d * _L, _L)] = iz
                s = jnp.sum(hist0_v[pl.ds(d * _L, _L)])
                take = jnp.logical_and(jnp.logical_not(found), cnt + s >= k)
                bucket = jnp.where(take, d, bucket)
                below = jnp.where(take, cnt, below)
                found = jnp.logical_or(found, take)
                cnt = cnt + s
            return (cnt, found, bucket, below)

        _, _, bucket, below = lax.fori_loop(
            0, 128, scan0_body,
            (jnp.int32(0), False, jnp.int32(0), jnp.int32(0)))
        prefix = bucket
        krem = jnp.int32(k) - below

        def compA_body(i, _):
            for u in range(_U):
                g = i * _U + u
                bts = bits_v[pl.ds(g * _L, _L)]
                m = (bts >> 23) == prefix
                plsc.store_compressed(cmp_v.at[pl.ds(g * _L, _L)], bts,
                                      mask=m)
                p = plsc.all_reduce_population_count(m)
                cnt_s[g] = p[0]
            return 0

        lax.fori_loop(0, NV // _U, compA_body, 0)

        def compB_body(i, off):
            for u in range(_U):
                g = i * _U + u
                v = cmp_v[pl.ds(g * _L, _L)]
                cmp_v[pl.ds(off, _L)] = v
                off = off + cnt_s[g]
            return off

        csize = lax.fori_loop(0, NV // _U, compB_body, jnp.int32(0))
        cmp_v[pl.ds(csize, _L)] = jnp.full((_L,), 0x7FFFFFFF, jnp.int32)
        ncv = (csize + _L - 1) // _L

        hists = (histA_v, histB_v, histA_v)
        nxt = (histB_v, histA_v, None)
        for li, (shift, nbits) in enumerate(_TAIL_LEVELS):
            nb = 1 << nbits
            h_ref = hists[li]

            def hist_body(g, _, shift=shift, nb=nb, nbits=nbits,
                          prefix=prefix, h_ref=h_ref):
                bts = cmp_v[pl.ds(g * _L, _L)]
                dig = (bts >> shift) & (nb - 1)
                m = (bts >> (shift + nbits)) == prefix
                plsc.addupdate_scatter(h_ref, [dig * _L + lane], ones_i,
                                       mask=m)
                return 0

            lax.fori_loop(0, ncv, hist_body, 0)

            def scan_body(i, carry, krem=krem, h_ref=h_ref, n_ref=nxt[li]):
                cnt, found, bucket, below = carry
                if n_ref is not None:
                    n_ref[pl.ds(i * _L, _L)] = iz
                s = jnp.sum(h_ref[pl.ds(i * _L, _L)])
                take = jnp.logical_and(jnp.logical_not(found),
                                       cnt + s >= krem)
                bucket = jnp.where(take, i, bucket)
                below = jnp.where(take, cnt, below)
                found = jnp.logical_or(found, take)
                return (cnt + s, found, bucket, below)

            _, _, bucket, below = lax.fori_loop(
                0, nb, scan_body,
                (jnp.int32(0), False, jnp.int32(0), jnp.int32(0)))
            prefix = (prefix << nbits) | bucket
            krem = krem - below

        thr = prefix

        for cp in out_cp:
            cp.wait()
        out_cp = []

        def out_body(i, _):
            for u in range(2 * _U):
                g = i * 2 * _U + u
                r = g >> 3
                c = (g & 7) * _L
                bts = bits_v[pl.ds(g * _L, _L)]
                sel = bts <= thr
                sp_v[r, pl.ds(c, _L)] = jnp.where(sel, 0.0, 1.0)
                esm_v[r, pl.ds(c, _L)] = jnp.where(sel, 32.0, 0.0)
            return 0

        lax.fori_loop(0, NV // (2 * _U), out_body, 0)

        out_cp.append(pltpu.async_copy(
            sp_v, sp_hbm.at[b >> 3, :, b & 7, :], sem_sp))
        out_cp.append(pltpu.async_copy(
            esm_v, esm_hbm.at[b >> 3, :, b & 7, :], sem_esm))

    for cp in out_cp:
        cp.wait()


def kernel(residue_ca_pos, residue_mask, atom_pos, atom_mask, max_p):
    B, N, _ = residue_ca_pos.shape
    n_mean_res = float(residue_mask.shape[-1])
    np.random.seed(0)
    top_k = int(np.random.choice(np.linspace(0, 1, 1000)) * n_mean_res)
    top_k = max(top_k, 1)

    RR = N // 128
    at = jnp.transpose(atom_pos, (0, 2, 1)).reshape(B, 3, RR, 128)
    ca = jnp.transpose(residue_ca_pos, (0, 2, 1)).reshape(B, 3, RR, 128)

    mesh = plsc.VectorSubcoreMesh(core_axis_name="c", subcore_axis_name="s")
    run = pl.kernel(
        functools.partial(_sc_body, top_k, B, N),
        mesh=mesh,
        compiler_params=pltpu.CompilerParams(needs_layout_passes=False),
        out_type=[
            jax.ShapeDtypeStruct((B // 8, RR, 8, 128), jnp.float32),
            jax.ShapeDtypeStruct((B // 8, RR, 8, 128), jnp.float32),
        ],
        scratch_types=[
            pltpu.VMEM((3, RR, 128), jnp.float32),
            pltpu.VMEM((3, RR, 128), jnp.float32),
            pltpu.VMEM((3, RR, 128), jnp.float32),
            pltpu.VMEM((N,), jnp.int32),
            pltpu.VMEM((N + 2 * _L,), jnp.int32),
            pltpu.VMEM((256 * _L,), jnp.int32),
            pltpu.VMEM((256 * _L,), jnp.int32),
            pltpu.VMEM((256 * _L,), jnp.int32),
            pltpu.VMEM((RR, 128), jnp.float32),
            pltpu.VMEM((RR, 128), jnp.float32),
            pltpu.SMEM((N // _L,), jnp.int32),
            pltpu.SemaphoreType.DMA,
            pltpu.SemaphoreType.DMA,
            pltpu.SemaphoreType.DMA,
            pltpu.SemaphoreType.DMA,
            pltpu.SemaphoreType.DMA,
        ],
    )
    sp4, esm4 = run(at, ca)
    spatial = sp4.transpose(0, 2, 1, 3).reshape(B, N)
    esm = esm4.transpose(0, 2, 1, 3).reshape(B, N)
    return (spatial, esm)

# --- scband reference (transcript-rebuilt; emitter-appended) ---
"""Pipeline reference for scband-spatial-masking-module-59493886984281 (READ-ONLY COPY).

The authoritative reference and input builder live on the scoring server;
editing this copy changes nothing except your own understanding.
"""

import jax, jax.numpy as jnp
import numpy as np

INF = 10000000000.0

def safe_norm(x, axis, eps=1e-12):
    return jnp.sqrt(jnp.sum(jnp.square(x), axis=axis) + eps)

def setup_inputs(seed: int = 0):
    key = jax.random.key(seed)
    k1, k2 = jax.random.split(key)
    B, N = 64, 8192
    residue_ca_pos = jax.random.normal(k1, (B, N, 3), dtype=jnp.float32)
    residue_mask = jnp.ones((B, N), dtype=jnp.float32)
    atom_pos = jax.random.normal(k2, (B, N, 3), dtype=jnp.float32)
    atom_mask = jnp.ones((B, N), dtype=jnp.float32)
    return {"residue_ca_pos": residue_ca_pos, "residue_mask": residue_mask, "atom_pos": atom_pos, "atom_mask": atom_mask, "max_p": 1}

def reference(residue_ca_pos, residue_mask, atom_pos, atom_mask, max_p):
    # n_mean_res: median over batch of per-sample valid residue counts; the mask
    # is always all-ones, so this equals the static residue dimension
    n_mean_res = float(residue_mask.shape[-1])
    # top_k drawn as in the torch module, made deterministic via fixed numpy seed
    np.random.seed(0)
    top_k = int(np.random.choice(np.linspace(0, 1, 1000)) * n_mean_res)
    top_k = max(top_k, 1)
    # centroid of atoms per batch element, broadcast over residues
    atom_centroids = jnp.sum(atom_pos, axis=-2) / jnp.sum(atom_mask, axis=-1, keepdims=True)
    atom_centroids = jnp.broadcast_to(atom_centroids[:, None, :], residue_ca_pos.shape)
    dists = safe_norm(atom_centroids - residue_ca_pos, axis=-1) + (1.0 - residue_mask) * INF
    dists = dists + 0.0 * jnp.asarray(max_p, dists.dtype)
    # smallest-k -> top_k on negated distances
    _, nbr_indices = jax.lax.top_k(-dists, top_k)
    rm = jax.lax.stop_gradient(residue_mask)  # mimics .detach().clone()
    spatial = rm
    esm = 1.0 - rm
    b_idx = jnp.arange(residue_mask.shape[0])[:, None]
    spatial = spatial.at[b_idx, nbr_indices].set(0.0)
    esm = esm.at[b_idx, nbr_indices].set(32.0)
    return (spatial, esm)

if __name__ == "__main__":
    import jax
    _d = setup_inputs()
    print(jax.jit(kernel)(*tuple(_d.values())))

</pallas_src>

<mosaic_0001>
#map = affine_map<(d0, d1) -> (0, 0, 0, 0)>
module attributes {stable_mosaic.version = 14 : i64} {
  func.func @_sc_body(%arg0: i32, %arg1: i32, %arg2: memref<64x3x64x128xf32, #tpu.memory_space<hbm>>, %arg3: memref<64x3x64x128xf32, #tpu.memory_space<hbm>>, %arg4: memref<8x64x8x128xf32, #tpu.memory_space<hbm>>, %arg5: memref<8x64x8x128xf32, #tpu.memory_space<hbm>>, %arg6: memref<3x64x128xf32, #tpu.memory_space<vmem>>, %arg7: memref<3x64x128xf32, #tpu.memory_space<vmem>>, %arg8: memref<3x64x128xf32, #tpu.memory_space<vmem>>, %arg9: memref<8192xi32, #tpu.memory_space<vmem>>, %arg10: memref<8224xi32, #tpu.memory_space<vmem>>, %arg11: memref<4096xi32, #tpu.memory_space<vmem>>, %arg12: memref<4096xi32, #tpu.memory_space<vmem>>, %arg13: memref<4096xi32, #tpu.memory_space<vmem>>, %arg14: memref<64x128xf32, #tpu.memory_space<vmem>>, %arg15: memref<64x128xf32, #tpu.memory_space<vmem>>, %arg16: memref<512xi32, #tpu.memory_space<smem>>, %arg17: memref<!tpu.dma_semaphore, #tpu.memory_space<semaphore_mem>>, %arg18: memref<!tpu.dma_semaphore, #tpu.memory_space<semaphore_mem>>, %arg19: memref<!tpu.dma_semaphore, #tpu.memory_space<semaphore_mem>>, %arg20: memref<!tpu.dma_semaphore, #tpu.memory_space<semaphore_mem>>, %arg21: memref<!tpu.dma_semaphore, #tpu.memory_space<semaphore_mem>>) attributes {dimension_semantics = [#tpu.dimension_semantics<core_parallel>, #tpu.dimension_semantics<subcore_parallel>], iteration_bounds = array<i64: 2, 16>, scalar_prefetch = 0 : i64, scratch_operands = 16 : i64, tpu.core_type = #tpu.core_type<sc_vector_subcore>, window_params = [{transform_indices = #map}, {transform_indices = #map}, {transform_indices = #map}, {transform_indices = #map}]} {
    %mul3A = arith.constant 2 : i32
    %mul3A_0 = arith.muli %arg1, %mul3A : i32
    %add3A = arith.addi %mul3A_0, %arg0 : i32
    %mul3A_1 = arith.constant 2 : i32
    %mul3A_2 = arith.muli %add3A, %mul3A_1 : i32
    %iota3A = tpu.iota {dimensions = array<i32: 0>} : vector<16xi32>
    %broadcast_in_dim3A = arith.constant 0.000000e+00 : f32
    %broadcast_in_dim3A_3 = vector.broadcast %broadcast_in_dim3A : f32 to vector<16xf32>
    %broadcast_in_dim3A_4 = arith.constant 0 : i32
    %broadcast_in_dim3A_5 = vector.broadcast %broadcast_in_dim3A_4 : i32 to vector<16xi32>
    %broadcast_in_dim3A_6 = arith.constant 1 : i32
    %broadcast_in_dim3A_7 = vector.broadcast %broadcast_in_dim3A_6 : i32 to vector<16xi32>
    %dma_start3A = arith.constant 0 : i32
    %dma_start3A_8 = arith.constant 0 : i32
    %dma_start3A_9 = arith.constant 0 : i32
    %dma_start3A_10 = tpu.memref_slice %arg2[%mul3A_2, %dma_start3A, %dma_start3A_8, %dma_start3A_9] : memref<64x3x64x128xf32, #tpu.memory_space<hbm>> -> memref<1x3x64x128xf32, #tpu.memory_space<hbm>>
    %dma_start3A_11 = tpu.memref_squeeze %dma_start3A_10 : memref<1x3x64x128xf32, #tpu.memory_space<hbm>> -> memref<3x64x128xf32, #tpu.memory_space<hbm>>
    %dma_start3A_12 = arith.constant 0 : i32
    %dma_start3A_13 = arith.constant 0 : i32
    %dma_start3A_14 = arith.constant 0 : i32
    %dma_start3A_15 = tpu.memref_slice %arg2[%mul3A_2, %dma_start3A_12, %dma_start3A_13, %dma_start3A_14] : memref<64x3x64x128xf32, #tpu.memory_space<hbm>> -> memref<1x3x64x128xf32, #tpu.memory_space<hbm>>
    %dma_start3A_16 = tpu.memref_squeeze %dma_start3A_15 : memref<1x3x64x128xf32, #tpu.memory_space<hbm>> -> memref<3x64x128xf32, #tpu.memory_space<hbm>>
    tpu.enqueue_dma source(%dma_start3A_16 : memref<3x64x128xf32, #tpu.memory_space<hbm>>) target(%arg6 : memref<3x64x128xf32, #tpu.memory_space<vmem>>) target_semaphore(%arg17 : memref<!tpu.dma_semaphore, #tpu.memory_space<semaphore_mem>>)
    %add3A_17 = arith.constant 0 : i32
    %add3A_18 = arith.addi %mul3A_2, %add3A_17 : i32
    %dma_start3A_19 = arith.constant 0 : i32
    %dma_start3A_20 = arith.constant 0 : i32
    %dma_start3A_21 = arith.constant 0 : i32
    %dma_start3A_22 = tpu.memref_slice %arg3[%add3A_18, %dma_start3A_19, %dma_start3A_20, %dma_start3A_21] : memref<64x3x64x128xf32, #tpu.memory_space<hbm>> -> memref<1x3x64x128xf32, #tpu.memory_space<hbm>>
    %dma_start3A_23 = tpu.memref_squeeze %dma_start3A_22 : memref<1x3x64x128xf32, #tpu.memory_space<hbm>> -> memref<3x64x128xf32, #tpu.memory_space<hbm>>
    %dma_start3A_24 = arith.constant 0 : i32
    %dma_start3A_25 = arith.constant 0 : i32
    %dma_start3A_26 = arith.constant 0 : i32
    %dma_start3A_27 = tpu.memref_slice %arg3[%add3A_18, %dma_start3A_24, %dma_start3A_25, %dma_start3A_26] : memref<64x3x64x128xf32, #tpu.memory_space<hbm>> -> memref<1x3x64x128xf32, #tpu.memory_space<hbm>>
    %dma_start3A_28 = tpu.memref_squeeze %dma_start3A_27 : memref<1x3x64x128xf32, #tpu.memory_space<hbm>> -> memref<3x64x128xf32, #tpu.memory_space<hbm>>
    tpu.enqueue_dma source(%dma_start3A_28 : memref<3x64x128xf32, #tpu.memory_space<hbm>>) target(%arg8 : memref<3x64x128xf32, #tpu.memory_space<vmem>>) target_semaphore(%arg19 : memref<!tpu.dma_semaphore, #tpu.memory_space<semaphore_mem>>)
    %dma_wait3A = arith.constant 0 : i32
    %dma_wait3A_29 = arith.constant 0 : i32
    %dma_wait3A_30 = arith.constant 0 : i32
    %dma_wait3A_31 = tpu.memref_slice %arg2[%mul3A_2, %dma_wait3A, %dma_wait3A_29, %dma_wait3A_30] : memref<64x3x64x128xf32, #tpu.memory_space<hbm>> -> memref<1x3x64x128xf32, #tpu.memory_space<hbm>>
    %dma_wait3A_32 = tpu.memref_squeeze %dma_wait3A_31 : memref<1x3x64x128xf32, #tpu.memory_space<hbm>> -> memref<3x64x128xf32, #tpu.memory_space<hbm>>
    %dma_wait3A_33 = arith.constant 0 : i32
    %dma_wait3A_34 = arith.constant 0 : i32
    %dma_wait3A_35 = arith.constant 0 : i32
    %dma_wait3A_36 = tpu.memref_slice %arg2[%mul3A_2, %dma_wait3A_33, %dma_wait3A_34, %dma_wait3A_35] : memref<64x3x64x128xf32, #tpu.memory_space<hbm>> -> memref<1x3x64x128xf32, #tpu.memory_space<hbm>>
    %dma_wait3A_37 = tpu.memref_squeeze %dma_wait3A_36 : memref<1x3x64x128xf32, #tpu.memory_space<hbm>> -> memref<3x64x128xf32, #tpu.memory_space<hbm>>
    tpu.wait_dma2 semaphore(%arg17 : memref<!tpu.dma_semaphore, #tpu.memory_space<semaphore_mem>>) src(%dma_wait3A_37 : memref<3x64x128xf32, #tpu.memory_space<hbm>>) dst(%arg6 : memref<3x64x128xf32, #tpu.memory_space<vmem>>)
    %add3A_38 = arith.constant 1 : i32
    %add3A_39 = arith.addi %add3A_18, %add3A_38 : i32
    %dma_start3A_40 = arith.constant 0 : i32
    %dma_start3A_41 = arith.constant 0 : i32
    %dma_start3A_42 = arith.constant 0 : i32
    %dma_start3A_43 = tpu.memref_slice %arg2[%add3A_39, %dma_start3A_40, %dma_start3A_41, %dma_start3A_42] : memref<64x3x64x128xf32, #tpu.memory_space<hbm>> -> memref<1x3x64x128xf32, #tpu.memory_space<hbm>>
    %dma_start3A_44 = tpu.memref_squeeze %dma_start3A_43 : memref<1x3x64x128xf32, #tpu.memory_space<hbm>> -> memref<3x64x128xf32, #tpu.memory_space<hbm>>
    %dma_start3A_45 = arith.constant 0 : i32
    %dma_start3A_46 = arith.constant 0 : i32
    %dma_start3A_47 = arith.constant 0 : i32
    %dma_start3A_48 = tpu.memref_slice %arg2[%add3A_39, %dma_start3A_45, %dma_start3A_46, %dma_start3A_47] : memref<64x3x64x128xf32, #tpu.memory_space<hbm>> -> memref<1x3x64x128xf32, #tpu.memory_space<hbm>>
    %dma_start3A_49 = tpu.memref_squeeze %dma_start3A_48 : memref<1x3x64x128xf32, #tpu.memory_space<hbm>> -> memref<3x64x128xf32, #tpu.memory_space<hbm>>
    tpu.enqueue_dma source(%dma_start3A_49 : memref<3x64x128xf32, #tpu.memory_space<hbm>>) target(%arg7 : memref<3x64x128xf32, #tpu.memory_space<vmem>>) target_semaphore(%arg18 : memref<!tpu.dma_semaphore, #tpu.memory_space<semaphore_mem>>)
    %scan3A = arith.constant 0 : i32
    %scan3A_50 = arith.constant 64 : i32
    %scan3A_51 = arith.addi %scan3A, %scan3A_50 : i32
    %scan3A_52 = arith.constant 1 : i32
    %scan3A_53:6 = scf.for %scan3A_511 = %scan3A to %scan3A_51 step %scan3A_52 iter_args(%scan3A_512 = %broadcast_in_dim3A_3, %scan3A_513 = %broadcast_in_dim3A_3, %scan3A_514 = %broadcast_in_dim3A_3, %scan3A_515 = %broadcast_in_dim3A_3, %scan3A_516 = %broadcast_in_dim3A_3, %scan3A_517 = %broadcast_in_dim3A_3) -> (vector<16xf32>, vector<16xf32>, vector<16xf32>, vector<16xf32>, vector<16xf32>, vector<16xf32>)  : i32 {
      %mul3A_518 = arith.constant 4 : i32
      %mul3A_519 = arith.muli %mul3A_518, %scan3A_511 : i32
      %add3A_520 = arith.constant 0 : i32
      %add3A_521 = arith.addi %mul3A_519, %add3A_520 : i32
      %mul3A_522 = arith.constant 16 : i32
      %mul3A_523 = arith.muli %add3A_521, %mul3A_522 : i32
      %swap3A_524 = arith.index_cast %mul3A_523 : i32 to index
      %swap3A_525 = tpu.vector_load %arg11[%swap3A_524] {strides = array<i32>} : memref<4096xi32, #tpu.memory_space<vmem>>, vector<16xi32>,
      tpu.vector_store %arg11[%swap3A_524], %broadcast_in_dim3A_5 {strides = array<i32>} : memref<4096xi32, #tpu.memory_space<vmem>>, vector<16xi32>,
      %mul3A_526 = arith.constant 4 : i32
      %mul3A_527 = arith.muli %mul3A_526, %scan3A_511 : i32
      %add3A_528 = arith.constant 1 : i32
      %add3A_529 = arith.addi %mul3A_527, %add3A_528 : i32
      %mul3A_530 = arith.constant 16 : i32
      %mul3A_531 = arith.muli %add3A_529, %mul3A_530 : i32
      %swap3A_532 = arith.index_cast %mul3A_531 : i32 to index
      %swap3A_533 = tpu.vector_load %arg11[%swap3A_532] {strides = array<i32>} : memref<4096xi32, #tpu.memory_space<vmem>>, vector<16xi32>,
      tpu.vector_store %arg11[%swap3A_532], %broadcast_in_dim3A_5 {strides = array<i32>} : memref<4096xi32, #tpu.memory_space<vmem>>, vector<16xi32>,
      %mul3A_534 = arith.constant 4 : i32
      %mul3A_535 = arith.muli %mul3A_534, %scan3A_511 : i32
      %add3A_536 = arith.constant 2 : i32
      %add3A_537 = arith.addi %mul3A_535, %add3A_536 : i32
      %mul3A_538 = arith.constant 16 : i32
      %mul3A_539 = arith.muli %add3A_537, %mul3A_538 : i32
      %swap3A_540 = arith.index_cast %mul3A_539 : i32 to index
      %swap3A_541 = tpu.vector_load %arg11[%swap3A_540] {strides = array<i32>} : memref<4096xi32, #tpu.memory_space<vmem>>, vector<16xi32>,
      tpu.vector_store %arg11[%swap3A_540], %broadcast_in_dim3A_5 {strides = array<i32>} : memref<4096xi32, #tpu.memory_space<vmem>>, vector<16xi32>,
      %mul3A_542 = arith.constant 4 : i32
      %mul3A_543 = arith.muli %mul3A_542, %scan3A_511 : i32
      %add3A_544 = arith.constant 3 : i32
      %add3A_545 = arith.addi %mul3A_543, %add3A_544 : i32
      %mul3A_546 = arith.constant 16 : i32
      %mul3A_547 = arith.muli %add3A_545, %mul3A_546 : i32
      %swap3A_548 = arith.index_cast %mul3A_547 : i32 to index
      %swap3A_549 = tpu.vector_load %arg11[%swap3A_548] {strides = array<i32>} : memref<4096xi32, #tpu.memory_space<vmem>>, vector<16xi32>,
      tpu.vector_store %arg11[%swap3A_548], %broadcast_in_dim3A_5 {strides = array<i32>} : memref<4096xi32, #tpu.memory_space<vmem>>, vector<16xi32>,
      %mul3A_550 = arith.constant 2 : i32
      %mul3A_551 = arith.muli %scan3A_511, %mul3A_550 : i32
      %mul3A_552 = arith.constant 4 : i32
      %mul3A_553 = arith.muli %mul3A_551, %mul3A_552 : i32
      %add3A_554 = arith.constant 0 : i32
      %add3A_555 = arith.addi %mul3A_553, %add3A_554 : i32
      %shift_right_arithmetic3A_556 = arith.constant 3 : i32
      %shift_right_arithmetic3A_557 = arith.shrsi %add3A_555, %shift_right_arithmetic3A_556 : i32
      %and3A_558 = arith.constant 7 : i32
      %and3A_559 = arith.andi %add3A_555, %and3A_558 : i32
      %mul3A_560 = arith.constant 16 : i32
      %mul3A_561 = arith.muli %and3A_559, %mul3A_560 : i32
      %get3A = arith.constant 0 : i32
      %get3A_562 = arith.index_cast %get3A : i32 to index
      %get3A_563 = arith.index_cast %shift_right_arithmetic3A_557 : i32 to index
      %get3A_564 = arith.index_cast %mul3A_561 : i32 to index
      %get3A_565 = tpu.vector_load %arg6[%get3A_562, %get3A_563, %get3A_564] {strides = array<i32>} : memref<3x64x128xf32, #tpu.memory_space<vmem>>, vector<16xf32>,
      %add3A_566 = arith.addf %scan3A_512, %get3A_565 : vector<16xf32>
      %get3A_567 = arith.constant 1 : i32
      %get3A_568 = arith.index_cast %get3A_567 : i32 to index
      %get3A_569 = arith.index_cast %shift_right_arithmetic3A_557 : i32 to index
      %get3A_570 = arith.index_cast %mul3A_561 : i32 to index
      %get3A_571 = tpu.vector_load %arg6[%get3A_568, %get3A_569, %get3A_570] {strides = array<i32>} : memref<3x64x128xf32, #tpu.memory_space<vmem>>, vector<16xf32>,
      %add3A_572 = arith.addf %scan3A_513, %get3A_571 : vector<16xf32>
      %get3A_573 = arith.constant 2 : i32
      %get3A_574 = arith.index_cast %get3A_573 : i32 to index
      %get3A_575 = arith.index_cast %shift_right_arithmetic3A_557 : i32 to index
      %get3A_576 = arith.index_cast %mul3A_561 : i32 to index
      %get3A_577 = tpu.vector_load %arg6[%get3A_574, %get3A_575, %get3A_576] {strides = array<i32>} : memref<3x64x128xf32, #tpu.memory_space<vmem>>, vector<16xf32>,
      %add3A_578 = arith.addf %scan3A_514, %get3A_577 : vector<16xf32>
      %mul3A_579 = arith.constant 2 : i32
      %mul3A_580 = arith.muli %scan3A_511, %mul3A_579 : i32
      %mul3A_581 = arith.constant 4 : i32
      %mul3A_582 = arith.muli %mul3A_580, %mul3A_581 : i32
      %add3A_583 = arith.constant 1 : i32
      %add3A_584 = arith.addi %mul3A_582, %add3A_583 : i32
      %shift_right_arithmetic3A_585 = arith.constant 3 : i32
      %shift_right_arithmetic3A_586 = arith.shrsi %add3A_584, %shift_right_arithmetic3A_585 : i32
      %and3A_587 = arith.constant 7 : i32
      %and3A_588 = arith.andi %add3A_584, %and3A_587 : i32
      %mul3A_589 = arith.constant 16 : i32
      %mul3A_590 = arith.muli %and3A_588, %mul3A_589 : i32
      %get3A_591 = arith.constant 0 : i32
      %get3A_592 = arith.index_cast %get3A_591 : i32 to index
      %get3A_593 = arith.index_cast %shift_right_arithmetic3A_586 : i32 to index
      %get3A_594 = arith.index_cast %mul3A_590 : i32 to index
      %get3A_595 = tpu.vector_load %arg6[%get3A_592, %get3A_593, %get3A_594] {strides = array<i32>} : memref<3x64x128xf32, #tpu.memory_space<vmem>>, vector<16xf32>,
      %add3A_596 = arith.addf %scan3A_515, %get3A_595 : vector<16xf32>
      %get3A_597 = arith.constant 1 : i32
      %get3A_598 = arith.index_cast %get3A_597 : i32 to index
      %get3A_599 = arith.index_cast %shift_right_arithmetic3A_586 : i32 to index
      %get3A_600 = arith.index_cast %mul3A_590 : i32 to index
      %get3A_601 = tpu.vector_load %arg6[%get3A_598, %get3A_599, %get3A_600] {strides = array<i32>} : memref<3x64x128xf32, #tpu.memory_space<vmem>>, vector<16xf32>,
      %add3A_602 = arith.addf %scan3A_516, %get3A_601 : vector<16xf32>
      %get3A_603 = arith.constant 2 : i32
      %get3A_604 = arith.index_cast %get3A_603 : i32 to index
      %get3A_605 = arith.index_cast %shift_right_arithmetic3A_586 : i32 to index
      %get3A_606 = arith.index_cast %mul3A_590 : i32 to index
      %get3A_607 = tpu.vector_load %arg6[%get3A_604, %get3A_605, %get3A_606] {strides = array<i32>} : memref<3x64x128xf32, #tpu.memory_space<vmem>>, vector<16xf32>,
      %add3A_608 = arith.addf %scan3A_517, %get3A_607 : vector<16xf32>
      %mul3A_609 = arith.constant 2 : i32
      %mul3A_610 = arith.muli %scan3A_511, %mul3A_609 : i32
      %mul3A_611 = arith.constant 4 : i32
      %mul3A_612 = arith.muli %mul3A_610, %mul3A_611 : i32
      %add3A_613 = arith.constant 2 : i32
      %add3A_614 = arith.addi %mul3A_612, %add3A_613 : i32
      %shift_right_arithmetic3A_615 = arith.constant 3 : i32
      %shift_right_arithmetic3A_616 = arith.shrsi %add3A_614, %shift_right_arithmetic3A_615 : i32
      %and3A_617 = arith.constant 7 : i32
      %and3A_618 = arith.andi %add3A_614, %and3A_617 : i32
      %mul3A_619 = arith.constant 16 : i32
      %mul3A_620 = arith.muli %and3A_618, %mul3A_619 : i32
      %get3A_621 = arith.constant 0 : i32
      %get3A_622 = arith.index_cast %get3A_621 : i32 to index
      %get3A_623 = arith.index_cast %shift_right_arithmetic3A_616 : i32 to index
      %get3A_624 = arith.index_cast %mul3A_620 : i32 to index
      %get3A_625 = tpu.vector_load %arg6[%get3A_622, %get3A_623, %get3A_624] {strides = array<i32>} : memref<3x64x128xf32, #tpu.memory_space<vmem>>, vector<16xf32>,
      %add3A_626 = arith.addf %add3A_566, %get3A_625 : vector<16xf32>
      %get3A_627 = arith.constant 1 : i32
      %get3A_628 = arith.index_cast %get3A_627 : i32 to index
      %get3A_629 = arith.index_cast %shift_right_arithmetic3A_616 : i32 to index
      %get3A_630 = arith.index_cast %mul3A_620 : i32 to index
      %get3A_631 = tpu.vector_load %arg6[%get3A_628, %get3A_629, %get3A_630] {strides = array<i32>} : memref<3x64x128xf32, #tpu.memory_space<vmem>>, vector<16xf32>,
      %add3A_632 = arith.addf %add3A_572, %get3A_631 : vector<16xf32>
      %get3A_633 = arith.constant 2 : i32
      %get3A_634 = arith.index_cast %get3A_633 : i32 to index
      %get3A_635 = arith.index_cast %shift_right_arithmetic3A_616 : i32 to index
      %get3A_636 = arith.index_cast %mul3A_620 : i32 to index
      %get3A_637 = tpu.vector_load %arg6[%get3A_634, %get3A_635, %get3A_636] {strides = array<i32>} : memref<3x64x128xf32, #tpu.memory_space<vmem>>, vector<16xf32>,
      %add3A_638 = arith.addf %add3A_578, %get3A_637 : vector<16xf32>
      %mul3A_639 = arith.constant 2 : i32
      %mul3A_640 = arith.muli %scan3A_511, %mul3A_639 : i32
      %mul3A_641 = arith.constant 4 : i32
      %mul3A_642 = arith.muli %mul3A_640, %mul3A_641 : i32
      %add3A_643 = arith.constant 3 : i32
      %add3A_644 = arith.addi %mul3A_642, %add3A_643 : i32
      %shift_right_arithmetic3A_645 = arith.constant 3 : i32
      %shift_right_arithmetic3A_646 = arith.shrsi %add3A_644, %shift_right_arithmetic3A_645 : i32
      %and3A_647 = arith.constant 7 : i32
      %and3A_648 = arith.andi %add3A_644, %and3A_647 : i32
      %mul3A_649 = arith.constant 16 : i32
      %mul3A_650 = arith.muli %and3A_648, %mul3A_649 : i32
      %get3A_651 = arith.constant 0 : i32
      %get3A_652 = arith.index_cast %get3A_651 : i32 to index
      %get3A_653 = arith.index_cast %shift_right_arithmetic3A_646 : i32 to index
      %get3A_654 = arith.index_cast %mul3A_650 : i32 to index
      %get3A_655 = tpu.vector_load %arg6[%get3A_652, %get3A_653, %get3A_654] {strides = array<i32>} : memref<3x64x128xf32, #tpu.memory_space<vmem>>, vector<16xf32>,
      %add3A_656 = arith.addf %add3A_596, %get3A_655 : vector<16xf32>
      %get3A_657 = arith.constant 1 : i32
      %get3A_658 = arith.index_cast %get3A_657 : i32 to index
      %get3A_659 = arith.index_cast %shift_right_arithmetic3A_646 : i32 to index
      %get3A_660 = arith.index_cast %mul3A_650 : i32 to index
      %get3A_661 = tpu.vector_load %arg6[%get3A_658, %get3A_659, %get3A_660] {strides = array<i32>} : memref<3x64x128xf32, #tpu.memory_space<vmem>>, vector<16xf32>,
      %add3A_662 = arith.addf %add3A_602, %get3A_661 : vector<16xf32>
      %get3A_663 = arith.constant 2 : i32
      %get3A_664 = arith.index_cast %get3A_663 : i32 to index
      %get3A_665 = arith.index_cast %shift_right_arithmetic3A_646 : i32 to index
      %get3A_666 = arith.index_cast %mul3A_650 : i32 to index
      %get3A_667 = tpu.vector_load %arg6[%get3A_664, %get3A_665, %get3A_666] {strides = array<i32>} : memref<3x64x128xf32, #tpu.memory_space<vmem>>, vector<16xf32>,
      %add3A_668 = arith.addf %add3A_608, %get3A_667 : vector<16xf32>
      %mul3A_669 = arith.constant 2 : i32
      %mul3A_670 = arith.muli %scan3A_511, %mul3A_669 : i32
      %mul3A_671 = arith.constant 4 : i32
      %mul3A_672 = arith.muli %mul3A_670, %mul3A_671 : i32
      %add3A_673 = arith.constant 4 : i32
      %add3A_674 = arith.addi %mul3A_672, %add3A_673 : i32
      %shift_right_arithmetic3A_675 = arith.constant 3 : i32
      %shift_right_arithmetic3A_676 = arith.shrsi %add3A_674, %shift_right_arithmetic3A_675 : i32
      %and3A_677 = arith.constant 7 : i32
      %and3A_678 = arith.andi %add3A_674, %and3A_677 : i32
      %mul3A_679 = arith.constant 16 : i32
      %mul3A_680 = arith.muli %and3A_678, %mul3A_679 : i32
      %get3A_681 = arith.constant 0 : i32
      %get3A_682 = arith.index_cast %get3A_681 : i32 to index
      %get3A_683 = arith.index_cast %shift_right_arithmetic3A_676 : i32 to index
      %get3A_684 = arith.index_cast %mul3A_680 : i32 to index
      %get3A_685 = tpu.vector_load %arg6[%get3A_682, %get3A_683, %get3A_684] {strides = array<i32>} : memref<3x64x128xf32, #tpu.memory_space<vmem>>, vector<16xf32>,
      %add3A_686 = arith.addf %add3A_626, %get3A_685 : vector<16xf32>
      %get3A_687 = arith.constant 1 : i32
      %get3A_688 = arith.index_cast %get3A_687 : i32 to index
      %get3A_689 = arith.index_cast %shift_right_arithmetic3A_676 : i32 to index
      %get3A_690 = arith.index_cast %mul3A_680 : i32 to index
      %get3A_691 = tpu.vector_load %arg6[%get3A_688, %get3A_689, %get3A_690] {strides = array<i32>} : memref<3x64x128xf32, #tpu.memory_space<vmem>>, vector<16xf32>,
      %add3A_692 = arith.addf %add3A_632, %get3A_691 : vector<16xf32>
      %get3A_693 = arith.constant 2 : i32
      %get3A_694 = arith.index_cast %get3A_693 : i32 to index
      %get3A_695 = arith.index_cast %shift_right_arithmetic3A_676 : i32 to index
      %get3A_696 = arith.index_cast %mul3A_680 : i32 to index
      %get3A_697 = tpu.vector_load %arg6[%get3A_694, %get3A_695, %get3A_696] {strides = array<i32>} : memref<3x64x128xf32, #tpu.memory_space<vmem>>, vector<16xf32>,
      %add3A_698 = arith.addf %add3A_638, %get3A_697 : vector<16xf32>
      %mul3A_699 = arith.constant 2 : i32
      %mul3A_700 = arith.muli %scan3A_511, %mul3A_699 : i32
      %mul3A_701 = arith.constant 4 : i32
      %mul3A_702 = arith.muli %mul3A_700, %mul3A_701 : i32
      %add3A_703 = arith.constant 5 : i32
      %add3A_704 = arith.addi %mul3A_702, %add3A_703 : i32
      %shift_right_arithmetic3A_705 = arith.constant 3 : i32
      %shift_right_arithmetic3A_706 = arith.shrsi %add3A_704, %shift_right_arithmetic3A_705 : i32
      %and3A_707 = arith.constant 7 : i32
      %and3A_708 = arith.andi %add3A_704, %and3A_707 : i32
      %mul3A_709 = arith.constant 16 : i32
      %mul3A_710 = arith.muli %and3A_708, %mul3A_709 : i32
      %get3A_711 = arith.constant 0 : i32
      %get3A_712 = arith.index_cast %get3A_711 : i32 to index
      %get3A_713 = arith.index_cast %shift_right_arithmetic3A_706 : i32 to index
      %get3A_714 = arith.index_cast %mul3A_710 : i32 to index
      %get3A_715 = tpu.vector_load %arg6[%get3A_712, %get3A_713, %get3A_714] {strides = array<i32>} : memref<3x64x128xf32, #tpu.memory_space<vmem>>, vector<16xf32>,
      %add3A_716 = arith.addf %add3A_656, %get3A_715 : vector<16xf32>
      %get3A_717 = arith.constant 1 : i32
      %get3A_718 = arith.index_cast %get3A_717 : i32 to index
      %get3A_719 = arith.index_cast %shift_right_arithmetic3A_706 : i32 to index
      %get3A_720 = arith.index_cast %mul3A_710 : i32 to index
      %get3A_721 = tpu.vector_load %arg6[%get3A_718, %get3A_719, %get3A_720] {strides = array<i32>} : memref<3x64x128xf32, #tpu.memory_space<vmem>>, vector<16xf32>,
      %add3A_722 = arith.addf %add3A_662, %get3A_721 : vector<16xf32>
      %get3A_723 = arith.constant 2 : i32
      %get3A_724 = arith.index_cast %get3A_723 : i32 to index
      %get3A_725 = arith.index_cast %shift_right_arithmetic3A_706 : i32 to index
      %get3A_726 = arith.index_cast %mul3A_710 : i32 to index
      %get3A_727 = tpu.vector_load %arg6[%get3A_724, %get3A_725, %get3A_726] {strides = array<i32>} : memref<3x64x128xf32, #tpu.memory_space<vmem>>, vector<16xf32>,
      %add3A_728 = arith.addf %add3A_668, %get3A_727 : vector<16xf32>
      %mul3A_729 = arith.constant 2 : i32
      %mul3A_730 = arith.muli %scan3A_511, %mul3A_729 : i32
      %mul3A_731 = arith.constant 4 : i32
      %mul3A_732 = arith.muli %mul3A_730, %mul3A_731 : i32
      %add3A_733 = arith.constant 6 : i32
      %add3A_734 = arith.addi %mul3A_732, %add3A_733 : i32
      %shift_right_arithmetic3A_735 = arith.constant 3 : i32
      %shift_right_arithmetic3A_736 = arith.shrsi %add3A_734, %shift_right_arithmetic3A_735 : i32
      %and3A_737 = arith.constant 7 : i32
      %and3A_738 = arith.andi %add3A_734, %and3A_737 : i32
      %mul3A_739 = arith.constant 16 : i32
      %mul3A_740 = arith.muli %and3A_738, %mul3A_739 : i32
      %get3A_741 = arith.constant 0 : i32
      %get3A_742 = arith.index_cast %get3A_741 : i32 to index
      %get3A_743 = arith.index_cast %shift_right_arithmetic3A_736 : i32 to index
      %get3A_744 = arith.index_cast %mul3A_740 : i32 to index
      %get3A_745 = tpu.vector_load %arg6[%get3A_742, %get3A_743, %get3A_744] {strides = array<i32>} : memref<3x64x128xf32, #tpu.memory_space<vmem>>, vector<16xf32>,
      %add3A_746 = arith.addf %add3A_686, %get3A_745 : vector<16xf32>
      %get3A_747 = arith.constant 1 : i32
      %get3A_748 = arith.index_cast %get3A_747 : i32 to index
      %get3A_749 = arith.index_cast %shift_right_arithmetic3A_736 : i32 to index
      %get3A_750 = arith.index_cast %mul3A_740 : i32 to index
      %get3A_751 = tpu.vector_load %arg6[%get3A_748, %get3A_749, %get3A_750] {strides = array<i32>} : memref<3x64x128xf32, #tpu.memory_space<vmem>>, vector<16xf32>,
      %add3A_752 = arith.addf %add3A_692, %get3A_751 : vector<16xf32>
      %get3A_753 = arith.constant 2 : i32
      %get3A_754 = arith.index_cast %get3A_753 : i32 to index
      %get3A_755 = arith.index_cast %shift_right_arithmetic3A_736 : i32 to index
      %get3A_756 = arith.index_cast %mul3A_740 : i32 to index
      %get3A_757 = tpu.vector_load %arg6[%get3A_754, %get3A_755, %get3A_756] {strides = array<i32>} : memref<3x64x128xf32, #tpu.memory_space<vmem>>, vector<16xf32>,
      %add3A_758 = arith.addf %add3A_698, %get3A_757 : vector<16xf32>
      %mul3A_759 = arith.constant 2 : i32
      %mul3A_760 = arith.muli %scan3A_511, %mul3A_759 : i32
      %mul3A_761 = arith.constant 4 : i32
      %mul3A_762 = arith.muli %mul3A_760, %mul3A_761 : i32
      %add3A_763 = arith.constant 7 : i32
      %add3A_764 = arith.addi %mul3A_762, %add3A_763 : i32
      %shift_right_arithmetic3A_765 = arith.constant 3 : i32
      %shift_right_arithmetic3A_766 = arith.shrsi %add3A_764, %shift_right_arithmetic3A_765 : i32
      %and3A_767 = arith.constant 7 : i32
      %and3A_768 = arith.andi %add3A_764, %and3A_767 : i32
      %mul3A_769 = arith.constant 16 : i32
      %mul3A_770 = arith.muli %and3A_768, %mul3A_769 : i32
      %get3A_771 = arith.constant 0 : i32
      %get3A_772 = arith.index_cast %get3A_771 : i32 to index
      %get3A_773 = arith.index_cast %shift_right_arithmetic3A_766 : i32 to index
      %get3A_774 = arith.index_cast %mul3A_770 : i32 to index
      %get3A_775 = tpu.vector_load %arg6[%get3A_772, %get3A_773, %get3A_774] {strides = array<i32>} : memref<3x64x128xf32, #tpu.memory_space<vmem>>, vector<16xf32>,
      %add3A_776 = arith.addf %add3A_716, %get3A_775 : vector<16xf32>
      %get3A_777 = arith.constant 1 : i32
      %get3A_778 = arith.index_cast %get3A_777 : i32 to index
      %get3A_779 = arith.index_cast %shift_right_arithmetic3A_766 : i32 to index
      %get3A_780 = arith.index_cast %mul3A_770 : i32 to index
      %get3A_781 = tpu.vector_load %arg6[%get3A_778, %get3A_779, %get3A_780] {strides = array<i32>} : memref<3x64x128xf32, #tpu.memory_space<vmem>>, vector<16xf32>,
      %add3A_782 = arith.addf %add3A_722, %get3A_781 : vector<16xf32>
      %get3A_783 = arith.constant 2 : i32
      %get3A_784 = arith.index_cast %get3A_783 : i32 to index
      %get3A_785 = arith.index_cast %shift_right_arithmetic3A_766 : i32 to index
      %get3A_786 = arith.index_cast %mul3A_770 : i32 to index
      %get3A_787 = tpu.vector_load %arg6[%get3A_784, %get3A_785, %get3A_786] {strides = array<i32>} : memref<3x64x128xf32, #tpu.memory_space<vmem>>, vector<16xf32>,
      %add3A_788 = arith.addf %add3A_728, %get3A_787 : vector<16xf32>
      scf.yield %add3A_746, %add3A_752, %add3A_758, %add3A_776, %add3A_782, %add3A_788 : vector<16xf32>, vector<16xf32>, vector<16xf32>, vector<16xf32>, vector<16xf32>, vector<16xf32>
    }
    %scan3A_54 = arith.constant 64 : i32
    %add3A_55 = arith.addf %scan3A_53#0, %scan3A_53#3 : vector<16xf32>
    %reduce_sum3A = arith.constant true
    %reduce_sum3A_56 = vector.broadcast %reduce_sum3A : i1 to vector<16xi1>
    %reduce_sum3A_57 = tpu.scan <sum>, %add3A_55 masked %reduce_sum3A_56 : vector<16xf32>, vector<16xi1> -> vector<16xf32>
    %reduce_sum3A_58 = vector.extract %reduce_sum3A_57[15] : f32 from vector<16xf32>
    %mul3A_59 = arith.constant 1.22070313E-4 : f32
    %mul3A_60 = arith.mulf %reduce_sum3A_58, %mul3A_59 : f32
    %add3A_61 = arith.addf %scan3A_53#1, %scan3A_53#4 : vector<16xf32>
    %reduce_sum3A_62 = arith.constant true
    %reduce_sum3A_63 = vector.broadcast %reduce_sum3A_62 : i1 to vector<16xi1>
    %reduce_sum3A_64 = tpu.scan <sum>, %add3A_61 masked %reduce_sum3A_63 : vector<16xf32>, vector<16xi1> -> vector<16xf32>
    %reduce_sum3A_65 = vector.extract %reduce_sum3A_64[15] : f32 from vector<16xf32>
    %mul3A_66 = arith.constant 1.22070313E-4 : f32
    %mul3A_67 = arith.mulf %reduce_sum3A_65, %mul3A_66 : f32
    %add3A_68 = arith.addf %scan3A_53#2, %scan3A_53#5 : vector<16xf32>
    %reduce_sum3A_69 = arith.constant true
    %reduce_sum3A_70 = vector.broadcast %reduce_sum3A_69 : i1 to vector<16xi1>
    %reduce_sum3A_71 = tpu.scan <sum>, %add3A_68 masked %reduce_sum3A_70 : vector<16xf32>, vector<16xi1> -> vector<16xf32>
    %reduce_sum3A_72 = vector.extract %reduce_sum3A_71[15] : f32 from vector<16xf32>
    %mul3A_73 = arith.constant 1.22070313E-4 : f32
    %mul3A_74 = arith.mulf %reduce_sum3A_72, %mul3A_73 : f32
    %dma_wait3A_75 = arith.constant 0 : i32
    %dma_wait3A_76 = arith.constant 0 : i32
    %dma_wait3A_77 = arith.constant 0 : i32
    %dma_wait3A_78 = tpu.memref_slice %arg3[%add3A_18, %dma_wait3A_75, %dma_wait3A_76, %dma_wait3A_77] : memref<64x3x64x128xf32, #tpu.memory_space<hbm>> -> memref<1x3x64x128xf32, #tpu.memory_space<hbm>>
    %dma_wait3A_79 = tpu.memref_squeeze %dma_wait3A_78 : memref<1x3x64x128xf32, #tpu.memory_space<hbm>> -> memref<3x64x128xf32, #tpu.memory_space<hbm>>
    %dma_wait3A_80 = arith.constant 0 : i32
    %dma_wait3A_81 = arith.constant 0 : i32
    %dma_wait3A_82 = arith.constant 0 : i32
    %dma_wait3A_83 = tpu.memref_slice %arg3[%add3A_18, %dma_wait3A_80, %dma_wait3A_81, %dma_wait3A_82] : memref<64x3x64x128xf32, #tpu.memory_space<hbm>> -> memref<1x3x64x128xf32, #tpu.memory_space<hbm>>
    %dma_wait3A_84 = tpu.memref_squeeze %dma_wait3A_83 : memref<1x3x64x128xf32, #tpu.memory_space<hbm>> -> memref<3x64x128xf32, #tpu.memory_space<hbm>>
    tpu.wait_dma2 semaphore(%arg19 : memref<!tpu.dma_semaphore, #tpu.memory_space<semaphore_mem>>) src(%dma_wait3A_84 : memref<3x64x128xf32, #tpu.memory_space<hbm>>) dst(%arg8 : memref<3x64x128xf32, #tpu.memory_space<vmem>>)
    %scan3A_85 = arith.constant 0 : i32
    %scan3A_86 = arith.constant 0 : i32
    %scan3A_87 = arith.constant 64 : i32
    %scan3A_88 = arith.addi %scan3A_86, %scan3A_87 : i32
    %scan3A_89 = arith.constant 1 : i32
    %scan3A_90 = scf.for %scan3A_511 = %scan3A_86 to %scan3A_88 step %scan3A_89 iter_args(%scan3A_512 = %scan3A_85) -> (i32)  : i32 {
      %mul3A_513 = arith.constant 2 : i32
      %mul3A_514 = arith.muli %scan3A_511, %mul3A_513 : i32
      %mul3A_515 = arith.constant 4 : i32
      %mul3A_516 = arith.muli %mul3A_514, %mul3A_515 : i32
      %add3A_517 = arith.constant 0 : i32
      %add3A_518 = arith.addi %mul3A_516, %add3A_517 : i32
      %shift_right_arithmetic3A_519 = arith.constant 3 : i32
      %shift_right_arithmetic3A_520 = arith.shrsi %add3A_518, %shift_right_arithmetic3A_519 : i32
      %and3A_521 = arith.constant 7 : i32
      %and3A_522 = arith.andi %add3A_518, %and3A_521 : i32
      %mul3A_523 = arith.constant 16 : i32
      %mul3A_524 = arith.muli %and3A_522, %mul3A_523 : i32
      %get3A = arith.constant 0 : i32
      %get3A_525 = arith.index_cast %get3A : i32 to index
      %get3A_526 = arith.index_cast %shift_right_arithmetic3A_520 : i32 to index
      %get3A_527 = arith.index_cast %mul3A_524 : i32 to index
      %get3A_528 = tpu.vector_load %arg8[%get3A_525, %get3A_526, %get3A_527] {strides = array<i32>} : memref<3x64x128xf32, #tpu.memory_space<vmem>>, vector<16xf32>,
      %sub3A_529 = vector.broadcast %mul3A_60 : f32 to vector<16xf32>
      %sub3A_530 = arith.subf %get3A_528, %sub3A_529 : vector<16xf32>
      %get3A_531 = arith.constant 1 : i32
      %get3A_532 = arith.index_cast %get3A_531 : i32 to index
      %get3A_533 = arith.index_cast %shift_right_arithmetic3A_520 : i32 to index
      %get3A_534 = arith.index_cast %mul3A_524 : i32 to index
      %get3A_535 = tpu.vector_load %arg8[%get3A_532, %get3A_533, %get3A_534] {strides = array<i32>} : memref<3x64x128xf32, #tpu.memory_space<vmem>>, vector<16xf32>,
      %sub3A_536 = vector.broadcast %mul3A_67 : f32 to vector<16xf32>
      %sub3A_537 = arith.subf %get3A_535, %sub3A_536 : vector<16xf32>
      %get3A_538 = arith.constant 2 : i32
      %get3A_539 = arith.index_cast %get3A_538 : i32 to index
      %get3A_540 = arith.index_cast %shift_right_arithmetic3A_520 : i32 to index
      %get3A_541 = arith.index_cast %mul3A_524 : i32 to index
      %get3A_542 = tpu.vector_load %arg8[%get3A_539, %get3A_540, %get3A_541] {strides = array<i32>} : memref<3x64x128xf32, #tpu.memory_space<vmem>>, vector<16xf32>,
      %sub3A_543 = vector.broadcast %mul3A_74 : f32 to vector<16xf32>
      %sub3A_544 = arith.subf %get3A_542, %sub3A_543 : vector<16xf32>
      %mul3A_545 = arith.mulf %sub3A_530, %sub3A_530 : vector<16xf32>
      %mul3A_546 = arith.mulf %sub3A_537, %sub3A_537 : vector<16xf32>
      %add3A_547 = arith.addf %mul3A_545, %mul3A_546 : vector<16xf32>
      %mul3A_548 = arith.mulf %sub3A_544, %sub3A_544 : vector<16xf32>
      %add3A_549 = arith.addf %add3A_547, %mul3A_548 : vector<16xf32>
      %bitcast_convert_type3A = tpu.bitcast %add3A_549 : vector<16xf32> -> vector<16xi32>
      %mul3A_550 = arith.constant 16 : i32
      %mul3A_551 = arith.muli %add3A_518, %mul3A_550 : i32
      %swap3A_552 = arith.index_cast %mul3A_551 : i32 to index
      %swap3A_553 = tpu.vector_load %arg9[%swap3A_552] {strides = array<i32>} : memref<8192xi32, #tpu.memory_space<vmem>>, vector<16xi32>,
      tpu.vector_store %arg9[%swap3A_552], %bitcast_convert_type3A {strides = array<i32>} : memref<8192xi32, #tpu.memory_space<vmem>>, vector<16xi32>,
      %shift_right_arithmetic3A_554 = arith.constant 23 : i32
      %shift_right_arithmetic3A_555 = vector.broadcast %shift_right_arithmetic3A_554 : i32 to vector<16xi32>
      %shift_right_arithmetic3A_556 = arith.shrsi %bitcast_convert_type3A, %shift_right_arithmetic3A_555 : vector<16xi32>
      %mul3A_557 = arith.constant 16 : i32
      %mul3A_558 = vector.broadcast %mul3A_557 : i32 to vector<16xi32>
      %mul3A_559 = arith.muli %shift_right_arithmetic3A_556, %mul3A_558 : vector<16xi32>
      %add3A_560 = arith.addi %mul3A_559, %iota3A : vector<16xi32>
      tpu.vector_store_idx %arg11[%add3A_560], %broadcast_in_dim3A_7 {add = true} : memref<4096xi32, #tpu.memory_space<vmem>>[vector<16xi32>], vector<16xi32>,
      %mul3A_561 = arith.constant 2 : i32
      %mul3A_562 = arith.muli %scan3A_511, %mul3A_561 : i32
      %mul3A_563 = arith.constant 4 : i32
      %mul3A_564 = arith.muli %mul3A_562, %mul3A_563 : i32
      %add3A_565 = arith.constant 1 : i32
      %add3A_566 = arith.addi %mul3A_564, %add3A_565 : i32
      %shift_right_arithmetic3A_567 = arith.constant 3 : i32
      %shift_right_arithmetic3A_568 = arith.shrsi %add3A_566, %shift_right_arithmetic3A_567 : i32
      %and3A_569 = arith.constant 7 : i32
      %and3A_570 = arith.andi %add3A_566, %and3A_569 : i32
      %mul3A_571 = arith.constant 16 : i32
      %mul3A_572 = arith.muli %and3A_570, %mul3A_571 : i32
      %get3A_573 = arith.constant 0 : i32
      %get3A_574 = arith.index_cast %get3A_573 : i32 to index
      %get3A_575 = arith.index_cast %shift_right_arithmetic3A_568 : i32 to index
      %get3A_576 = arith.index_cast %mul3A_572 : i32 to index
      %get3A_577 = tpu.vector_load %arg8[%get3A_574, %get3A_575, %get3A_576] {strides = array<i32>} : memref<3x64x128xf32, #tpu.memory_space<vmem>>, vector<16xf32>,
      %sub3A_578 = vector.broadcast %mul3A_60 : f32 to vector<16xf32>
      %sub3A_579 = arith.subf %get3A_577, %sub3A_578 : vector<16xf32>
      %get3A_580 = arith.constant 1 : i32
      %get3A_581 = arith.index_cast %get3A_580 : i32 to index
      %get3A_582 = arith.index_cast %shift_right_arithmetic3A_568 : i32 to index
      %get3A_583 = arith.index_cast %mul3A_572 : i32 to index
      %get3A_584 = tpu.vector_load %arg8[%get3A_581, %get3A_582, %get3A_583] {strides = array<i32>} : memref<3x64x128xf32, #tpu.memory_space<vmem>>, vector<16xf32>,
      %sub3A_585 = vector.broadcast %mul3A_67 : f32 to vector<16xf32>
      %sub3A_586 = arith.subf %get3A_584, %sub3A_585 : vector<16xf32>
      %get3A_587 = arith.constant 2 : i32
      %get3A_588 = arith.index_cast %get3A_587 : i32 to index
      %get3A_589 = arith.index_cast %shift_right_arithmetic3A_568 : i32 to index
      %get3A_590 = arith.index_cast %mul3A_572 : i32 to index
      %get3A_591 = tpu.vector_load %arg8[%get3A_588, %get3A_589, %get3A_590] {strides = array<i32>} : memref<3x64x128xf32, #tpu.memory_space<vmem>>, vector<16xf32>,
      %sub3A_592 = vector.broadcast %mul3A_74 : f32 to vector<16xf32>
      %sub3A_593 = arith.subf %get3A_591, %sub3A_592 : vector<16xf32>
      %mul3A_594 = arith.mulf %sub3A_579, %sub3A_579 : vector<16xf32>
      %mul3A_595 = arith.mulf %sub3A_586, %sub3A_586 : vector<16xf32>
      %add3A_596 = arith.addf %mul3A_594, %mul3A_595 : vector<16xf32>
      %mul3A_597 = arith.mulf %sub3A_593, %sub3A_593 : vector<16xf32>
      %add3A_598 = arith.addf %add3A_596, %mul3A_597 : vector<16xf32>
      %bitcast_convert_type3A_599 = tpu.bitcast %add3A_598 : vector<16xf32> -> vector<16xi32>
      %mul3A_600 = arith.constant 16 : i32
      %mul3A_601 = arith.muli %add3A_566, %mul3A_600 : i32
      %swap3A_602 = arith.index_cast %mul3A_601 : i32 to index
      %swap3A_603 = tpu.vector_load %arg9[%swap3A_602] {strides = array<i32>} : memref<8192xi32, #tpu.memory_space<vmem>>, vector<16xi32>,
      tpu.vector_store %arg9[%swap3A_602], %bitcast_convert_type3A_599 {strides = array<i32>} : memref<8192xi32, #tpu.memory_space<vmem>>, vector<16xi32>,
      %shift_right_arithmetic3A_604 = arith.constant 23 : i32
      %shift_right_arithmetic3A_605 = vector.broadcast %shift_right_arithmetic3A_604 : i32 to vector<16xi32>
      %shift_right_arithmetic3A_606 = arith.shrsi %bitcast_convert_type3A_599, %shift_right_arithmetic3A_605 : vector<16xi32>
      %mul3A_607 = arith.constant 16 : i32
      %mul3A_608 = vector.broadcast %mul3A_607 : i32 to vector<16xi32>
      %mul3A_609 = arith.muli %shift_right_arithmetic3A_606, %mul3A_608 : vector<16xi32>
      %add3A_610 = arith.addi %mul3A_609, %iota3A : vector<16xi32>
      tpu.vector_store_idx %arg11[%add3A_610], %broadcast_in_dim3A_7 {add = true} : memref<4096xi32, #tpu.memory_space<vmem>>[vector<16xi32>], vector<16xi32>,
      %mul3A_611 = arith.constant 2 : i32
      %mul3A_612 = arith.muli %scan3A_511, %mul3A_611 : i32
      %mul3A_613 = arith.constant 4 : i32
      %mul3A_614 = arith.muli %mul3A_612, %mul3A_613 : i32
      %add3A_615 = arith.constant 2 : i32
      %add3A_616 = arith.addi %mul3A_614, %add3A_615 : i32
      %shift_right_arithmetic3A_617 = arith.constant 3 : i32
      %shift_right_arithmetic3A_618 = arith.shrsi %add3A_616, %shift_right_arithmetic3A_617 : i32
      %and3A_619 = arith.constant 7 : i32
      %and3A_620 = arith.andi %add3A_616, %and3A_619 : i32
      %mul3A_621 = arith.constant 16 : i32
      %mul3A_622 = arith.muli %and3A_620, %mul3A_621 : i32
      %get3A_623 = arith.constant 0 : i32
      %get3A_624 = arith.index_cast %get3A_623 : i32 to index
      %get3A_625 = arith.index_cast %shift_right_arithmetic3A_618 : i32 to index
      %get3A_626 = arith.index_cast %mul3A_622 : i32 to index
      %get3A_627 = tpu.vector_load %arg8[%get3A_624, %get3A_625, %get3A_626] {strides = array<i32>} : memref<3x64x128xf32, #tpu.memory_space<vmem>>, vector<16xf32>,
      %sub3A_628 = vector.broadcast %mul3A_60 : f32 to vector<16xf32>
      %sub3A_629 = arith.subf %get3A_627, %sub3A_628 : vector<16xf32>
      %get3A_630 = arith.constant 1 : i32
      %get3A_631 = arith.index_cast %get3A_630 : i32 to index
      %get3A_632 = arith.index_cast %shift_right_arithmetic3A_618 : i32 to index
      %get3A_633 = arith.index_cast %mul3A_622 : i32 to index
      %get3A_634 = tpu.vector_load %arg8[%get3A_631, %get3A_632, %get3A_633] {strides = array<i32>} : memref<3x64x128xf32, #tpu.memory_space<vmem>>, vector<16xf32>,
      %sub3A_635 = vector.broadcast %mul3A_67 : f32 to vector<16xf32>
      %sub3A_636 = arith.subf %get3A_634, %sub3A_635 : vector<16xf32>
      %get3A_637 = arith.constant 2 : i32
      %get3A_638 = arith.index_cast %get3A_637 : i32 to index
      %get3A_639 = arith.index_cast %shift_right_arithmetic3A_618 : i32 to index
      %get3A_640 = arith.index_cast %mul3A_622 : i32 to index
      %get3A_641 = tpu.vector_load %arg8[%get3A_638, %get3A_639, %get3A_640] {strides = array<i32>} : memref<3x64x128xf32, #tpu.memory_space<vmem>>, vector<16xf32>,
      %sub3A_642 = vector.broadcast %mul3A_74 : f32 to vector<16xf32>
      %sub3A_643 = arith.subf %get3A_641, %sub3A_642 : vector<16xf32>
      %mul3A_644 = arith.mulf %sub3A_629, %sub3A_629 : vector<16xf32>
      %mul3A_645 = arith.mulf %sub3A_636, %sub3A_636 : vector<16xf32>
      %add3A_646 = arith.addf %mul3A_644, %mul3A_645 : vector<16xf32>
      %mul3A_647 = arith.mulf %sub3A_643, %sub3A_643 : vector<16xf32>
      %add3A_648 = arith.addf %add3A_646, %mul3A_647 : vector<16xf32>
      %bitcast_convert_type3A_649 = tpu.bitcast %add3A_648 : vector<16xf32> -> vector<16xi32>
      %mul3A_650 = arith.constant 16 : i32
      %mul3A_651 = arith.muli %add3A_616, %mul3A_650 : i32
      %swap3A_652 = arith.index_cast %mul3A_651 : i32 to index
      %swap3A_653 = tpu.vector_load %arg9[%swap3A_652] {strides = array<i32>} : memref<8192xi32, #tpu.memory_space<vmem>>, vector<16xi32>,
      tpu.vector_store %arg9[%swap3A_652], %bitcast_convert_type3A_649 {strides = array<i32>} : memref<8192xi32, #tpu.memory_space<vmem>>, vector<16xi32>,
      %shift_right_arithmetic3A_654 = arith.constant 23 : i32
      %shift_right_arithmetic3A_655 = vector.broadcast %shift_right_arithmetic3A_654 : i32 to vector<16xi32>
      %shift_right_arithmetic3A_656 = arith.shrsi %bitcast_convert_type3A_649, %shift_right_arithmetic3A_655 : vector<16xi32>
      %mul3A_657 = arith.constant 16 : i32
      %mul3A_658 = vector.broadcast %mul3A_657 : i32 to vector<16xi32>
      %mul3A_659 = arith.muli %shift_right_arithmetic3A_656, %mul3A_658 : vector<16xi32>
      %add3A_660 = arith.addi %mul3A_659, %iota3A : vector<16xi32>
      tpu.vector_store_idx %arg11[%add3A_660], %broadcast_in_dim3A_7 {add = true} : memref<4096xi32, #tpu.memory_space<vmem>>[vector<16xi32>], vector<16xi32>,
      %mul3A_661 = arith.constant 2 : i32
      %mul3A_662 = arith.muli %scan3A_511, %mul3A_661 : i32
      %mul3A_663 = arith.constant 4 : i32
      %mul3A_664 = arith.muli %mul3A_662, %mul3A_663 : i32
      %add3A_665 = arith.constant 3 : i32
      %add3A_666 = arith.addi %mul3A_664, %add3A_665 : i32
      %shift_right_arithmetic3A_667 = arith.constant 3 : i32
      %shift_right_arithmetic3A_668 = arith.shrsi %add3A_666, %shift_right_arithmetic3A_667 : i32
      %and3A_669 = arith.constant 7 : i32
      %and3A_670 = arith.andi %add3A_666, %and3A_669 : i32
      %mul3A_671 = arith.constant 16 : i32
      %mul3A_672 = arith.muli %and3A_670, %mul3A_671 : i32
      %get3A_673 = arith.constant 0 : i32
      %get3A_674 = arith.index_cast %get3A_673 : i32 to index
      %get3A_675 = arith.index_cast %shift_right_arithmetic3A_668 : i32 to index
      %get3A_676 = arith.index_cast %mul3A_672 : i32 to index
      %get3A_677 = tpu.vector_load %arg8[%get3A_674, %get3A_675, %get3A_676] {strides = array<i32>} : memref<3x64x128xf32, #tpu.memory_space<vmem>>, vector<16xf32>,
      %sub3A_678 = vector.broadcast %mul3A_60 : f32 to vector<16xf32>
      %sub3A_679 = arith.subf %get3A_677, %sub3A_678 : vector<16xf32>
      %get3A_680 = arith.constant 1 : i32
      %get3A_681 = arith.index_cast %get3A_680 : i32 to index
      %get3A_682 = arith.index_cast %shift_right_arithmetic3A_668 : i32 to index
      %get3A_683 = arith.index_cast %mul3A_672 : i32 to index
      %get3A_684 = tpu.vector_load %arg8[%get3A_681, %get3A_682, %get3A_683] {strides = array<i32>} : memref<3x64x128xf32, #tpu.memory_space<vmem>>, vector<16xf32>,
      %sub3A_685 = vector.broadcast %mul3A_67 : f32 to vector<16xf32>
      %sub3A_686 = arith.subf %get3A_684, %sub3A_685 : vector<16xf32>
      %get3A_687 = arith.constant 2 : i32
      %get3A_688 = arith.index_cast %get3A_687 : i32 to index
      %get3A_689 = arith.index_cast %shift_right_arithmetic3A_668 : i32 to index
      %get3A_690 = arith.index_cast %mul3A_672 : i32 to index
      %get3A_691 = tpu.vector_load %arg8[%get3A_688, %get3A_689, %get3A_690] {strides = array<i32>} : memref<3x64x128xf32, #tpu.memory_space<vmem>>, vector<16xf32>,
      %sub3A_692 = vector.broadcast %mul3A_74 : f32 to vector<16xf32>
      %sub3A_693 = arith.subf %get3A_691, %sub3A_692 : vector<16xf32>
      %mul3A_694 = arith.mulf %sub3A_679, %sub3A_679 : vector<16xf32>
      %mul3A_695 = arith.mulf %sub3A_686, %sub3A_686 : vector<16xf32>
      %add3A_696 = arith.addf %mul3A_694, %mul3A_695 : vector<16xf32>
      %mul3A_697 = arith.mulf %sub3A_693, %sub3A_693 : vector<16xf32>
      %add3A_698 = arith.addf %add3A_696, %mul3A_697 : vector<16xf32>
      %bitcast_convert_type3A_699 = tpu.bitcast %add3A_698 : vector<16xf32> -> vector<16xi32>
      %mul3A_700 = arith.constant 16 : i32
      %mul3A_701 = arith.muli %add3A_666, %mul3A_700 : i32
      %swap3A_702 = arith.index_cast %mul3A_701 : i32 to index
      %swap3A_703 = tpu.vector_load %arg9[%swap3A_702] {strides = array<i32>} : memref<8192xi32, #tpu.memory_space<vmem>>, vector<16xi32>,
      tpu.vector_store %arg9[%swap3A_702], %bitcast_convert_type3A_699 {strides = array<i32>} : memref<8192xi32, #tpu.memory_space<vmem>>, vector<16xi32>,
      %shift_right_arithmetic3A_704 = arith.constant 23 : i32
      %shift_right_arithmetic3A_705 = vector.broadcast %shift_right_arithmetic3A_704 : i32 to vector<16xi32>
      %shift_right_arithmetic3A_706 = arith.shrsi %bitcast_convert_type3A_699, %shift_right_arithmetic3A_705 : vector<16xi32>
      %mul3A_707 = arith.constant 16 : i32
      %mul3A_708 = vector.broadcast %mul3A_707 : i32 to vector<16xi32>
      %mul3A_709 = arith.muli %shift_right_arithmetic3A_706, %mul3A_708 : vector<16xi32>
      %add3A_710 = arith.addi %mul3A_709, %iota3A : vector<16xi32>
      tpu.vector_store_idx %arg11[%add3A_710], %broadcast_in_dim3A_7 {add = true} : memref<4096xi32, #tpu.memory_space<vmem>>[vector<16xi32>], vector<16xi32>,
      %mul3A_711 = arith.constant 2 : i32
      %mul3A_712 = arith.muli %scan3A_511, %mul3A_711 : i32
      %mul3A_713 = arith.constant 4 : i32
      %mul3A_714 = arith.muli %mul3A_712, %mul3A_713 : i32
      %add3A_715 = arith.constant 4 : i32
      %add3A_716 = arith.addi %mul3A_714, %add3A_715 : i32
      %shift_right_arithmetic3A_717 = arith.constant 3 : i32
      %shift_right_arithmetic3A_718 = arith.shrsi %add3A_716, %shift_right_arithmetic3A_717 : i32
      %and3A_719 = arith.constant 7 : i32
      %and3A_720 = arith.andi %add3A_716, %and3A_719 : i32
      %mul3A_721 = arith.constant 16 : i32
      %mul3A_722 = arith.muli %and3A_720, %mul3A_721 : i32
      %get3A_723 = arith.constant 0 : i32
      %get3A_724 = arith.index_cast %get3A_723 : i32 to index
      %get3A_725 = arith.index_cast %shift_right_arithmetic3A_718 : i32 to index
      %get3A_726 = arith.index_cast %mul3A_722 : i32 to index
      %get3A_727 = tpu.vector_load %arg8[%get3A_724, %get3A_725, %get3A_726] {strides = array<i32>} : memref<3x64x128xf32, #tpu.memory_space<vmem>>, vector<16xf32>,
      %sub3A_728 = vector.broadcast %mul3A_60 : f32 to vector<16xf32>
      %sub3A_729 = arith.subf %get3A_727, %sub3A_728 : vector<16xf32>
      %get3A_730 = arith.constant 1 : i32
      %get3A_731 = arith.index_cast %get3A_730 : i32 to index
      %get3A_732 = arith.index_cast %shift_right_arithmetic3A_718 : i32 to index
      %get3A_733 = arith.index_cast %mul3A_722 : i32 to index
      %get3A_734 = tpu.vector_load %arg8[%get3A_731, %get3A_732, %get3A_733] {strides = array<i32>} : memref<3x64x128xf32, #tpu.memory_space<vmem>>, vector<16xf32>,
      %sub3A_735 = vector.broadcast %mul3A_67 : f32 to vector<16xf32>
      %sub3A_736 = arith.subf %get3A_734, %sub3A_735 : vector<16xf32>
      %get3A_737 = arith.constant 2 : i32
      %get3A_738 = arith.index_cast %get3A_737 : i32 to index
      %get3A_739 = arith.index_cast %shift_right_arithmetic3A_718 : i32 to index
      %get3A_740 = arith.index_cast %mul3A_722 : i32 to index
      %get3A_741 = tpu.vector_load %arg8[%get3A_738, %get3A_739, %get3A_740] {strides = array<i32>} : memref<3x64x128xf32, #tpu.memory_space<vmem>>, vector<16xf32>,
      %sub3A_742 = vector.broadcast %mul3A_74 : f32 to vector<16xf32>
      %sub3A_743 = arith.subf %get3A_741, %sub3A_742 : vector<16xf32>
      %mul3A_744 = arith.mulf %sub3A_729, %sub3A_729 : vector<16xf32>
      %mul3A_745 = arith.mulf %sub3A_736, %sub3A_736 : vector<16xf32>
      %add3A_746 = arith.addf %mul3A_744, %mul3A_745 : vector<16xf32>
      %mul3A_747 = arith.mulf %sub3A_743, %sub3A_743 : vector<16xf32>
      %add3A_748 = arith.addf %add3A_746, %mul3A_747 : vector<16xf32>
      %bitcast_convert_type3A_749 = tpu.bitcast %add3A_748 : vector<16xf32> -> vector<16xi32>
      %mul3A_750 = arith.constant 16 : i32
      %mul3A_751 = arith.muli %add3A_716, %mul3A_750 : i32
      %swap3A_752 = arith.index_cast %mul3A_751 : i32 to index
      %swap3A_753 = tpu.vector_load %arg9[%swap3A_752] {strides = array<i32>} : memref<8192xi32, #tpu.memory_space<vmem>>, vector<16xi32>,
      tpu.vector_store %arg9[%swap3A_752], %bitcast_convert_type3A_749 {strides = array<i32>} : memref<8192xi32, #tpu.memory_space<vmem>>, vector<16xi32>,
      %shift_right_arithmetic3A_754 = arith.constant 23 : i32
      %shift_right_arithmetic3A_755 = vector.broadcast %shift_right_arithmetic3A_754 : i32 to vector<16xi32>
      %shift_right_arithmetic3A_756 = arith.shrsi %bitcast_convert_type3A_749, %shift_right_arithmetic3A_755 : vector<16xi32>
      %mul3A_757 = arith.constant 16 : i32
      %mul3A_758 = vector.broadcast %mul3A_757 : i32 to vector<16xi32>
      %mul3A_759 = arith.muli %shift_right_arithmetic3A_756, %mul3A_758 : vector<16xi32>
      %add3A_760 = arith.addi %mul3A_759, %iota3A : vector<16xi32>
      tpu.vector_store_idx %arg11[%add3A_760], %broadcast_in_dim3A_7 {add = true} : memref<4096xi32, #tpu.memory_space<vmem>>[vector<16xi32>], vector<16xi32>,
      %mul3A_761 = arith.constant 2 : i32
      %mul3A_762 = arith.muli %scan3A_511, %mul3A_761 : i32
      %mul3A_763 = arith.constant 4 : i32
      %mul3A_764 = arith.muli %mul3A_762, %mul3A_763 : i32
      %add3A_765 = arith.constant 5 : i32
      %add3A_766 = arith.addi %mul3A_764, %add3A_765 : i32
      %shift_right_arithmetic3A_767 = arith.constant 3 : i32
      %shift_right_arithmetic3A_768 = arith.shrsi %add3A_766, %shift_right_arithmetic3A_767 : i32
      %and3A_769 = arith.constant 7 : i32
      %and3A_770 = arith.andi %add3A_766, %and3A_769 : i32
      %mul3A_771 = arith.constant 16 : i32
      %mul3A_772 = arith.muli %and3A_770, %mul3A_771 : i32
      %get3A_773 = arith.constant 0 : i32
      %get3A_774 = arith.index_cast %get3A_773 : i32 to index
      %get3A_775 = arith.index_cast %shift_right_arithmetic3A_768 : i32 to index
      %get3A_776 = arith.index_cast %mul3A_772 : i32 to index
      %get3A_777 = tpu.vector_load %arg8[%get3A_774, %get3A_775, %get3A_776] {strides = array<i32>} : memref<3x64x128xf32, #tpu.memory_space<vmem>>, vector<16xf32>,
      %sub3A_778 = vector.broadcast %mul3A_60 : f32 to vector<16xf32>
      %sub3A_779 = arith.subf %get3A_777, %sub3A_778 : vector<16xf32>
      %get3A_780 = arith.constant 1 : i32
      %get3A_781 = arith.index_cast %get3A_780 : i32 to index
      %get3A_782 = arith.index_cast %shift_right_arithmetic3A_768 : i32 to index
      %get3A_783 = arith.index_cast %mul3A_772 : i32 to index
      %get3A_784 = tpu.vector_load %arg8[%get3A_781, %get3A_782, %get3A_783] {strides = array<i32>} : memref<3x64x128xf32, #tpu.memory_space<vmem>>, vector<16xf32>,
      %sub3A_785 = vector.broadcast %mul3A_67 : f32 to vector<16xf32>
      %sub3A_786 = arith.subf %get3A_784, %sub3A_785 : vector<16xf32>
      %get3A_787 = arith.constant 2 : i32
      %get3A_788 = arith.index_cast %get3A_787 : i32 to index
      %get3A_789 = arith.index_cast %shift_right_arithmetic3A_768 : i32 to index
      %get3A_790 = arith.index_cast %mul3A_772 : i32 to index
      %get3A_791 = tpu.vector_load %arg8[%get3A_788, %get3A_789, %get3A_790] {strides = array<i32>} : memref<3x64x128xf32, #tpu.memory_space<vmem>>, vector<16xf32>,
      %sub3A_792 = vector.broadcast %mul3A_74 : f32 to vector<16xf32>
      %sub3A_793 = arith.subf %get3A_791, %sub3A_792 : vector<16xf32>
      %mul3A_794 = arith.mulf %sub3A_779, %sub3A_779 : vector<16xf32>
      %mul3A_795 = arith.mulf %sub3A_786, %sub3A_786 : vector<16xf32>
      %add3A_796 = arith.addf %mul3A_794, %mul3A_795 : vector<16xf32>
      %mul3A_797 = arith.mulf %sub3A_793, %sub3A_793 : vector<16xf32>
      %add3A_798 = arith.addf %add3A_796, %mul3A_797 : vector<16xf32>
      %bitcast_convert_type3A_799 = tpu.bitcast %add3A_798 : vector<16xf32> -> vector<16xi32>
      %mul3A_800 = arith.constant 16 : i32
      %mul3A_801 = arith.muli %add3A_766, %mul3A_800 : i32
      %swap3A_802 = arith.index_cast %mul3A_801 : i32 to index
      %swap3A_803 = tpu.vector_load %arg9[%swap3A_802] {strides = array<i32>} : memref<8192xi32, #tpu.memory_space<vmem>>, vector<16xi32>,
      tpu.vector_store %arg9[%swap3A_802], %bitcast_convert_type3A_799 {strides = array<i32>} : memref<8192xi32, #tpu.memory_space<vmem>>, vector<16xi32>,
      %shift_right_arithmetic3A_804 = arith.constant 23 : i32
      %shift_right_arithmetic3A_805 = vector.broadcast %shift_right_arithmetic3A_804 : i32 to vector<16xi32>
      %shift_right_arithmetic3A_806 = arith.shrsi %bitcast_convert_type3A_799, %shift_right_arithmetic3A_805 : vector<16xi32>
      %mul3A_807 = arith.constant 16 : i32
      %mul3A_808 = vector.broadcast %mul3A_807 : i32 to vector<16xi32>
      %mul3A_809 = arith.muli %shift_right_arithmetic3A_806, %mul3A_808 : vector<16xi32>
      %add3A_810 = arith.addi %mul3A_809, %iota3A : vector<16xi32>
      tpu.vector_store_idx %arg11[%add3A_810], %broadcast_in_dim3A_7 {add = true} : memref<4096xi32, #tpu.memory_space<vmem>>[vector<16xi32>], vector<16xi32>,
      %mul3A_811 = arith.constant 2 : i32
      %mul3A_812 = arith.muli %scan3A_511, %mul3A_811 : i32
      %mul3A_813 = arith.constant 4 : i32
      %mul3A_814 = arith.muli %mul3A_812, %mul3A_813 : i32
      %add3A_815 = arith.constant 6 : i32
      %add3A_816 = arith.addi %mul3A_814, %add3A_815 : i32
      %shift_right_arithmetic3A_817 = arith.constant 3 : i32
      %shift_right_arithmetic3A_818 = arith.shrsi %add3A_816, %shift_right_arithmetic3A_817 : i32
      %and3A_819 = arith.constant 7 : i32
      %and3A_820 = arith.andi %add3A_816, %and3A_819 : i32
      %mul3A_821 = arith.constant 16 : i32
      %mul3A_822 = arith.muli %and3A_820, %mul3A_821 : i32
      %get3A_823 = arith.constant 0 : i32
      %get3A_824 = arith.index_cast %get3A_823 : i32 to index
      %get3A_825 = arith.index_cast %shift_right_arithmetic3A_818 : i32 to index
      %get3A_826 = arith.index_cast %mul3A_822 : i32 to index
      %get3A_827 = tpu.vector_load %arg8[%get3A_824, %get3A_825, %get3A_826] {strides = array<i32>} : memref<3x64x128xf32, #tpu.memory_space<vmem>>, vector<16xf32>,
      %sub3A_828 = vector.broadcast %mul3A_60 : f32 to vector<16xf32>
      %sub3A_829 = arith.subf %get3A_827, %sub3A_828 : vector<16xf32>
      %get3A_830 = arith.constant 1 : i32
      %get3A_831 = arith.index_cast %get3A_830 : i32 to index
      %get3A_832 = arith.index_cast %shift_right_arithmetic3A_818 : i32 to index
      %get3A_833 = arith.index_cast %mul3A_822 : i32 to index
      %get3A_834 = tpu.vector_load %arg8[%get3A_831, %get3A_832, %get3A_833] {strides = array<i32>} : memref<3x64x128xf32, #tpu.memory_space<vmem>>, vector<16xf32>,
      %sub3A_835 = vector.broadcast %mul3A_67 : f32 to vector<16xf32>
      %sub3A_836 = arith.subf %get3A_834, %sub3A_835 : vector<16xf32>
      %get3A_837 = arith.constant 2 : i32
      %get3A_838 = arith.index_cast %get3A_837 : i32 to index
      %get3A_839 = arith.index_cast %shift_right_arithmetic3A_818 : i32 to index
      %get3A_840 = arith.index_cast %mul3A_822 : i32 to index
      %get3A_841 = tpu.vector_load %arg8[%get3A_838, %get3A_839, %get3A_840] {strides = array<i32>} : memref<3x64x128xf32, #tpu.memory_space<vmem>>, vector<16xf32>,
      %sub3A_842 = vector.broadcast %mul3A_74 : f32 to vector<16xf32>
      %sub3A_843 = arith.subf %get3A_841, %sub3A_842 : vector<16xf32>
      %mul3A_844 = arith.mulf %sub3A_829, %sub3A_829 : vector<16xf32>
      %mul3A_845 = arith.mulf %sub3A_836, %sub3A_836 : vector<16xf32>
      %add3A_846 = arith.addf %mul3A_844, %mul3A_845 : vector<16xf32>
      %mul3A_847 = arith.mulf %sub3A_843, %sub3A_843 : vector<16xf32>
      %add3A_848 = arith.addf %add3A_846, %mul3A_847 : vector<16xf32>
      %bitcast_convert_type3A_849 = tpu.bitcast %add3A_848 : vector<16xf32> -> vector<16xi32>
      %mul3A_850 = arith.constant 16 : i32
      %mul3A_851 = arith.muli %add3A_816, %mul3A_850 : i32
      %swap3A_852 = arith.index_cast %mul3A_851 : i32 to index
      %swap3A_853 = tpu.vector_load %arg9[%swap3A_852] {strides = array<i32>} : memref<8192xi32, #tpu.memory_space<vmem>>, vector<16xi32>,
      tpu.vector_store %arg9[%swap3A_852], %bitcast_convert_type3A_849 {strides = array<i32>} : memref<8192xi32, #tpu.memory_space<vmem>>, vector<16xi32>,
      %shift_right_arithmetic3A_854 = arith.constant 23 : i32
      %shift_right_arithmetic3A_855 = vector.broadcast %shift_right_arithmetic3A_854 : i32 to vector<16xi32>
      %shift_right_arithmetic3A_856 = arith.shrsi %bitcast_convert_type3A_849, %shift_right_arithmetic3A_855 : vector<16xi32>
      %mul3A_857 = arith.constant 16 : i32
      %mul3A_858 = vector.broadcast %mul3A_857 : i32 to vector<16xi32>
      %mul3A_859 = arith.muli %shift_right_arithmetic3A_856, %mul3A_858 : vector<16xi32>
      %add3A_860 = arith.addi %mul3A_859, %iota3A : vector<16xi32>
      tpu.vector_store_idx %arg11[%add3A_860], %broadcast_in_dim3A_7 {add = true} : memref<4096xi32, #tpu.memory_space<vmem>>[vector<16xi32>], vector<16xi32>,
      %mul3A_861 = arith.constant 2 : i32
      %mul3A_862 = arith.muli %scan3A_511, %mul3A_861 : i32
      %mul3A_863 = arith.constant 4 : i32
      %mul3A_864 = arith.muli %mul3A_862, %mul3A_863 : i32
      %add3A_865 = arith.constant 7 : i32
      %add3A_866 = arith.addi %mul3A_864, %add3A_865 : i32
      %shift_right_arithmetic3A_867 = arith.constant 3 : i32
      %shift_right_arithmetic3A_868 = arith.shrsi %add3A_866, %shift_right_arithmetic3A_867 : i32
      %and3A_869 = arith.constant 7 : i32
      %and3A_870 = arith.andi %add3A_866, %and3A_869 : i32
      %mul3A_871 = arith.constant 16 : i32
      %mul3A_872 = arith.muli %and3A_870, %mul3A_871 : i32
      %get3A_873 = arith.constant 0 : i32
      %get3A_874 = arith.index_cast %get3A_873 : i32 to index
      %get3A_875 = arith.index_cast %shift_right_arithmetic3A_868 : i32 to index
      %get3A_876 = arith.index_cast %mul3A_872 : i32 to index
      %get3A_877 = tpu.vector_load %arg8[%get3A_874, %get3A_875, %get3A_876] {strides = array<i32>} : memref<3x64x128xf32, #tpu.memory_space<vmem>>, vector<16xf32>,
      %sub3A_878 = vector.broadcast %mul3A_60 : f32 to vector<16xf32>
      %sub3A_879 = arith.subf %get3A_877, %sub3A_878 : vector<16xf32>
      %get3A_880 = arith.constant 1 : i32
      %get3A_881 = arith.index_cast %get3A_880 : i32 to index
      %get3A_882 = arith.index_cast %shift_right_arithmetic3A_868 : i32 to index
      %get3A_883 = arith.index_cast %mul3A_872 : i32 to index
      %get3A_884 = tpu.vector_load %arg8[%get3A_881, %get3A_882, %get3A_883] {strides = array<i32>} : memref<3x64x128xf32, #tpu.memory_space<vmem>>, vector<16xf32>,
      %sub3A_885 = vector.broadcast %mul3A_67 : f32 to vector<16xf32>
      %sub3A_886 = arith.subf %get3A_884, %sub3A_885 : vector<16xf32>
      %get3A_887 = arith.constant 2 : i32
      %get3A_888 = arith.index_cast %get3A_887 : i32 to index
      %get3A_889 = arith.index_cast %shift_right_arithmetic3A_868 : i32 to index
      %get3A_890 = arith.index_cast %mul3A_872 : i32 to index
      %get3A_891 = tpu.vector_load %arg8[%get3A_888, %get3A_889, %get3A_890] {strides = array<i32>} : memref<3x64x128xf32, #tpu.memory_space<vmem>>, vector<16xf32>,
      %sub3A_892 = vector.broadcast %mul3A_74 : f32 to vector<16xf32>
      %sub3A_893 = arith.subf %get3A_891, %sub3A_892 : vector<16xf32>
      %mul3A_894 = arith.mulf %sub3A_879, %sub3A_879 : vector<16xf32>
      %mul3A_895 = arith.mulf %sub3A_886, %sub3A_886 : vector<16xf32>
      %add3A_896 = arith.addf %mul3A_894, %mul3A_895 : vector<16xf32>
      %mul3A_897 = arith.mulf %sub3A_893, %sub3A_893 : vector<16xf32>
      %add3A_898 = arith.addf %add3A_896, %mul3A_897 : vector<16xf32>
      %bitcast_convert_type3A_899 = tpu.bitcast %add3A_898 : vector<16xf32> -> vector<16xi32>
      %mul3A_900 = arith.constant 16 : i32
      %mul3A_901 = arith.muli %add3A_866, %mul3A_900 : i32
      %swap3A_902 = arith.index_cast %mul3A_901 : i32 to index
      %swap3A_903 = tpu.vector_load %arg9[%swap3A_902] {strides = array<i32>} : memref<8192xi32, #tpu.memory_space<vmem>>, vector<16xi32>,
      tpu.vector_store %arg9[%swap3A_902], %bitcast_convert_type3A_899 {strides = array<i32>} : memref<8192xi32, #tpu.memory_space<vmem>>, vector<16xi32>,
      %shift_right_arithmetic3A_904 = arith.constant 23 : i32
      %shift_right_arithmetic3A_905 = vector.broadcast %shift_right_arithmetic3A_904 : i32 to vector<16xi32>
      %shift_right_arithmetic3A_906 = arith.shrsi %bitcast_convert_type3A_899, %shift_right_arithmetic3A_905 : vector<16xi32>
      %mul3A_907 = arith.constant 16 : i32
      %mul3A_908 = vector.broadcast %mul3A_907 : i32 to vector<16xi32>
      %mul3A_909 = arith.muli %shift_right_arithmetic3A_906, %mul3A_908 : vector<16xi32>
      %add3A_910 = arith.addi %mul3A_909, %iota3A : vector<16xi32>
      tpu.vector_store_idx %arg11[%add3A_910], %broadcast_in_dim3A_7 {add = true} : memref<4096xi32, #tpu.memory_space<vmem>>[vector<16xi32>], vector<16xi32>,
      %scan3A_911 = arith.constant 0 : i32
      scf.yield %scan3A_911 : i32
    }
    %scan3A_91 = arith.constant 64 : i32
    %scan3A_92 = arith.constant 0 : i32
    %scan3A_93 = arith.constant false
    %scan3A_94 = arith.constant 0 : i32
    %scan3A_95 = arith.constant 0 : i32
    %scan3A_96 = arith.constant 0 : i32
    %scan3A_97 = arith.constant 128 : i32
    %scan3A_98 = arith.addi %scan3A_96, %scan3A_97 : i32
    %scan3A_99 = arith.constant 1 : i32
    %scan3A_100:4 = scf.for %scan3A_511 = %scan3A_96 to %scan3A_98 step %scan3A_99 iter_args(%scan3A_512 = %scan3A_92, %scan3A_513 = %scan3A_93, %scan3A_514 = %scan3A_94, %scan3A_515 = %scan3A_95) -> (i32, i1, i32, i32)  : i32 {
      %mul3A_516 = arith.constant 2 : i32
      %mul3A_517 = arith.muli %scan3A_511, %mul3A_516 : i32
      %add3A_518 = arith.constant 0 : i32
      %add3A_519 = arith.addi %mul3A_517, %add3A_518 : i32
      %mul3A_520 = arith.constant 16 : i32
      %mul3A_521 = arith.muli %add3A_519, %mul3A_520 : i32
      %swap3A_522 = arith.index_cast %mul3A_521 : i32 to index
      %swap3A_523 = tpu.vector_load %arg12[%swap3A_522] {strides = array<i32>} : memref<4096xi32, #tpu.memory_space<vmem>>, vector<16xi32>,
      tpu.vector_store %arg12[%swap3A_522], %broadcast_in_dim3A_5 {strides = array<i32>} : memref<4096xi32, #tpu.memory_space<vmem>>, vector<16xi32>,
      %mul3A_524 = arith.constant 16 : i32
      %mul3A_525 = arith.muli %add3A_519, %mul3A_524 : i32
      %get3A = arith.index_cast %mul3A_525 : i32 to index
      %get3A_526 = tpu.vector_load %arg11[%get3A] {strides = array<i32>} : memref<4096xi32, #tpu.memory_space<vmem>>, vector<16xi32>,
      %reduce_sum3A_527 = arith.constant true
      %reduce_sum3A_528 = vector.broadcast %reduce_sum3A_527 : i1 to vector<16xi1>
      %reduce_sum3A_529 = tpu.scan <sum>, %get3A_526 masked %reduce_sum3A_528 : vector<16xi32>, vector<16xi1> -> vector<16xi32>
      %reduce_sum3A_530 = vector.extract %reduce_sum3A_529[15] : i32 from vector<16xi32>
      %not3A = arith.constant true
      %not3A_531 = arith.xori %scan3A_513, %not3A : i1
      %add3A_532 = arith.addi %scan3A_512, %reduce_sum3A_530 : i32
      %ge3A = arith.constant 5608 : i32
      %ge3A_533 = arith.cmpi sge, %add3A_532, %ge3A : i32
      %and3A_534 = arith.andi %not3A_531, %ge3A_533 : i1
      %select_n3A_535 = arith.select %and3A_534, %add3A_519, %scan3A_514 : i32
      %select_n3A_536 = arith.select %and3A_534, %scan3A_512, %scan3A_515 : i32
      %or3A_537 = arith.ori %scan3A_513, %and3A_534 : i1
      %add3A_538 = arith.addi %scan3A_512, %reduce_sum3A_530 : i32
      %mul3A_539 = arith.constant 2 : i32
      %mul3A_540 = arith.muli %scan3A_511, %mul3A_539 : i32
      %add3A_541 = arith.constant 1 : i32
      %add3A_542 = arith.addi %mul3A_540, %add3A_541 : i32
      %mul3A_543 = arith.constant 16 : i32
      %mul3A_544 = arith.muli %add3A_542, %mul3A_543 : i32
      %swap3A_545 = arith.index_cast %mul3A_544 : i32 to index
      %swap3A_546 = tpu.vector_load %arg12[%swap3A_545] {strides = array<i32>} : memref<4096xi32, #tpu.memory_space<vmem>>, vector<16xi32>,
      tpu.vector_store %arg12[%swap3A_545], %broadcast_in_dim3A_5 {strides = array<i32>} : memref<4096xi32, #tpu.memory_space<vmem>>, vector<16xi32>,
      %mul3A_547 = arith.constant 16 : i32
      %mul3A_548 = arith.muli %add3A_542, %mul3A_547 : i32
      %get3A_549 = arith.index_cast %mul3A_548 : i32 to index
      %get3A_550 = tpu.vector_load %arg11[%get3A_549] {strides = array<i32>} : memref<4096xi32, #tpu.memory_space<vmem>>, vector<16xi32>,
      %reduce_sum3A_551 = arith.constant true
      %reduce_sum3A_552 = vector.broadcast %reduce_sum3A_551 : i1 to vector<16xi1>
      %reduce_sum3A_553 = tpu.scan <sum>, %get3A_550 masked %reduce_sum3A_552 : vector<16xi32>, vector<16xi1> -> vector<16xi32>
      %reduce_sum3A_554 = vector.extract %reduce_sum3A_553[15] : i32 from vector<16xi32>
      %not3A_555 = arith.constant true
      %not3A_556 = arith.xori %or3A_537, %not3A_555 : i1
      %add3A_557 = arith.addi %add3A_538, %reduce_sum3A_554 : i32
      %ge3A_558 = arith.constant 5608 : i32
      %ge3A_559 = arith.cmpi sge, %add3A_557, %ge3A_558 : i32
      %and3A_560 = arith.andi %not3A_556, %ge3A_559 : i1
      %select_n3A_561 = arith.select %and3A_560, %add3A_542, %select_n3A_535 : i32
      %select_n3A_562 = arith.select %and3A_560, %add3A_538, %select_n3A_536 : i32
      %or3A_563 = arith.ori %or3A_537, %and3A_560 : i1
      %add3A_564 = arith.addi %add3A_538, %reduce_sum3A_554 : i32
      scf.yield %add3A_564, %or3A_563, %select_n3A_561, %select_n3A_562 : i32, i1, i32, i32
    }
    %scan3A_101 = arith.constant 128 : i32
    %sub3A = arith.constant 5608 : i32
    %sub3A_102 = arith.subi %sub3A, %scan3A_100#3 : i32
    %scan3A_103 = arith.constant 0 : i32
    %scan3A_104 = arith.constant 0 : i32
    %scan3A_105 = arith.constant 128 : i32
    %scan3A_106 = arith.addi %scan3A_104, %scan3A_105 : i32
    %scan3A_107 = arith.constant 1 : i32
    %scan3A_108 = scf.for %scan3A_511 = %scan3A_104 to %scan3A_106 step %scan3A_107 iter_args(%scan3A_512 = %scan3A_103) -> (i32)  : i32 {
      %mul3A_513 = arith.constant 4 : i32
      %mul3A_514 = arith.muli %scan3A_511, %mul3A_513 : i32
      %add3A_515 = arith.constant 0 : i32
      %add3A_516 = arith.addi %mul3A_514, %add3A_515 : i32
      %mul3A_517 = arith.constant 16 : i32
      %mul3A_518 = arith.muli %add3A_516, %mul3A_517 : i32
      %get3A = arith.index_cast %mul3A_518 : i32 to index
      %get3A_519 = tpu.vector_load %arg9[%get3A] {strides = array<i32>} : memref<8192xi32, #tpu.memory_space<vmem>>, vector<16xi32>,
      %shift_right_arithmetic3A_520 = arith.constant 23 : i32
      %shift_right_arithmetic3A_521 = vector.broadcast %shift_right_arithmetic3A_520 : i32 to vector<16xi32>
      %shift_right_arithmetic3A_522 = arith.shrsi %get3A_519, %shift_right_arithmetic3A_521 : vector<16xi32>
      %eq3A = vector.broadcast %scan3A_100#2 : i32 to vector<16xi32>
      %eq3A_523 = arith.cmpi eq, %shift_right_arithmetic3A_522, %eq3A : vector<16xi32>
      %mul3A_524 = arith.constant 16 : i32
      %mul3A_525 = arith.muli %add3A_516, %mul3A_524 : i32
      %swap3A_526 = arith.index_cast %mul3A_525 : i32 to index
      %swap3A_527 = tpu.vector_load %arg10[%swap3A_526] masked %eq3A_523 {strides = array<i32>} : memref<8224xi32, #tpu.memory_space<vmem>>, vector<16xi32>, vector<16xi1>
      tpu.vector_store %arg10[%swap3A_526], %get3A_519 masked %eq3A_523 {strides = array<i32>} : memref<8224xi32, #tpu.memory_space<vmem>>, vector<16xi32>, vector<16xi1>
      %all_reduce_population_count3A = tpu.all_reduce %eq3A_523 {dim = 0 : i64, kind = #tpu.reduction_kind<sum>} : vector<16xi1> -> vector<16xi32>
      %slice3A = vector.extract_strided_slice %all_reduce_population_count3A {offsets = [0], sizes = [1], strides = [1]} : vector<16xi32> to vector<1xi32>
      %squeeze3A = vector.extract %slice3A[0] : i32 from vector<1xi32>
      %swap3A_528 = arith.index_cast %add3A_516 : i32 to index
      %swap3A_529 = memref.load %arg16[%swap3A_528] : memref<512xi32, #tpu.memory_space<smem>>
      memref.store %squeeze3A, %arg16[%swap3A_528] : memref<512xi32, #tpu.memory_space<smem>>
      %mul3A_530 = arith.constant 4 : i32
      %mul3A_531 = arith.muli %scan3A_511, %mul3A_530 : i32
      %add3A_532 = arith.constant 1 : i32
      %add3A_533 = arith.addi %mul3A_531, %add3A_532 : i32
      %mul3A_534 = arith.constant 16 : i32
      %mul3A_535 = arith.muli %add3A_533, %mul3A_534 : i32
      %get3A_536 = arith.index_cast %mul3A_535 : i32 to index
      %get3A_537 = tpu.vector_load %arg9[%get3A_536] {strides = array<i32>} : memref<8192xi32, #tpu.memory_space<vmem>>, vector<16xi32>,
      %shift_right_arithmetic3A_538 = arith.constant 23 : i32
      %shift_right_arithmetic3A_539 = vector.broadcast %shift_right_arithmetic3A_538 : i32 to vector<16xi32>
      %shift_right_arithmetic3A_540 = arith.shrsi %get3A_537, %shift_right_arithmetic3A_539 : vector<16xi32>
      %eq3A_541 = vector.broadcast %scan3A_100#2 : i32 to vector<16xi32>
      %eq3A_542 = arith.cmpi eq, %shift_right_arithmetic3A_540, %eq3A_541 : vector<16xi32>
      %mul3A_543 = arith.constant 16 : i32
      %mul3A_544 = arith.muli %add3A_533, %mul3A_543 : i32
      %swap3A_545 = arith.index_cast %mul3A_544 : i32 to index
      %swap3A_546 = tpu.vector_load %arg10[%swap3A_545] masked %eq3A_542 {strides = array<i32>} : memref<8224xi32, #tpu.memory_space<vmem>>, vector<16xi32>, vector<16xi1>
      tpu.vector_store %arg10[%swap3A_545], %get3A_537 masked %eq3A_542 {strides = array<i32>} : memref<8224xi32, #tpu.memory_space<vmem>>, vector<16xi32>, vector<16xi1>
      %all_reduce_population_count3A_547 = tpu.all_reduce %eq3A_542 {dim = 0 : i64, kind = #tpu.reduction_kind<sum>} : vector<16xi1> -> vector<16xi32>
      %slice3A_548 = vector.extract_strided_slice %all_reduce_population_count3A_547 {offsets = [0], sizes = [1], strides = [1]} : vector<16xi32> to vector<1xi32>
      %squeeze3A_549 = vector.extract %slice3A_548[0] : i32 from vector<1xi32>
      %swap3A_550 = arith.index_cast %add3A_533 : i32 to index
      %swap3A_551 = memref.load %arg16[%swap3A_550] : memref<512xi32, #tpu.memory_space<smem>>
      memref.store %squeeze3A_549, %arg16[%swap3A_550] : memref<512xi32, #tpu.memory_space<smem>>
      %mul3A_552 = arith.constant 4 : i32
      %mul3A_553 = arith.muli %scan3A_511, %mul3A_552 : i32
      %add3A_554 = arith.constant 2 : i32
      %add3A_555 = arith.addi %mul3A_553, %add3A_554 : i32
      %mul3A_556 = arith.constant 16 : i32
      %mul3A_557 = arith.muli %add3A_555, %mul3A_556 : i32
      %get3A_558 = arith.index_cast %mul3A_557 : i32 to index
      %get3A_559 = tpu.vector_load %arg9[%get3A_558] {strides = array<i32>} : memref<8192xi32, #tpu.memory_space<vmem>>, vector<16xi32>,
      %shift_right_arithmetic3A_560 = arith.constant 23 : i32
      %shift_right_arithmetic3A_561 = vector.broadcast %shift_right_arithmetic3A_560 : i32 to vector<16xi32>
      %shift_right_arithmetic3A_562 = arith.shrsi %get3A_559, %shift_right_arithmetic3A_561 : vector<16xi32>
      %eq3A_563 = vector.broadcast %scan3A_100#2 : i32 to vector<16xi32>
      %eq3A_564 = arith.cmpi eq, %shift_right_arithmetic3A_562, %eq3A_563 : vector<16xi32>
      %mul3A_565 = arith.constant 16 : i32
      %mul3A_566 = arith.muli %add3A_555, %mul3A_565 : i32
      %swap3A_567 = arith.index_cast %mul3A_566 : i32 to index
      %swap3A_568 = tpu.vector_load %arg10[%swap3A_567] masked %eq3A_564 {strides = array<i32>} : memref<8224xi32, #tpu.memory_space<vmem>>, vector<16xi32>, vector<16xi1>
      tpu.vector_store %arg10[%swap3A_567], %get3A_559 masked %eq3A_564 {strides = array<i32>} : memref<8224xi32, #tpu.memory_space<vmem>>, vector<16xi32>, vector<16xi1>
      %all_reduce_population_count3A_569 = tpu.all_reduce %eq3A_564 {dim = 0 : i64, kind = #tpu.reduction_kind<sum>} : vector<16xi1> -> vector<16xi32>
      %slice3A_570 = vector.extract_strided_slice %all_reduce_population_count3A_569 {offsets = [0], sizes = [1], strides = [1]} : vector<16xi32> to vector<1xi32>
      %squeeze3A_571 = vector.extract %slice3A_570[0] : i32 from vector<1xi32>
      %swap3A_572 = arith.index_cast %add3A_555 : i32 to index
      %swap3A_573 = memref.load %arg16[%swap3A_572] : memref<512xi32, #tpu.memory_space<smem>>
      memref.store %squeeze3A_571, %arg16[%swap3A_572] : memref<512xi32, #tpu.memory_space<smem>>
      %mul3A_574 = arith.constant 4 : i32
      %mul3A_575 = arith.muli %scan3A_511, %mul3A_574 : i32
      %add3A_576 = arith.constant 3 : i32
      %add3A_577 = arith.addi %mul3A_575, %add3A_576 : i32
      %mul3A_578 = arith.constant 16 : i32
      %mul3A_579 = arith.muli %add3A_577, %mul3A_578 : i32
      %get3A_580 = arith.index_cast %mul3A_579 : i32 to index
      %get3A_581 = tpu.vector_load %arg9[%get3A_580] {strides = array<i32>} : memref<8192xi32, #tpu.memory_space<vmem>>, vector<16xi32>,
      %shift_right_arithmetic3A_582 = arith.constant 23 : i32
      %shift_right_arithmetic3A_583 = vector.broadcast %shift_right_arithmetic3A_582 : i32 to vector<16xi32>
      %shift_right_arithmetic3A_584 = arith.shrsi %get3A_581, %shift_right_arithmetic3A_583 : vector<16xi32>
      %eq3A_585 = vector.broadcast %scan3A_100#2 : i32 to vector<16xi32>
      %eq3A_586 = arith.cmpi eq, %shift_right_arithmetic3A_584, %eq3A_585 : vector<16xi32>
      %mul3A_587 = arith.constant 16 : i32
      %mul3A_588 = arith.muli %add3A_577, %mul3A_587 : i32
      %swap3A_589 = arith.index_cast %mul3A_588 : i32 to index
      %swap3A_590 = tpu.vector_load %arg10[%swap3A_589] masked %eq3A_586 {strides = array<i32>} : memref<8224xi32, #tpu.memory_space<vmem>>, vector<16xi32>, vector<16xi1>
      tpu.vector_store %arg10[%swap3A_589], %get3A_581 masked %eq3A_586 {strides = array<i32>} : memref<8224xi32, #tpu.memory_space<vmem>>, vector<16xi32>, vector<16xi1>
      %all_reduce_population_count3A_591 = tpu.all_reduce %eq3A_586 {dim = 0 : i64, kind = #tpu.reduction_kind<sum>} : vector<16xi1> -> vector<16xi32>
      %slice3A_592 = vector.extract_strided_slice %all_reduce_population_count3A_591 {offsets = [0], sizes = [1], strides = [1]} : vector<16xi32> to vector<1xi32>
      %squeeze3A_593 = vector.extract %slice3A_592[0] : i32 from vector<1xi32>
      %swap3A_594 = arith.index_cast %add3A_577 : i32 to index
      %swap3A_595 = memref.load %arg16[%swap3A_594] : memref<512xi32, #tpu.memory_space<smem>>
      memref.store %squeeze3A_593, %arg16[%swap3A_594] : memref<512xi32, #tpu.memory_space<smem>>
      %scan3A_596 = arith.constant 0 : i32
      scf.yield %scan3A_596 : i32
    }
    %scan3A_109 = arith.constant 128 : i32
    %scan3A_110 = arith.constant 0 : i32
    %scan3A_111 = arith.constant 0 : i32
    %scan3A_112 = arith.constant 128 : i32
    %scan3A_113 = arith.addi %scan3A_111, %scan3A_112 : i32
    %scan3A_114 = arith.constant 1 : i32
    %scan3A_115 = scf.for %scan3A_511 = %scan3A_111 to %scan3A_113 step %scan3A_114 iter_args(%scan3A_512 = %scan3A_110) -> (i32)  : i32 {
      %mul3A_513 = arith.constant 4 : i32
      %mul3A_514 = arith.muli %scan3A_511, %mul3A_513 : i32
      %add3A_515 = arith.constant 0 : i32
      %add3A_516 = arith.addi %mul3A_514, %add3A_515 : i32
      %mul3A_517 = arith.constant 16 : i32
      %mul3A_518 = arith.muli %add3A_516, %mul3A_517 : i32
      %get3A = arith.index_cast %mul3A_518 : i32 to index
      %get3A_519 = tpu.vector_load %arg10[%get3A] {strides = array<i32>} : memref<8224xi32, #tpu.memory_space<vmem>>, vector<16xi32>,
      %swap3A_520 = arith.index_cast %scan3A_512 : i32 to index
      %swap3A_521 = tpu.vector_load %arg10[%swap3A_520] {strides = array<i32>} : memref<8224xi32, #tpu.memory_space<vmem>>, vector<16xi32>,
      tpu.vector_store %arg10[%swap3A_520], %get3A_519 {strides = array<i32>} : memref<8224xi32, #tpu.memory_space<vmem>>, vector<16xi32>,
      %get3A_522 = arith.index_cast %add3A_516 : i32 to index
      %get3A_523 = memref.load %arg16[%get3A_522] : memref<512xi32, #tpu.memory_space<smem>>
      %add3A_524 = arith.addi %scan3A_512, %get3A_523 : i32
      %mul3A_525 = arith.constant 4 : i32
      %mul3A_526 = arith.muli %scan3A_511, %mul3A_525 : i32
      %add3A_527 = arith.constant 1 : i32
      %add3A_528 = arith.addi %mul3A_526, %add3A_527 : i32
      %mul3A_529 = arith.constant 16 : i32
      %mul3A_530 = arith.muli %add3A_528, %mul3A_529 : i32
      %get3A_531 = arith.index_cast %mul3A_530 : i32 to index
      %get3A_532 = tpu.vector_load %arg10[%get3A_531] {strides = array<i32>} : memref<8224xi32, #tpu.memory_space<vmem>>, vector<16xi32>,
      %swap3A_533 = arith.index_cast %add3A_524 : i32 to index
      %swap3A_534 = tpu.vector_load %arg10[%swap3A_533] {strides = array<i32>} : memref<8224xi32, #tpu.memory_space<vmem>>, vector<16xi32>,
      tpu.vector_store %arg10[%swap3A_533], %get3A_532 {strides = array<i32>} : memref<8224xi32, #tpu.memory_space<vmem>>, vector<16xi32>,
      %get3A_535 = arith.index_cast %add3A_528 : i32 to index
      %get3A_536 = memref.load %arg16[%get3A_535] : memref<512xi32, #tpu.memory_space<smem>>
      %add3A_537 = arith.addi %add3A_524, %get3A_536 : i32
      %mul3A_538 = arith.constant 4 : i32
      %mul3A_539 = arith.muli %scan3A_511, %mul3A_538 : i32
      %add3A_540 = arith.constant 2 : i32
      %add3A_541 = arith.addi %mul3A_539, %add3A_540 : i32
      %mul3A_542 = arith.constant 16 : i32
      %mul3A_543 = arith.muli %add3A_541, %mul3A_542 : i32
      %get3A_544 = arith.index_cast %mul3A_543 : i32 to index
      %get3A_545 = tpu.vector_load %arg10[%get3A_544] {strides = array<i32>} : memref<8224xi32, #tpu.memory_space<vmem>>, vector<16xi32>,
      %swap3A_546 = arith.index_cast %add3A_537 : i32 to index
      %swap3A_547 = tpu.vector_load %arg10[%swap3A_546] {strides = array<i32>} : memref<8224xi32, #tpu.memory_space<vmem>>, vector<16xi32>,
      tpu.vector_store %arg10[%swap3A_546], %get3A_545 {strides = array<i32>} : memref<8224xi32, #tpu.memory_space<vmem>>, vector<16xi32>,
      %get3A_548 = arith.index_cast %add3A_541 : i32 to index
      %get3A_549 = memref.load %arg16[%get3A_548] : memref<512xi32, #tpu.memory_space<smem>>
      %add3A_550 = arith.addi %add3A_537, %get3A_549 : i32
      %mul3A_551 = arith.constant 4 : i32
      %mul3A_552 = arith.muli %scan3A_511, %mul3A_551 : i32
      %add3A_553 = arith.constant 3 : i32
      %add3A_554 = arith.addi %mul3A_552, %add3A_553 : i32
      %mul3A_555 = arith.constant 16 : i32
      %mul3A_556 = arith.muli %add3A_554, %mul3A_555 : i32
      %get3A_557 = arith.index_cast %mul3A_556 : i32 to index
      %get3A_558 = tpu.vector_load %arg10[%get3A_557] {strides = array<i32>} : memref<8224xi32, #tpu.memory_space<vmem>>, vector<16xi32>,
      %swap3A_559 = arith.index_cast %add3A_550 : i32 to index
      %swap3A_560 = tpu.vector_load %arg10[%swap3A_559] {strides = array<i32>} : memref<8224xi32, #tpu.memory_space<vmem>>, vector<16xi32>,
      tpu.vector_store %arg10[%swap3A_559], %get3A_558 {strides = array<i32>} : memref<8224xi32, #tpu.memory_space<vmem>>, vector<16xi32>,
      %get3A_561 = arith.index_cast %add3A_554 : i32 to index
      %get3A_562 = memref.load %arg16[%get3A_561] : memref<512xi32, #tpu.memory_space<smem>>
      %add3A_563 = arith.addi %add3A_550, %get3A_562 : i32
      scf.yield %add3A_563 : i32
    }
    %scan3A_116 = arith.constant 128 : i32
    %broadcast_in_dim3A_117 = arith.constant 2147483647 : i32
    %broadcast_in_dim3A_118 = vector.broadcast %broadcast_in_dim3A_117 : i32 to vector<16xi32>
    %swap3A = arith.index_cast %scan3A_115 : i32 to index
    %swap3A_119 = tpu.vector_load %arg10[%swap3A] {strides = array<i32>} : memref<8224xi32, #tpu.memory_space<vmem>>, vector<16xi32>,
    tpu.vector_store %arg10[%swap3A], %broadcast_in_dim3A_118 {strides = array<i32>} : memref<8224xi32, #tpu.memory_space<vmem>>, vector<16xi32>,
    %add3A_120 = arith.constant 16 : i32
    %add3A_121 = arith.addi %scan3A_115, %add3A_120 : i32
    %sub3A_122 = arith.constant 1 : i32
    %sub3A_123 = arith.subi %add3A_121, %sub3A_122 : i32
    %jit3A = arith.constant 16 : i32
    %div3A = arith.divsi %sub3A_123, %jit3A : i32
    %sign3A = arith.constant 0 : i32
    %sign3A_124 = arith.cmpi sgt, %sub3A_123, %sign3A : i32
    %sign3A_125 = arith.extui %sign3A_124 : i1 to i32
    %sign3A_126 = arith.constant 0 : i32
    %sign3A_127 = arith.cmpi slt, %sub3A_123, %sign3A_126 : i32
    %sign3A_128 = arith.extui %sign3A_127 : i1 to i32
    %sign3A_129 = arith.subi %sign3A_125, %sign3A_128 : i32
    %sign3A_130 = arith.constant 0 : i32
    %sign3A_131 = arith.cmpi sgt, %jit3A, %sign3A_130 : i32
    %sign3A_132 = arith.extui %sign3A_131 : i1 to i32
    %sign3A_133 = arith.constant 0 : i32
    %sign3A_134 = arith.cmpi slt, %jit3A, %sign3A_133 : i32
    %sign3A_135 = arith.extui %sign3A_134 : i1 to i32
    %sign3A_136 = arith.subi %sign3A_132, %sign3A_135 : i32
    %ne3A = arith.cmpi ne, %sign3A_129, %sign3A_136 : i32
    %rem3A = arith.remsi %sub3A_123, %jit3A : i32
    %ne3A_137 = arith.constant 0 : i32
    %ne3A_138 = arith.cmpi ne, %rem3A, %ne3A_137 : i32
    %and3A = arith.andi %ne3A, %ne3A_138 : i1
    %sub3A_139 = arith.constant 1 : i32
    %sub3A_140 = arith.subi %div3A, %sub3A_139 : i32
    %select_n3A = arith.select %and3A, %sub3A_140, %div3A : i32
    %while3A = arith.constant 0 : i32
    %while3A_141 = arith.constant 0 : i32
    %while3A_142 = arith.subi %select_n3A, %while3A : i32
    %while3A_143 = arith.addi %while3A, %while3A_142 : i32
    %while3A_144 = arith.constant 1 : i32
    %while3A_145 = arith.divsi %while3A_142, %while3A_144 : i32
    %while3A_146 = arith.muli %while3A_145, %while3A_144 : i32
    %while3A_147 = arith.addi %while3A, %while3A_146 : i32
    %while3A_148 = arith.constant 1 : i32
    %while3A_149 = scf.for %while3A_511 = %while3A to %while3A_147 step %while3A_148 iter_args(%while3A_512 = %while3A_141) -> (i32)  : i32 {
      %mul3A_513 = arith.constant 16 : i32
      %mul3A_514 = arith.muli %while3A_511, %mul3A_513 : i32
      %get3A = arith.index_cast %mul3A_514 : i32 to index
      %get3A_515 = tpu.vector_load %arg10[%get3A] {strides = array<i32>} : memref<8224xi32, #tpu.memory_space<vmem>>, vector<16xi32>,
      %shift_right_arithmetic3A_516 = arith.constant 15 : i32
      %shift_right_arithmetic3A_517 = vector.broadcast %shift_right_arithmetic3A_516 : i32 to vector<16xi32>
      %shift_right_arithmetic3A_518 = arith.shrsi %get3A_515, %shift_right_arithmetic3A_517 : vector<16xi32>
      %and3A_519 = arith.constant 255 : i32
      %and3A_520 = vector.broadcast %and3A_519 : i32 to vector<16xi32>
      %and3A_521 = arith.andi %shift_right_arithmetic3A_518, %and3A_520 : vector<16xi32>
      %shift_right_arithmetic3A_522 = arith.constant 23 : i32
      %shift_right_arithmetic3A_523 = vector.broadcast %shift_right_arithmetic3A_522 : i32 to vector<16xi32>
      %shift_right_arithmetic3A_524 = arith.shrsi %get3A_515, %shift_right_arithmetic3A_523 : vector<16xi32>
      %eq3A = vector.broadcast %scan3A_100#2 : i32 to vector<16xi32>
      %eq3A_525 = arith.cmpi eq, %shift_right_arithmetic3A_524, %eq3A : vector<16xi32>
      %mul3A_526 = arith.constant 16 : i32
      %mul3A_527 = vector.broadcast %mul3A_526 : i32 to vector<16xi32>
      %mul3A_528 = arith.muli %and3A_521, %mul3A_527 : vector<16xi32>
      %add3A_529 = arith.addi %mul3A_528, %iota3A : vector<16xi32>
      tpu.vector_store_idx %arg12[%add3A_529], %broadcast_in_dim3A_7 masked %eq3A_525 {add = true} : memref<4096xi32, #tpu.memory_space<vmem>>[vector<16xi32>], vector<16xi32>, vector<16xi1>
      %while3A_530 = arith.constant 0 : i32
      scf.yield %while3A_530 : i32
    }
    %while3A_150 = arith.constant 1 : i32
    %while3A_151 = scf.for %while3A_511 = %while3A_147 to %while3A_143 step %while3A_150 iter_args(%while3A_512 = %while3A_149) -> (i32)  : i32 {
      %mul3A_513 = arith.constant 16 : i32
      %mul3A_514 = arith.muli %while3A_511, %mul3A_513 : i32
      %get3A = arith.index_cast %mul3A_514 : i32 to index
      %get3A_515 = tpu.vector_load %arg10[%get3A] {strides = array<i32>} : memref<8224xi32, #tpu.memory_space<vmem>>, vector<16xi32>,
      %shift_right_arithmetic3A_516 = arith.constant 15 : i32
      %shift_right_arithmetic3A_517 = vector.broadcast %shift_right_arithmetic3A_516 : i32 to vector<16xi32>
      %shift_right_arithmetic3A_518 = arith.shrsi %get3A_515, %shift_right_arithmetic3A_517 : vector<16xi32>
      %and3A_519 = arith.constant 255 : i32
      %and3A_520 = vector.broadcast %and3A_519 : i32 to vector<16xi32>
      %and3A_521 = arith.andi %shift_right_arithmetic3A_518, %and3A_520 : vector<16xi32>
      %shift_right_arithmetic3A_522 = arith.constant 23 : i32
      %shift_right_arithmetic3A_523 = vector.broadcast %shift_right_arithmetic3A_522 : i32 to vector<16xi32>
      %shift_right_arithmetic3A_524 = arith.shrsi %get3A_515, %shift_right_arithmetic3A_523 : vector<16xi32>
      %eq3A = vector.broadcast %scan3A_100#2 : i32 to vector<16xi32>
      %eq3A_525 = arith.cmpi eq, %shift_right_arithmetic3A_524, %eq3A : vector<16xi32>
      %mul3A_526 = arith.constant 16 : i32
      %mul3A_527 = vector.broadcast %mul3A_526 : i32 to vector<16xi32>
      %mul3A_528 = arith.muli %and3A_521, %mul3A_527 : vector<16xi32>
      %add3A_529 = arith.addi %mul3A_528, %iota3A : vector<16xi32>
      tpu.vector_store_idx %arg12[%add3A_529], %broadcast_in_dim3A_7 masked %eq3A_525 {add = true} : memref<4096xi32, #tpu.memory_space<vmem>>[vector<16xi32>], vector<16xi32>, vector<16xi1>
      %while3A_530 = arith.constant 0 : i32
      scf.yield %while3A_530 : i32
    }
    %scan3A_152 = arith.constant 0 : i32
    %scan3A_153 = arith.constant false
    %scan3A_154 = arith.constant 0 : i32
    %scan3A_155 = arith.constant 0 : i32
    %scan3A_156 = arith.constant 0 : i32
    %scan3A_157 = arith.constant 256 : i32
    %scan3A_158 = arith.addi %scan3A_156, %scan3A_157 : i32
    %scan3A_159 = arith.constant 1 : i32
    %scan3A_160:4 = scf.for %scan3A_511 = %scan3A_156 to %scan3A_158 step %scan3A_159 iter_args(%scan3A_512 = %scan3A_152, %scan3A_513 = %scan3A_153, %scan3A_514 = %scan3A_154, %scan3A_515 = %scan3A_155) -> (i32, i1, i32, i32)  : i32 {
      %mul3A_516 = arith.constant 16 : i32
      %mul3A_517 = arith.muli %scan3A_511, %mul3A_516 : i32
      %swap3A_518 = arith.index_cast %mul3A_517 : i32 to index
      %swap3A_519 = tpu.vector_load %arg13[%swap3A_518] {strides = array<i32>} : memref<4096xi32, #tpu.memory_space<vmem>>, vector<16xi32>,
      tpu.vector_store %arg13[%swap3A_518], %broadcast_in_dim3A_5 {strides = array<i32>} : memref<4096xi32, #tpu.memory_space<vmem>>, vector<16xi32>,
      %mul3A_520 = arith.constant 16 : i32
      %mul3A_521 = arith.muli %scan3A_511, %mul3A_520 : i32
      %get3A = arith.index_cast %mul3A_521 : i32 to index
      %get3A_522 = tpu.vector_load %arg12[%get3A] {strides = array<i32>} : memref<4096xi32, #tpu.memory_space<vmem>>, vector<16xi32>,
      %reduce_sum3A_523 = arith.constant true
      %reduce_sum3A_524 = vector.broadcast %reduce_sum3A_523 : i1 to vector<16xi1>
      %reduce_sum3A_525 = tpu.scan <sum>, %get3A_522 masked %reduce_sum3A_524 : vector<16xi32>, vector<16xi1> -> vector<16xi32>
      %reduce_sum3A_526 = vector.extract %reduce_sum3A_525[15] : i32 from vector<16xi32>
      %not3A = arith.constant true
      %not3A_527 = arith.xori %scan3A_513, %not3A : i1
      %add3A_528 = arith.addi %scan3A_512, %reduce_sum3A_526 : i32
      %ge3A = arith.cmpi sge, %add3A_528, %sub3A_102 : i32
      %and3A_529 = arith.andi %not3A_527, %ge3A : i1
      %select_n3A_530 = arith.select %and3A_529, %scan3A_511, %scan3A_514 : i32
      %select_n3A_531 = arith.select %and3A_529, %scan3A_512, %scan3A_515 : i32
      %or3A_532 = arith.ori %scan3A_513, %and3A_529 : i1
      %add3A_533 = arith.addi %scan3A_512, %reduce_sum3A_526 : i32
      scf.yield %add3A_533, %or3A_532, %select_n3A_530, %select_n3A_531 : i32, i1, i32, i32
    }
    %scan3A_161 = arith.constant 256 : i32
    %shift_left3A = arith.constant 8 : i32
    %shift_left3A_162 = arith.shli %scan3A_100#2, %shift_left3A : i32
    %or3A = arith.ori %shift_left3A_162, %scan3A_160#2 : i32
    %sub3A_163 = arith.subi %sub3A_102, %scan3A_160#3 : i32
    %while3A_164 = arith.constant 0 : i32
    %while3A_165 = arith.constant 0 : i32
    %while3A_166 = arith.subi %select_n3A, %while3A_164 : i32
    %while3A_167 = arith.addi %while3A_164, %while3A_166 : i32
    %while3A_168 = arith.constant 1 : i32
    %while3A_169 = arith.divsi %while3A_166, %while3A_168 : i32
    %while3A_170 = arith.muli %while3A_169, %while3A_168 : i32
    %while3A_171 = arith.addi %while3A_164, %while3A_170 : i32
    %while3A_172 = arith.constant 1 : i32
    %while3A_173 = scf.for %while3A_511 = %while3A_164 to %while3A_171 step %while3A_172 iter_args(%while3A_512 = %while3A_165) -> (i32)  : i32 {
      %mul3A_513 = arith.constant 16 : i32
      %mul3A_514 = arith.muli %while3A_511, %mul3A_513 : i32
      %get3A = arith.index_cast %mul3A_514 : i32 to index
      %get3A_515 = tpu.vector_load %arg10[%get3A] {strides = array<i32>} : memref<8224xi32, #tpu.memory_space<vmem>>, vector<16xi32>,
      %shift_right_arithmetic3A_516 = arith.constant 7 : i32
      %shift_right_arithmetic3A_517 = vector.broadcast %shift_right_arithmetic3A_516 : i32 to vector<16xi32>
      %shift_right_arithmetic3A_518 = arith.shrsi %get3A_515, %shift_right_arithmetic3A_517 : vector<16xi32>
      %and3A_519 = arith.constant 255 : i32
      %and3A_520 = vector.broadcast %and3A_519 : i32 to vector<16xi32>
      %and3A_521 = arith.andi %shift_right_arithmetic3A_518, %and3A_520 : vector<16xi32>
      %shift_right_arithmetic3A_522 = arith.constant 15 : i32
      %shift_right_arithmetic3A_523 = vector.broadcast %shift_right_arithmetic3A_522 : i32 to vector<16xi32>
      %shift_right_arithmetic3A_524 = arith.shrsi %get3A_515, %shift_right_arithmetic3A_523 : vector<16xi32>
      %eq3A = vector.broadcast %or3A : i32 to vector<16xi32>
      %eq3A_525 = arith.cmpi eq, %shift_right_arithmetic3A_524, %eq3A : vector<16xi32>
      %mul3A_526 = arith.constant 16 : i32
      %mul3A_527 = vector.broadcast %mul3A_526 : i32 to vector<16xi32>
      %mul3A_528 = arith.muli %and3A_521, %mul3A_527 : vector<16xi32>
      %add3A_529 = arith.addi %mul3A_528, %iota3A : vector<16xi32>
      tpu.vector_store_idx %arg13[%add3A_529], %broadcast_in_dim3A_7 masked %eq3A_525 {add = true} : memref<4096xi32, #tpu.memory_space<vmem>>[vector<16xi32>], vector<16xi32>, vector<16xi1>
      %while3A_530 = arith.constant 0 : i32
      scf.yield %while3A_530 : i32
    }
    %while3A_174 = arith.constant 1 : i32
    %while3A_175 = scf.for %while3A_511 = %while3A_171 to %while3A_167 step %while3A_174 iter_args(%while3A_512 = %while3A_173) -> (i32)  : i32 {
      %mul3A_513 = arith.constant 16 : i32
      %mul3A_514 = arith.muli %while3A_511, %mul3A_513 : i32
      %get3A = arith.index_cast %mul3A_514 : i32 to index
      %get3A_515 = tpu.vector_load %arg10[%get3A] {strides = array<i32>} : memref<8224xi32, #tpu.memory_space<vmem>>, vector<16xi32>,
      %shift_right_arithmetic3A_516 = arith.constant 7 : i32
      %shift_right_arithmetic3A_517 = vector.broadcast %shift_right_arithmetic3A_516 : i32 to vector<16xi32>
      %shift_right_arithmetic3A_518 = arith.shrsi %get3A_515, %shift_right_arithmetic3A_517 : vector<16xi32>
      %and3A_519 = arith.constant 255 : i32
      %and3A_520 = vector.broadcast %and3A_519 : i32 to vector<16xi32>
      %and3A_521 = arith.andi %shift_right_arithmetic3A_518, %and3A_520 : vector<16xi32>
      %shift_right_arithmetic3A_522 = arith.constant 15 : i32
      %shift_right_arithmetic3A_523 = vector.broadcast %shift_right_arithmetic3A_522 : i32 to vector<16xi32>
      %shift_right_arithmetic3A_524 = arith.shrsi %get3A_515, %shift_right_arithmetic3A_523 : vector<16xi32>
      %eq3A = vector.broadcast %or3A : i32 to vector<16xi32>
      %eq3A_525 = arith.cmpi eq, %shift_right_arithmetic3A_524, %eq3A : vector<16xi32>
      %mul3A_526 = arith.constant 16 : i32
      %mul3A_527 = vector.broadcast %mul3A_526 : i32 to vector<16xi32>
      %mul3A_528 = arith.muli %and3A_521, %mul3A_527 : vector<16xi32>
      %add3A_529 = arith.addi %mul3A_528, %iota3A : vector<16xi32>
      tpu.vector_store_idx %arg13[%add3A_529], %broadcast_in_dim3A_7 masked %eq3A_525 {add = true} : memref<4096xi32, #tpu.memory_space<vmem>>[vector<16xi32>], vector<16xi32>, vector<16xi1>
      %while3A_530 = arith.constant 0 : i32
      scf.yield %while3A_530 : i32
    }
    %scan3A_176 = arith.constant 0 : i32
    %scan3A_177 = arith.constant false
    %scan3A_178 = arith.constant 0 : i32
    %scan3A_179 = arith.constant 0 : i32
    %scan3A_180 = arith.constant 0 : i32
    %scan3A_181 = arith.constant 256 : i32
    %scan3A_182 = arith.addi %scan3A_180, %scan3A_181 : i32
    %scan3A_183 = arith.constant 1 : i32
    %scan3A_184:4 = scf.for %scan3A_511 = %scan3A_180 to %scan3A_182 step %scan3A_183 iter_args(%scan3A_512 = %scan3A_176, %scan3A_513 = %scan3A_177, %scan3A_514 = %scan3A_178, %scan3A_515 = %scan3A_179) -> (i32, i1, i32, i32)  : i32 {
      %mul3A_516 = arith.constant 16 : i32
      %mul3A_517 = arith.muli %scan3A_511, %mul3A_516 : i32
      %swap3A_518 = arith.index_cast %mul3A_517 : i32 to index
      %swap3A_519 = tpu.vector_load %arg12[%swap3A_518] {strides = array<i32>} : memref<4096xi32, #tpu.memory_space<vmem>>, vector<16xi32>,
      tpu.vector_store %arg12[%swap3A_518], %broadcast_in_dim3A_5 {strides = array<i32>} : memref<4096xi32, #tpu.memory_space<vmem>>, vector<16xi32>,
      %mul3A_520 = arith.constant 16 : i32
      %mul3A_521 = arith.muli %scan3A_511, %mul3A_520 : i32
      %get3A = arith.index_cast %mul3A_521 : i32 to index
      %get3A_522 = tpu.vector_load %arg13[%get3A] {strides = array<i32>} : memref<4096xi32, #tpu.memory_space<vmem>>, vector<16xi32>,
      %reduce_sum3A_523 = arith.constant true
      %reduce_sum3A_524 = vector.broadcast %reduce_sum3A_523 : i1 to vector<16xi1>
      %reduce_sum3A_525 = tpu.scan <sum>, %get3A_522 masked %reduce_sum3A_524 : vector<16xi32>, vector<16xi1> -> vector<16xi32>
      %reduce_sum3A_526 = vector.extract %reduce_sum3A_525[15] : i32 from vector<16xi32>
      %not3A = arith.constant true
      %not3A_527 = arith.xori %scan3A_513, %not3A : i1
      %add3A_528 = arith.addi %scan3A_512, %reduce_sum3A_526 : i32
      %ge3A = arith.cmpi sge, %add3A_528, %sub3A_163 : i32
      %and3A_529 = arith.andi %not3A_527, %ge3A : i1
      %select_n3A_530 = arith.select %and3A_529, %scan3A_511, %scan3A_514 : i32
      %select_n3A_531 = arith.select %and3A_529, %scan3A_512, %scan3A_515 : i32
      %or3A_532 = arith.ori %scan3A_513, %and3A_529 : i1
      %add3A_533 = arith.addi %scan3A_512, %reduce_sum3A_526 : i32
      scf.yield %add3A_533, %or3A_532, %select_n3A_530, %select_n3A_531 : i32, i1, i32, i32
    }
    %scan3A_185 = arith.constant 256 : i32
    %shift_left3A_186 = arith.constant 8 : i32
    %shift_left3A_187 = arith.shli %or3A, %shift_left3A_186 : i32
    %or3A_188 = arith.ori %shift_left3A_187, %scan3A_184#2 : i32
    %sub3A_189 = arith.subi %sub3A_163, %scan3A_184#3 : i32
    %while3A_190 = arith.constant 0 : i32
    %while3A_191 = arith.constant 0 : i32
    %while3A_192 = arith.subi %select_n3A, %while3A_190 : i32
    %while3A_193 = arith.addi %while3A_190, %while3A_192 : i32
    %while3A_194 = arith.constant 1 : i32
    %while3A_195 = arith.divsi %while3A_192, %while3A_194 : i32
    %while3A_196 = arith.muli %while3A_195, %while3A_194 : i32
    %while3A_197 = arith.addi %while3A_190, %while3A_196 : i32
    %while3A_198 = arith.constant 1 : i32
    %while3A_199 = scf.for %while3A_511 = %while3A_190 to %while3A_197 step %while3A_198 iter_args(%while3A_512 = %while3A_191) -> (i32)  : i32 {
      %mul3A_513 = arith.constant 16 : i32
      %mul3A_514 = arith.muli %while3A_511, %mul3A_513 : i32
      %get3A = arith.index_cast %mul3A_514 : i32 to index
      %get3A_515 = tpu.vector_load %arg10[%get3A] {strides = array<i32>} : memref<8224xi32, #tpu.memory_space<vmem>>, vector<16xi32>,
      %shift_right_arithmetic3A_516 = arith.constant 0 : i32
      %shift_right_arithmetic3A_517 = vector.broadcast %shift_right_arithmetic3A_516 : i32 to vector<16xi32>
      %shift_right_arithmetic3A_518 = arith.shrsi %get3A_515, %shift_right_arithmetic3A_517 : vector<16xi32>
      %and3A_519 = arith.constant 127 : i32
      %and3A_520 = vector.broadcast %and3A_519 : i32 to vector<16xi32>
      %and3A_521 = arith.andi %shift_right_arithmetic3A_518, %and3A_520 : vector<16xi32>
      %shift_right_arithmetic3A_522 = arith.constant 7 : i32
      %shift_right_arithmetic3A_523 = vector.broadcast %shift_right_arithmetic3A_522 : i32 to vector<16xi32>
      %shift_right_arithmetic3A_524 = arith.shrsi %get3A_515, %shift_right_arithmetic3A_523 : vector<16xi32>
      %eq3A = vector.broadcast %or3A_188 : i32 to vector<16xi32>
      %eq3A_525 = arith.cmpi eq, %shift_right_arithmetic3A_524, %eq3A : vector<16xi32>
      %mul3A_526 = arith.constant 16 : i32
      %mul3A_527 = vector.broadcast %mul3A_526 : i32 to vector<16xi32>
      %mul3A_528 = arith.muli %and3A_521, %mul3A_527 : vector<16xi32>
      %add3A_529 = arith.addi %mul3A_528, %iota3A : vector<16xi32>
      tpu.vector_store_idx %arg12[%add3A_529], %broadcast_in_dim3A_7 masked %eq3A_525 {add = true} : memref<4096xi32, #tpu.memory_space<vmem>>[vector<16xi32>], vector<16xi32>, vector<16xi1>
      %while3A_530 = arith.constant 0 : i32
      scf.yield %while3A_530 : i32
    }
    %while3A_200 = arith.constant 1 : i32
    %while3A_201 = scf.for %while3A_511 = %while3A_197 to %while3A_193 step %while3A_200 iter_args(%while3A_512 = %while3A_199) -> (i32)  : i32 {
      %mul3A_513 = arith.constant 16 : i32
      %mul3A_514 = arith.muli %while3A_511, %mul3A_513 : i32
      %get3A = arith.index_cast %mul3A_514 : i32 to index
      %get3A_515 = tpu.vector_load %arg10[%get3A] {strides = array<i32>} : memref<8224xi32, #tpu.memory_space<vmem>>, vector<16xi32>,
      %shift_right_arithmetic3A_516 = arith.constant 0 : i32
      %shift_right_arithmetic3A_517 = vector.broadcast %shift_right_arithmetic3A_516 : i32 to vector<16xi32>
      %shift_right_arithmetic3A_518 = arith.shrsi %get3A_515, %shift_right_arithmetic3A_517 : vector<16xi32>
      %and3A_519 = arith.constant 127 : i32
      %and3A_520 = vector.broadcast %and3A_519 : i32 to vector<16xi32>
      %and3A_521 = arith.andi %shift_right_arithmetic3A_518, %and3A_520 : vector<16xi32>
      %shift_right_arithmetic3A_522 = arith.constant 7 : i32
      %shift_right_arithmetic3A_523 = vector.broadcast %shift_right_arithmetic3A_522 : i32 to vector<16xi32>
      %shift_right_arithmetic3A_524 = arith.shrsi %get3A_515, %shift_right_arithmetic3A_523 : vector<16xi32>
      %eq3A = vector.broadcast %or3A_188 : i32 to vector<16xi32>
      %eq3A_525 = arith.cmpi eq, %shift_right_arithmetic3A_524, %eq3A : vector<16xi32>
      %mul3A_526 = arith.constant 16 : i32
      %mul3A_527 = vector.broadcast %mul3A_526 : i32 to vector<16xi32>
      %mul3A_528 = arith.muli %and3A_521, %mul3A_527 : vector<16xi32>
      %add3A_529 = arith.addi %mul3A_528, %iota3A : vector<16xi32>
      tpu.vector_store_idx %arg12[%add3A_529], %broadcast_in_dim3A_7 masked %eq3A_525 {add = true} : memref<4096xi32, #tpu.memory_space<vmem>>[vector<16xi32>], vector<16xi32>, vector<16xi1>
      %while3A_530 = arith.constant 0 : i32
      scf.yield %while3A_530 : i32
    }
    %scan3A_202 = arith.constant 0 : i32
    %scan3A_203 = arith.constant false
    %scan3A_204 = arith.constant 0 : i32
    %scan3A_205 = arith.constant 0 : i32
    %scan3A_206 = arith.constant 0 : i32
    %scan3A_207 = arith.constant 128 : i32
    %scan3A_208 = arith.addi %scan3A_206, %scan3A_207 : i32
    %scan3A_209 = arith.constant 1 : i32
    %scan3A_210:4 = scf.for %scan3A_511 = %scan3A_206 to %scan3A_208 step %scan3A_209 iter_args(%scan3A_512 = %scan3A_202, %scan3A_513 = %scan3A_203, %scan3A_514 = %scan3A_204, %scan3A_515 = %scan3A_205) -> (i32, i1, i32, i32)  : i32 {
      %mul3A_516 = arith.constant 16 : i32
      %mul3A_517 = arith.muli %scan3A_511, %mul3A_516 : i32
      %get3A = arith.index_cast %mul3A_517 : i32 to index
      %get3A_518 = tpu.vector_load %arg12[%get3A] {strides = array<i32>} : memref<4096xi32, #tpu.memory_space<vmem>>, vector<16xi32>,
      %reduce_sum3A_519 = arith.constant true
      %reduce_sum3A_520 = vector.broadcast %reduce_sum3A_519 : i1 to vector<16xi1>
      %reduce_sum3A_521 = tpu.scan <sum>, %get3A_518 masked %reduce_sum3A_520 : vector<16xi32>, vector<16xi1> -> vector<16xi32>
      %reduce_sum3A_522 = vector.extract %reduce_sum3A_521[15] : i32 from vector<16xi32>
      %not3A = arith.constant true
      %not3A_523 = arith.xori %scan3A_513, %not3A : i1
      %add3A_524 = arith.addi %scan3A_512, %reduce_sum3A_522 : i32
      %ge3A = arith.cmpi sge, %add3A_524, %sub3A_189 : i32
      %and3A_525 = arith.andi %not3A_523, %ge3A : i1
      %select_n3A_526 = arith.select %and3A_525, %scan3A_511, %scan3A_514 : i32
      %select_n3A_527 = arith.select %and3A_525, %scan3A_512, %scan3A_515 : i32
      %or3A_528 = arith.ori %scan3A_513, %and3A_525 : i1
      %add3A_529 = arith.addi %scan3A_512, %reduce_sum3A_522 : i32
      scf.yield %add3A_529, %or3A_528, %select_n3A_526, %select_n3A_527 : i32, i1, i32, i32
    }
    %scan3A_211 = arith.constant 128 : i32
    %shift_left3A_212 = arith.constant 7 : i32
    %shift_left3A_213 = arith.shli %or3A_188, %shift_left3A_212 : i32
    %or3A_214 = arith.ori %shift_left3A_213, %scan3A_210#2 : i32
    %sub3A_215 = arith.subi %sub3A_189, %scan3A_210#3 : i32
    %scan3A_216 = arith.constant 0 : i32
    %scan3A_217 = arith.constant 0 : i32
    %scan3A_218 = arith.constant 64 : i32
    %scan3A_219 = arith.addi %scan3A_217, %scan3A_218 : i32
    %scan3A_220 = arith.constant 1 : i32
    %scan3A_221 = scf.for %scan3A_511 = %scan3A_217 to %scan3A_219 step %scan3A_220 iter_args(%scan3A_512 = %scan3A_216) -> (i32)  : i32 {
      %mul3A_513 = arith.constant 2 : i32
      %mul3A_514 = arith.muli %scan3A_511, %mul3A_513 : i32
      %mul3A_515 = arith.constant 4 : i32
      %mul3A_516 = arith.muli %mul3A_514, %mul3A_515 : i32
      %add3A_517 = arith.constant 0 : i32
      %add3A_518 = arith.addi %mul3A_516, %add3A_517 : i32
      %shift_right_arithmetic3A_519 = arith.constant 3 : i32
      %shift_right_arithmetic3A_520 = arith.shrsi %add3A_518, %shift_right_arithmetic3A_519 : i32
      %and3A_521 = arith.constant 7 : i32
      %and3A_522 = arith.andi %add3A_518, %and3A_521 : i32
      %mul3A_523 = arith.constant 16 : i32
      %mul3A_524 = arith.muli %and3A_522, %mul3A_523 : i32
      %mul3A_525 = arith.constant 16 : i32
      %mul3A_526 = arith.muli %add3A_518, %mul3A_525 : i32
      %get3A = arith.index_cast %mul3A_526 : i32 to index
      %get3A_527 = tpu.vector_load %arg9[%get3A] {strides = array<i32>} : memref<8192xi32, #tpu.memory_space<vmem>>, vector<16xi32>,
      %le3A = vector.broadcast %or3A_214 : i32 to vector<16xi32>
      %le3A_528 = arith.cmpi sle, %get3A_527, %le3A : vector<16xi32>
      %jit3A_529 = arith.constant 0.000000e+00 : f32
      %jit3A_530 = arith.constant 1.000000e+00 : f32
      %broadcast_in_dim3A_531 = vector.broadcast %jit3A_529 : f32 to vector<16xf32>
      %broadcast_in_dim3A_532 = vector.broadcast %jit3A_530 : f32 to vector<16xf32>
      %select_n3A_533 = arith.select %le3A_528, %broadcast_in_dim3A_531, %broadcast_in_dim3A_532 : vector<16xi1>, vector<16xf32>
      %swap3A_534 = arith.index_cast %shift_right_arithmetic3A_520 : i32 to index
      %swap3A_535 = arith.index_cast %mul3A_524 : i32 to index
      %swap3A_536 = tpu.vector_load %arg14[%swap3A_534, %swap3A_535] {strides = array<i32>} : memref<64x128xf32, #tpu.memory_space<vmem>>, vector<16xf32>,
      tpu.vector_store %arg14[%swap3A_534, %swap3A_535], %select_n3A_533 {strides = array<i32>} : memref<64x128xf32, #tpu.memory_space<vmem>>, vector<16xf32>,
      %jit3A_537 = arith.constant 3.200000e+01 : f32
      %jit3A_538 = arith.constant 0.000000e+00 : f32
      %broadcast_in_dim3A_539 = vector.broadcast %jit3A_537 : f32 to vector<16xf32>
      %broadcast_in_dim3A_540 = vector.broadcast %jit3A_538 : f32 to vector<16xf32>
      %select_n3A_541 = arith.select %le3A_528, %broadcast_in_dim3A_539, %broadcast_in_dim3A_540 : vector<16xi1>, vector<16xf32>
      %swap3A_542 = arith.index_cast %shift_right_arithmetic3A_520 : i32 to index
      %swap3A_543 = arith.index_cast %mul3A_524 : i32 to index
      %swap3A_544 = tpu.vector_load %arg15[%swap3A_542, %swap3A_543] {strides = array<i32>} : memref<64x128xf32, #tpu.memory_space<vmem>>, vector<16xf32>,
      tpu.vector_store %arg15[%swap3A_542, %swap3A_543], %select_n3A_541 {strides = array<i32>} : memref<64x128xf32, #tpu.memory_space<vmem>>, vector<16xf32>,
      %mul3A_545 = arith.constant 2 : i32
      %mul3A_546 = arith.muli %scan3A_511, %mul3A_545 : i32
      %mul3A_547 = arith.constant 4 : i32
      %mul3A_548 = arith.muli %mul3A_546, %mul3A_547 : i32
      %add3A_549 = arith.constant 1 : i32
      %add3A_550 = arith.addi %mul3A_548, %add3A_549 : i32
      %shift_right_arithmetic3A_551 = arith.constant 3 : i32
      %shift_right_arithmetic3A_552 = arith.shrsi %add3A_550, %shift_right_arithmetic3A_551 : i32
      %and3A_553 = arith.constant 7 : i32
      %and3A_554 = arith.andi %add3A_550, %and3A_553 : i32
      %mul3A_555 = arith.constant 16 : i32
      %mul3A_556 = arith.muli %and3A_554, %mul3A_555 : i32
      %mul3A_557 = arith.constant 16 : i32
      %mul3A_558 = arith.muli %add3A_550, %mul3A_557 : i32
      %get3A_559 = arith.index_cast %mul3A_558 : i32 to index
      %get3A_560 = tpu.vector_load %arg9[%get3A_559] {strides = array<i32>} : memref<8192xi32, #tpu.memory_space<vmem>>, vector<16xi32>,
      %le3A_561 = vector.broadcast %or3A_214 : i32 to vector<16xi32>
      %le3A_562 = arith.cmpi sle, %get3A_560, %le3A_561 : vector<16xi32>
      %jit3A_563 = arith.constant 0.000000e+00 : f32
      %jit3A_564 = arith.constant 1.000000e+00 : f32
      %broadcast_in_dim3A_565 = vector.broadcast %jit3A_563 : f32 to vector<16xf32>
      %broadcast_in_dim3A_566 = vector.broadcast %jit3A_564 : f32 to vector<16xf32>
      %select_n3A_567 = arith.select %le3A_562, %broadcast_in_dim3A_565, %broadcast_in_dim3A_566 : vector<16xi1>, vector<16xf32>
      %swap3A_568 = arith.index_cast %shift_right_arithmetic3A_552 : i32 to index
      %swap3A_569 = arith.index_cast %mul3A_556 : i32 to index
      %swap3A_570 = tpu.vector_load %arg14[%swap3A_568, %swap3A_569] {strides = array<i32>} : memref<64x128xf32, #tpu.memory_space<vmem>>, vector<16xf32>,
      tpu.vector_store %arg14[%swap3A_568, %swap3A_569], %select_n3A_567 {strides = array<i32>} : memref<64x128xf32, #tpu.memory_space<vmem>>, vector<16xf32>,
      %jit3A_571 = arith.constant 3.200000e+01 : f32
      %jit3A_572 = arith.constant 0.000000e+00 : f32
      %broadcast_in_dim3A_573 = vector.broadcast %jit3A_571 : f32 to vector<16xf32>
      %broadcast_in_dim3A_574 = vector.broadcast %jit3A_572 : f32 to vector<16xf32>
      %select_n3A_575 = arith.select %le3A_562, %broadcast_in_dim3A_573, %broadcast_in_dim3A_574 : vector<16xi1>, vector<16xf32>
      %swap3A_576 = arith.index_cast %shift_right_arithmetic3A_552 : i32 to index
      %swap3A_577 = arith.index_cast %mul3A_556 : i32 to index
      %swap3A_578 = tpu.vector_load %arg15[%swap3A_576, %swap3A_577] {strides = array<i32>} : memref<64x128xf32, #tpu.memory_space<vmem>>, vector<16xf32>,
      tpu.vector_store %arg15[%swap3A_576, %swap3A_577], %select_n3A_575 {strides = array<i32>} : memref<64x128xf32, #tpu.memory_space<vmem>>, vector<16xf32>,
      %mul3A_579 = arith.constant 2 : i32
      %mul3A_580 = arith.muli %scan3A_511, %mul3A_579 : i32
      %mul3A_581 = arith.constant 4 : i32
      %mul3A_582 = arith.muli %mul3A_580, %mul3A_581 : i32
      %add3A_583 = arith.constant 2 : i32
      %add3A_584 = arith.addi %mul3A_582, %add3A_583 : i32
      %shift_right_arithmetic3A_585 = arith.constant 3 : i32
      %shift_right_arithmetic3A_586 = arith.shrsi %add3A_584, %shift_right_arithmetic3A_585 : i32
      %and3A_587 = arith.constant 7 : i32
      %and3A_588 = arith.andi %add3A_584, %and3A_587 : i32
      %mul3A_589 = arith.constant 16 : i32
      %mul3A_590 = arith.muli %and3A_588, %mul3A_589 : i32
      %mul3A_591 = arith.constant 16 : i32
      %mul3A_592 = arith.muli %add3A_584, %mul3A_591 : i32
      %get3A_593 = arith.index_cast %mul3A_592 : i32 to index
      %get3A_594 = tpu.vector_load %arg9[%get3A_593] {strides = array<i32>} : memref<8192xi32, #tpu.memory_space<vmem>>, vector<16xi32>,
      %le3A_595 = vector.broadcast %or3A_214 : i32 to vector<16xi32>
      %le3A_596 = arith.cmpi sle, %get3A_594, %le3A_595 : vector<16xi32>
      %jit3A_597 = arith.constant 0.000000e+00 : f32
      %jit3A_598 = arith.constant 1.000000e+00 : f32
      %broadcast_in_dim3A_599 = vector.broadcast %jit3A_597 : f32 to vector<16xf32>
      %broadcast_in_dim3A_600 = vector.broadcast %jit3A_598 : f32 to vector<16xf32>
      %select_n3A_601 = arith.select %le3A_596, %broadcast_in_dim3A_599, %broadcast_in_dim3A_600 : vector<16xi1>, vector<16xf32>
      %swap3A_602 = arith.index_cast %shift_right_arithmetic3A_586 : i32 to index
      %swap3A_603 = arith.index_cast %mul3A_590 : i32 to index
      %swap3A_604 = tpu.vector_load %arg14[%swap3A_602, %swap3A_603] {strides = array<i32>} : memref<64x128xf32, #tpu.memory_space<vmem>>, vector<16xf32>,
      tpu.vector_store %arg14[%swap3A_602, %swap3A_603], %select_n3A_601 {strides = array<i32>} : memref<64x128xf32, #tpu.memory_space<vmem>>, vector<16xf32>,
      %jit3A_605 = arith.constant 3.200000e+01 : f32
      %jit3A_606 = arith.constant 0.000000e+00 : f32
      %broadcast_in_dim3A_607 = vector.broadcast %jit3A_605 : f32 to vector<16xf32>
      %broadcast_in_dim3A_608 = vector.broadcast %jit3A_606 : f32 to vector<16xf32>
      %select_n3A_609 = arith.select %le3A_596, %broadcast_in_dim3A_607, %broadcast_in_dim3A_608 : vector<16xi1>, vector<16xf32>
      %swap3A_610 = arith.index_cast %shift_right_arithmetic3A_586 : i32 to index
      %swap3A_611 = arith.index_cast %mul3A_590 : i32 to index
      %swap3A_612 = tpu.vector_load %arg15[%swap3A_610, %swap3A_611] {strides = array<i32>} : memref<64x128xf32, #tpu.memory_space<vmem>>, vector<16xf32>,
      tpu.vector_store %arg15[%swap3A_610, %swap3A_611], %select_n3A_609 {strides = array<i32>} : memref<64x128xf32, #tpu.memory_space<vmem>>, vector<16xf32>,
      %mul3A_613 = arith.constant 2 : i32
      %mul3A_614 = arith.muli %scan3A_511, %mul3A_613 : i32
      %mul3A_615 = arith.constant 4 : i32
      %mul3A_616 = arith.muli %mul3A_614, %mul3A_615 : i32
      %add3A_617 = arith.constant 3 : i32
      %add3A_618 = arith.addi %mul3A_616, %add3A_617 : i32
      %shift_right_arithmetic3A_619 = arith.constant 3 : i32
      %shift_right_arithmetic3A_620 = arith.shrsi %add3A_618, %shift_right_arithmetic3A_619 : i32
      %and3A_621 = arith.constant 7 : i32
      %and3A_622 = arith.andi %add3A_618, %and3A_621 : i32
      %mul3A_623 = arith.constant 16 : i32
      %mul3A_624 = arith.muli %and3A_622, %mul3A_623 : i32
      %mul3A_625 = arith.constant 16 : i32
      %mul3A_626 = arith.muli %add3A_618, %mul3A_625 : i32
      %get3A_627 = arith.index_cast %mul3A_626 : i32 to index
      %get3A_628 = tpu.vector_load %arg9[%get3A_627] {strides = array<i32>} : memref<8192xi32, #tpu.memory_space<vmem>>, vector<16xi32>,
      %le3A_629 = vector.broadcast %or3A_214 : i32 to vector<16xi32>
      %le3A_630 = arith.cmpi sle, %get3A_628, %le3A_629 : vector<16xi32>
      %jit3A_631 = arith.constant 0.000000e+00 : f32
      %jit3A_632 = arith.constant 1.000000e+00 : f32
      %broadcast_in_dim3A_633 = vector.broadcast %jit3A_631 : f32 to vector<16xf32>
      %broadcast_in_dim3A_634 = vector.broadcast %jit3A_632 : f32 to vector<16xf32>
      %select_n3A_635 = arith.select %le3A_630, %broadcast_in_dim3A_633, %broadcast_in_dim3A_634 : vector<16xi1>, vector<16xf32>
      %swap3A_636 = arith.index_cast %shift_right_arithmetic3A_620 : i32 to index
      %swap3A_637 = arith.index_cast %mul3A_624 : i32 to index
      %swap3A_638 = tpu.vector_load %arg14[%swap3A_636, %swap3A_637] {strides = array<i32>} : memref<64x128xf32, #tpu.memory_space<vmem>>, vector<16xf32>,
      tpu.vector_store %arg14[%swap3A_636, %swap3A_637], %select_n3A_635 {strides = array<i32>} : memref<64x128xf32, #tpu.memory_space<vmem>>, vector<16xf32>,
      %jit3A_639 = arith.constant 3.200000e+01 : f32
      %jit3A_640 = arith.constant 0.000000e+00 : f32
      %broadcast_in_dim3A_641 = vector.broadcast %jit3A_639 : f32 to vector<16xf32>
      %broadcast_in_dim3A_642 = vector.broadcast %jit3A_640 : f32 to vector<16xf32>
      %select_n3A_643 = arith.select %le3A_630, %broadcast_in_dim3A_641, %broadcast_in_dim3A_642 : vector<16xi1>, vector<16xf32>
      %swap3A_644 = arith.index_cast %shift_right_arithmetic3A_620 : i32 to index
      %swap3A_645 = arith.index_cast %mul3A_624 : i32 to index
      %swap3A_646 = tpu.vector_load %arg15[%swap3A_644, %swap3A_645] {strides = array<i32>} : memref<64x128xf32, #tpu.memory_space<vmem>>, vector<16xf32>,
      tpu.vector_store %arg15[%swap3A_644, %swap3A_645], %select_n3A_643 {strides = array<i32>} : memref<64x128xf32, #tpu.memory_space<vmem>>, vector<16xf32>,
      %mul3A_647 = arith.constant 2 : i32
      %mul3A_648 = arith.muli %scan3A_511, %mul3A_647 : i32
      %mul3A_649 = arith.constant 4 : i32
      %mul3A_650 = arith.muli %mul3A_648, %mul3A_649 : i32
      %add3A_651 = arith.constant 4 : i32
      %add3A_652 = arith.addi %mul3A_650, %add3A_651 : i32
      %shift_right_arithmetic3A_653 = arith.constant 3 : i32
      %shift_right_arithmetic3A_654 = arith.shrsi %add3A_652, %shift_right_arithmetic3A_653 : i32
      %and3A_655 = arith.constant 7 : i32
      %and3A_656 = arith.andi %add3A_652, %and3A_655 : i32
      %mul3A_657 = arith.constant 16 : i32
      %mul3A_658 = arith.muli %and3A_656, %mul3A_657 : i32
      %mul3A_659 = arith.constant 16 : i32
      %mul3A_660 = arith.muli %add3A_652, %mul3A_659 : i32
      %get3A_661 = arith.index_cast %mul3A_660 : i32 to index
      %get3A_662 = tpu.vector_load %arg9[%get3A_661] {strides = array<i32>} : memref<8192xi32, #tpu.memory_space<vmem>>, vector<16xi32>,
      %le3A_663 = vector.broadcast %or3A_214 : i32 to vector<16xi32>
      %le3A_664 = arith.cmpi sle, %get3A_662, %le3A_663 : vector<16xi32>
      %jit3A_665 = arith.constant 0.000000e+00 : f32
      %jit3A_666 = arith.constant 1.000000e+00 : f32
      %broadcast_in_dim3A_667 = vector.broadcast %jit3A_665 : f32 to vector<16xf32>
      %broadcast_in_dim3A_668 = vector.broadcast %jit3A_666 : f32 to vector<16xf32>
      %select_n3A_669 = arith.select %le3A_664, %broadcast_in_dim3A_667, %broadcast_in_dim3A_668 : vector<16xi1>, vector<16xf32>
      %swap3A_670 = arith.index_cast %shift_right_arithmetic3A_654 : i32 to index
      %swap3A_671 = arith.index_cast %mul3A_658 : i32 to index
      %swap3A_672 = tpu.vector_load %arg14[%swap3A_670, %swap3A_671] {strides = array<i32>} : memref<64x128xf32, #tpu.memory_space<vmem>>, vector<16xf32>,
      tpu.vector_store %arg14[%swap3A_670, %swap3A_671], %select_n3A_669 {strides = array<i32>} : memref<64x128xf32, #tpu.memory_space<vmem>>, vector<16xf32>,
      %jit3A_673 = arith.constant 3.200000e+01 : f32
      %jit3A_674 = arith.constant 0.000000e+00 : f32
      %broadcast_in_dim3A_675 = vector.broadcast %jit3A_673 : f32 to vector<16xf32>
      %broadcast_in_dim3A_676 = vector.broadcast %jit3A_674 : f32 to vector<16xf32>
      %select_n3A_677 = arith.select %le3A_664, %broadcast_in_dim3A_675, %broadcast_in_dim3A_676 : vector<16xi1>, vector<16xf32>
      %swap3A_678 = arith.index_cast %shift_right_arithmetic3A_654 : i32 to index
      %swap3A_679 = arith.index_cast %mul3A_658 : i32 to index
      %swap3A_680 = tpu.vector_load %arg15[%swap3A_678, %swap3A_679] {strides = array<i32>} : memref<64x128xf32, #tpu.memory_space<vmem>>, vector<16xf32>,
      tpu.vector_store %arg15[%swap3A_678, %swap3A_679], %select_n3A_677 {strides = array<i32>} : memref<64x128xf32, #tpu.memory_space<vmem>>, vector<16xf32>,
      %mul3A_681 = arith.constant 2 : i32
      %mul3A_682 = arith.muli %scan3A_511, %mul3A_681 : i32
      %mul3A_683 = arith.constant 4 : i32
      %mul3A_684 = arith.muli %mul3A_682, %mul3A_683 : i32
      %add3A_685 = arith.constant 5 : i32
      %add3A_686 = arith.addi %mul3A_684, %add3A_685 : i32
      %shift_right_arithmetic3A_687 = arith.constant 3 : i32
      %shift_right_arithmetic3A_688 = arith.shrsi %add3A_686, %shift_right_arithmetic3A_687 : i32
      %and3A_689 = arith.constant 7 : i32
      %and3A_690 = arith.andi %add3A_686, %and3A_689 : i32
      %mul3A_691 = arith.constant 16 : i32
      %mul3A_692 = arith.muli %and3A_690, %mul3A_691 : i32
      %mul3A_693 = arith.constant 16 : i32
      %mul3A_694 = arith.muli %add3A_686, %mul3A_693 : i32
      %get3A_695 = arith.index_cast %mul3A_694 : i32 to index
      %get3A_696 = tpu.vector_load %arg9[%get3A_695] {strides = array<i32>} : memref<8192xi32, #tpu.memory_space<vmem>>, vector<16xi32>,
      %le3A_697 = vector.broadcast %or3A_214 : i32 to vector<16xi32>
      %le3A_698 = arith.cmpi sle, %get3A_696, %le3A_697 : vector<16xi32>
      %jit3A_699 = arith.constant 0.000000e+00 : f32
      %jit3A_700 = arith.constant 1.000000e+00 : f32
      %broadcast_in_dim3A_701 = vector.broadcast %jit3A_699 : f32 to vector<16xf32>
      %broadcast_in_dim3A_702 = vector.broadcast %jit3A_700 : f32 to vector<16xf32>
      %select_n3A_703 = arith.select %le3A_698, %broadcast_in_dim3A_701, %broadcast_in_dim3A_702 : vector<16xi1>, vector<16xf32>
      %swap3A_704 = arith.index_cast %shift_right_arithmetic3A_688 : i32 to index
      %swap3A_705 = arith.index_cast %mul3A_692 : i32 to index
      %swap3A_706 = tpu.vector_load %arg14[%swap3A_704, %swap3A_705] {strides = array<i32>} : memref<64x128xf32, #tpu.memory_space<vmem>>, vector<16xf32>,
      tpu.vector_store %arg14[%swap3A_704, %swap3A_705], %select_n3A_703 {strides = array<i32>} : memref<64x128xf32, #tpu.memory_space<vmem>>, vector<16xf32>,
      %jit3A_707 = arith.constant 3.200000e+01 : f32
      %jit3A_708 = arith.constant 0.000000e+00 : f32
      %broadcast_in_dim3A_709 = vector.broadcast %jit3A_707 : f32 to vector<16xf32>
      %broadcast_in_dim3A_710 = vector.broadcast %jit3A_708 : f32 to vector<16xf32>
      %select_n3A_711 = arith.select %le3A_698, %broadcast_in_dim3A_709, %broadcast_in_dim3A_710 : vector<16xi1>, vector<16xf32>
      %swap3A_712 = arith.index_cast %shift_right_arithmetic3A_688 : i32 to index
      %swap3A_713 = arith.index_cast %mul3A_692 : i32 to index
      %swap3A_714 = tpu.vector_load %arg15[%swap3A_712, %swap3A_713] {strides = array<i32>} : memref<64x128xf32, #tpu.memory_space<vmem>>, vector<16xf32>,
      tpu.vector_store %arg15[%swap3A_712, %swap3A_713], %select_n3A_711 {strides = array<i32>} : memref<64x128xf32, #tpu.memory_space<vmem>>, vector<16xf32>,
      %mul3A_715 = arith.constant 2 : i32
      %mul3A_716 = arith.muli %scan3A_511, %mul3A_715 : i32
      %mul3A_717 = arith.constant 4 : i32
      %mul3A_718 = arith.muli %mul3A_716, %mul3A_717 : i32
      %add3A_719 = arith.constant 6 : i32
      %add3A_720 = arith.addi %mul3A_718, %add3A_719 : i32
      %shift_right_arithmetic3A_721 = arith.constant 3 : i32
      %shift_right_arithmetic3A_722 = arith.shrsi %add3A_720, %shift_right_arithmetic3A_721 : i32
      %and3A_723 = arith.constant 7 : i32
      %and3A_724 = arith.andi %add3A_720, %and3A_723 : i32
      %mul3A_725 = arith.constant 16 : i32
      %mul3A_726 = arith.muli %and3A_724, %mul3A_725 : i32
      %mul3A_727 = arith.constant 16 : i32
      %mul3A_728 = arith.muli %add3A_720, %mul3A_727 : i32
      %get3A_729 = arith.index_cast %mul3A_728 : i32 to index
      %get3A_730 = tpu.vector_load %arg9[%get3A_729] {strides = array<i32>} : memref<8192xi32, #tpu.memory_space<vmem>>, vector<16xi32>,
      %le3A_731 = vector.broadcast %or3A_214 : i32 to vector<16xi32>
      %le3A_732 = arith.cmpi sle, %get3A_730, %le3A_731 : vector<16xi32>
      %jit3A_733 = arith.constant 0.000000e+00 : f32
      %jit3A_734 = arith.constant 1.000000e+00 : f32
      %broadcast_in_dim3A_735 = vector.broadcast %jit3A_733 : f32 to vector<16xf32>
      %broadcast_in_dim3A_736 = vector.broadcast %jit3A_734 : f32 to vector<16xf32>
      %select_n3A_737 = arith.select %le3A_732, %broadcast_in_dim3A_735, %broadcast_in_dim3A_736 : vector<16xi1>, vector<16xf32>
      %swap3A_738 = arith.index_cast %shift_right_arithmetic3A_722 : i32 to index
      %swap3A_739 = arith.index_cast %mul3A_726 : i32 to index
      %swap3A_740 = tpu.vector_load %arg14[%swap3A_738, %swap3A_739] {strides = array<i32>} : memref<64x128xf32, #tpu.memory_space<vmem>>, vector<16xf32>,
      tpu.vector_store %arg14[%swap3A_738, %swap3A_739], %select_n3A_737 {strides = array<i32>} : memref<64x128xf32, #tpu.memory_space<vmem>>, vector<16xf32>,
      %jit3A_741 = arith.constant 3.200000e+01 : f32
      %jit3A_742 = arith.constant 0.000000e+00 : f32
      %broadcast_in_dim3A_743 = vector.broadcast %jit3A_741 : f32 to vector<16xf32>
      %broadcast_in_dim3A_744 = vector.broadcast %jit3A_742 : f32 to vector<16xf32>
      %select_n3A_745 = arith.select %le3A_732, %broadcast_in_dim3A_743, %broadcast_in_dim3A_744 : vector<16xi1>, vector<16xf32>
      %swap3A_746 = arith.index_cast %shift_right_arithmetic3A_722 : i32 to index
      %swap3A_747 = arith.index_cast %mul3A_726 : i32 to index
      %swap3A_748 = tpu.vector_load %arg15[%swap3A_746, %swap3A_747] {strides = array<i32>} : memref<64x128xf32, #tpu.memory_space<vmem>>, vector<16xf32>,
      tpu.vector_store %arg15[%swap3A_746, %swap3A_747], %select_n3A_745 {strides = array<i32>} : memref<64x128xf32, #tpu.memory_space<vmem>>, vector<16xf32>,
      %mul3A_749 = arith.constant 2 : i32
      %mul3A_750 = arith.muli %scan3A_511, %mul3A_749 : i32
      %mul3A_751 = arith.constant 4 : i32
      %mul3A_752 = arith.muli %mul3A_750, %mul3A_751 : i32
      %add3A_753 = arith.constant 7 : i32
      %add3A_754 = arith.addi %mul3A_752, %add3A_753 : i32
      %shift_right_arithmetic3A_755 = arith.constant 3 : i32
      %shift_right_arithmetic3A_756 = arith.shrsi %add3A_754, %shift_right_arithmetic3A_755 : i32
      %and3A_757 = arith.constant 7 : i32
      %and3A_758 = arith.andi %add3A_754, %and3A_757 : i32
      %mul3A_759 = arith.constant 16 : i32
      %mul3A_760 = arith.muli %and3A_758, %mul3A_759 : i32
      %mul3A_761 = arith.constant 16 : i32
      %mul3A_762 = arith.muli %add3A_754, %mul3A_761 : i32
      %get3A_763 = arith.index_cast %mul3A_762 : i32 to index
      %get3A_764 = tpu.vector_load %arg9[%get3A_763] {strides = array<i32>} : memref<8192xi32, #tpu.memory_space<vmem>>, vector<16xi32>,
      %le3A_765 = vector.broadcast %or3A_214 : i32 to vector<16xi32>
      %le3A_766 = arith.cmpi sle, %get3A_764, %le3A_765 : vector<16xi32>
      %jit3A_767 = arith.constant 0.000000e+00 : f32
      %jit3A_768 = arith.constant 1.000000e+00 : f32
      %broadcast_in_dim3A_769 = vector.broadcast %jit3A_767 : f32 to vector<16xf32>
      %broadcast_in_dim3A_770 = vector.broadcast %jit3A_768 : f32 to vector<16xf32>
      %select_n3A_771 = arith.select %le3A_766, %broadcast_in_dim3A_769, %broadcast_in_dim3A_770 : vector<16xi1>, vector<16xf32>
      %swap3A_772 = arith.index_cast %shift_right_arithmetic3A_756 : i32 to index
      %swap3A_773 = arith.index_cast %mul3A_760 : i32 to index
      %swap3A_774 = tpu.vector_load %arg14[%swap3A_772, %swap3A_773] {strides = array<i32>} : memref<64x128xf32, #tpu.memory_space<vmem>>, vector<16xf32>,
      tpu.vector_store %arg14[%swap3A_772, %swap3A_773], %select_n3A_771 {strides = array<i32>} : memref<64x128xf32, #tpu.memory_space<vmem>>, vector<16xf32>,
      %jit3A_775 = arith.constant 3.200000e+01 : f32
      %jit3A_776 = arith.constant 0.000000e+00 : f32
      %broadcast_in_dim3A_777 = vector.broadcast %jit3A_775 : f32 to vector<16xf32>
      %broadcast_in_dim3A_778 = vector.broadcast %jit3A_776 : f32 to vector<16xf32>
      %select_n3A_779 = arith.select %le3A_766, %broadcast_in_dim3A_777, %broadcast_in_dim3A_778 : vector<16xi1>, vector<16xf32>
      %swap3A_780 = arith.index_cast %shift_right_arithmetic3A_756 : i32 to index
      %swap3A_781 = arith.index_cast %mul3A_760 : i32 to index
      %swap3A_782 = tpu.vector_load %arg15[%swap3A_780, %swap3A_781] {strides = array<i32>} : memref<64x128xf32, #tpu.memory_space<vmem>>, vector<16xf32>,
      tpu.vector_store %arg15[%swap3A_780, %swap3A_781], %select_n3A_779 {strides = array<i32>} : memref<64x128xf32, #tpu.memory_space<vmem>>, vector<16xf32>,
      %scan3A_783 = arith.constant 0 : i32
      scf.yield %scan3A_783 : i32
    }
    %scan3A_222 = arith.constant 64 : i32
    %shift_right_arithmetic3A = arith.constant 3 : i32
    %shift_right_arithmetic3A_223 = arith.shrsi %add3A_18, %shift_right_arithmetic3A : i32
    %and3A_224 = arith.constant 7 : i32
    %and3A_225 = arith.andi %add3A_18, %and3A_224 : i32
    %dma_start3A_226 = arith.constant 0 : i32
    %dma_start3A_227 = arith.constant 0 : i32
    %dma_start3A_228 = tpu.memref_slice %arg4[%shift_right_arithmetic3A_223, %dma_start3A_226, %and3A_225, %dma_start3A_227] : memref<8x64x8x128xf32, #tpu.memory_space<hbm>> -> memref<1x64x1x128xf32, #tpu.memory_space<hbm>>
    %dma_start3A_229 = tpu.memref_squeeze %dma_start3A_228 : memref<1x64x1x128xf32, #tpu.memory_space<hbm>> -> memref<64x128xf32, #tpu.memory_space<hbm>>
    %dma_start3A_230 = arith.constant 0 : i32
    %dma_start3A_231 = arith.constant 0 : i32
    %dma_start3A_232 = tpu.memref_slice %arg4[%shift_right_arithmetic3A_223, %dma_start3A_230, %and3A_225, %dma_start3A_231] : memref<8x64x8x128xf32, #tpu.memory_space<hbm>> -> memref<1x64x1x128xf32, #tpu.memory_space<hbm>>
    %dma_start3A_233 = tpu.memref_squeeze %dma_start3A_232 : memref<1x64x1x128xf32, #tpu.memory_space<hbm>> -> memref<64x128xf32, #tpu.memory_space<hbm>>
    tpu.enqueue_dma source(%arg14 : memref<64x128xf32, #tpu.memory_space<vmem>>) target(%dma_start3A_233 : memref<64x128xf32, #tpu.memory_space<hbm>>) target_semaphore(%arg20 : memref<!tpu.dma_semaphore, #tpu.memory_space<semaphore_mem>>)
    %shift_right_arithmetic3A_234 = arith.constant 3 : i32
    %shift_right_arithmetic3A_235 = arith.shrsi %add3A_18, %shift_right_arithmetic3A_234 : i32
    %and3A_236 = arith.constant 7 : i32
    %and3A_237 = arith.andi %add3A_18, %and3A_236 : i32
    %dma_start3A_238 = arith.constant 0 : i32
    %dma_start3A_239 = arith.constant 0 : i32
    %dma_start3A_240 = tpu.memref_slice %arg5[%shift_right_arithmetic3A_235, %dma_start3A_238, %and3A_237, %dma_start3A_239] : memref<8x64x8x128xf32, #tpu.memory_space<hbm>> -> memref<1x64x1x128xf32, #tpu.memory_space<hbm>>
    %dma_start3A_241 = tpu.memref_squeeze %dma_start3A_240 : memref<1x64x1x128xf32, #tpu.memory_space<hbm>> -> memref<64x128xf32, #tpu.memory_space<hbm>>
    %dma_start3A_242 = arith.constant 0 : i32
    %dma_start3A_243 = arith.constant 0 : i32
    %dma_start3A_244 = tpu.memref_slice %arg5[%shift_right_arithmetic3A_235, %dma_start3A_242, %and3A_237, %dma_start3A_243] : memref<8x64x8x128xf32, #tpu.memory_space<hbm>> -> memref<1x64x1x128xf32, #tpu.memory_space<hbm>>
    %dma_start3A_245 = tpu.memref_squeeze %dma_start3A_244 : memref<1x64x1x128xf32, #tpu.memory_space<hbm>> -> memref<64x128xf32, #tpu.memory_space<hbm>>
    tpu.enqueue_dma source(%arg15 : memref<64x128xf32, #tpu.memory_space<vmem>>) target(%dma_start3A_245 : memref<64x128xf32, #tpu.memory_space<hbm>>) target_semaphore(%arg21 : memref<!tpu.dma_semaphore, #tpu.memory_space<semaphore_mem>>)
    %add3A_246 = arith.constant 1 : i32
    %add3A_247 = arith.addi %mul3A_2, %add3A_246 : i32
    %dma_start3A_248 = arith.constant 0 : i32
    %dma_start3A_249 = arith.constant 0 : i32
    %dma_start3A_250 = arith.constant 0 : i32
    %dma_start3A_251 = tpu.memref_slice %arg3[%add3A_247, %dma_start3A_248, %dma_start3A_249, %dma_start3A_250] : memref<64x3x64x128xf32, #tpu.memory_space<hbm>> -> memref<1x3x64x128xf32, #tpu.memory_space<hbm>>
    %dma_start3A_252 = tpu.memref_squeeze %dma_start3A_251 : memref<1x3x64x128xf32, #tpu.memory_space<hbm>> -> memref<3x64x128xf32, #tpu.memory_space<hbm>>
    %dma_start3A_253 = arith.constant 0 : i32
    %dma_start3A_254 = arith.constant 0 : i32
    %dma_start3A_255 = arith.constant 0 : i32
    %dma_start3A_256 = tpu.memref_slice %arg3[%add3A_247, %dma_start3A_253, %dma_start3A_254, %dma_start3A_255] : memref<64x3x64x128xf32, #tpu.memory_space<hbm>> -> memref<1x3x64x128xf32, #tpu.memory_space<hbm>>
    %dma_start3A_257 = tpu.memref_squeeze %dma_start3A_256 : memref<1x3x64x128xf32, #tpu.memory_space<hbm>> -> memref<3x64x128xf32, #tpu.memory_space<hbm>>
    tpu.enqueue_dma source(%dma_start3A_257 : memref<3x64x128xf32, #tpu.memory_space<hbm>>) target(%arg8 : memref<3x64x128xf32, #tpu.memory_space<vmem>>) target_semaphore(%arg19 : memref<!tpu.dma_semaphore, #tpu.memory_space<semaphore_mem>>)
    %dma_wait3A_258 = arith.constant 0 : i32
    %dma_wait3A_259 = arith.constant 0 : i32
    %dma_wait3A_260 = arith.constant 0 : i32
    %dma_wait3A_261 = tpu.memref_slice %arg2[%add3A_39, %dma_wait3A_258, %dma_wait3A_259, %dma_wait3A_260] : memref<64x3x64x128xf32, #tpu.memory_space<hbm>> -> memref<1x3x64x128xf32, #tpu.memory_space<hbm>>
    %dma_wait3A_262 = tpu.memref_squeeze %dma_wait3A_261 : memref<1x3x64x128xf32, #tpu.memory_space<hbm>> -> memref<3x64x128xf32, #tpu.memory_space<hbm>>
    %dma_wait3A_263 = arith.constant 0 : i32
    %dma_wait3A_264 = arith.constant 0 : i32
    %dma_wait3A_265 = arith.constant 0 : i32
    %dma_wait3A_266 = tpu.memref_slice %arg2[%add3A_39, %dma_wait3A_263, %dma_wait3A_264, %dma_wait3A_265] : memref<64x3x64x128xf32, #tpu.memory_space<hbm>> -> memref<1x3x64x128xf32, #tpu.memory_space<hbm>>
    %dma_wait3A_267 = tpu.memref_squeeze %dma_wait3A_266 : memref<1x3x64x128xf32, #tpu.memory_space<hbm>> -> memref<3x64x128xf32, #tpu.memory_space<hbm>>
    tpu.wait_dma2 semaphore(%arg18 : memref<!tpu.dma_semaphore, #tpu.memory_space<semaphore_mem>>) src(%dma_wait3A_267 : memref<3x64x128xf32, #tpu.memory_space<hbm>>) dst(%arg7 : memref<3x64x128xf32, #tpu.memory_space<vmem>>)
    %scan3A_268 = arith.constant 0 : i32
    %scan3A_269 = arith.constant 64 : i32
    %scan3A_270 = arith.addi %scan3A_268, %scan3A_269 : i32
    %scan3A_271 = arith.constant 1 : i32
    %scan3A_272:6 = scf.for %scan3A_511 = %scan3A_268 to %scan3A_270 step %scan3A_271 iter_args(%scan3A_512 = %broadcast_in_dim3A_3, %scan3A_513 = %broadcast_in_dim3A_3, %scan3A_514 = %broadcast_in_dim3A_3, %scan3A_515 = %broadcast_in_dim3A_3, %scan3A_516 = %broadcast_in_dim3A_3, %scan3A_517 = %broadcast_in_dim3A_3) -> (vector<16xf32>, vector<16xf32>, vector<16xf32>, vector<16xf32>, vector<16xf32>, vector<16xf32>)  : i32 {
      %mul3A_518 = arith.constant 4 : i32
      %mul3A_519 = arith.muli %mul3A_518, %scan3A_511 : i32
      %add3A_520 = arith.constant 0 : i32
      %add3A_521 = arith.addi %mul3A_519, %add3A_520 : i32
      %mul3A_522 = arith.constant 16 : i32
      %mul3A_523 = arith.muli %add3A_521, %mul3A_522 : i32
      %swap3A_524 = arith.index_cast %mul3A_523 : i32 to index
      %swap3A_525 = tpu.vector_load %arg11[%swap3A_524] {strides = array<i32>} : memref<4096xi32, #tpu.memory_space<vmem>>, vector<16xi32>,
      tpu.vector_store %arg11[%swap3A_524], %broadcast_in_dim3A_5 {strides = array<i32>} : memref<4096xi32, #tpu.memory_space<vmem>>, vector<16xi32>,
      %mul3A_526 = arith.constant 4 : i32
      %mul3A_527 = arith.muli %mul3A_526, %scan3A_511 : i32
      %add3A_528 = arith.constant 1 : i32
      %add3A_529 = arith.addi %mul3A_527, %add3A_528 : i32
      %mul3A_530 = arith.constant 16 : i32
      %mul3A_531 = arith.muli %add3A_529, %mul3A_530 : i32
      %swap3A_532 = arith.index_cast %mul3A_531 : i32 to index
      %swap3A_533 = tpu.vector_load %arg11[%swap3A_532] {strides = array<i32>} : memref<4096xi32, #tpu.memory_space<vmem>>, vector<16xi32>,
      tpu.vector_store %arg11[%swap3A_532], %broadcast_in_dim3A_5 {strides = array<i32>} : memref<4096xi32, #tpu.memory_space<vmem>>, vector<16xi32>,
      %mul3A_534 = arith.constant 4 : i32
      %mul3A_535 = arith.muli %mul3A_534, %scan3A_511 : i32
      %add3A_536 = arith.constant 2 : i32
      %add3A_537 = arith.addi %mul3A_535, %add3A_536 : i32
      %mul3A_538 = arith.constant 16 : i32
      %mul3A_539 = arith.muli %add3A_537, %mul3A_538 : i32
      %swap3A_540 = arith.index_cast %mul3A_539 : i32 to index
      %swap3A_541 = tpu.vector_load %arg11[%swap3A_540] {strides = array<i32>} : memref<4096xi32, #tpu.memory_space<vmem>>, vector<16xi32>,
      tpu.vector_store %arg11[%swap3A_540], %broadcast_in_dim3A_5 {strides = array<i32>} : memref<4096xi32, #tpu.memory_space<vmem>>, vector<16xi32>,
      %mul3A_542 = arith.constant 4 : i32
      %mul3A_543 = arith.muli %mul3A_542, %scan3A_511 : i32
      %add3A_544 = arith.constant 3 : i32
      %add3A_545 = arith.addi %mul3A_543, %add3A_544 : i32
      %mul3A_546 = arith.constant 16 : i32
      %mul3A_547 = arith.muli %add3A_545, %mul3A_546 : i32
      %swap3A_548 = arith.index_cast %mul3A_547 : i32 to index
      %swap3A_549 = tpu.vector_load %arg11[%swap3A_548] {strides = array<i32>} : memref<4096xi32, #tpu.memory_space<vmem>>, vector<16xi32>,
      tpu.vector_store %arg11[%swap3A_548], %broadcast_in_dim3A_5 {strides = array<i32>} : memref<4096xi32, #tpu.memory_space<vmem>>, vector<16xi32>,
      %mul3A_550 = arith.constant 2 : i32
      %mul3A_551 = arith.muli %scan3A_511, %mul3A_550 : i32
      %mul3A_552 = arith.constant 4 : i32
      %mul3A_553 = arith.muli %mul3A_551, %mul3A_552 : i32
      %add3A_554 = arith.constant 0 : i32
      %add3A_555 = arith.addi %mul3A_553, %add3A_554 : i32
      %shift_right_arithmetic3A_556 = arith.constant 3 : i32
      %shift_right_arithmetic3A_557 = arith.shrsi %add3A_555, %shift_right_arithmetic3A_556 : i32
      %and3A_558 = arith.constant 7 : i32
      %and3A_559 = arith.andi %add3A_555, %and3A_558 : i32
      %mul3A_560 = arith.constant 16 : i32
      %mul3A_561 = arith.muli %and3A_559, %mul3A_560 : i32
      %get3A = arith.constant 0 : i32
      %get3A_562 = arith.index_cast %get3A : i32 to index
      %get3A_563 = arith.index_cast %shift_right_arithmetic3A_557 : i32 to index
      %get3A_564 = arith.index_cast %mul3A_561 : i32 to index
      %get3A_565 = tpu.vector_load %arg7[%get3A_562, %get3A_563, %get3A_564] {strides = array<i32>} : memref<3x64x128xf32, #tpu.memory_space<vmem>>, vector<16xf32>,
      %add3A_566 = arith.addf %scan3A_512, %get3A_565 : vector<16xf32>
      %get3A_567 = arith.constant 1 : i32
      %get3A_568 = arith.index_cast %get3A_567 : i32 to index
      %get3A_569 = arith.index_cast %shift_right_arithmetic3A_557 : i32 to index
      %get3A_570 = arith.index_cast %mul3A_561 : i32 to index
      %get3A_571 = tpu.vector_load %arg7[%get3A_568, %get3A_569, %get3A_570] {strides = array<i32>} : memref<3x64x128xf32, #tpu.memory_space<vmem>>, vector<16xf32>,
      %add3A_572 = arith.addf %scan3A_513, %get3A_571 : vector<16xf32>
      %get3A_573 = arith.constant 2 : i32
      %get3A_574 = arith.index_cast %get3A_573 : i32 to index
      %get3A_575 = arith.index_cast %shift_right_arithmetic3A_557 : i32 to index
      %get3A_576 = arith.index_cast %mul3A_561 : i32 to index
      %get3A_577 = tpu.vector_load %arg7[%get3A_574, %get3A_575, %get3A_576] {strides = array<i32>} : memref<3x64x128xf32, #tpu.memory_space<vmem>>, vector<16xf32>,
      %add3A_578 = arith.addf %scan3A_514, %get3A_577 : vector<16xf32>
      %mul3A_579 = arith.constant 2 : i32
      %mul3A_580 = arith.muli %scan3A_511, %mul3A_579 : i32
      %mul3A_581 = arith.constant 4 : i32
      %mul3A_582 = arith.muli %mul3A_580, %mul3A_581 : i32
      %add3A_583 = arith.constant 1 : i32
      %add3A_584 = arith.addi %mul3A_582, %add3A_583 : i32
      %shift_right_arithmetic3A_585 = arith.constant 3 : i32
      %shift_right_arithmetic3A_586 = arith.shrsi %add3A_584, %shift_right_arithmetic3A_585 : i32
      %and3A_587 = arith.constant 7 : i32
      %and3A_588 = arith.andi %add3A_584, %and3A_587 : i32
      %mul3A_589 = arith.constant 16 : i32
      %mul3A_590 = arith.muli %and3A_588, %mul3A_589 : i32
      %get3A_591 = arith.constant 0 : i32
      %get3A_592 = arith.index_cast %get3A_591 : i32 to index
      %get3A_593 = arith.index_cast %shift_right_arithmetic3A_586 : i32 to index
      %get3A_594 = arith.index_cast %mul3A_590 : i32 to index
      %get3A_595 = tpu.vector_load %arg7[%get3A_592, %get3A_593, %get3A_594] {strides = array<i32>} : memref<3x64x128xf32, #tpu.memory_space<vmem>>, vector<16xf32>,
      %add3A_596 = arith.addf %scan3A_515, %get3A_595 : vector<16xf32>
      %get3A_597 = arith.constant 1 : i32
      %get3A_598 = arith.index_cast %get3A_597 : i32 to index
      %get3A_599 = arith.index_cast %shift_right_arithmetic3A_586 : i32 to index
      %get3A_600 = arith.index_cast %mul3A_590 : i32 to index
      %get3A_601 = tpu.vector_load %arg7[%get3A_598, %get3A_599, %get3A_600] {strides = array<i32>} : memref<3x64x128xf32, #tpu.memory_space<vmem>>, vector<16xf32>,
      %add3A_602 = arith.addf %scan3A_516, %get3A_601 : vector<16xf32>
      %get3A_603 = arith.constant 2 : i32
      %get3A_604 = arith.index_cast %get3A_603 : i32 to index
      %get3A_605 = arith.index_cast %shift_right_arithmetic3A_586 : i32 to index
      %get3A_606 = arith.index_cast %mul3A_590 : i32 to index
      %get3A_607 = tpu.vector_load %arg7[%get3A_604, %get3A_605, %get3A_606] {strides = array<i32>} : memref<3x64x128xf32, #tpu.memory_space<vmem>>, vector<16xf32>,
      %add3A_608 = arith.addf %scan3A_517, %get3A_607 : vector<16xf32>
      %mul3A_609 = arith.constant 2 : i32
      %mul3A_610 = arith.muli %scan3A_511, %mul3A_609 : i32
      %mul3A_611 = arith.constant 4 : i32
      %mul3A_612 = arith.muli %mul3A_610, %mul3A_611 : i32
      %add3A_613 = arith.constant 2 : i32
      %add3A_614 = arith.addi %mul3A_612, %add3A_613 : i32
      %shift_right_arithmetic3A_615 = arith.constant 3 : i32
      %shift_right_arithmetic3A_616 = arith.shrsi %add3A_614, %shift_right_arithmetic3A_615 : i32
      %and3A_617 = arith.constant 7 : i32
      %and3A_618 = arith.andi %add3A_614, %and3A_617 : i32
      %mul3A_619 = arith.constant 16 : i32
      %mul3A_620 = arith.muli %and3A_618, %mul3A_619 : i32
      %get3A_621 = arith.constant 0 : i32
      %get3A_622 = arith.index_cast %get3A_621 : i32 to index
      %get3A_623 = arith.index_cast %shift_right_arithmetic3A_616 : i32 to index
      %get3A_624 = arith.index_cast %mul3A_620 : i32 to index
      %get3A_625 = tpu.vector_load %arg7[%get3A_622, %get3A_623, %get3A_624] {strides = array<i32>} : memref<3x64x128xf32, #tpu.memory_space<vmem>>, vector<16xf32>,
      %add3A_626 = arith.addf %add3A_566, %get3A_625 : vector<16xf32>
      %get3A_627 = arith.constant 1 : i32
      %get3A_628 = arith.index_cast %get3A_627 : i32 to index
      %get3A_629 = arith.index_cast %shift_right_arithmetic3A_616 : i32 to index
      %get3A_630 = arith.index_cast %mul3A_620 : i32 to index
      %get3A_631 = tpu.vector_load %arg7[%get3A_628, %get3A_629, %get3A_630] {strides = array<i32>} : memref<3x64x128xf32, #tpu.memory_space<vmem>>, vector<16xf32>,
      %add3A_632 = arith.addf %add3A_572, %get3A_631 : vector<16xf32>
      %get3A_633 = arith.constant 2 : i32
      %get3A_634 = arith.index_cast %get3A_633 : i32 to index
      %get3A_635 = arith.index_cast %shift_right_arithmetic3A_616 : i32 to index
      %get3A_636 = arith.index_cast %mul3A_620 : i32 to index
      %get3A_637 = tpu.vector_load %arg7[%get3A_634, %get3A_635, %get3A_636] {strides = array<i32>} : memref<3x64x128xf32, #tpu.memory_space<vmem>>, vector<16xf32>,
      %add3A_638 = arith.addf %add3A_578, %get3A_637 : vector<16xf32>
      %mul3A_639 = arith.constant 2 : i32
      %mul3A_640 = arith.muli %scan3A_511, %mul3A_639 : i32
      %mul3A_641 = arith.constant 4 : i32
      %mul3A_642 = arith.muli %mul3A_640, %mul3A_641 : i32
      %add3A_643 = arith.constant 3 : i32
      %add3A_644 = arith.addi %mul3A_642, %add3A_643 : i32
      %shift_right_arithmetic3A_645 = arith.constant 3 : i32
      %shift_right_arithmetic3A_646 = arith.shrsi %add3A_644, %shift_right_arithmetic3A_645 : i32
      %and3A_647 = arith.constant 7 : i32
      %and3A_648 = arith.andi %add3A_644, %and3A_647 : i32
      %mul3A_649 = arith.constant 16 : i32
      %mul3A_650 = arith.muli %and3A_648, %mul3A_649 : i32
      %get3A_651 = arith.constant 0 : i32
      %get3A_652 = arith.index_cast %get3A_651 : i32 to index
      %get3A_653 = arith.index_cast %shift_right_arithmetic3A_646 : i32 to index
      %get3A_654 = arith.index_cast %mul3A_650 : i32 to index
      %get3A_655 = tpu.vector_load %arg7[%get3A_652, %get3A_653, %get3A_654] {strides = array<i32>} : memref<3x64x128xf32, #tpu.memory_space<vmem>>, vector<16xf32>,
      %add3A_656 = arith.addf %add3A_596, %get3A_655 : vector<16xf32>
      %get3A_657 = arith.constant 1 : i32
      %get3A_658 = arith.index_cast %get3A_657 : i32 to index
      %get3A_659 = arith.index_cast %shift_right_arithmetic3A_646 : i32 to index
      %get3A_660 = arith.index_cast %mul3A_650 : i32 to index
      %get3A_661 = tpu.vector_load %arg7[%get3A_658, %get3A_659, %get3A_660] {strides = array<i32>} : memref<3x64x128xf32, #tpu.memory_space<vmem>>, vector<16xf32>,
      %add3A_662 = arith.addf %add3A_602, %get3A_661 : vector<16xf32>
      %get3A_663 = arith.constant 2 : i32
      %get3A_664 = arith.index_cast %get3A_663 : i32 to index
      %get3A_665 = arith.index_cast %shift_right_arithmetic3A_646 : i32 to index
      %get3A_666 = arith.index_cast %mul3A_650 : i32 to index
      %get3A_667 = tpu.vector_load %arg7[%get3A_664, %get3A_665, %get3A_666] {strides = array<i32>} : memref<3x64x128xf32, #tpu.memory_space<vmem>>, vector<16xf32>,
      %add3A_668 = arith.addf %add3A_608, %get3A_667 : vector<16xf32>
      %mul3A_669 = arith.constant 2 : i32
      %mul3A_670 = arith.muli %scan3A_511, %mul3A_669 : i32
      %mul3A_671 = arith.constant 4 : i32
      %mul3A_672 = arith.muli %mul3A_670, %mul3A_671 : i32
      %add3A_673 = arith.constant 4 : i32
      %add3A_674 = arith.addi %mul3A_672, %add3A_673 : i32
      %shift_right_arithmetic3A_675 = arith.constant 3 : i32
      %shift_right_arithmetic3A_676 = arith.shrsi %add3A_674, %shift_right_arithmetic3A_675 : i32
      %and3A_677 = arith.constant 7 : i32
      %and3A_678 = arith.andi %add3A_674, %and3A_677 : i32
      %mul3A_679 = arith.constant 16 : i32
      %mul3A_680 = arith.muli %and3A_678, %mul3A_679 : i32
      %get3A_681 = arith.constant 0 : i32
      %get3A_682 = arith.index_cast %get3A_681 : i32 to index
      %get3A_683 = arith.index_cast %shift_right_arithmetic3A_676 : i32 to index
      %get3A_684 = arith.index_cast %mul3A_680 : i32 to index
      %get3A_685 = tpu.vector_load %arg7[%get3A_682, %get3A_683, %get3A_684] {strides = array<i32>} : memref<3x64x128xf32, #tpu.memory_space<vmem>>, vector<16xf32>,
      %add3A_686 = arith.addf %add3A_626, %get3A_685 : vector<16xf32>
      %get3A_687 = arith.constant 1 : i32
      %get3A_688 = arith.index_cast %get3A_687 : i32 to index
      %get3A_689 = arith.index_cast %shift_right_arithmetic3A_676 : i32 to index
      %get3A_690 = arith.index_cast %mul3A_680 : i32 to index
      %get3A_691 = tpu.vector_load %arg7[%get3A_688, %get3A_689, %get3A_690] {strides = array<i32>} : memref<3x64x128xf32, #tpu.memory_space<vmem>>, vector<16xf32>,
      %add3A_692 = arith.addf %add3A_632, %get3A_691 : vector<16xf32>
      %get3A_693 = arith.constant 2 : i32
      %get3A_694 = arith.index_cast %get3A_693 : i32 to index
      %get3A_695 = arith.index_cast %shift_right_arithmetic3A_676 : i32 to index
      %get3A_696 = arith.index_cast %mul3A_680 : i32 to index
      %get3A_697 = tpu.vector_load %arg7[%get3A_694, %get3A_695, %get3A_696] {strides = array<i32>} : memref<3x64x128xf32, #tpu.memory_space<vmem>>, vector<16xf32>,
      %add3A_698 = arith.addf %add3A_638, %get3A_697 : vector<16xf32>
      %mul3A_699 = arith.constant 2 : i32
      %mul3A_700 = arith.muli %scan3A_511, %mul3A_699 : i32
      %mul3A_701 = arith.constant 4 : i32
      %mul3A_702 = arith.muli %mul3A_700, %mul3A_701 : i32
      %add3A_703 = arith.constant 5 : i32
      %add3A_704 = arith.addi %mul3A_702, %add3A_703 : i32
      %shift_right_arithmetic3A_705 = arith.constant 3 : i32
      %shift_right_arithmetic3A_706 = arith.shrsi %add3A_704, %shift_right_arithmetic3A_705 : i32
      %and3A_707 = arith.constant 7 : i32
      %and3A_708 = arith.andi %add3A_704, %and3A_707 : i32
      %mul3A_709 = arith.constant 16 : i32
      %mul3A_710 = arith.muli %and3A_708, %mul3A_709 : i32
      %get3A_711 = arith.constant 0 : i32
      %get3A_712 = arith.index_cast %get3A_711 : i32 to index
      %get3A_713 = arith.index_cast %shift_right_arithmetic3A_706 : i32 to index
      %get3A_714 = arith.index_cast %mul3A_710 : i32 to index
      %get3A_715 = tpu.vector_load %arg7[%get3A_712, %get3A_713, %get3A_714] {strides = array<i32>} : memref<3x64x128xf32, #tpu.memory_space<vmem>>, vector<16xf32>,
      %add3A_716 = arith.addf %add3A_656, %get3A_715 : vector<16xf32>
      %get3A_717 = arith.constant 1 : i32
      %get3A_718 = arith.index_cast %get3A_717 : i32 to index
      %get3A_719 = arith.index_cast %shift_right_arithmetic3A_706 : i32 to index
      %get3A_720 = arith.index_cast %mul3A_710 : i32 to index
      %get3A_721 = tpu.vector_load %arg7[%get3A_718, %get3A_719, %get3A_720] {strides = array<i32>} : memref<3x64x128xf32, #tpu.memory_space<vmem>>, vector<16xf32>,
      %add3A_722 = arith.addf %add3A_662, %get3A_721 : vector<16xf32>
      %get3A_723 = arith.constant 2 : i32
      %get3A_724 = arith.index_cast %get3A_723 : i32 to index
      %get3A_725 = arith.index_cast %shift_right_arithmetic3A_706 : i32 to index
      %get3A_726 = arith.index_cast %mul3A_710 : i32 to index
      %get3A_727 = tpu.vector_load %arg7[%get3A_724, %get3A_725, %get3A_726] {strides = array<i32>} : memref<3x64x128xf32, #tpu.memory_space<vmem>>, vector<16xf32>,
      %add3A_728 = arith.addf %add3A_668, %get3A_727 : vector<16xf32>
      %mul3A_729 = arith.constant 2 : i32
      %mul3A_730 = arith.muli %scan3A_511, %mul3A_729 : i32
      %mul3A_731 = arith.constant 4 : i32
      %mul3A_732 = arith.muli %mul3A_730, %mul3A_731 : i32
      %add3A_733 = arith.constant 6 : i32
      %add3A_734 = arith.addi %mul3A_732, %add3A_733 : i32
      %shift_right_arithmetic3A_735 = arith.constant 3 : i32
      %shift_right_arithmetic3A_736 = arith.shrsi %add3A_734, %shift_right_arithmetic3A_735 : i32
      %and3A_737 = arith.constant 7 : i32
      %and3A_738 = arith.andi %add3A_734, %and3A_737 : i32
      %mul3A_739 = arith.constant 16 : i32
      %mul3A_740 = arith.muli %and3A_738, %mul3A_739 : i32
      %get3A_741 = arith.constant 0 : i32
      %get3A_742 = arith.index_cast %get3A_741 : i32 to index
      %get3A_743 = arith.index_cast %shift_right_arithmetic3A_736 : i32 to index
      %get3A_744 = arith.index_cast %mul3A_740 : i32 to index
      %get3A_745 = tpu.vector_load %arg7[%get3A_742, %get3A_743, %get3A_744] {strides = array<i32>} : memref<3x64x128xf32, #tpu.memory_space<vmem>>, vector<16xf32>,
      %add3A_746 = arith.addf %add3A_686, %get3A_745 : vector<16xf32>
      %get3A_747 = arith.constant 1 : i32
      %get3A_748 = arith.index_cast %get3A_747 : i32 to index
      %get3A_749 = arith.index_cast %shift_right_arithmetic3A_736 : i32 to index
      %get3A_750 = arith.index_cast %mul3A_740 : i32 to index
      %get3A_751 = tpu.vector_load %arg7[%get3A_748, %get3A_749, %get3A_750] {strides = array<i32>} : memref<3x64x128xf32, #tpu.memory_space<vmem>>, vector<16xf32>,
      %add3A_752 = arith.addf %add3A_692, %get3A_751 : vector<16xf32>
      %get3A_753 = arith.constant 2 : i32
      %get3A_754 = arith.index_cast %get3A_753 : i32 to index
      %get3A_755 = arith.index_cast %shift_right_arithmetic3A_736 : i32 to index
      %get3A_756 = arith.index_cast %mul3A_740 : i32 to index
      %get3A_757 = tpu.vector_load %arg7[%get3A_754, %get3A_755, %get3A_756] {strides = array<i32>} : memref<3x64x128xf32, #tpu.memory_space<vmem>>, vector<16xf32>,
      %add3A_758 = arith.addf %add3A_698, %get3A_757 : vector<16xf32>
      %mul3A_759 = arith.constant 2 : i32
      %mul3A_760 = arith.muli %scan3A_511, %mul3A_759 : i32
      %mul3A_761 = arith.constant 4 : i32
      %mul3A_762 = arith.muli %mul3A_760, %mul3A_761 : i32
      %add3A_763 = arith.constant 7 : i32
      %add3A_764 = arith.addi %mul3A_762, %add3A_763 : i32
      %shift_right_arithmetic3A_765 = arith.constant 3 : i32
      %shift_right_arithmetic3A_766 = arith.shrsi %add3A_764, %shift_right_arithmetic3A_765 : i32
      %and3A_767 = arith.constant 7 : i32
      %and3A_768 = arith.andi %add3A_764, %and3A_767 : i32
      %mul3A_769 = arith.constant 16 : i32
      %mul3A_770 = arith.muli %and3A_768, %mul3A_769 : i32
      %get3A_771 = arith.constant 0 : i32
      %get3A_772 = arith.index_cast %get3A_771 : i32 to index
      %get3A_773 = arith.index_cast %shift_right_arithmetic3A_766 : i32 to index
      %get3A_774 = arith.index_cast %mul3A_770 : i32 to index
      %get3A_775 = tpu.vector_load %arg7[%get3A_772, %get3A_773, %get3A_774] {strides = array<i32>} : memref<3x64x128xf32, #tpu.memory_space<vmem>>, vector<16xf32>,
      %add3A_776 = arith.addf %add3A_716, %get3A_775 : vector<16xf32>
      %get3A_777 = arith.constant 1 : i32
      %get3A_778 = arith.index_cast %get3A_777 : i32 to index
      %get3A_779 = arith.index_cast %shift_right_arithmetic3A_766 : i32 to index
      %get3A_780 = arith.index_cast %mul3A_770 : i32 to index
      %get3A_781 = tpu.vector_load %arg7[%get3A_778, %get3A_779, %get3A_780] {strides = array<i32>} : memref<3x64x128xf32, #tpu.memory_space<vmem>>, vector<16xf32>,
      %add3A_782 = arith.addf %add3A_722, %get3A_781 : vector<16xf32>
      %get3A_783 = arith.constant 2 : i32
      %get3A_784 = arith.index_cast %get3A_783 : i32 to index
      %get3A_785 = arith.index_cast %shift_right_arithmetic3A_766 : i32 to index
      %get3A_786 = arith.index_cast %mul3A_770 : i32 to index
      %get3A_787 = tpu.vector_load %arg7[%get3A_784, %get3A_785, %get3A_786] {strides = array<i32>} : memref<3x64x128xf32, #tpu.memory_space<vmem>>, vector<16xf32>,
      %add3A_788 = arith.addf %add3A_728, %get3A_787 : vector<16xf32>
      scf.yield %add3A_746, %add3A_752, %add3A_758, %add3A_776, %add3A_782, %add3A_788 : vector<16xf32>, vector<16xf32>, vector<16xf32>, vector<16xf32>, vector<16xf32>, vector<16xf32>
    }
    %scan3A_273 = arith.constant 64 : i32
    %add3A_274 = arith.addf %scan3A_272#0, %scan3A_272#3 : vector<16xf32>
    %reduce_sum3A_275 = arith.constant true
    %reduce_sum3A_276 = vector.broadcast %reduce_sum3A_275 : i1 to vector<16xi1>
    %reduce_sum3A_277 = tpu.scan <sum>, %add3A_274 masked %reduce_sum3A_276 : vector<16xf32>, vector<16xi1> -> vector<16xf32>
    %reduce_sum3A_278 = vector.extract %reduce_sum3A_277[15] : f32 from vector<16xf32>
    %mul3A_279 = arith.constant 1.22070313E-4 : f32
    %mul3A_280 = arith.mulf %reduce_sum3A_278, %mul3A_279 : f32
    %add3A_281 = arith.addf %scan3A_272#1, %scan3A_272#4 : vector<16xf32>
    %reduce_sum3A_282 = arith.constant true
    %reduce_sum3A_283 = vector.broadcast %reduce_sum3A_282 : i1 to vector<16xi1>
    %reduce_sum3A_284 = tpu.scan <sum>, %add3A_281 masked %reduce_sum3A_283 : vector<16xf32>, vector<16xi1> -> vector<16xf32>
    %reduce_sum3A_285 = vector.extract %reduce_sum3A_284[15] : f32 from vector<16xf32>
    %mul3A_286 = arith.constant 1.22070313E-4 : f32
    %mul3A_287 = arith.mulf %reduce_sum3A_285, %mul3A_286 : f32
    %add3A_288 = arith.addf %scan3A_272#2, %scan3A_272#5 : vector<16xf32>
    %reduce_sum3A_289 = arith.constant true
    %reduce_sum3A_290 = vector.broadcast %reduce_sum3A_289 : i1 to vector<16xi1>
    %reduce_sum3A_291 = tpu.scan <sum>, %add3A_288 masked %reduce_sum3A_290 : vector<16xf32>, vector<16xi1> -> vector<16xf32>
    %reduce_sum3A_292 = vector.extract %reduce_sum3A_291[15] : f32 from vector<16xf32>
    %mul3A_293 = arith.constant 1.22070313E-4 : f32
    %mul3A_294 = arith.mulf %reduce_sum3A_292, %mul3A_293 : f32
    %dma_wait3A_295 = arith.constant 0 : i32
    %dma_wait3A_296 = arith.constant 0 : i32
    %dma_wait3A_297 = arith.constant 0 : i32
    %dma_wait3A_298 = tpu.memref_slice %arg3[%add3A_247, %dma_wait3A_295, %dma_wait3A_296, %dma_wait3A_297] : memref<64x3x64x128xf32, #tpu.memory_space<hbm>> -> memref<1x3x64x128xf32, #tpu.memory_space<hbm>>
    %dma_wait3A_299 = tpu.memref_squeeze %dma_wait3A_298 : memref<1x3x64x128xf32, #tpu.memory_space<hbm>> -> memref<3x64x128xf32, #tpu.memory_space<hbm>>
    %dma_wait3A_300 = arith.constant 0 : i32
    %dma_wait3A_301 = arith.constant 0 : i32
    %dma_wait3A_302 = arith.constant 0 : i32
    %dma_wait3A_303 = tpu.memref_slice %arg3[%add3A_247, %dma_wait3A_300, %dma_wait3A_301, %dma_wait3A_302] : memref<64x3x64x128xf32, #tpu.memory_space<hbm>> -> memref<1x3x64x128xf32, #tpu.memory_space<hbm>>
    %dma_wait3A_304 = tpu.memref_squeeze %dma_wait3A_303 : memref<1x3x64x128xf32, #tpu.memory_space<hbm>> -> memref<3x64x128xf32, #tpu.memory_space<hbm>>
    tpu.wait_dma2 semaphore(%arg19 : memref<!tpu.dma_semaphore, #tpu.memory_space<semaphore_mem>>) src(%dma_wait3A_304 : memref<3x64x128xf32, #tpu.memory_space<hbm>>) dst(%arg8 : memref<3x64x128xf32, #tpu.memory_space<vmem>>)
    %scan3A_305 = arith.constant 0 : i32
    %scan3A_306 = arith.constant 0 : i32
    %scan3A_307 = arith.constant 64 : i32
    %scan3A_308 = arith.addi %scan3A_306, %scan3A_307 : i32
    %scan3A_309 = arith.constant 1 : i32
    %scan3A_310 = scf.for %scan3A_511 = %scan3A_306 to %scan3A_308 step %scan3A_309 iter_args(%scan3A_512 = %scan3A_305) -> (i32)  : i32 {
      %mul3A_513 = arith.constant 2 : i32
      %mul3A_514 = arith.muli %scan3A_511, %mul3A_513 : i32
      %mul3A_515 = arith.constant 4 : i32
      %mul3A_516 = arith.muli %mul3A_514, %mul3A_515 : i32
      %add3A_517 = arith.constant 0 : i32
      %add3A_518 = arith.addi %mul3A_516, %add3A_517 : i32
      %shift_right_arithmetic3A_519 = arith.constant 3 : i32
      %shift_right_arithmetic3A_520 = arith.shrsi %add3A_518, %shift_right_arithmetic3A_519 : i32
      %and3A_521 = arith.constant 7 : i32
      %and3A_522 = arith.andi %add3A_518, %and3A_521 : i32
      %mul3A_523 = arith.constant 16 : i32
      %mul3A_524 = arith.muli %and3A_522, %mul3A_523 : i32
      %get3A = arith.constant 0 : i32
      %get3A_525 = arith.index_cast %get3A : i32 to index
      %get3A_526 = arith.index_cast %shift_right_arithmetic3A_520 : i32 to index
      %get3A_527 = arith.index_cast %mul3A_524 : i32 to index
      %get3A_528 = tpu.vector_load %arg8[%get3A_525, %get3A_526, %get3A_527] {strides = array<i32>} : memref<3x64x128xf32, #tpu.memory_space<vmem>>, vector<16xf32>,
      %sub3A_529 = vector.broadcast %mul3A_280 : f32 to vector<16xf32>
      %sub3A_530 = arith.subf %get3A_528, %sub3A_529 : vector<16xf32>
      %get3A_531 = arith.constant 1 : i32
      %get3A_532 = arith.index_cast %get3A_531 : i32 to index
      %get3A_533 = arith.index_cast %shift_right_arithmetic3A_520 : i32 to index
      %get3A_534 = arith.index_cast %mul3A_524 : i32 to index
      %get3A_535 = tpu.vector_load %arg8[%get3A_532, %get3A_533, %get3A_534] {strides = array<i32>} : memref<3x64x128xf32, #tpu.memory_space<vmem>>, vector<16xf32>,
      %sub3A_536 = vector.broadcast %mul3A_287 : f32 to vector<16xf32>
      %sub3A_537 = arith.subf %get3A_535, %sub3A_536 : vector<16xf32>
      %get3A_538 = arith.constant 2 : i32
      %get3A_539 = arith.index_cast %get3A_538 : i32 to index
      %get3A_540 = arith.index_cast %shift_right_arithmetic3A_520 : i32 to index
      %get3A_541 = arith.index_cast %mul3A_524 : i32 to index
      %get3A_542 = tpu.vector_load %arg8[%get3A_539, %get3A_540, %get3A_541] {strides = array<i32>} : memref<3x64x128xf32, #tpu.memory_space<vmem>>, vector<16xf32>,
      %sub3A_543 = vector.broadcast %mul3A_294 : f32 to vector<16xf32>
      %sub3A_544 = arith.subf %get3A_542, %sub3A_543 : vector<16xf32>
      %mul3A_545 = arith.mulf %sub3A_530, %sub3A_530 : vector<16xf32>
      %mul3A_546 = arith.mulf %sub3A_537, %sub3A_537 : vector<16xf32>
      %add3A_547 = arith.addf %mul3A_545, %mul3A_546 : vector<16xf32>
      %mul3A_548 = arith.mulf %sub3A_544, %sub3A_544 : vector<16xf32>
      %add3A_549 = arith.addf %add3A_547, %mul3A_548 : vector<16xf32>
      %bitcast_convert_type3A = tpu.bitcast %add3A_549 : vector<16xf32> -> vector<16xi32>
      %mul3A_550 = arith.constant 16 : i32
      %mul3A_551 = arith.muli %add3A_518, %mul3A_550 : i32
      %swap3A_552 = arith.index_cast %mul3A_551 : i32 to index
      %swap3A_553 = tpu.vector_load %arg9[%swap3A_552] {strides = array<i32>} : memref<8192xi32, #tpu.memory_space<vmem>>, vector<16xi32>,
      tpu.vector_store %arg9[%swap3A_552], %bitcast_convert_type3A {strides = array<i32>} : memref<8192xi32, #tpu.memory_space<vmem>>, vector<16xi32>,
      %shift_right_arithmetic3A_554 = arith.constant 23 : i32
      %shift_right_arithmetic3A_555 = vector.broadcast %shift_right_arithmetic3A_554 : i32 to vector<16xi32>
      %shift_right_arithmetic3A_556 = arith.shrsi %bitcast_convert_type3A, %shift_right_arithmetic3A_555 : vector<16xi32>
      %mul3A_557 = arith.constant 16 : i32
      %mul3A_558 = vector.broadcast %mul3A_557 : i32 to vector<16xi32>
      %mul3A_559 = arith.muli %shift_right_arithmetic3A_556, %mul3A_558 : vector<16xi32>
      %add3A_560 = arith.addi %mul3A_559, %iota3A : vector<16xi32>
      tpu.vector_store_idx %arg11[%add3A_560], %broadcast_in_dim3A_7 {add = true} : memref<4096xi32, #tpu.memory_space<vmem>>[vector<16xi32>], vector<16xi32>,
      %mul3A_561 = arith.constant 2 : i32
      %mul3A_562 = arith.muli %scan3A_511, %mul3A_561 : i32
      %mul3A_563 = arith.constant 4 : i32
      %mul3A_564 = arith.muli %mul3A_562, %mul3A_563 : i32
      %add3A_565 = arith.constant 1 : i32
      %add3A_566 = arith.addi %mul3A_564, %add3A_565 : i32
      %shift_right_arithmetic3A_567 = arith.constant 3 : i32
      %shift_right_arithmetic3A_568 = arith.shrsi %add3A_566, %shift_right_arithmetic3A_567 : i32
      %and3A_569 = arith.constant 7 : i32
      %and3A_570 = arith.andi %add3A_566, %and3A_569 : i32
      %mul3A_571 = arith.constant 16 : i32
      %mul3A_572 = arith.muli %and3A_570, %mul3A_571 : i32
      %get3A_573 = arith.constant 0 : i32
      %get3A_574 = arith.index_cast %get3A_573 : i32 to index
      %get3A_575 = arith.index_cast %shift_right_arithmetic3A_568 : i32 to index
      %get3A_576 = arith.index_cast %mul3A_572 : i32 to index
      %get3A_577 = tpu.vector_load %arg8[%get3A_574, %get3A_575, %get3A_576] {strides = array<i32>} : memref<3x64x128xf32, #tpu.memory_space<vmem>>, vector<16xf32>,
      %sub3A_578 = vector.broadcast %mul3A_280 : f32 to vector<16xf32>
      %sub3A_579 = arith.subf %get3A_577, %sub3A_578 : vector<16xf32>
      %get3A_580 = arith.constant 1 : i32
      %get3A_581 = arith.index_cast %get3A_580 : i32 to index
      %get3A_582 = arith.index_cast %shift_right_arithmetic3A_568 : i32 to index
      %get3A_583 = arith.index_cast %mul3A_572 : i32 to index
      %get3A_584 = tpu.vector_load %arg8[%get3A_581, %get3A_582, %get3A_583] {strides = array<i32>} : memref<3x64x128xf32, #tpu.memory_space<vmem>>, vector<16xf32>,
      %sub3A_585 = vector.broadcast %mul3A_287 : f32 to vector<16xf32>
      %sub3A_586 = arith.subf %get3A_584, %sub3A_585 : vector<16xf32>
      %get3A_587 = arith.constant 2 : i32
      %get3A_588 = arith.index_cast %get3A_587 : i32 to index
      %get3A_589 = arith.index_cast %shift_right_arithmetic3A_568 : i32 to index
      %get3A_590 = arith.index_cast %mul3A_572 : i32 to index
      %get3A_591 = tpu.vector_load %arg8[%get3A_588, %get3A_589, %get3A_590] {strides = array<i32>} : memref<3x64x128xf32, #tpu.memory_space<vmem>>, vector<16xf32>,
      %sub3A_592 = vector.broadcast %mul3A_294 : f32 to vector<16xf32>
      %sub3A_593 = arith.subf %get3A_591, %sub3A_592 : vector<16xf32>
      %mul3A_594 = arith.mulf %sub3A_579, %sub3A_579 : vector<16xf32>
      %mul3A_595 = arith.mulf %sub3A_586, %sub3A_586 : vector<16xf32>
      %add3A_596 = arith.addf %mul3A_594, %mul3A_595 : vector<16xf32>
      %mul3A_597 = arith.mulf %sub3A_593, %sub3A_593 : vector<16xf32>
      %add3A_598 = arith.addf %add3A_596, %mul3A_597 : vector<16xf32>
      %bitcast_convert_type3A_599 = tpu.bitcast %add3A_598 : vector<16xf32> -> vector<16xi32>
      %mul3A_600 = arith.constant 16 : i32
      %mul3A_601 = arith.muli %add3A_566, %mul3A_600 : i32
      %swap3A_602 = arith.index_cast %mul3A_601 : i32 to index
      %swap3A_603 = tpu.vector_load %arg9[%swap3A_602] {strides = array<i32>} : memref<8192xi32, #tpu.memory_space<vmem>>, vector<16xi32>,
      tpu.vector_store %arg9[%swap3A_602], %bitcast_convert_type3A_599 {strides = array<i32>} : memref<8192xi32, #tpu.memory_space<vmem>>, vector<16xi32>,
      %shift_right_arithmetic3A_604 = arith.constant 23 : i32
      %shift_right_arithmetic3A_605 = vector.broadcast %shift_right_arithmetic3A_604 : i32 to vector<16xi32>
      %shift_right_arithmetic3A_606 = arith.shrsi %bitcast_convert_type3A_599, %shift_right_arithmetic3A_605 : vector<16xi32>
      %mul3A_607 = arith.constant 16 : i32
      %mul3A_608 = vector.broadcast %mul3A_607 : i32 to vector<16xi32>
      %mul3A_609 = arith.muli %shift_right_arithmetic3A_606, %mul3A_608 : vector<16xi32>
      %add3A_610 = arith.addi %mul3A_609, %iota3A : vector<16xi32>
      tpu.vector_store_idx %arg11[%add3A_610], %broadcast_in_dim3A_7 {add = true} : memref<4096xi32, #tpu.memory_space<vmem>>[vector<16xi32>], vector<16xi32>,
      %mul3A_611 = arith.constant 2 : i32
      %mul3A_612 = arith.muli %scan3A_511, %mul3A_611 : i32
      %mul3A_613 = arith.constant 4 : i32
      %mul3A_614 = arith.muli %mul3A_612, %mul3A_613 : i32
      %add3A_615 = arith.constant 2 : i32
      %add3A_616 = arith.addi %mul3A_614, %add3A_615 : i32
      %shift_right_arithmetic3A_617 = arith.constant 3 : i32
      %shift_right_arithmetic3A_618 = arith.shrsi %add3A_616, %shift_right_arithmetic3A_617 : i32
      %and3A_619 = arith.constant 7 : i32
      %and3A_620 = arith.andi %add3A_616, %and3A_619 : i32
      %mul3A_621 = arith.constant 16 : i32
      %mul3A_622 = arith.muli %and3A_620, %mul3A_621 : i32
      %get3A_623 = arith.constant 0 : i32
      %get3A_624 = arith.index_cast %get3A_623 : i32 to index
      %get3A_625 = arith.index_cast %shift_right_arithmetic3A_618 : i32 to index
      %get3A_626 = arith.index_cast %mul3A_622 : i32 to index
      %get3A_627 = tpu.vector_load %arg8[%get3A_624, %get3A_625, %get3A_626] {strides = array<i32>} : memref<3x64x128xf32, #tpu.memory_space<vmem>>, vector<16xf32>,
      %sub3A_628 = vector.broadcast %mul3A_280 : f32 to vector<16xf32>
      %sub3A_629 = arith.subf %get3A_627, %sub3A_628 : vector<16xf32>
      %get3A_630 = arith.constant 1 : i32
      %get3A_631 = arith.index_cast %get3A_630 : i32 to index
      %get3A_632 = arith.index_cast %shift_right_arithmetic3A_618 : i32 to index
      %get3A_633 = arith.index_cast %mul3A_622 : i32 to index
      %get3A_634 = tpu.vector_load %arg8[%get3A_631, %get3A_632, %get3A_633] {strides = array<i32>} : memref<3x64x128xf32, #tpu.memory_space<vmem>>, vector<16xf32>,
      %sub3A_635 = vector.broadcast %mul3A_287 : f32 to vector<16xf32>
      %sub3A_636 = arith.subf %get3A_634, %sub3A_635 : vector<16xf32>
      %get3A_637 = arith.constant 2 : i32
      %get3A_638 = arith.index_cast %get3A_637 : i32 to index
      %get3A_639 = arith.index_cast %shift_right_arithmetic3A_618 : i32 to index
      %get3A_640 = arith.index_cast %mul3A_622 : i32 to index
      %get3A_641 = tpu.vector_load %arg8[%get3A_638, %get3A_639, %get3A_640] {strides = array<i32>} : memref<3x64x128xf32, #tpu.memory_space<vmem>>, vector<16xf32>,
      %sub3A_642 = vector.broadcast %mul3A_294 : f32 to vector<16xf32>
      %sub3A_643 = arith.subf %get3A_641, %sub3A_642 : vector<16xf32>
      %mul3A_644 = arith.mulf %sub3A_629, %sub3A_629 : vector<16xf32>
      %mul3A_645 = arith.mulf %sub3A_636, %sub3A_636 : vector<16xf32>
      %add3A_646 = arith.addf %mul3A_644, %mul3A_645 : vector<16xf32>
      %mul3A_647 = arith.mulf %sub3A_643, %sub3A_643 : vector<16xf32>
      %add3A_648 = arith.addf %add3A_646, %mul3A_647 : vector<16xf32>
      %bitcast_convert_type3A_649 = tpu.bitcast %add3A_648 : vector<16xf32> -> vector<16xi32>
      %mul3A_650 = arith.constant 16 : i32
      %mul3A_651 = arith.muli %add3A_616, %mul3A_650 : i32
      %swap3A_652 = arith.index_cast %mul3A_651 : i32 to index
      %swap3A_653 = tpu.vector_load %arg9[%swap3A_652] {strides = array<i32>} : memref<8192xi32, #tpu.memory_space<vmem>>, vector<16xi32>,
      tpu.vector_store %arg9[%swap3A_652], %bitcast_convert_type3A_649 {strides = array<i32>} : memref<8192xi32, #tpu.memory_space<vmem>>, vector<16xi32>,
      %shift_right_arithmetic3A_654 = arith.constant 23 : i32
      %shift_right_arithmetic3A_655 = vector.broadcast %shift_right_arithmetic3A_654 : i32 to vector<16xi32>
      %shift_right_arithmetic3A_656 = arith.shrsi %bitcast_convert_type3A_649, %shift_right_arithmetic3A_655 : vector<16xi32>
      %mul3A_657 = arith.constant 16 : i32
      %mul3A_658 = vector.broadcast %mul3A_657 : i32 to vector<16xi32>
      %mul3A_659 = arith.muli %shift_right_arithmetic3A_656, %mul3A_658 : vector<16xi32>
      %add3A_660 = arith.addi %mul3A_659, %iota3A : vector<16xi32>
      tpu.vector_store_idx %arg11[%add3A_660], %broadcast_in_dim3A_7 {add = true} : memref<4096xi32, #tpu.memory_space<vmem>>[vector<16xi32>], vector<16xi32>,
      %mul3A_661 = arith.constant 2 : i32
      %mul3A_662 = arith.muli %scan3A_511, %mul3A_661 : i32
      %mul3A_663 = arith.constant 4 : i32
      %mul3A_664 = arith.muli %mul3A_662, %mul3A_663 : i32
      %add3A_665 = arith.constant 3 : i32
      %add3A_666 = arith.addi %mul3A_664, %add3A_665 : i32
      %shift_right_arithmetic3A_667 = arith.constant 3 : i32
      %shift_right_arithmetic3A_668 = arith.shrsi %add3A_666, %shift_right_arithmetic3A_667 : i32
      %and3A_669 = arith.constant 7 : i32
      %and3A_670 = arith.andi %add3A_666, %and3A_669 : i32
      %mul3A_671 = arith.constant 16 : i32
      %mul3A_672 = arith.muli %and3A_670, %mul3A_671 : i32
      %get3A_673 = arith.constant 0 : i32
      %get3A_674 = arith.index_cast %get3A_673 : i32 to index
      %get3A_675 = arith.index_cast %shift_right_arithmetic3A_668 : i32 to index
      %get3A_676 = arith.index_cast %mul3A_672 : i32 to index
      %get3A_677 = tpu.vector_load %arg8[%get3A_674, %get3A_675, %get3A_676] {strides = array<i32>} : memref<3x64x128xf32, #tpu.memory_space<vmem>>, vector<16xf32>,
      %sub3A_678 = vector.broadcast %mul3A_280 : f32 to vector<16xf32>
      %sub3A_679 = arith.subf %get3A_677, %sub3A_678 : vector<16xf32>
      %get3A_680 = arith.constant 1 : i32
      %get3A_681 = arith.index_cast %get3A_680 : i32 to index
      %get3A_682 = arith.index_cast %shift_right_arithmetic3A_668 : i32 to index
      %get3A_683 = arith.index_cast %mul3A_672 : i32 to index
      %get3A_684 = tpu.vector_load %arg8[%get3A_681, %get3A_682, %get3A_683] {strides = array<i32>} : memref<3x64x128xf32, #tpu.memory_space<vmem>>, vector<16xf32>,
      %sub3A_685 = vector.broadcast %mul3A_287 : f32 to vector<16xf32>
      %sub3A_686 = arith.subf %get3A_684, %sub3A_685 : vector<16xf32>
      %get3A_687 = arith.constant 2 : i32
      %get3A_688 = arith.index_cast %get3A_687 : i32 to index
      %get3A_689 = arith.index_cast %shift_right_arithmetic3A_668 : i32 to index
      %get3A_690 = arith.index_cast %mul3A_672 : i32 to index
      %get3A_691 = tpu.vector_load %arg8[%get3A_688, %get3A_689, %get3A_690] {strides = array<i32>} : memref<3x64x128xf32, #tpu.memory_space<vmem>>, vector<16xf32>,
      %sub3A_692 = vector.broadcast %mul3A_294 : f32 to vector<16xf32>
      %sub3A_693 = arith.subf %get3A_691, %sub3A_692 : vector<16xf32>
      %mul3A_694 = arith.mulf %sub3A_679, %sub3A_679 : vector<16xf32>
      %mul3A_695 = arith.mulf %sub3A_686, %sub3A_686 : vector<16xf32>
      %add3A_696 = arith.addf %mul3A_694, %mul3A_695 : vector<16xf32>
      %mul3A_697 = arith.mulf %sub3A_693, %sub3A_693 : vector<16xf32>
      %add3A_698 = arith.addf %add3A_696, %mul3A_697 : vector<16xf32>
      %bitcast_convert_type3A_699 = tpu.bitcast %add3A_698 : vector<16xf32> -> vector<16xi32>
      %mul3A_700 = arith.constant 16 : i32
      %mul3A_701 = arith.muli %add3A_666, %mul3A_700 : i32
      %swap3A_702 = arith.index_cast %mul3A_701 : i32 to index
      %swap3A_703 = tpu.vector_load %arg9[%swap3A_702] {strides = array<i32>} : memref<8192xi32, #tpu.memory_space<vmem>>, vector<16xi32>,
      tpu.vector_store %arg9[%swap3A_702], %bitcast_convert_type3A_699 {strides = array<i32>} : memref<8192xi32, #tpu.memory_space<vmem>>, vector<16xi32>,
      %shift_right_arithmetic3A_704 = arith.constant 23 : i32
      %shift_right_arithmetic3A_705 = vector.broadcast %shift_right_arithmetic3A_704 : i32 to vector<16xi32>
      %shift_right_arithmetic3A_706 = arith.shrsi %bitcast_convert_type3A_699, %shift_right_arithmetic3A_705 : vector<16xi32>
      %mul3A_707 = arith.constant 16 : i32
      %mul3A_708 = vector.broadcast %mul3A_707 : i32 to vector<16xi32>
      %mul3A_709 = arith.muli %shift_right_arithmetic3A_706, %mul3A_708 : vector<16xi32>
      %add3A_710 = arith.addi %mul3A_709, %iota3A : vector<16xi32>
      tpu.vector_store_idx %arg11[%add3A_710], %broadcast_in_dim3A_7 {add = true} : memref<4096xi32, #tpu.memory_space<vmem>>[vector<16xi32>], vector<16xi32>,
      %mul3A_711 = arith.constant 2 : i32
      %mul3A_712 = arith.muli %scan3A_511, %mul3A_711 : i32
      %mul3A_713 = arith.constant 4 : i32
      %mul3A_714 = arith.muli %mul3A_712, %mul3A_713 : i32
      %add3A_715 = arith.constant 4 : i32
      %add3A_716 = arith.addi %mul3A_714, %add3A_715 : i32
      %shift_right_arithmetic3A_717 = arith.constant 3 : i32
      %shift_right_arithmetic3A_718 = arith.shrsi %add3A_716, %shift_right_arithmetic3A_717 : i32
      %and3A_719 = arith.constant 7 : i32
      %and3A_720 = arith.andi %add3A_716, %and3A_719 : i32
      %mul3A_721 = arith.constant 16 : i32
      %mul3A_722 = arith.muli %and3A_720, %mul3A_721 : i32
      %get3A_723 = arith.constant 0 : i32
      %get3A_724 = arith.index_cast %get3A_723 : i32 to index
      %get3A_725 = arith.index_cast %shift_right_arithmetic3A_718 : i32 to index
      %get3A_726 = arith.index_cast %mul3A_722 : i32 to index
      %get3A_727 = tpu.vector_load %arg8[%get3A_724, %get3A_725, %get3A_726] {strides = array<i32>} : memref<3x64x128xf32, #tpu.memory_space<vmem>>, vector<16xf32>,
      %sub3A_728 = vector.broadcast %mul3A_280 : f32 to vector<16xf32>
      %sub3A_729 = arith.subf %get3A_727, %sub3A_728 : vector<16xf32>
      %get3A_730 = arith.constant 1 : i32
      %get3A_731 = arith.index_cast %get3A_730 : i32 to index
      %get3A_732 = arith.index_cast %shift_right_arithmetic3A_718 : i32 to index
      %get3A_733 = arith.index_cast %mul3A_722 : i32 to index
      %get3A_734 = tpu.vector_load %arg8[%get3A_731, %get3A_732, %get3A_733] {strides = array<i32>} : memref<3x64x128xf32, #tpu.memory_space<vmem>>, vector<16xf32>,
      %sub3A_735 = vector.broadcast %mul3A_287 : f32 to vector<16xf32>
      %sub3A_736 = arith.subf %get3A_734, %sub3A_735 : vector<16xf32>
      %get3A_737 = arith.constant 2 : i32
      %get3A_738 = arith.index_cast %get3A_737 : i32 to index
      %get3A_739 = arith.index_cast %shift_right_arithmetic3A_718 : i32 to index
      %get3A_740 = arith.index_cast %mul3A_722 : i32 to index
      %get3A_741 = tpu.vector_load %arg8[%get3A_738, %get3A_739, %get3A_740] {strides = array<i32>} : memref<3x64x128xf32, #tpu.memory_space<vmem>>, vector<16xf32>,
      %sub3A_742 = vector.broadcast %mul3A_294 : f32 to vector<16xf32>
      %sub3A_743 = arith.subf %get3A_741, %sub3A_742 : vector<16xf32>
      %mul3A_744 = arith.mulf %sub3A_729, %sub3A_729 : vector<16xf32>
      %mul3A_745 = arith.mulf %sub3A_736, %sub3A_736 : vector<16xf32>
      %add3A_746 = arith.addf %mul3A_744, %mul3A_745 : vector<16xf32>
      %mul3A_747 = arith.mulf %sub3A_743, %sub3A_743 : vector<16xf32>
      %add3A_748 = arith.addf %add3A_746, %mul3A_747 : vector<16xf32>
      %bitcast_convert_type3A_749 = tpu.bitcast %add3A_748 : vector<16xf32> -> vector<16xi32>
      %mul3A_750 = arith.constant 16 : i32
      %mul3A_751 = arith.muli %add3A_716, %mul3A_750 : i32
      %swap3A_752 = arith.index_cast %mul3A_751 : i32 to index
      %swap3A_753 = tpu.vector_load %arg9[%swap3A_752] {strides = array<i32>} : memref<8192xi32, #tpu.memory_space<vmem>>, vector<16xi32>,
      tpu.vector_store %arg9[%swap3A_752], %bitcast_convert_type3A_749 {strides = array<i32>} : memref<8192xi32, #tpu.memory_space<vmem>>, vector<16xi32>,
      %shift_right_arithmetic3A_754 = arith.constant 23 : i32
      %shift_right_arithmetic3A_755 = vector.broadcast %shift_right_arithmetic3A_754 : i32 to vector<16xi32>
      %shift_right_arithmetic3A_756 = arith.shrsi %bitcast_convert_type3A_749, %shift_right_arithmetic3A_755 : vector<16xi32>
      %mul3A_757 = arith.constant 16 : i32
      %mul3A_758 = vector.broadcast %mul3A_757 : i32 to vector<16xi32>
      %mul3A_759 = arith.muli %shift_right_arithmetic3A_756, %mul3A_758 : vector<16xi32>
      %add3A_760 = arith.addi %mul3A_759, %iota3A : vector<16xi32>
      tpu.vector_store_idx %arg11[%add3A_760], %broadcast_in_dim3A_7 {add = true} : memref<4096xi32, #tpu.memory_space<vmem>>[vector<16xi32>], vector<16xi32>,
      %mul3A_761 = arith.constant 2 : i32
      %mul3A_762 = arith.muli %scan3A_511, %mul3A_761 : i32
      %mul3A_763 = arith.constant 4 : i32
      %mul3A_764 = arith.muli %mul3A_762, %mul3A_763 : i32
      %add3A_765 = arith.constant 5 : i32
      %add3A_766 = arith.addi %mul3A_764, %add3A_765 : i32
      %shift_right_arithmetic3A_767 = arith.constant 3 : i32
      %shift_right_arithmetic3A_768 = arith.shrsi %add3A_766, %shift_right_arithmetic3A_767 : i32
      %and3A_769 = arith.constant 7 : i32
      %and3A_770 = arith.andi %add3A_766, %and3A_769 : i32
      %mul3A_771 = arith.constant 16 : i32
      %mul3A_772 = arith.muli %and3A_770, %mul3A_771 : i32
      %get3A_773 = arith.constant 0 : i32
      %get3A_774 = arith.index_cast %get3A_773 : i32 to index
      %get3A_775 = arith.index_cast %shift_right_arithmetic3A_768 : i32 to index
      %get3A_776 = arith.index_cast %mul3A_772 : i32 to index
      %get3A_777 = tpu.vector_load %arg8[%get3A_774, %get3A_775, %get3A_776] {strides = array<i32>} : memref<3x64x128xf32, #tpu.memory_space<vmem>>, vector<16xf32>,
      %sub3A_778 = vector.broadcast %mul3A_280 : f32 to vector<16xf32>
      %sub3A_779 = arith.subf %get3A_777, %sub3A_778 : vector<16xf32>
      %get3A_780 = arith.constant 1 : i32
      %get3A_781 = arith.index_cast %get3A_780 : i32 to index
      %get3A_782 = arith.index_cast %shift_right_arithmetic3A_768 : i32 to index
      %get3A_783 = arith.index_cast %mul3A_772 : i32 to index
      %get3A_784 = tpu.vector_load %arg8[%get3A_781, %get3A_782, %get3A_783] {strides = array<i32>} : memref<3x64x128xf32, #tpu.memory_space<vmem>>, vector<16xf32>,
      %sub3A_785 = vector.broadcast %mul3A_287 : f32 to vector<16xf32>
      %sub3A_786 = arith.subf %get3A_784, %sub3A_785 : vector<16xf32>
      %get3A_787 = arith.constant 2 : i32
      %get3A_788 = arith.index_cast %get3A_787 : i32 to index
      %get3A_789 = arith.index_cast %shift_right_arithmetic3A_768 : i32 to index
      %get3A_790 = arith.index_cast %mul3A_772 : i32 to index
      %get3A_791 = tpu.vector_load %arg8[%get3A_788, %get3A_789, %get3A_790] {strides = array<i32>} : memref<3x64x128xf32, #tpu.memory_space<vmem>>, vector<16xf32>,
      %sub3A_792 = vector.broadcast %mul3A_294 : f32 to vector<16xf32>
      %sub3A_793 = arith.subf %get3A_791, %sub3A_792 : vector<16xf32>
      %mul3A_794 = arith.mulf %sub3A_779, %sub3A_779 : vector<16xf32>
      %mul3A_795 = arith.mulf %sub3A_786, %sub3A_786 : vector<16xf32>
      %add3A_796 = arith.addf %mul3A_794, %mul3A_795 : vector<16xf32>
      %mul3A_797 = arith.mulf %sub3A_793, %sub3A_793 : vector<16xf32>
      %add3A_798 = arith.addf %add3A_796, %mul3A_797 : vector<16xf32>
      %bitcast_convert_type3A_799 = tpu.bitcast %add3A_798 : vector<16xf32> -> vector<16xi32>
      %mul3A_800 = arith.constant 16 : i32
      %mul3A_801 = arith.muli %add3A_766, %mul3A_800 : i32
      %swap3A_802 = arith.index_cast %mul3A_801 : i32 to index
      %swap3A_803 = tpu.vector_load %arg9[%swap3A_802] {strides = array<i32>} : memref<8192xi32, #tpu.memory_space<vmem>>, vector<16xi32>,
      tpu.vector_store %arg9[%swap3A_802], %bitcast_convert_type3A_799 {strides = array<i32>} : memref<8192xi32, #tpu.memory_space<vmem>>, vector<16xi32>,
      %shift_right_arithmetic3A_804 = arith.constant 23 : i32
      %shift_right_arithmetic3A_805 = vector.broadcast %shift_right_arithmetic3A_804 : i32 to vector<16xi32>
      %shift_right_arithmetic3A_806 = arith.shrsi %bitcast_convert_type3A_799, %shift_right_arithmetic3A_805 : vector<16xi32>
      %mul3A_807 = arith.constant 16 : i32
      %mul3A_808 = vector.broadcast %mul3A_807 : i32 to vector<16xi32>
      %mul3A_809 = arith.muli %shift_right_arithmetic3A_806, %mul3A_808 : vector<16xi32>
      %add3A_810 = arith.addi %mul3A_809, %iota3A : vector<16xi32>
      tpu.vector_store_idx %arg11[%add3A_810], %broadcast_in_dim3A_7 {add = true} : memref<4096xi32, #tpu.memory_space<vmem>>[vector<16xi32>], vector<16xi32>,
      %mul3A_811 = arith.constant 2 : i32
      %mul3A_812 = arith.muli %scan3A_511, %mul3A_811 : i32
      %mul3A_813 = arith.constant 4 : i32
      %mul3A_814 = arith.muli %mul3A_812, %mul3A_813 : i32
      %add3A_815 = arith.constant 6 : i32
      %add3A_816 = arith.addi %mul3A_814, %add3A_815 : i32
      %shift_right_arithmetic3A_817 = arith.constant 3 : i32
      %shift_right_arithmetic3A_818 = arith.shrsi %add3A_816, %shift_right_arithmetic3A_817 : i32
      %and3A_819 = arith.constant 7 : i32
      %and3A_820 = arith.andi %add3A_816, %and3A_819 : i32
      %mul3A_821 = arith.constant 16 : i32
      %mul3A_822 = arith.muli %and3A_820, %mul3A_821 : i32
      %get3A_823 = arith.constant 0 : i32
      %get3A_824 = arith.index_cast %get3A_823 : i32 to index
      %get3A_825 = arith.index_cast %shift_right_arithmetic3A_818 : i32 to index
      %get3A_826 = arith.index_cast %mul3A_822 : i32 to index
      %get3A_827 = tpu.vector_load %arg8[%get3A_824, %get3A_825, %get3A_826] {strides = array<i32>} : memref<3x64x128xf32, #tpu.memory_space<vmem>>, vector<16xf32>,
      %sub3A_828 = vector.broadcast %mul3A_280 : f32 to vector<16xf32>
      %sub3A_829 = arith.subf %get3A_827, %sub3A_828 : vector<16xf32>
      %get3A_830 = arith.constant 1 : i32
      %get3A_831 = arith.index_cast %get3A_830 : i32 to index
      %get3A_832 = arith.index_cast %shift_right_arithmetic3A_818 : i32 to index
      %get3A_833 = arith.index_cast %mul3A_822 : i32 to index
      %get3A_834 = tpu.vector_load %arg8[%get3A_831, %get3A_832, %get3A_833] {strides = array<i32>} : memref<3x64x128xf32, #tpu.memory_space<vmem>>, vector<16xf32>,
      %sub3A_835 = vector.broadcast %mul3A_287 : f32 to vector<16xf32>
      %sub3A_836 = arith.subf %get3A_834, %sub3A_835 : vector<16xf32>
      %get3A_837 = arith.constant 2 : i32
      %get3A_838 = arith.index_cast %get3A_837 : i32 to index
      %get3A_839 = arith.index_cast %shift_right_arithmetic3A_818 : i32 to index
      %get3A_840 = arith.index_cast %mul3A_822 : i32 to index
      %get3A_841 = tpu.vector_load %arg8[%get3A_838, %get3A_839, %get3A_840] {strides = array<i32>} : memref<3x64x128xf32, #tpu.memory_space<vmem>>, vector<16xf32>,
      %sub3A_842 = vector.broadcast %mul3A_294 : f32 to vector<16xf32>
      %sub3A_843 = arith.subf %get3A_841, %sub3A_842 : vector<16xf32>
      %mul3A_844 = arith.mulf %sub3A_829, %sub3A_829 : vector<16xf32>
      %mul3A_845 = arith.mulf %sub3A_836, %sub3A_836 : vector<16xf32>
      %add3A_846 = arith.addf %mul3A_844, %mul3A_845 : vector<16xf32>
      %mul3A_847 = arith.mulf %sub3A_843, %sub3A_843 : vector<16xf32>
      %add3A_848 = arith.addf %add3A_846, %mul3A_847 : vector<16xf32>
      %bitcast_convert_type3A_849 = tpu.bitcast %add3A_848 : vector<16xf32> -> vector<16xi32>
      %mul3A_850 = arith.constant 16 : i32
      %mul3A_851 = arith.muli %add3A_816, %mul3A_850 : i32
      %swap3A_852 = arith.index_cast %mul3A_851 : i32 to index
      %swap3A_853 = tpu.vector_load %arg9[%swap3A_852] {strides = array<i32>} : memref<8192xi32, #tpu.memory_space<vmem>>, vector<16xi32>,
      tpu.vector_store %arg9[%swap3A_852], %bitcast_convert_type3A_849 {strides = array<i32>} : memref<8192xi32, #tpu.memory_space<vmem>>, vector<16xi32>,
      %shift_right_arithmetic3A_854 = arith.constant 23 : i32
      %shift_right_arithmetic3A_855 = vector.broadcast %shift_right_arithmetic3A_854 : i32 to vector<16xi32>
      %shift_right_arithmetic3A_856 = arith.shrsi %bitcast_convert_type3A_849, %shift_right_arithmetic3A_855 : vector<16xi32>
      %mul3A_857 = arith.constant 16 : i32
      %mul3A_858 = vector.broadcast %mul3A_857 : i32 to vector<16xi32>
      %mul3A_859 = arith.muli %shift_right_arithmetic3A_856, %mul3A_858 : vector<16xi32>
      %add3A_860 = arith.addi %mul3A_859, %iota3A : vector<16xi32>
      tpu.vector_store_idx %arg11[%add3A_860], %broadcast_in_dim3A_7 {add = true} : memref<4096xi32, #tpu.memory_space<vmem>>[vector<16xi32>], vector<16xi32>,
      %mul3A_861 = arith.constant 2 : i32
      %mul3A_862 = arith.muli %scan3A_511, %mul3A_861 : i32
      %mul3A_863 = arith.constant 4 : i32
      %mul3A_864 = arith.muli %mul3A_862, %mul3A_863 : i32
      %add3A_865 = arith.constant 7 : i32
      %add3A_866 = arith.addi %mul3A_864, %add3A_865 : i32
      %shift_right_arithmetic3A_867 = arith.constant 3 : i32
      %shift_right_arithmetic3A_868 = arith.shrsi %add3A_866, %shift_right_arithmetic3A_867 : i32
      %and3A_869 = arith.constant 7 : i32
      %and3A_870 = arith.andi %add3A_866, %and3A_869 : i32
      %mul3A_871 = arith.constant 16 : i32
      %mul3A_872 = arith.muli %and3A_870, %mul3A_871 : i32
      %get3A_873 = arith.constant 0 : i32
      %get3A_874 = arith.index_cast %get3A_873 : i32 to index
      %get3A_875 = arith.index_cast %shift_right_arithmetic3A_868 : i32 to index
      %get3A_876 = arith.index_cast %mul3A_872 : i32 to index
      %get3A_877 = tpu.vector_load %arg8[%get3A_874, %get3A_875, %get3A_876] {strides = array<i32>} : memref<3x64x128xf32, #tpu.memory_space<vmem>>, vector<16xf32>,
      %sub3A_878 = vector.broadcast %mul3A_280 : f32 to vector<16xf32>
      %sub3A_879 = arith.subf %get3A_877, %sub3A_878 : vector<16xf32>
      %get3A_880 = arith.constant 1 : i32
      %get3A_881 = arith.index_cast %get3A_880 : i32 to index
      %get3A_882 = arith.index_cast %shift_right_arithmetic3A_868 : i32 to index
      %get3A_883 = arith.index_cast %mul3A_872 : i32 to index
      %get3A_884 = tpu.vector_load %arg8[%get3A_881, %get3A_882, %get3A_883] {strides = array<i32>} : memref<3x64x128xf32, #tpu.memory_space<vmem>>, vector<16xf32>,
      %sub3A_885 = vector.broadcast %mul3A_287 : f32 to vector<16xf32>
      %sub3A_886 = arith.subf %get3A_884, %sub3A_885 : vector<16xf32>
      %get3A_887 = arith.constant 2 : i32
      %get3A_888 = arith.index_cast %get3A_887 : i32 to index
      %get3A_889 = arith.index_cast %shift_right_arithmetic3A_868 : i32 to index
      %get3A_890 = arith.index_cast %mul3A_872 : i32 to index
      %get3A_891 = tpu.vector_load %arg8[%get3A_888, %get3A_889, %get3A_890] {strides = array<i32>} : memref<3x64x128xf32, #tpu.memory_space<vmem>>, vector<16xf32>,
      %sub3A_892 = vector.broadcast %mul3A_294 : f32 to vector<16xf32>
      %sub3A_893 = arith.subf %get3A_891, %sub3A_892 : vector<16xf32>
      %mul3A_894 = arith.mulf %sub3A_879, %sub3A_879 : vector<16xf32>
      %mul3A_895 = arith.mulf %sub3A_886, %sub3A_886 : vector<16xf32>
      %add3A_896 = arith.addf %mul3A_894, %mul3A_895 : vector<16xf32>
      %mul3A_897 = arith.mulf %sub3A_893, %sub3A_893 : vector<16xf32>
      %add3A_898 = arith.addf %add3A_896, %mul3A_897 : vector<16xf32>
      %bitcast_convert_type3A_899 = tpu.bitcast %add3A_898 : vector<16xf32> -> vector<16xi32>
      %mul3A_900 = arith.constant 16 : i32
      %mul3A_901 = arith.muli %add3A_866, %mul3A_900 : i32
      %swap3A_902 = arith.index_cast %mul3A_901 : i32 to index
      %swap3A_903 = tpu.vector_load %arg9[%swap3A_902] {strides = array<i32>} : memref<8192xi32, #tpu.memory_space<vmem>>, vector<16xi32>,
      tpu.vector_store %arg9[%swap3A_902], %bitcast_convert_type3A_899 {strides = array<i32>} : memref<8192xi32, #tpu.memory_space<vmem>>, vector<16xi32>,
      %shift_right_arithmetic3A_904 = arith.constant 23 : i32
      %shift_right_arithmetic3A_905 = vector.broadcast %shift_right_arithmetic3A_904 : i32 to vector<16xi32>
      %shift_right_arithmetic3A_906 = arith.shrsi %bitcast_convert_type3A_899, %shift_right_arithmetic3A_905 : vector<16xi32>
      %mul3A_907 = arith.constant 16 : i32
      %mul3A_908 = vector.broadcast %mul3A_907 : i32 to vector<16xi32>
      %mul3A_909 = arith.muli %shift_right_arithmetic3A_906, %mul3A_908 : vector<16xi32>
      %add3A_910 = arith.addi %mul3A_909, %iota3A : vector<16xi32>
      tpu.vector_store_idx %arg11[%add3A_910], %broadcast_in_dim3A_7 {add = true} : memref<4096xi32, #tpu.memory_space<vmem>>[vector<16xi32>], vector<16xi32>,
      %scan3A_911 = arith.constant 0 : i32
      scf.yield %scan3A_911 : i32
    }
    %scan3A_311 = arith.constant 64 : i32
    %scan3A_312 = arith.constant 0 : i32
    %scan3A_313 = arith.constant false
    %scan3A_314 = arith.constant 0 : i32
    %scan3A_315 = arith.constant 0 : i32
    %scan3A_316 = arith.constant 0 : i32
    %scan3A_317 = arith.constant 128 : i32
    %scan3A_318 = arith.addi %scan3A_316, %scan3A_317 : i32
    %scan3A_319 = arith.constant 1 : i32
    %scan3A_320:4 = scf.for %scan3A_511 = %scan3A_316 to %scan3A_318 step %scan3A_319 iter_args(%scan3A_512 = %scan3A_312, %scan3A_513 = %scan3A_313, %scan3A_514 = %scan3A_314, %scan3A_515 = %scan3A_315) -> (i32, i1, i32, i32)  : i32 {
      %mul3A_516 = arith.constant 2 : i32
      %mul3A_517 = arith.muli %scan3A_511, %mul3A_516 : i32
      %add3A_518 = arith.constant 0 : i32
      %add3A_519 = arith.addi %mul3A_517, %add3A_518 : i32
      %mul3A_520 = arith.constant 16 : i32
      %mul3A_521 = arith.muli %add3A_519, %mul3A_520 : i32
      %swap3A_522 = arith.index_cast %mul3A_521 : i32 to index
      %swap3A_523 = tpu.vector_load %arg12[%swap3A_522] {strides = array<i32>} : memref<4096xi32, #tpu.memory_space<vmem>>, vector<16xi32>,
      tpu.vector_store %arg12[%swap3A_522], %broadcast_in_dim3A_5 {strides = array<i32>} : memref<4096xi32, #tpu.memory_space<vmem>>, vector<16xi32>,
      %mul3A_524 = arith.constant 16 : i32
      %mul3A_525 = arith.muli %add3A_519, %mul3A_524 : i32
      %get3A = arith.index_cast %mul3A_525 : i32 to index
      %get3A_526 = tpu.vector_load %arg11[%get3A] {strides = array<i32>} : memref<4096xi32, #tpu.memory_space<vmem>>, vector<16xi32>,
      %reduce_sum3A_527 = arith.constant true
      %reduce_sum3A_528 = vector.broadcast %reduce_sum3A_527 : i1 to vector<16xi1>
      %reduce_sum3A_529 = tpu.scan <sum>, %get3A_526 masked %reduce_sum3A_528 : vector<16xi32>, vector<16xi1> -> vector<16xi32>
      %reduce_sum3A_530 = vector.extract %reduce_sum3A_529[15] : i32 from vector<16xi32>
      %not3A = arith.constant true
      %not3A_531 = arith.xori %scan3A_513, %not3A : i1
      %add3A_532 = arith.addi %scan3A_512, %reduce_sum3A_530 : i32
      %ge3A = arith.constant 5608 : i32
      %ge3A_533 = arith.cmpi sge, %add3A_532, %ge3A : i32
      %and3A_534 = arith.andi %not3A_531, %ge3A_533 : i1
      %select_n3A_535 = arith.select %and3A_534, %add3A_519, %scan3A_514 : i32
      %select_n3A_536 = arith.select %and3A_534, %scan3A_512, %scan3A_515 : i32
      %or3A_537 = arith.ori %scan3A_513, %and3A_534 : i1
      %add3A_538 = arith.addi %scan3A_512, %reduce_sum3A_530 : i32
      %mul3A_539 = arith.constant 2 : i32
      %mul3A_540 = arith.muli %scan3A_511, %mul3A_539 : i32
      %add3A_541 = arith.constant 1 : i32
      %add3A_542 = arith.addi %mul3A_540, %add3A_541 : i32
      %mul3A_543 = arith.constant 16 : i32
      %mul3A_544 = arith.muli %add3A_542, %mul3A_543 : i32
      %swap3A_545 = arith.index_cast %mul3A_544 : i32 to index
      %swap3A_546 = tpu.vector_load %arg12[%swap3A_545] {strides = array<i32>} : memref<4096xi32, #tpu.memory_space<vmem>>, vector<16xi32>,
      tpu.vector_store %arg12[%swap3A_545], %broadcast_in_dim3A_5 {strides = array<i32>} : memref<4096xi32, #tpu.memory_space<vmem>>, vector<16xi32>,
      %mul3A_547 = arith.constant 16 : i32
      %mul3A_548 = arith.muli %add3A_542, %mul3A_547 : i32
      %get3A_549 = arith.index_cast %mul3A_548 : i32 to index
      %get3A_550 = tpu.vector_load %arg11[%get3A_549] {strides = array<i32>} : memref<4096xi32, #tpu.memory_space<vmem>>, vector<16xi32>,
      %reduce_sum3A_551 = arith.constant true
      %reduce_sum3A_552 = vector.broadcast %reduce_sum3A_551 : i1 to vector<16xi1>
      %reduce_sum3A_553 = tpu.scan <sum>, %get3A_550 masked %reduce_sum3A_552 : vector<16xi32>, vector<16xi1> -> vector<16xi32>
      %reduce_sum3A_554 = vector.extract %reduce_sum3A_553[15] : i32 from vector<16xi32>
      %not3A_555 = arith.constant true
      %not3A_556 = arith.xori %or3A_537, %not3A_555 : i1
      %add3A_557 = arith.addi %add3A_538, %reduce_sum3A_554 : i32
      %ge3A_558 = arith.constant 5608 : i32
      %ge3A_559 = arith.cmpi sge, %add3A_557, %ge3A_558 : i32
      %and3A_560 = arith.andi %not3A_556, %ge3A_559 : i1
      %select_n3A_561 = arith.select %and3A_560, %add3A_542, %select_n3A_535 : i32
      %select_n3A_562 = arith.select %and3A_560, %add3A_538, %select_n3A_536 : i32
      %or3A_563 = arith.ori %or3A_537, %and3A_560 : i1
      %add3A_564 = arith.addi %add3A_538, %reduce_sum3A_554 : i32
      scf.yield %add3A_564, %or3A_563, %select_n3A_561, %select_n3A_562 : i32, i1, i32, i32
    }
    %scan3A_321 = arith.constant 128 : i32
    %sub3A_322 = arith.constant 5608 : i32
    %sub3A_323 = arith.subi %sub3A_322, %scan3A_320#3 : i32
    %scan3A_324 = arith.constant 0 : i32
    %scan3A_325 = arith.constant 0 : i32
    %scan3A_326 = arith.constant 128 : i32
    %scan3A_327 = arith.addi %scan3A_325, %scan3A_326 : i32
    %scan3A_328 = arith.constant 1 : i32
    %scan3A_329 = scf.for %scan3A_511 = %scan3A_325 to %scan3A_327 step %scan3A_328 iter_args(%scan3A_512 = %scan3A_324) -> (i32)  : i32 {
      %mul3A_513 = arith.constant 4 : i32
      %mul3A_514 = arith.muli %scan3A_511, %mul3A_513 : i32
      %add3A_515 = arith.constant 0 : i32
      %add3A_516 = arith.addi %mul3A_514, %add3A_515 : i32
      %mul3A_517 = arith.constant 16 : i32
      %mul3A_518 = arith.muli %add3A_516, %mul3A_517 : i32
      %get3A = arith.index_cast %mul3A_518 : i32 to index
      %get3A_519 = tpu.vector_load %arg9[%get3A] {strides = array<i32>} : memref<8192xi32, #tpu.memory_space<vmem>>, vector<16xi32>,
      %shift_right_arithmetic3A_520 = arith.constant 23 : i32
      %shift_right_arithmetic3A_521 = vector.broadcast %shift_right_arithmetic3A_520 : i32 to vector<16xi32>
      %shift_right_arithmetic3A_522 = arith.shrsi %get3A_519, %shift_right_arithmetic3A_521 : vector<16xi32>
      %eq3A = vector.broadcast %scan3A_320#2 : i32 to vector<16xi32>
      %eq3A_523 = arith.cmpi eq, %shift_right_arithmetic3A_522, %eq3A : vector<16xi32>
      %mul3A_524 = arith.constant 16 : i32
      %mul3A_525 = arith.muli %add3A_516, %mul3A_524 : i32
      %swap3A_526 = arith.index_cast %mul3A_525 : i32 to index
      %swap3A_527 = tpu.vector_load %arg10[%swap3A_526] masked %eq3A_523 {strides = array<i32>} : memref<8224xi32, #tpu.memory_space<vmem>>, vector<16xi32>, vector<16xi1>
      tpu.vector_store %arg10[%swap3A_526], %get3A_519 masked %eq3A_523 {strides = array<i32>} : memref<8224xi32, #tpu.memory_space<vmem>>, vector<16xi32>, vector<16xi1>
      %all_reduce_population_count3A = tpu.all_reduce %eq3A_523 {dim = 0 : i64, kind = #tpu.reduction_kind<sum>} : vector<16xi1> -> vector<16xi32>
      %slice3A = vector.extract_strided_slice %all_reduce_population_count3A {offsets = [0], sizes = [1], strides = [1]} : vector<16xi32> to vector<1xi32>
      %squeeze3A = vector.extract %slice3A[0] : i32 from vector<1xi32>
      %swap3A_528 = arith.index_cast %add3A_516 : i32 to index
      %swap3A_529 = memref.load %arg16[%swap3A_528] : memref<512xi32, #tpu.memory_space<smem>>
      memref.store %squeeze3A, %arg16[%swap3A_528] : memref<512xi32, #tpu.memory_space<smem>>
      %mul3A_530 = arith.constant 4 : i32
      %mul3A_531 = arith.muli %scan3A_511, %mul3A_530 : i32
      %add3A_532 = arith.constant 1 : i32
      %add3A_533 = arith.addi %mul3A_531, %add3A_532 : i32
      %mul3A_534 = arith.constant 16 : i32
      %mul3A_535 = arith.muli %add3A_533, %mul3A_534 : i32
      %get3A_536 = arith.index_cast %mul3A_535 : i32 to index
      %get3A_537 = tpu.vector_load %arg9[%get3A_536] {strides = array<i32>} : memref<8192xi32, #tpu.memory_space<vmem>>, vector<16xi32>,
      %shift_right_arithmetic3A_538 = arith.constant 23 : i32
      %shift_right_arithmetic3A_539 = vector.broadcast %shift_right_arithmetic3A_538 : i32 to vector<16xi32>
      %shift_right_arithmetic3A_540 = arith.shrsi %get3A_537, %shift_right_arithmetic3A_539 : vector<16xi32>
      %eq3A_541 = vector.broadcast %scan3A_320#2 : i32 to vector<16xi32>
      %eq3A_542 = arith.cmpi eq, %shift_right_arithmetic3A_540, %eq3A_541 : vector<16xi32>
      %mul3A_543 = arith.constant 16 : i32
      %mul3A_544 = arith.muli %add3A_533, %mul3A_543 : i32
      %swap3A_545 = arith.index_cast %mul3A_544 : i32 to index
      %swap3A_546 = tpu.vector_load %arg10[%swap3A_545] masked %eq3A_542 {strides = array<i32>} : memref<8224xi32, #tpu.memory_space<vmem>>, vector<16xi32>, vector<16xi1>
      tpu.vector_store %arg10[%swap3A_545], %get3A_537 masked %eq3A_542 {strides = array<i32>} : memref<8224xi32, #tpu.memory_space<vmem>>, vector<16xi32>, vector<16xi1>
      %all_reduce_population_count3A_547 = tpu.all_reduce %eq3A_542 {dim = 0 : i64, kind = #tpu.reduction_kind<sum>} : vector<16xi1> -> vector<16xi32>
      %slice3A_548 = vector.extract_strided_slice %all_reduce_population_count3A_547 {offsets = [0], sizes = [1], strides = [1]} : vector<16xi32> to vector<1xi32>
      %squeeze3A_549 = vector.extract %slice3A_548[0] : i32 from vector<1xi32>
      %swap3A_550 = arith.index_cast %add3A_533 : i32 to index
      %swap3A_551 = memref.load %arg16[%swap3A_550] : memref<512xi32, #tpu.memory_space<smem>>
      memref.store %squeeze3A_549, %arg16[%swap3A_550] : memref<512xi32, #tpu.memory_space<smem>>
      %mul3A_552 = arith.constant 4 : i32
      %mul3A_553 = arith.muli %scan3A_511, %mul3A_552 : i32
      %add3A_554 = arith.constant 2 : i32
      %add3A_555 = arith.addi %mul3A_553, %add3A_554 : i32
      %mul3A_556 = arith.constant 16 : i32
      %mul3A_557 = arith.muli %add3A_555, %mul3A_556 : i32
      %get3A_558 = arith.index_cast %mul3A_557 : i32 to index
      %get3A_559 = tpu.vector_load %arg9[%get3A_558] {strides = array<i32>} : memref<8192xi32, #tpu.memory_space<vmem>>, vector<16xi32>,
      %shift_right_arithmetic3A_560 = arith.constant 23 : i32
      %shift_right_arithmetic3A_561 = vector.broadcast %shift_right_arithmetic3A_560 : i32 to vector<16xi32>
      %shift_right_arithmetic3A_562 = arith.shrsi %get3A_559, %shift_right_arithmetic3A_561 : vector<16xi32>
      %eq3A_563 = vector.broadcast %scan3A_320#2 : i32 to vector<16xi32>
      %eq3A_564 = arith.cmpi eq, %shift_right_arithmetic3A_562, %eq3A_563 : vector<16xi32>
      %mul3A_565 = arith.constant 16 : i32
      %mul3A_566 = arith.muli %add3A_555, %mul3A_565 : i32
      %swap3A_567 = arith.index_cast %mul3A_566 : i32 to index
      %swap3A_568 = tpu.vector_load %arg10[%swap3A_567] masked %eq3A_564 {strides = array<i32>} : memref<8224xi32, #tpu.memory_space<vmem>>, vector<16xi32>, vector<16xi1>
      tpu.vector_store %arg10[%swap3A_567], %get3A_559 masked %eq3A_564 {strides = array<i32>} : memref<8224xi32, #tpu.memory_space<vmem>>, vector<16xi32>, vector<16xi1>
      %all_reduce_population_count3A_569 = tpu.all_reduce %eq3A_564 {dim = 0 : i64, kind = #tpu.reduction_kind<sum>} : vector<16xi1> -> vector<16xi32>
      %slice3A_570 = vector.extract_strided_slice %all_reduce_population_count3A_569 {offsets = [0], sizes = [1], strides = [1]} : vector<16xi32> to vector<1xi32>
      %squeeze3A_571 = vector.extract %slice3A_570[0] : i32 from vector<1xi32>
      %swap3A_572 = arith.index_cast %add3A_555 : i32 to index
      %swap3A_573 = memref.load %arg16[%swap3A_572] : memref<512xi32, #tpu.memory_space<smem>>
      memref.store %squeeze3A_571, %arg16[%swap3A_572] : memref<512xi32, #tpu.memory_space<smem>>
      %mul3A_574 = arith.constant 4 : i32
      %mul3A_575 = arith.muli %scan3A_511, %mul3A_574 : i32
      %add3A_576 = arith.constant 3 : i32
      %add3A_577 = arith.addi %mul3A_575, %add3A_576 : i32
      %mul3A_578 = arith.constant 16 : i32
      %mul3A_579 = arith.muli %add3A_577, %mul3A_578 : i32
      %get3A_580 = arith.index_cast %mul3A_579 : i32 to index
      %get3A_581 = tpu.vector_load %arg9[%get3A_580] {strides = array<i32>} : memref<8192xi32, #tpu.memory_space<vmem>>, vector<16xi32>,
      %shift_right_arithmetic3A_582 = arith.constant 23 : i32
      %shift_right_arithmetic3A_583 = vector.broadcast %shift_right_arithmetic3A_582 : i32 to vector<16xi32>
      %shift_right_arithmetic3A_584 = arith.shrsi %get3A_581, %shift_right_arithmetic3A_583 : vector<16xi32>
      %eq3A_585 = vector.broadcast %scan3A_320#2 : i32 to vector<16xi32>
      %eq3A_586 = arith.cmpi eq, %shift_right_arithmetic3A_584, %eq3A_585 : vector<16xi32>
      %mul3A_587 = arith.constant 16 : i32
      %mul3A_588 = arith.muli %add3A_577, %mul3A_587 : i32
      %swap3A_589 = arith.index_cast %mul3A_588 : i32 to index
      %swap3A_590 = tpu.vector_load %arg10[%swap3A_589] masked %eq3A_586 {strides = array<i32>} : memref<8224xi32, #tpu.memory_space<vmem>>, vector<16xi32>, vector<16xi1>
      tpu.vector_store %arg10[%swap3A_589], %get3A_581 masked %eq3A_586 {strides = array<i32>} : memref<8224xi32, #tpu.memory_space<vmem>>, vector<16xi32>, vector<16xi1>
      %all_reduce_population_count3A_591 = tpu.all_reduce %eq3A_586 {dim = 0 : i64, kind = #tpu.reduction_kind<sum>} : vector<16xi1> -> vector<16xi32>
      %slice3A_592 = vector.extract_strided_slice %all_reduce_population_count3A_591 {offsets = [0], sizes = [1], strides = [1]} : vector<16xi32> to vector<1xi32>
      %squeeze3A_593 = vector.extract %slice3A_592[0] : i32 from vector<1xi32>
      %swap3A_594 = arith.index_cast %add3A_577 : i32 to index
      %swap3A_595 = memref.load %arg16[%swap3A_594] : memref<512xi32, #tpu.memory_space<smem>>
      memref.store %squeeze3A_593, %arg16[%swap3A_594] : memref<512xi32, #tpu.memory_space<smem>>
      %scan3A_596 = arith.constant 0 : i32
      scf.yield %scan3A_596 : i32
    }
    %scan3A_330 = arith.constant 128 : i32
    %scan3A_331 = arith.constant 0 : i32
    %scan3A_332 = arith.constant 0 : i32
    %scan3A_333 = arith.constant 128 : i32
    %scan3A_334 = arith.addi %scan3A_332, %scan3A_333 : i32
    %scan3A_335 = arith.constant 1 : i32
    %scan3A_336 = scf.for %scan3A_511 = %scan3A_332 to %scan3A_334 step %scan3A_335 iter_args(%scan3A_512 = %scan3A_331) -> (i32)  : i32 {
      %mul3A_513 = arith.constant 4 : i32
      %mul3A_514 = arith.muli %scan3A_511, %mul3A_513 : i32
      %add3A_515 = arith.constant 0 : i32
      %add3A_516 = arith.addi %mul3A_514, %add3A_515 : i32
      %mul3A_517 = arith.constant 16 : i32
      %mul3A_518 = arith.muli %add3A_516, %mul3A_517 : i32
      %get3A = arith.index_cast %mul3A_518 : i32 to index
      %get3A_519 = tpu.vector_load %arg10[%get3A] {strides = array<i32>} : memref<8224xi32, #tpu.memory_space<vmem>>, vector<16xi32>,
      %swap3A_520 = arith.index_cast %scan3A_512 : i32 to index
      %swap3A_521 = tpu.vector_load %arg10[%swap3A_520] {strides = array<i32>} : memref<8224xi32, #tpu.memory_space<vmem>>, vector<16xi32>,
      tpu.vector_store %arg10[%swap3A_520], %get3A_519 {strides = array<i32>} : memref<8224xi32, #tpu.memory_space<vmem>>, vector<16xi32>,
      %get3A_522 = arith.index_cast %add3A_516 : i32 to index
      %get3A_523 = memref.load %arg16[%get3A_522] : memref<512xi32, #tpu.memory_space<smem>>
      %add3A_524 = arith.addi %scan3A_512, %get3A_523 : i32
      %mul3A_525 = arith.constant 4 : i32
      %mul3A_526 = arith.muli %scan3A_511, %mul3A_525 : i32
      %add3A_527 = arith.constant 1 : i32
      %add3A_528 = arith.addi %mul3A_526, %add3A_527 : i32
      %mul3A_529 = arith.constant 16 : i32
      %mul3A_530 = arith.muli %add3A_528, %mul3A_529 : i32
      %get3A_531 = arith.index_cast %mul3A_530 : i32 to index
      %get3A_532 = tpu.vector_load %arg10[%get3A_531] {strides = array<i32>} : memref<8224xi32, #tpu.memory_space<vmem>>, vector<16xi32>,
      %swap3A_533 = arith.index_cast %add3A_524 : i32 to index
      %swap3A_534 = tpu.vector_load %arg10[%swap3A_533] {strides = array<i32>} : memref<8224xi32, #tpu.memory_space<vmem>>, vector<16xi32>,
      tpu.vector_store %arg10[%swap3A_533], %get3A_532 {strides = array<i32>} : memref<8224xi32, #tpu.memory_space<vmem>>, vector<16xi32>,
      %get3A_535 = arith.index_cast %add3A_528 : i32 to index
      %get3A_536 = memref.load %arg16[%get3A_535] : memref<512xi32, #tpu.memory_space<smem>>
      %add3A_537 = arith.addi %add3A_524, %get3A_536 : i32
      %mul3A_538 = arith.constant 4 : i32
      %mul3A_539 = arith.muli %scan3A_511, %mul3A_538 : i32
      %add3A_540 = arith.constant 2 : i32
      %add3A_541 = arith.addi %mul3A_539, %add3A_540 : i32
      %mul3A_542 = arith.constant 16 : i32
      %mul3A_543 = arith.muli %add3A_541, %mul3A_542 : i32
      %get3A_544 = arith.index_cast %mul3A_543 : i32 to index
      %get3A_545 = tpu.vector_load %arg10[%get3A_544] {strides = array<i32>} : memref<8224xi32, #tpu.memory_space<vmem>>, vector<16xi32>,
      %swap3A_546 = arith.index_cast %add3A_537 : i32 to index
      %swap3A_547 = tpu.vector_load %arg10[%swap3A_546] {strides = array<i32>} : memref<8224xi32, #tpu.memory_space<vmem>>, vector<16xi32>,
      tpu.vector_store %arg10[%swap3A_546], %get3A_545 {strides = array<i32>} : memref<8224xi32, #tpu.memory_space<vmem>>, vector<16xi32>,
      %get3A_548 = arith.index_cast %add3A_541 : i32 to index
      %get3A_549 = memref.load %arg16[%get3A_548] : memref<512xi32, #tpu.memory_space<smem>>
      %add3A_550 = arith.addi %add3A_537, %get3A_549 : i32
      %mul3A_551 = arith.constant 4 : i32
      %mul3A_552 = arith.muli %scan3A_511, %mul3A_551 : i32
      %add3A_553 = arith.constant 3 : i32
      %add3A_554 = arith.addi %mul3A_552, %add3A_553 : i32
      %mul3A_555 = arith.constant 16 : i32
      %mul3A_556 = arith.muli %add3A_554, %mul3A_555 : i32
      %get3A_557 = arith.index_cast %mul3A_556 : i32 to index
      %get3A_558 = tpu.vector_load %arg10[%get3A_557] {strides = array<i32>} : memref<8224xi32, #tpu.memory_space<vmem>>, vector<16xi32>,
      %swap3A_559 = arith.index_cast %add3A_550 : i32 to index
      %swap3A_560 = tpu.vector_load %arg10[%swap3A_559] {strides = array<i32>} : memref<8224xi32, #tpu.memory_space<vmem>>, vector<16xi32>,
      tpu.vector_store %arg10[%swap3A_559], %get3A_558 {strides = array<i32>} : memref<8224xi32, #tpu.memory_space<vmem>>, vector<16xi32>,
      %get3A_561 = arith.index_cast %add3A_554 : i32 to index
      %get3A_562 = memref.load %arg16[%get3A_561] : memref<512xi32, #tpu.memory_space<smem>>
      %add3A_563 = arith.addi %add3A_550, %get3A_562 : i32
      scf.yield %add3A_563 : i32
    }
    %scan3A_337 = arith.constant 128 : i32
    %broadcast_in_dim3A_338 = arith.constant 2147483647 : i32
    %broadcast_in_dim3A_339 = vector.broadcast %broadcast_in_dim3A_338 : i32 to vector<16xi32>
    %swap3A_340 = arith.index_cast %scan3A_336 : i32 to index
    %swap3A_341 = tpu.vector_load %arg10[%swap3A_340] {strides = array<i32>} : memref<8224xi32, #tpu.memory_space<vmem>>, vector<16xi32>,
    tpu.vector_store %arg10[%swap3A_340], %broadcast_in_dim3A_339 {strides = array<i32>} : memref<8224xi32, #tpu.memory_space<vmem>>, vector<16xi32>,
    %add3A_342 = arith.constant 16 : i32
    %add3A_343 = arith.addi %scan3A_336, %add3A_342 : i32
    %sub3A_344 = arith.constant 1 : i32
    %sub3A_345 = arith.subi %add3A_343, %sub3A_344 : i32
    %jit3A_346 = arith.constant 16 : i32
    %div3A_347 = arith.divsi %sub3A_345, %jit3A_346 : i32
    %sign3A_348 = arith.constant 0 : i32
    %sign3A_349 = arith.cmpi sgt, %sub3A_345, %sign3A_348 : i32
    %sign3A_350 = arith.extui %sign3A_349 : i1 to i32
    %sign3A_351 = arith.constant 0 : i32
    %sign3A_352 = arith.cmpi slt, %sub3A_345, %sign3A_351 : i32
    %sign3A_353 = arith.extui %sign3A_352 : i1 to i32
    %sign3A_354 = arith.subi %sign3A_350, %sign3A_353 : i32
    %sign3A_355 = arith.constant 0 : i32
    %sign3A_356 = arith.cmpi sgt, %jit3A_346, %sign3A_355 : i32
    %sign3A_357 = arith.extui %sign3A_356 : i1 to i32
    %sign3A_358 = arith.constant 0 : i32
    %sign3A_359 = arith.cmpi slt, %jit3A_346, %sign3A_358 : i32
    %sign3A_360 = arith.extui %sign3A_359 : i1 to i32
    %sign3A_361 = arith.subi %sign3A_357, %sign3A_360 : i32
    %ne3A_362 = arith.cmpi ne, %sign3A_354, %sign3A_361 : i32
    %rem3A_363 = arith.remsi %sub3A_345, %jit3A_346 : i32
    %ne3A_364 = arith.constant 0 : i32
    %ne3A_365 = arith.cmpi ne, %rem3A_363, %ne3A_364 : i32
    %and3A_366 = arith.andi %ne3A_362, %ne3A_365 : i1
    %sub3A_367 = arith.constant 1 : i32
    %sub3A_368 = arith.subi %div3A_347, %sub3A_367 : i32
    %select_n3A_369 = arith.select %and3A_366, %sub3A_368, %div3A_347 : i32
    %while3A_370 = arith.constant 0 : i32
    %while3A_371 = arith.constant 0 : i32
    %while3A_372 = arith.subi %select_n3A_369, %while3A_370 : i32
    %while3A_373 = arith.addi %while3A_370, %while3A_372 : i32
    %while3A_374 = arith.constant 1 : i32
    %while3A_375 = arith.divsi %while3A_372, %while3A_374 : i32
    %while3A_376 = arith.muli %while3A_375, %while3A_374 : i32
    %while3A_377 = arith.addi %while3A_370, %while3A_376 : i32
    %while3A_378 = arith.constant 1 : i32
    %while3A_379 = scf.for %while3A_511 = %while3A_370 to %while3A_377 step %while3A_378 iter_args(%while3A_512 = %while3A_371) -> (i32)  : i32 {
      %mul3A_513 = arith.constant 16 : i32
      %mul3A_514 = arith.muli %while3A_511, %mul3A_513 : i32
      %get3A = arith.index_cast %mul3A_514 : i32 to index
      %get3A_515 = tpu.vector_load %arg10[%get3A] {strides = array<i32>} : memref<8224xi32, #tpu.memory_space<vmem>>, vector<16xi32>,
      %shift_right_arithmetic3A_516 = arith.constant 15 : i32
      %shift_right_arithmetic3A_517 = vector.broadcast %shift_right_arithmetic3A_516 : i32 to vector<16xi32>
      %shift_right_arithmetic3A_518 = arith.shrsi %get3A_515, %shift_right_arithmetic3A_517 : vector<16xi32>
      %and3A_519 = arith.constant 255 : i32
      %and3A_520 = vector.broadcast %and3A_519 : i32 to vector<16xi32>
      %and3A_521 = arith.andi %shift_right_arithmetic3A_518, %and3A_520 : vector<16xi32>
      %shift_right_arithmetic3A_522 = arith.constant 23 : i32
      %shift_right_arithmetic3A_523 = vector.broadcast %shift_right_arithmetic3A_522 : i32 to vector<16xi32>
      %shift_right_arithmetic3A_524 = arith.shrsi %get3A_515, %shift_right_arithmetic3A_523 : vector<16xi32>
      %eq3A = vector.broadcast %scan3A_320#2 : i32 to vector<16xi32>
      %eq3A_525 = arith.cmpi eq, %shift_right_arithmetic3A_524, %eq3A : vector<16xi32>
      %mul3A_526 = arith.constant 16 : i32
      %mul3A_527 = vector.broadcast %mul3A_526 : i32 to vector<16xi32>
      %mul3A_528 = arith.muli %and3A_521, %mul3A_527 : vector<16xi32>
      %add3A_529 = arith.addi %mul3A_528, %iota3A : vector<16xi32>
      tpu.vector_store_idx %arg12[%add3A_529], %broadcast_in_dim3A_7 masked %eq3A_525 {add = true} : memref<4096xi32, #tpu.memory_space<vmem>>[vector<16xi32>], vector<16xi32>, vector<16xi1>
      %while3A_530 = arith.constant 0 : i32
      scf.yield %while3A_530 : i32
    }
    %while3A_380 = arith.constant 1 : i32
    %while3A_381 = scf.for %while3A_511 = %while3A_377 to %while3A_373 step %while3A_380 iter_args(%while3A_512 = %while3A_379) -> (i32)  : i32 {
      %mul3A_513 = arith.constant 16 : i32
      %mul3A_514 = arith.muli %while3A_511, %mul3A_513 : i32
      %get3A = arith.index_cast %mul3A_514 : i32 to index
      %get3A_515 = tpu.vector_load %arg10[%get3A] {strides = array<i32>} : memref<8224xi32, #tpu.memory_space<vmem>>, vector<16xi32>,
      %shift_right_arithmetic3A_516 = arith.constant 15 : i32
      %shift_right_arithmetic3A_517 = vector.broadcast %shift_right_arithmetic3A_516 : i32 to vector<16xi32>
      %shift_right_arithmetic3A_518 = arith.shrsi %get3A_515, %shift_right_arithmetic3A_517 : vector<16xi32>
      %and3A_519 = arith.constant 255 : i32
      %and3A_520 = vector.broadcast %and3A_519 : i32 to vector<16xi32>
      %and3A_521 = arith.andi %shift_right_arithmetic3A_518, %and3A_520 : vector<16xi32>
      %shift_right_arithmetic3A_522 = arith.constant 23 : i32
      %shift_right_arithmetic3A_523 = vector.broadcast %shift_right_arithmetic3A_522 : i32 to vector<16xi32>
      %shift_right_arithmetic3A_524 = arith.shrsi %get3A_515, %shift_right_arithmetic3A_523 : vector<16xi32>
      %eq3A = vector.broadcast %scan3A_320#2 : i32 to vector<16xi32>
      %eq3A_525 = arith.cmpi eq, %shift_right_arithmetic3A_524, %eq3A : vector<16xi32>
      %mul3A_526 = arith.constant 16 : i32
      %mul3A_527 = vector.broadcast %mul3A_526 : i32 to vector<16xi32>
      %mul3A_528 = arith.muli %and3A_521, %mul3A_527 : vector<16xi32>
      %add3A_529 = arith.addi %mul3A_528, %iota3A : vector<16xi32>
      tpu.vector_store_idx %arg12[%add3A_529], %broadcast_in_dim3A_7 masked %eq3A_525 {add = true} : memref<4096xi32, #tpu.memory_space<vmem>>[vector<16xi32>], vector<16xi32>, vector<16xi1>
      %while3A_530 = arith.constant 0 : i32
      scf.yield %while3A_530 : i32
    }
    %scan3A_382 = arith.constant 0 : i32
    %scan3A_383 = arith.constant false
    %scan3A_384 = arith.constant 0 : i32
    %scan3A_385 = arith.constant 0 : i32
    %scan3A_386 = arith.constant 0 : i32
    %scan3A_387 = arith.constant 256 : i32
    %scan3A_388 = arith.addi %scan3A_386, %scan3A_387 : i32
    %scan3A_389 = arith.constant 1 : i32
    %scan3A_390:4 = scf.for %scan3A_511 = %scan3A_386 to %scan3A_388 step %scan3A_389 iter_args(%scan3A_512 = %scan3A_382, %scan3A_513 = %scan3A_383, %scan3A_514 = %scan3A_384, %scan3A_515 = %scan3A_385) -> (i32, i1, i32, i32)  : i32 {
      %mul3A_516 = arith.constant 16 : i32
      %mul3A_517 = arith.muli %scan3A_511, %mul3A_516 : i32
      %swap3A_518 = arith.index_cast %mul3A_517 : i32 to index
      %swap3A_519 = tpu.vector_load %arg13[%swap3A_518] {strides = array<i32>} : memref<4096xi32, #tpu.memory_space<vmem>>, vector<16xi32>,
      tpu.vector_store %arg13[%swap3A_518], %broadcast_in_dim3A_5 {strides = array<i32>} : memref<4096xi32, #tpu.memory_space<vmem>>, vector<16xi32>,
      %mul3A_520 = arith.constant 16 : i32
      %mul3A_521 = arith.muli %scan3A_511, %mul3A_520 : i32
      %get3A = arith.index_cast %mul3A_521 : i32 to index
      %get3A_522 = tpu.vector_load %arg12[%get3A] {strides = array<i32>} : memref<4096xi32, #tpu.memory_space<vmem>>, vector<16xi32>,
      %reduce_sum3A_523 = arith.constant true
      %reduce_sum3A_524 = vector.broadcast %reduce_sum3A_523 : i1 to vector<16xi1>
      %reduce_sum3A_525 = tpu.scan <sum>, %get3A_522 masked %reduce_sum3A_524 : vector<16xi32>, vector<16xi1> -> vector<16xi32>
      %reduce_sum3A_526 = vector.extract %reduce_sum3A_525[15] : i32 from vector<16xi32>
      %not3A = arith.constant true
      %not3A_527 = arith.xori %scan3A_513, %not3A : i1
      %add3A_528 = arith.addi %scan3A_512, %reduce_sum3A_526 : i32
      %ge3A = arith.cmpi sge, %add3A_528, %sub3A_323 : i32
      %and3A_529 = arith.andi %not3A_527, %ge3A : i1
      %select_n3A_530 = arith.select %and3A_529, %scan3A_511, %scan3A_514 : i32
      %select_n3A_531 = arith.select %and3A_529, %scan3A_512, %scan3A_515 : i32
      %or3A_532 = arith.ori %scan3A_513, %and3A_529 : i1
      %add3A_533 = arith.addi %scan3A_512, %reduce_sum3A_526 : i32
      scf.yield %add3A_533, %or3A_532, %select_n3A_530, %select_n3A_531 : i32, i1, i32, i32
    }
    %scan3A_391 = arith.constant 256 : i32
    %shift_left3A_392 = arith.constant 8 : i32
    %shift_left3A_393 = arith.shli %scan3A_320#2, %shift_left3A_392 : i32
    %or3A_394 = arith.ori %shift_left3A_393, %scan3A_390#2 : i32
    %sub3A_395 = arith.subi %sub3A_323, %scan3A_390#3 : i32
    %while3A_396 = arith.constant 0 : i32
    %while3A_397 = arith.constant 0 : i32
    %while3A_398 = arith.subi %select_n3A_369, %while3A_396 : i32
    %while3A_399 = arith.addi %while3A_396, %while3A_398 : i32
    %while3A_400 = arith.constant 1 : i32
    %while3A_401 = arith.divsi %while3A_398, %while3A_400 : i32
    %while3A_402 = arith.muli %while3A_401, %while3A_400 : i32
    %while3A_403 = arith.addi %while3A_396, %while3A_402 : i32
    %while3A_404 = arith.constant 1 : i32
    %while3A_405 = scf.for %while3A_511 = %while3A_396 to %while3A_403 step %while3A_404 iter_args(%while3A_512 = %while3A_397) -> (i32)  : i32 {
      %mul3A_513 = arith.constant 16 : i32
      %mul3A_514 = arith.muli %while3A_511, %mul3A_513 : i32
      %get3A = arith.index_cast %mul3A_514 : i32 to index
      %get3A_515 = tpu.vector_load %arg10[%get3A] {strides = array<i32>} : memref<8224xi32, #tpu.memory_space<vmem>>, vector<16xi32>,
      %shift_right_arithmetic3A_516 = arith.constant 7 : i32
      %shift_right_arithmetic3A_517 = vector.broadcast %shift_right_arithmetic3A_516 : i32 to vector<16xi32>
      %shift_right_arithmetic3A_518 = arith.shrsi %get3A_515, %shift_right_arithmetic3A_517 : vector<16xi32>
      %and3A_519 = arith.constant 255 : i32
      %and3A_520 = vector.broadcast %and3A_519 : i32 to vector<16xi32>
      %and3A_521 = arith.andi %shift_right_arithmetic3A_518, %and3A_520 : vector<16xi32>
      %shift_right_arithmetic3A_522 = arith.constant 15 : i32
      %shift_right_arithmetic3A_523 = vector.broadcast %shift_right_arithmetic3A_522 : i32 to vector<16xi32>
      %shift_right_arithmetic3A_524 = arith.shrsi %get3A_515, %shift_right_arithmetic3A_523 : vector<16xi32>
      %eq3A = vector.broadcast %or3A_394 : i32 to vector<16xi32>
      %eq3A_525 = arith.cmpi eq, %shift_right_arithmetic3A_524, %eq3A : vector<16xi32>
      %mul3A_526 = arith.constant 16 : i32
      %mul3A_527 = vector.broadcast %mul3A_526 : i32 to vector<16xi32>
      %mul3A_528 = arith.muli %and3A_521, %mul3A_527 : vector<16xi32>
      %add3A_529 = arith.addi %mul3A_528, %iota3A : vector<16xi32>
      tpu.vector_store_idx %arg13[%add3A_529], %broadcast_in_dim3A_7 masked %eq3A_525 {add = true} : memref<4096xi32, #tpu.memory_space<vmem>>[vector<16xi32>], vector<16xi32>, vector<16xi1>
      %while3A_530 = arith.constant 0 : i32
      scf.yield %while3A_530 : i32
    }
    %while3A_406 = arith.constant 1 : i32
    %while3A_407 = scf.for %while3A_511 = %while3A_403 to %while3A_399 step %while3A_406 iter_args(%while3A_512 = %while3A_405) -> (i32)  : i32 {
      %mul3A_513 = arith.constant 16 : i32
      %mul3A_514 = arith.muli %while3A_511, %mul3A_513 : i32
      %get3A = arith.index_cast %mul3A_514 : i32 to index
      %get3A_515 = tpu.vector_load %arg10[%get3A] {strides = array<i32>} : memref<8224xi32, #tpu.memory_space<vmem>>, vector<16xi32>,
      %shift_right_arithmetic3A_516 = arith.constant 7 : i32
      %shift_right_arithmetic3A_517 = vector.broadcast %shift_right_arithmetic3A_516 : i32 to vector<16xi32>
      %shift_right_arithmetic3A_518 = arith.shrsi %get3A_515, %shift_right_arithmetic3A_517 : vector<16xi32>
      %and3A_519 = arith.constant 255 : i32
      %and3A_520 = vector.broadcast %and3A_519 : i32 to vector<16xi32>
      %and3A_521 = arith.andi %shift_right_arithmetic3A_518, %and3A_520 : vector<16xi32>
      %shift_right_arithmetic3A_522 = arith.constant 15 : i32
      %shift_right_arithmetic3A_523 = vector.broadcast %shift_right_arithmetic3A_522 : i32 to vector<16xi32>
      %shift_right_arithmetic3A_524 = arith.shrsi %get3A_515, %shift_right_arithmetic3A_523 : vector<16xi32>
      %eq3A = vector.broadcast %or3A_394 : i32 to vector<16xi32>
      %eq3A_525 = arith.cmpi eq, %shift_right_arithmetic3A_524, %eq3A : vector<16xi32>
      %mul3A_526 = arith.constant 16 : i32
      %mul3A_527 = vector.broadcast %mul3A_526 : i32 to vector<16xi32>
      %mul3A_528 = arith.muli %and3A_521, %mul3A_527 : vector<16xi32>
      %add3A_529 = arith.addi %mul3A_528, %iota3A : vector<16xi32>
      tpu.vector_store_idx %arg13[%add3A_529], %broadcast_in_dim3A_7 masked %eq3A_525 {add = true} : memref<4096xi32, #tpu.memory_space<vmem>>[vector<16xi32>], vector<16xi32>, vector<16xi1>
      %while3A_530 = arith.constant 0 : i32
      scf.yield %while3A_530 : i32
    }
    %scan3A_408 = arith.constant 0 : i32
    %scan3A_409 = arith.constant false
    %scan3A_410 = arith.constant 0 : i32
    %scan3A_411 = arith.constant 0 : i32
    %scan3A_412 = arith.constant 0 : i32
    %scan3A_413 = arith.constant 256 : i32
    %scan3A_414 = arith.addi %scan3A_412, %scan3A_413 : i32
    %scan3A_415 = arith.constant 1 : i32
    %scan3A_416:4 = scf.for %scan3A_511 = %scan3A_412 to %scan3A_414 step %scan3A_415 iter_args(%scan3A_512 = %scan3A_408, %scan3A_513 = %scan3A_409, %scan3A_514 = %scan3A_410, %scan3A_515 = %scan3A_411) -> (i32, i1, i32, i32)  : i32 {
      %mul3A_516 = arith.constant 16 : i32
      %mul3A_517 = arith.muli %scan3A_511, %mul3A_516 : i32
      %swap3A_518 = arith.index_cast %mul3A_517 : i32 to index
      %swap3A_519 = tpu.vector_load %arg12[%swap3A_518] {strides = array<i32>} : memref<4096xi32, #tpu.memory_space<vmem>>, vector<16xi32>,
      tpu.vector_store %arg12[%swap3A_518], %broadcast_in_dim3A_5 {strides = array<i32>} : memref<4096xi32, #tpu.memory_space<vmem>>, vector<16xi32>,
      %mul3A_520 = arith.constant 16 : i32
      %mul3A_521 = arith.muli %scan3A_511, %mul3A_520 : i32
      %get3A = arith.index_cast %mul3A_521 : i32 to index
      %get3A_522 = tpu.vector_load %arg13[%get3A] {strides = array<i32>} : memref<4096xi32, #tpu.memory_space<vmem>>, vector<16xi32>,
      %reduce_sum3A_523 = arith.constant true
      %reduce_sum3A_524 = vector.broadcast %reduce_sum3A_523 : i1 to vector<16xi1>
      %reduce_sum3A_525 = tpu.scan <sum>, %get3A_522 masked %reduce_sum3A_524 : vector<16xi32>, vector<16xi1> -> vector<16xi32>
      %reduce_sum3A_526 = vector.extract %reduce_sum3A_525[15] : i32 from vector<16xi32>
      %not3A = arith.constant true
      %not3A_527 = arith.xori %scan3A_513, %not3A : i1
      %add3A_528 = arith.addi %scan3A_512, %reduce_sum3A_526 : i32
      %ge3A = arith.cmpi sge, %add3A_528, %sub3A_395 : i32
      %and3A_529 = arith.andi %not3A_527, %ge3A : i1
      %select_n3A_530 = arith.select %and3A_529, %scan3A_511, %scan3A_514 : i32
      %select_n3A_531 = arith.select %and3A_529, %scan3A_512, %scan3A_515 : i32
      %or3A_532 = arith.ori %scan3A_513, %and3A_529 : i1
      %add3A_533 = arith.addi %scan3A_512, %reduce_sum3A_526 : i32
      scf.yield %add3A_533, %or3A_532, %select_n3A_530, %select_n3A_531 : i32, i1, i32, i32
    }
    %scan3A_417 = arith.constant 256 : i32
    %shift_left3A_418 = arith.constant 8 : i32
    %shift_left3A_419 = arith.shli %or3A_394, %shift_left3A_418 : i32
    %or3A_420 = arith.ori %shift_left3A_419, %scan3A_416#2 : i32
    %sub3A_421 = arith.subi %sub3A_395, %scan3A_416#3 : i32
    %while3A_422 = arith.constant 0 : i32
    %while3A_423 = arith.constant 0 : i32
    %while3A_424 = arith.subi %select_n3A_369, %while3A_422 : i32
    %while3A_425 = arith.addi %while3A_422, %while3A_424 : i32
    %while3A_426 = arith.constant 1 : i32
    %while3A_427 = arith.divsi %while3A_424, %while3A_426 : i32
    %while3A_428 = arith.muli %while3A_427, %while3A_426 : i32
    %while3A_429 = arith.addi %while3A_422, %while3A_428 : i32
    %while3A_430 = arith.constant 1 : i32
    %while3A_431 = scf.for %while3A_511 = %while3A_422 to %while3A_429 step %while3A_430 iter_args(%while3A_512 = %while3A_423) -> (i32)  : i32 {
      %mul3A_513 = arith.constant 16 : i32
      %mul3A_514 = arith.muli %while3A_511, %mul3A_513 : i32
      %get3A = arith.index_cast %mul3A_514 : i32 to index
      %get3A_515 = tpu.vector_load %arg10[%get3A] {strides = array<i32>} : memref<8224xi32, #tpu.memory_space<vmem>>, vector<16xi32>,
      %shift_right_arithmetic3A_516 = arith.constant 0 : i32
      %shift_right_arithmetic3A_517 = vector.broadcast %shift_right_arithmetic3A_516 : i32 to vector<16xi32>
      %shift_right_arithmetic3A_518 = arith.shrsi %get3A_515, %shift_right_arithmetic3A_517 : vector<16xi32>
      %and3A_519 = arith.constant 127 : i32
      %and3A_520 = vector.broadcast %and3A_519 : i32 to vector<16xi32>
      %and3A_521 = arith.andi %shift_right_arithmetic3A_518, %and3A_520 : vector<16xi32>
      %shift_right_arithmetic3A_522 = arith.constant 7 : i32
      %shift_right_arithmetic3A_523 = vector.broadcast %shift_right_arithmetic3A_522 : i32 to vector<16xi32>
      %shift_right_arithmetic3A_524 = arith.shrsi %get3A_515, %shift_right_arithmetic3A_523 : vector<16xi32>
      %eq3A = vector.broadcast %or3A_420 : i32 to vector<16xi32>
      %eq3A_525 = arith.cmpi eq, %shift_right_arithmetic3A_524, %eq3A : vector<16xi32>
      %mul3A_526 = arith.constant 16 : i32
      %mul3A_527 = vector.broadcast %mul3A_526 : i32 to vector<16xi32>
      %mul3A_528 = arith.muli %and3A_521, %mul3A_527 : vector<16xi32>
      %add3A_529 = arith.addi %mul3A_528, %iota3A : vector<16xi32>
      tpu.vector_store_idx %arg12[%add3A_529], %broadcast_in_dim3A_7 masked %eq3A_525 {add = true} : memref<4096xi32, #tpu.memory_space<vmem>>[vector<16xi32>], vector<16xi32>, vector<16xi1>
      %while3A_530 = arith.constant 0 : i32
      scf.yield %while3A_530 : i32
    }
    %while3A_432 = arith.constant 1 : i32
    %while3A_433 = scf.for %while3A_511 = %while3A_429 to %while3A_425 step %while3A_432 iter_args(%while3A_512 = %while3A_431) -> (i32)  : i32 {
      %mul3A_513 = arith.constant 16 : i32
      %mul3A_514 = arith.muli %while3A_511, %mul3A_513 : i32
      %get3A = arith.index_cast %mul3A_514 : i32 to index
      %get3A_515 = tpu.vector_load %arg10[%get3A] {strides = array<i32>} : memref<8224xi32, #tpu.memory_space<vmem>>, vector<16xi32>,
      %shift_right_arithmetic3A_516 = arith.constant 0 : i32
      %shift_right_arithmetic3A_517 = vector.broadcast %shift_right_arithmetic3A_516 : i32 to vector<16xi32>
      %shift_right_arithmetic3A_518 = arith.shrsi %get3A_515, %shift_right_arithmetic3A_517 : vector<16xi32>
      %and3A_519 = arith.constant 127 : i32
      %and3A_520 = vector.broadcast %and3A_519 : i32 to vector<16xi32>
      %and3A_521 = arith.andi %shift_right_arithmetic3A_518, %and3A_520 : vector<16xi32>
      %shift_right_arithmetic3A_522 = arith.constant 7 : i32
      %shift_right_arithmetic3A_523 = vector.broadcast %shift_right_arithmetic3A_522 : i32 to vector<16xi32>
      %shift_right_arithmetic3A_524 = arith.shrsi %get3A_515, %shift_right_arithmetic3A_523 : vector<16xi32>
      %eq3A = vector.broadcast %or3A_420 : i32 to vector<16xi32>
      %eq3A_525 = arith.cmpi eq, %shift_right_arithmetic3A_524, %eq3A : vector<16xi32>
      %mul3A_526 = arith.constant 16 : i32
      %mul3A_527 = vector.broadcast %mul3A_526 : i32 to vector<16xi32>
      %mul3A_528 = arith.muli %and3A_521, %mul3A_527 : vector<16xi32>
      %add3A_529 = arith.addi %mul3A_528, %iota3A : vector<16xi32>
      tpu.vector_store_idx %arg12[%add3A_529], %broadcast_in_dim3A_7 masked %eq3A_525 {add = true} : memref<4096xi32, #tpu.memory_space<vmem>>[vector<16xi32>], vector<16xi32>, vector<16xi1>
      %while3A_530 = arith.constant 0 : i32
      scf.yield %while3A_530 : i32
    }
    %scan3A_434 = arith.constant 0 : i32
    %scan3A_435 = arith.constant false
    %scan3A_436 = arith.constant 0 : i32
    %scan3A_437 = arith.constant 0 : i32
    %scan3A_438 = arith.constant 0 : i32
    %scan3A_439 = arith.constant 128 : i32
    %scan3A_440 = arith.addi %scan3A_438, %scan3A_439 : i32
    %scan3A_441 = arith.constant 1 : i32
    %scan3A_442:4 = scf.for %scan3A_511 = %scan3A_438 to %scan3A_440 step %scan3A_441 iter_args(%scan3A_512 = %scan3A_434, %scan3A_513 = %scan3A_435, %scan3A_514 = %scan3A_436, %scan3A_515 = %scan3A_437) -> (i32, i1, i32, i32)  : i32 {
      %mul3A_516 = arith.constant 16 : i32
      %mul3A_517 = arith.muli %scan3A_511, %mul3A_516 : i32
      %get3A = arith.index_cast %mul3A_517 : i32 to index
      %get3A_518 = tpu.vector_load %arg12[%get3A] {strides = array<i32>} : memref<4096xi32, #tpu.memory_space<vmem>>, vector<16xi32>,
      %reduce_sum3A_519 = arith.constant true
      %reduce_sum3A_520 = vector.broadcast %reduce_sum3A_519 : i1 to vector<16xi1>
      %reduce_sum3A_521 = tpu.scan <sum>, %get3A_518 masked %reduce_sum3A_520 : vector<16xi32>, vector<16xi1> -> vector<16xi32>
      %reduce_sum3A_522 = vector.extract %reduce_sum3A_521[15] : i32 from vector<16xi32>
      %not3A = arith.constant true
      %not3A_523 = arith.xori %scan3A_513, %not3A : i1
      %add3A_524 = arith.addi %scan3A_512, %reduce_sum3A_522 : i32
      %ge3A = arith.cmpi sge, %add3A_524, %sub3A_421 : i32
      %and3A_525 = arith.andi %not3A_523, %ge3A : i1
      %select_n3A_526 = arith.select %and3A_525, %scan3A_511, %scan3A_514 : i32
      %select_n3A_527 = arith.select %and3A_525, %scan3A_512, %scan3A_515 : i32
      %or3A_528 = arith.ori %scan3A_513, %and3A_525 : i1
      %add3A_529 = arith.addi %scan3A_512, %reduce_sum3A_522 : i32
      scf.yield %add3A_529, %or3A_528, %select_n3A_526, %select_n3A_527 : i32, i1, i32, i32
    }
    %scan3A_443 = arith.constant 128 : i32
    %shift_left3A_444 = arith.constant 7 : i32
    %shift_left3A_445 = arith.shli %or3A_420, %shift_left3A_444 : i32
    %or3A_446 = arith.ori %shift_left3A_445, %scan3A_442#2 : i32
    %sub3A_447 = arith.subi %sub3A_421, %scan3A_442#3 : i32
    %dma_wait3A_448 = arith.constant 0 : i32
    %dma_wait3A_449 = arith.constant 0 : i32
    %dma_wait3A_450 = tpu.memref_slice %arg4[%shift_right_arithmetic3A_223, %dma_wait3A_448, %and3A_225, %dma_wait3A_449] : memref<8x64x8x128xf32, #tpu.memory_space<hbm>> -> memref<1x64x1x128xf32, #tpu.memory_space<hbm>>
    %dma_wait3A_451 = tpu.memref_squeeze %dma_wait3A_450 : memref<1x64x1x128xf32, #tpu.memory_space<hbm>> -> memref<64x128xf32, #tpu.memory_space<hbm>>
    %dma_wait3A_452 = arith.constant 0 : i32
    %dma_wait3A_453 = arith.constant 0 : i32
    %dma_wait3A_454 = tpu.memref_slice %arg4[%shift_right_arithmetic3A_223, %dma_wait3A_452, %and3A_225, %dma_wait3A_453] : memref<8x64x8x128xf32, #tpu.memory_space<hbm>> -> memref<1x64x1x128xf32, #tpu.memory_space<hbm>>
    %dma_wait3A_455 = tpu.memref_squeeze %dma_wait3A_454 : memref<1x64x1x128xf32, #tpu.memory_space<hbm>> -> memref<64x128xf32, #tpu.memory_space<hbm>>
    tpu.wait_dma2 semaphore(%arg20 : memref<!tpu.dma_semaphore, #tpu.memory_space<semaphore_mem>>) src(%arg14 : memref<64x128xf32, #tpu.memory_space<vmem>>) dst(%dma_wait3A_455 : memref<64x128xf32, #tpu.memory_space<hbm>>)
    %dma_wait3A_456 = arith.constant 0 : i32
    %dma_wait3A_457 = arith.constant 0 : i32
    %dma_wait3A_458 = tpu.memref_slice %arg5[%shift_right_arithmetic3A_235, %dma_wait3A_456, %and3A_237, %dma_wait3A_457] : memref<8x64x8x128xf32, #tpu.memory_space<hbm>> -> memref<1x64x1x128xf32, #tpu.memory_space<hbm>>
    %dma_wait3A_459 = tpu.memref_squeeze %dma_wait3A_458 : memref<1x64x1x128xf32, #tpu.memory_space<hbm>> -> memref<64x128xf32, #tpu.memory_space<hbm>>
    %dma_wait3A_460 = arith.constant 0 : i32
    %dma_wait3A_461 = arith.constant 0 : i32
    %dma_wait3A_462 = tpu.memref_slice %arg5[%shift_right_arithmetic3A_235, %dma_wait3A_460, %and3A_237, %dma_wait3A_461] : memref<8x64x8x128xf32, #tpu.memory_space<hbm>> -> memref<1x64x1x128xf32, #tpu.memory_space<hbm>>
    %dma_wait3A_463 = tpu.memref_squeeze %dma_wait3A_462 : memref<1x64x1x128xf32, #tpu.memory_space<hbm>> -> memref<64x128xf32, #tpu.memory_space<hbm>>
    tpu.wait_dma2 semaphore(%arg21 : memref<!tpu.dma_semaphore, #tpu.memory_space<semaphore_mem>>) src(%arg15 : memref<64x128xf32, #tpu.memory_space<vmem>>) dst(%dma_wait3A_463 : memref<64x128xf32, #tpu.memory_space<hbm>>)
    %scan3A_464 = arith.constant 0 : i32
    %scan3A_465 = arith.constant 0 : i32
    %scan3A_466 = arith.constant 64 : i32
    %scan3A_467 = arith.addi %scan3A_465, %scan3A_466 : i32
    %scan3A_468 = arith.constant 1 : i32
    %scan3A_469 = scf.for %scan3A_511 = %scan3A_465 to %scan3A_467 step %scan3A_468 iter_args(%scan3A_512 = %scan3A_464) -> (i32)  : i32 {
      %mul3A_513 = arith.constant 2 : i32
      %mul3A_514 = arith.muli %scan3A_511, %mul3A_513 : i32
      %mul3A_515 = arith.constant 4 : i32
      %mul3A_516 = arith.muli %mul3A_514, %mul3A_515 : i32
      %add3A_517 = arith.constant 0 : i32
      %add3A_518 = arith.addi %mul3A_516, %add3A_517 : i32
      %shift_right_arithmetic3A_519 = arith.constant 3 : i32
      %shift_right_arithmetic3A_520 = arith.shrsi %add3A_518, %shift_right_arithmetic3A_519 : i32
      %and3A_521 = arith.constant 7 : i32
      %and3A_522 = arith.andi %add3A_518, %and3A_521 : i32
      %mul3A_523 = arith.constant 16 : i32
      %mul3A_524 = arith.muli %and3A_522, %mul3A_523 : i32
      %mul3A_525 = arith.constant 16 : i32
      %mul3A_526 = arith.muli %add3A_518, %mul3A_525 : i32
      %get3A = arith.index_cast %mul3A_526 : i32 to index
      %get3A_527 = tpu.vector_load %arg9[%get3A] {strides = array<i32>} : memref<8192xi32, #tpu.memory_space<vmem>>, vector<16xi32>,
      %le3A = vector.broadcast %or3A_446 : i32 to vector<16xi32>
      %le3A_528 = arith.cmpi sle, %get3A_527, %le3A : vector<16xi32>
      %jit3A_529 = arith.constant 0.000000e+00 : f32
      %jit3A_530 = arith.constant 1.000000e+00 : f32
      %broadcast_in_dim3A_531 = vector.broadcast %jit3A_529 : f32 to vector<16xf32>
      %broadcast_in_dim3A_532 = vector.broadcast %jit3A_530 : f32 to vector<16xf32>
      %select_n3A_533 = arith.select %le3A_528, %broadcast_in_dim3A_531, %broadcast_in_dim3A_532 : vector<16xi1>, vector<16xf32>
      %swap3A_534 = arith.index_cast %shift_right_arithmetic3A_520 : i32 to index
      %swap3A_535 = arith.index_cast %mul3A_524 : i32 to index
      %swap3A_536 = tpu.vector_load %arg14[%swap3A_534, %swap3A_535] {strides = array<i32>} : memref<64x128xf32, #tpu.memory_space<vmem>>, vector<16xf32>,
      tpu.vector_store %arg14[%swap3A_534, %swap3A_535], %select_n3A_533 {strides = array<i32>} : memref<64x128xf32, #tpu.memory_space<vmem>>, vector<16xf32>,
      %jit3A_537 = arith.constant 3.200000e+01 : f32
      %jit3A_538 = arith.constant 0.000000e+00 : f32
      %broadcast_in_dim3A_539 = vector.broadcast %jit3A_537 : f32 to vector<16xf32>
      %broadcast_in_dim3A_540 = vector.broadcast %jit3A_538 : f32 to vector<16xf32>
      %select_n3A_541 = arith.select %le3A_528, %broadcast_in_dim3A_539, %broadcast_in_dim3A_540 : vector<16xi1>, vector<16xf32>
      %swap3A_542 = arith.index_cast %shift_right_arithmetic3A_520 : i32 to index
      %swap3A_543 = arith.index_cast %mul3A_524 : i32 to index
      %swap3A_544 = tpu.vector_load %arg15[%swap3A_542, %swap3A_543] {strides = array<i32>} : memref<64x128xf32, #tpu.memory_space<vmem>>, vector<16xf32>,
      tpu.vector_store %arg15[%swap3A_542, %swap3A_543], %select_n3A_541 {strides = array<i32>} : memref<64x128xf32, #tpu.memory_space<vmem>>, vector<16xf32>,
      %mul3A_545 = arith.constant 2 : i32
      %mul3A_546 = arith.muli %scan3A_511, %mul3A_545 : i32
      %mul3A_547 = arith.constant 4 : i32
      %mul3A_548 = arith.muli %mul3A_546, %mul3A_547 : i32
      %add3A_549 = arith.constant 1 : i32
      %add3A_550 = arith.addi %mul3A_548, %add3A_549 : i32
      %shift_right_arithmetic3A_551 = arith.constant 3 : i32
      %shift_right_arithmetic3A_552 = arith.shrsi %add3A_550, %shift_right_arithmetic3A_551 : i32
      %and3A_553 = arith.constant 7 : i32
      %and3A_554 = arith.andi %add3A_550, %and3A_553 : i32
      %mul3A_555 = arith.constant 16 : i32
      %mul3A_556 = arith.muli %and3A_554, %mul3A_555 : i32
      %mul3A_557 = arith.constant 16 : i32
      %mul3A_558 = arith.muli %add3A_550, %mul3A_557 : i32
      %get3A_559 = arith.index_cast %mul3A_558 : i32 to index
      %get3A_560 = tpu.vector_load %arg9[%get3A_559] {strides = array<i32>} : memref<8192xi32, #tpu.memory_space<vmem>>, vector<16xi32>,
      %le3A_561 = vector.broadcast %or3A_446 : i32 to vector<16xi32>
      %le3A_562 = arith.cmpi sle, %get3A_560, %le3A_561 : vector<16xi32>
      %jit3A_563 = arith.constant 0.000000e+00 : f32
      %jit3A_564 = arith.constant 1.000000e+00 : f32
      %broadcast_in_dim3A_565 = vector.broadcast %jit3A_563 : f32 to vector<16xf32>
      %broadcast_in_dim3A_566 = vector.broadcast %jit3A_564 : f32 to vector<16xf32>
      %select_n3A_567 = arith.select %le3A_562, %broadcast_in_dim3A_565, %broadcast_in_dim3A_566 : vector<16xi1>, vector<16xf32>
      %swap3A_568 = arith.index_cast %shift_right_arithmetic3A_552 : i32 to index
      %swap3A_569 = arith.index_cast %mul3A_556 : i32 to index
      %swap3A_570 = tpu.vector_load %arg14[%swap3A_568, %swap3A_569] {strides = array<i32>} : memref<64x128xf32, #tpu.memory_space<vmem>>, vector<16xf32>,
      tpu.vector_store %arg14[%swap3A_568, %swap3A_569], %select_n3A_567 {strides = array<i32>} : memref<64x128xf32, #tpu.memory_space<vmem>>, vector<16xf32>,
      %jit3A_571 = arith.constant 3.200000e+01 : f32
      %jit3A_572 = arith.constant 0.000000e+00 : f32
      %broadcast_in_dim3A_573 = vector.broadcast %jit3A_571 : f32 to vector<16xf32>
      %broadcast_in_dim3A_574 = vector.broadcast %jit3A_572 : f32 to vector<16xf32>
      %select_n3A_575 = arith.select %le3A_562, %broadcast_in_dim3A_573, %broadcast_in_dim3A_574 : vector<16xi1>, vector<16xf32>
      %swap3A_576 = arith.index_cast %shift_right_arithmetic3A_552 : i32 to index
      %swap3A_577 = arith.index_cast %mul3A_556 : i32 to index
      %swap3A_578 = tpu.vector_load %arg15[%swap3A_576, %swap3A_577] {strides = array<i32>} : memref<64x128xf32, #tpu.memory_space<vmem>>, vector<16xf32>,
      tpu.vector_store %arg15[%swap3A_576, %swap3A_577], %select_n3A_575 {strides = array<i32>} : memref<64x128xf32, #tpu.memory_space<vmem>>, vector<16xf32>,
      %mul3A_579 = arith.constant 2 : i32
      %mul3A_580 = arith.muli %scan3A_511, %mul3A_579 : i32
      %mul3A_581 = arith.constant 4 : i32
      %mul3A_582 = arith.muli %mul3A_580, %mul3A_581 : i32
      %add3A_583 = arith.constant 2 : i32
      %add3A_584 = arith.addi %mul3A_582, %add3A_583 : i32
      %shift_right_arithmetic3A_585 = arith.constant 3 : i32
      %shift_right_arithmetic3A_586 = arith.shrsi %add3A_584, %shift_right_arithmetic3A_585 : i32
      %and3A_587 = arith.constant 7 : i32
      %and3A_588 = arith.andi %add3A_584, %and3A_587 : i32
      %mul3A_589 = arith.constant 16 : i32
      %mul3A_590 = arith.muli %and3A_588, %mul3A_589 : i32
      %mul3A_591 = arith.constant 16 : i32
      %mul3A_592 = arith.muli %add3A_584, %mul3A_591 : i32
      %get3A_593 = arith.index_cast %mul3A_592 : i32 to index
      %get3A_594 = tpu.vector_load %arg9[%get3A_593] {strides = array<i32>} : memref<8192xi32, #tpu.memory_space<vmem>>, vector<16xi32>,
      %le3A_595 = vector.broadcast %or3A_446 : i32 to vector<16xi32>
      %le3A_596 = arith.cmpi sle, %get3A_594, %le3A_595 : vector<16xi32>
      %jit3A_597 = arith.constant 0.000000e+00 : f32
      %jit3A_598 = arith.constant 1.000000e+00 : f32
      %broadcast_in_dim3A_599 = vector.broadcast %jit3A_597 : f32 to vector<16xf32>
      %broadcast_in_dim3A_600 = vector.broadcast %jit3A_598 : f32 to vector<16xf32>
      %select_n3A_601 = arith.select %le3A_596, %broadcast_in_dim3A_599, %broadcast_in_dim3A_600 : vector<16xi1>, vector<16xf32>
      %swap3A_602 = arith.index_cast %shift_right_arithmetic3A_586 : i32 to index
      %swap3A_603 = arith.index_cast %mul3A_590 : i32 to index
      %swap3A_604 = tpu.vector_load %arg14[%swap3A_602, %swap3A_603] {strides = array<i32>} : memref<64x128xf32, #tpu.memory_space<vmem>>, vector<16xf32>,
      tpu.vector_store %arg14[%swap3A_602, %swap3A_603], %select_n3A_601 {strides = array<i32>} : memref<64x128xf32, #tpu.memory_space<vmem>>, vector<16xf32>,
      %jit3A_605 = arith.constant 3.200000e+01 : f32
      %jit3A_606 = arith.constant 0.000000e+00 : f32
      %broadcast_in_dim3A_607 = vector.broadcast %jit3A_605 : f32 to vector<16xf32>
      %broadcast_in_dim3A_608 = vector.broadcast %jit3A_606 : f32 to vector<16xf32>
      %select_n3A_609 = arith.select %le3A_596, %broadcast_in_dim3A_607, %broadcast_in_dim3A_608 : vector<16xi1>, vector<16xf32>
      %swap3A_610 = arith.index_cast %shift_right_arithmetic3A_586 : i32 to index
      %swap3A_611 = arith.index_cast %mul3A_590 : i32 to index
      %swap3A_612 = tpu.vector_load %arg15[%swap3A_610, %swap3A_611] {strides = array<i32>} : memref<64x128xf32, #tpu.memory_space<vmem>>, vector<16xf32>,
      tpu.vector_store %arg15[%swap3A_610, %swap3A_611], %select_n3A_609 {strides = array<i32>} : memref<64x128xf32, #tpu.memory_space<vmem>>, vector<16xf32>,
      %mul3A_613 = arith.constant 2 : i32
      %mul3A_614 = arith.muli %scan3A_511, %mul3A_613 : i32
      %mul3A_615 = arith.constant 4 : i32
      %mul3A_616 = arith.muli %mul3A_614, %mul3A_615 : i32
      %add3A_617 = arith.constant 3 : i32
      %add3A_618 = arith.addi %mul3A_616, %add3A_617 : i32
      %shift_right_arithmetic3A_619 = arith.constant 3 : i32
      %shift_right_arithmetic3A_620 = arith.shrsi %add3A_618, %shift_right_arithmetic3A_619 : i32
      %and3A_621 = arith.constant 7 : i32
      %and3A_622 = arith.andi %add3A_618, %and3A_621 : i32
      %mul3A_623 = arith.constant 16 : i32
      %mul3A_624 = arith.muli %and3A_622, %mul3A_623 : i32
      %mul3A_625 = arith.constant 16 : i32
      %mul3A_626 = arith.muli %add3A_618, %mul3A_625 : i32
      %get3A_627 = arith.index_cast %mul3A_626 : i32 to index
      %get3A_628 = tpu.vector_load %arg9[%get3A_627] {strides = array<i32>} : memref<8192xi32, #tpu.memory_space<vmem>>, vector<16xi32>,
      %le3A_629 = vector.broadcast %or3A_446 : i32 to vector<16xi32>
      %le3A_630 = arith.cmpi sle, %get3A_628, %le3A_629 : vector<16xi32>
      %jit3A_631 = arith.constant 0.000000e+00 : f32
      %jit3A_632 = arith.constant 1.000000e+00 : f32
      %broadcast_in_dim3A_633 = vector.broadcast %jit3A_631 : f32 to vector<16xf32>
      %broadcast_in_dim3A_634 = vector.broadcast %jit3A_632 : f32 to vector<16xf32>
      %select_n3A_635 = arith.select %le3A_630, %broadcast_in_dim3A_633, %broadcast_in_dim3A_634 : vector<16xi1>, vector<16xf32>
      %swap3A_636 = arith.index_cast %shift_right_arithmetic3A_620 : i32 to index
      %swap3A_637 = arith.index_cast %mul3A_624 : i32 to index
      %swap3A_638 = tpu.vector_load %arg14[%swap3A_636, %swap3A_637] {strides = array<i32>} : memref<64x128xf32, #tpu.memory_space<vmem>>, vector<16xf32>,
      tpu.vector_store %arg14[%swap3A_636, %swap3A_637], %select_n3A_635 {strides = array<i32>} : memref<64x128xf32, #tpu.memory_space<vmem>>, vector<16xf32>,
      %jit3A_639 = arith.constant 3.200000e+01 : f32
      %jit3A_640 = arith.constant 0.000000e+00 : f32
      %broadcast_in_dim3A_641 = vector.broadcast %jit3A_639 : f32 to vector<16xf32>
      %broadcast_in_dim3A_642 = vector.broadcast %jit3A_640 : f32 to vector<16xf32>
      %select_n3A_643 = arith.select %le3A_630, %broadcast_in_dim3A_641, %broadcast_in_dim3A_642 : vector<16xi1>, vector<16xf32>
      %swap3A_644 = arith.index_cast %shift_right_arithmetic3A_620 : i32 to index
      %swap3A_645 = arith.index_cast %mul3A_624 : i32 to index
      %swap3A_646 = tpu.vector_load %arg15[%swap3A_644, %swap3A_645] {strides = array<i32>} : memref<64x128xf32, #tpu.memory_space<vmem>>, vector<16xf32>,
      tpu.vector_store %arg15[%swap3A_644, %swap3A_645], %select_n3A_643 {strides = array<i32>} : memref<64x128xf32, #tpu.memory_space<vmem>>, vector<16xf32>,
      %mul3A_647 = arith.constant 2 : i32
      %mul3A_648 = arith.muli %scan3A_511, %mul3A_647 : i32
      %mul3A_649 = arith.constant 4 : i32
      %mul3A_650 = arith.muli %mul3A_648, %mul3A_649 : i32
      %add3A_651 = arith.constant 4 : i32
      %add3A_652 = arith.addi %mul3A_650, %add3A_651 : i32
      %shift_right_arithmetic3A_653 = arith.constant 3 : i32
      %shift_right_arithmetic3A_654 = arith.shrsi %add3A_652, %shift_right_arithmetic3A_653 : i32
      %and3A_655 = arith.constant 7 : i32
      %and3A_656 = arith.andi %add3A_652, %and3A_655 : i32
      %mul3A_657 = arith.constant 16 : i32
      %mul3A_658 = arith.muli %and3A_656, %mul3A_657 : i32
      %mul3A_659 = arith.constant 16 : i32
      %mul3A_660 = arith.muli %add3A_652, %mul3A_659 : i32
      %get3A_661 = arith.index_cast %mul3A_660 : i32 to index
      %get3A_662 = tpu.vector_load %arg9[%get3A_661] {strides = array<i32>} : memref<8192xi32, #tpu.memory_space<vmem>>, vector<16xi32>,
      %le3A_663 = vector.broadcast %or3A_446 : i32 to vector<16xi32>
      %le3A_664 = arith.cmpi sle, %get3A_662, %le3A_663 : vector<16xi32>
      %jit3A_665 = arith.constant 0.000000e+00 : f32
      %jit3A_666 = arith.constant 1.000000e+00 : f32
      %broadcast_in_dim3A_667 = vector.broadcast %jit3A_665 : f32 to vector<16xf32>
      %broadcast_in_dim3A_668 = vector.broadcast %jit3A_666 : f32 to vector<16xf32>
      %select_n3A_669 = arith.select %le3A_664, %broadcast_in_dim3A_667, %broadcast_in_dim3A_668 : vector<16xi1>, vector<16xf32>
      %swap3A_670 = arith.index_cast %shift_right_arithmetic3A_654 : i32 to index
      %swap3A_671 = arith.index_cast %mul3A_658 : i32 to index
      %swap3A_672 = tpu.vector_load %arg14[%swap3A_670, %swap3A_671] {strides = array<i32>} : memref<64x128xf32, #tpu.memory_space<vmem>>, vector<16xf32>,
      tpu.vector_store %arg14[%swap3A_670, %swap3A_671], %select_n3A_669 {strides = array<i32>} : memref<64x128xf32, #tpu.memory_space<vmem>>, vector<16xf32>,
      %jit3A_673 = arith.constant 3.200000e+01 : f32
      %jit3A_674 = arith.constant 0.000000e+00 : f32
      %broadcast_in_dim3A_675 = vector.broadcast %jit3A_673 : f32 to vector<16xf32>
      %broadcast_in_dim3A_676 = vector.broadcast %jit3A_674 : f32 to vector<16xf32>
      %select_n3A_677 = arith.select %le3A_664, %broadcast_in_dim3A_675, %broadcast_in_dim3A_676 : vector<16xi1>, vector<16xf32>
      %swap3A_678 = arith.index_cast %shift_right_arithmetic3A_654 : i32 to index
      %swap3A_679 = arith.index_cast %mul3A_658 : i32 to index
      %swap3A_680 = tpu.vector_load %arg15[%swap3A_678, %swap3A_679] {strides = array<i32>} : memref<64x128xf32, #tpu.memory_space<vmem>>, vector<16xf32>,
      tpu.vector_store %arg15[%swap3A_678, %swap3A_679], %select_n3A_677 {strides = array<i32>} : memref<64x128xf32, #tpu.memory_space<vmem>>, vector<16xf32>,
      %mul3A_681 = arith.constant 2 : i32
      %mul3A_682 = arith.muli %scan3A_511, %mul3A_681 : i32
      %mul3A_683 = arith.constant 4 : i32
      %mul3A_684 = arith.muli %mul3A_682, %mul3A_683 : i32
      %add3A_685 = arith.constant 5 : i32
      %add3A_686 = arith.addi %mul3A_684, %add3A_685 : i32
      %shift_right_arithmetic3A_687 = arith.constant 3 : i32
      %shift_right_arithmetic3A_688 = arith.shrsi %add3A_686, %shift_right_arithmetic3A_687 : i32
      %and3A_689 = arith.constant 7 : i32
      %and3A_690 = arith.andi %add3A_686, %and3A_689 : i32
      %mul3A_691 = arith.constant 16 : i32
      %mul3A_692 = arith.muli %and3A_690, %mul3A_691 : i32
      %mul3A_693 = arith.constant 16 : i32
      %mul3A_694 = arith.muli %add3A_686, %mul3A_693 : i32
      %get3A_695 = arith.index_cast %mul3A_694 : i32 to index
      %get3A_696 = tpu.vector_load %arg9[%get3A_695] {strides = array<i32>} : memref<8192xi32, #tpu.memory_space<vmem>>, vector<16xi32>,
      %le3A_697 = vector.broadcast %or3A_446 : i32 to vector<16xi32>
      %le3A_698 = arith.cmpi sle, %get3A_696, %le3A_697 : vector<16xi32>
      %jit3A_699 = arith.constant 0.000000e+00 : f32
      %jit3A_700 = arith.constant 1.000000e+00 : f32
      %broadcast_in_dim3A_701 = vector.broadcast %jit3A_699 : f32 to vector<16xf32>
      %broadcast_in_dim3A_702 = vector.broadcast %jit3A_700 : f32 to vector<16xf32>
      %select_n3A_703 = arith.select %le3A_698, %broadcast_in_dim3A_701, %broadcast_in_dim3A_702 : vector<16xi1>, vector<16xf32>
      %swap3A_704 = arith.index_cast %shift_right_arithmetic3A_688 : i32 to index
      %swap3A_705 = arith.index_cast %mul3A_692 : i32 to index
      %swap3A_706 = tpu.vector_load %arg14[%swap3A_704, %swap3A_705] {strides = array<i32>} : memref<64x128xf32, #tpu.memory_space<vmem>>, vector<16xf32>,
      tpu.vector_store %arg14[%swap3A_704, %swap3A_705], %select_n3A_703 {strides = array<i32>} : memref<64x128xf32, #tpu.memory_space<vmem>>, vector<16xf32>,
      %jit3A_707 = arith.constant 3.200000e+01 : f32
      %jit3A_708 = arith.constant 0.000000e+00 : f32
      %broadcast_in_dim3A_709 = vector.broadcast %jit3A_707 : f32 to vector<16xf32>
      %broadcast_in_dim3A_710 = vector.broadcast %jit3A_708 : f32 to vector<16xf32>
      %select_n3A_711 = arith.select %le3A_698, %broadcast_in_dim3A_709, %broadcast_in_dim3A_710 : vector<16xi1>, vector<16xf32>
      %swap3A_712 = arith.index_cast %shift_right_arithmetic3A_688 : i32 to index
      %swap3A_713 = arith.index_cast %mul3A_692 : i32 to index
      %swap3A_714 = tpu.vector_load %arg15[%swap3A_712, %swap3A_713] {strides = array<i32>} : memref<64x128xf32, #tpu.memory_space<vmem>>, vector<16xf32>,
      tpu.vector_store %arg15[%swap3A_712, %swap3A_713], %select_n3A_711 {strides = array<i32>} : memref<64x128xf32, #tpu.memory_space<vmem>>, vector<16xf32>,
      %mul3A_715 = arith.constant 2 : i32
      %mul3A_716 = arith.muli %scan3A_511, %mul3A_715 : i32
      %mul3A_717 = arith.constant 4 : i32
      %mul3A_718 = arith.muli %mul3A_716, %mul3A_717 : i32
      %add3A_719 = arith.constant 6 : i32
      %add3A_720 = arith.addi %mul3A_718, %add3A_719 : i32
      %shift_right_arithmetic3A_721 = arith.constant 3 : i32
      %shift_right_arithmetic3A_722 = arith.shrsi %add3A_720, %shift_right_arithmetic3A_721 : i32
      %and3A_723 = arith.constant 7 : i32
      %and3A_724 = arith.andi %add3A_720, %and3A_723 : i32
      %mul3A_725 = arith.constant 16 : i32
      %mul3A_726 = arith.muli %and3A_724, %mul3A_725 : i32
      %mul3A_727 = arith.constant 16 : i32
      %mul3A_728 = arith.muli %add3A_720, %mul3A_727 : i32
      %get3A_729 = arith.index_cast %mul3A_728 : i32 to index
      %get3A_730 = tpu.vector_load %arg9[%get3A_729] {strides = array<i32>} : memref<8192xi32, #tpu.memory_space<vmem>>, vector<16xi32>,
      %le3A_731 = vector.broadcast %or3A_446 : i32 to vector<16xi32>
      %le3A_732 = arith.cmpi sle, %get3A_730, %le3A_731 : vector<16xi32>
      %jit3A_733 = arith.constant 0.000000e+00 : f32
      %jit3A_734 = arith.constant 1.000000e+00 : f32
      %broadcast_in_dim3A_735 = vector.broadcast %jit3A_733 : f32 to vector<16xf32>
      %broadcast_in_dim3A_736 = vector.broadcast %jit3A_734 : f32 to vector<16xf32>
      %select_n3A_737 = arith.select %le3A_732, %broadcast_in_dim3A_735, %broadcast_in_dim3A_736 : vector<16xi1>, vector<16xf32>
      %swap3A_738 = arith.index_cast %shift_right_arithmetic3A_722 : i32 to index
      %swap3A_739 = arith.index_cast %mul3A_726 : i32 to index
      %swap3A_740 = tpu.vector_load %arg14[%swap3A_738, %swap3A_739] {strides = array<i32>} : memref<64x128xf32, #tpu.memory_space<vmem>>, vector<16xf32>,
      tpu.vector_store %arg14[%swap3A_738, %swap3A_739], %select_n3A_737 {strides = array<i32>} : memref<64x128xf32, #tpu.memory_space<vmem>>, vector<16xf32>,
      %jit3A_741 = arith.constant 3.200000e+01 : f32
      %jit3A_742 = arith.constant 0.000000e+00 : f32
      %broadcast_in_dim3A_743 = vector.broadcast %jit3A_741 : f32 to vector<16xf32>
      %broadcast_in_dim3A_744 = vector.broadcast %jit3A_742 : f32 to vector<16xf32>
      %select_n3A_745 = arith.select %le3A_732, %broadcast_in_dim3A_743, %broadcast_in_dim3A_744 : vector<16xi1>, vector<16xf32>
      %swap3A_746 = arith.index_cast %shift_right_arithmetic3A_722 : i32 to index
      %swap3A_747 = arith.index_cast %mul3A_726 : i32 to index
      %swap3A_748 = tpu.vector_load %arg15[%swap3A_746, %swap3A_747] {strides = array<i32>} : memref<64x128xf32, #tpu.memory_space<vmem>>, vector<16xf32>,
      tpu.vector_store %arg15[%swap3A_746, %swap3A_747], %select_n3A_745 {strides = array<i32>} : memref<64x128xf32, #tpu.memory_space<vmem>>, vector<16xf32>,
      %mul3A_749 = arith.constant 2 : i32
      %mul3A_750 = arith.muli %scan3A_511, %mul3A_749 : i32
      %mul3A_751 = arith.constant 4 : i32
      %mul3A_752 = arith.muli %mul3A_750, %mul3A_751 : i32
      %add3A_753 = arith.constant 7 : i32
      %add3A_754 = arith.addi %mul3A_752, %add3A_753 : i32
      %shift_right_arithmetic3A_755 = arith.constant 3 : i32
      %shift_right_arithmetic3A_756 = arith.shrsi %add3A_754, %shift_right_arithmetic3A_755 : i32
      %and3A_757 = arith.constant 7 : i32
      %and3A_758 = arith.andi %add3A_754, %and3A_757 : i32
      %mul3A_759 = arith.constant 16 : i32
      %mul3A_760 = arith.muli %and3A_758, %mul3A_759 : i32
      %mul3A_761 = arith.constant 16 : i32
      %mul3A_762 = arith.muli %add3A_754, %mul3A_761 : i32
      %get3A_763 = arith.index_cast %mul3A_762 : i32 to index
      %get3A_764 = tpu.vector_load %arg9[%get3A_763] {strides = array<i32>} : memref<8192xi32, #tpu.memory_space<vmem>>, vector<16xi32>,
      %le3A_765 = vector.broadcast %or3A_446 : i32 to vector<16xi32>
      %le3A_766 = arith.cmpi sle, %get3A_764, %le3A_765 : vector<16xi32>
      %jit3A_767 = arith.constant 0.000000e+00 : f32
      %jit3A_768 = arith.constant 1.000000e+00 : f32
      %broadcast_in_dim3A_769 = vector.broadcast %jit3A_767 : f32 to vector<16xf32>
      %broadcast_in_dim3A_770 = vector.broadcast %jit3A_768 : f32 to vector<16xf32>
      %select_n3A_771 = arith.select %le3A_766, %broadcast_in_dim3A_769, %broadcast_in_dim3A_770 : vector<16xi1>, vector<16xf32>
      %swap3A_772 = arith.index_cast %shift_right_arithmetic3A_756 : i32 to index
      %swap3A_773 = arith.index_cast %mul3A_760 : i32 to index
      %swap3A_774 = tpu.vector_load %arg14[%swap3A_772, %swap3A_773] {strides = array<i32>} : memref<64x128xf32, #tpu.memory_space<vmem>>, vector<16xf32>,
      tpu.vector_store %arg14[%swap3A_772, %swap3A_773], %select_n3A_771 {strides = array<i32>} : memref<64x128xf32, #tpu.memory_space<vmem>>, vector<16xf32>,
      %jit3A_775 = arith.constant 3.200000e+01 : f32
      %jit3A_776 = arith.constant 0.000000e+00 : f32
      %broadcast_in_dim3A_777 = vector.broadcast %jit3A_775 : f32 to vector<16xf32>
      %broadcast_in_dim3A_778 = vector.broadcast %jit3A_776 : f32 to vector<16xf32>
      %select_n3A_779 = arith.select %le3A_766, %broadcast_in_dim3A_777, %broadcast_in_dim3A_778 : vector<16xi1>, vector<16xf32>
      %swap3A_780 = arith.index_cast %shift_right_arithmetic3A_756 : i32 to index
      %swap3A_781 = arith.index_cast %mul3A_760 : i32 to index
      %swap3A_782 = tpu.vector_load %arg15[%swap3A_780, %swap3A_781] {strides = array<i32>} : memref<64x128xf32, #tpu.memory_space<vmem>>, vector<16xf32>,
      tpu.vector_store %arg15[%swap3A_780, %swap3A_781], %select_n3A_779 {strides = array<i32>} : memref<64x128xf32, #tpu.memory_space<vmem>>, vector<16xf32>,
      %scan3A_783 = arith.constant 0 : i32
      scf.yield %scan3A_783 : i32
    }
    %scan3A_470 = arith.constant 64 : i32
    %shift_right_arithmetic3A_471 = arith.constant 3 : i32
    %shift_right_arithmetic3A_472 = arith.shrsi %add3A_247, %shift_right_arithmetic3A_471 : i32
    %and3A_473 = arith.constant 7 : i32
    %and3A_474 = arith.andi %add3A_247, %and3A_473 : i32
    %dma_start3A_475 = arith.constant 0 : i32
    %dma_start3A_476 = arith.constant 0 : i32
    %dma_start3A_477 = tpu.memref_slice %arg4[%shift_right_arithmetic3A_472, %dma_start3A_475, %and3A_474, %dma_start3A_476] : memref<8x64x8x128xf32, #tpu.memory_space<hbm>> -> memref<1x64x1x128xf32, #tpu.memory_space<hbm>>
    %dma_start3A_478 = tpu.memref_squeeze %dma_start3A_477 : memref<1x64x1x128xf32, #tpu.memory_space<hbm>> -> memref<64x128xf32, #tpu.memory_space<hbm>>
    %dma_start3A_479 = arith.constant 0 : i32
    %dma_start3A_480 = arith.constant 0 : i32
    %dma_start3A_481 = tpu.memref_slice %arg4[%shift_right_arithmetic3A_472, %dma_start3A_479, %and3A_474, %dma_start3A_480] : memref<8x64x8x128xf32, #tpu.memory_space<hbm>> -> memref<1x64x1x128xf32, #tpu.memory_space<hbm>>
    %dma_start3A_482 = tpu.memref_squeeze %dma_start3A_481 : memref<1x64x1x128xf32, #tpu.memory_space<hbm>> -> memref<64x128xf32, #tpu.memory_space<hbm>>
    tpu.enqueue_dma source(%arg14 : memref<64x128xf32, #tpu.memory_space<vmem>>) target(%dma_start3A_482 : memref<64x128xf32, #tpu.memory_space<hbm>>) target_semaphore(%arg20 : memref<!tpu.dma_semaphore, #tpu.memory_space<semaphore_mem>>)
    %shift_right_arithmetic3A_483 = arith.constant 3 : i32
    %shift_right_arithmetic3A_484 = arith.shrsi %add3A_247, %shift_right_arithmetic3A_483 : i32
    %and3A_485 = arith.constant 7 : i32
    %and3A_486 = arith.andi %add3A_247, %and3A_485 : i32
    %dma_start3A_487 = arith.constant 0 : i32
    %dma_start3A_488 = arith.constant 0 : i32
    %dma_start3A_489 = tpu.memref_slice %arg5[%shift_right_arithmetic3A_484, %dma_start3A_487, %and3A_486, %dma_start3A_488] : memref<8x64x8x128xf32, #tpu.memory_space<hbm>> -> memref<1x64x1x128xf32, #tpu.memory_space<hbm>>
    %dma_start3A_490 = tpu.memref_squeeze %dma_start3A_489 : memref<1x64x1x128xf32, #tpu.memory_space<hbm>> -> memref<64x128xf32, #tpu.memory_space<hbm>>
    %dma_start3A_491 = arith.constant 0 : i32
    %dma_start3A_492 = arith.constant 0 : i32
    %dma_start3A_493 = tpu.memref_slice %arg5[%shift_right_arithmetic3A_484, %dma_start3A_491, %and3A_486, %dma_start3A_492] : memref<8x64x8x128xf32, #tpu.memory_space<hbm>> -> memref<1x64x1x128xf32, #tpu.memory_space<hbm>>
    %dma_start3A_494 = tpu.memref_squeeze %dma_start3A_493 : memref<1x64x1x128xf32, #tpu.memory_space<hbm>> -> memref<64x128xf32, #tpu.memory_space<hbm>>
    tpu.enqueue_dma source(%arg15 : memref<64x128xf32, #tpu.memory_space<vmem>>) target(%dma_start3A_494 : memref<64x128xf32, #tpu.memory_space<hbm>>) target_semaphore(%arg21 : memref<!tpu.dma_semaphore, #tpu.memory_space<semaphore_mem>>)
    %dma_wait3A_495 = arith.constant 0 : i32
    %dma_wait3A_496 = arith.constant 0 : i32
    %dma_wait3A_497 = tpu.memref_slice %arg4[%shift_right_arithmetic3A_472, %dma_wait3A_495, %and3A_474, %dma_wait3A_496] : memref<8x64x8x128xf32, #tpu.memory_space<hbm>> -> memref<1x64x1x128xf32, #tpu.memory_space<hbm>>
    %dma_wait3A_498 = tpu.memref_squeeze %dma_wait3A_497 : memref<1x64x1x128xf32, #tpu.memory_space<hbm>> -> memref<64x128xf32, #tpu.memory_space<hbm>>
    %dma_wait3A_499 = arith.constant 0 : i32
    %dma_wait3A_500 = arith.constant 0 : i32
    %dma_wait3A_501 = tpu.memref_slice %arg4[%shift_right_arithmetic3A_472, %dma_wait3A_499, %and3A_474, %dma_wait3A_500] : memref<8x64x8x128xf32, #tpu.memory_space<hbm>> -> memref<1x64x1x128xf32, #tpu.memory_space<hbm>>
    %dma_wait3A_502 = tpu.memref_squeeze %dma_wait3A_501 : memref<1x64x1x128xf32, #tpu.memory_space<hbm>> -> memref<64x128xf32, #tpu.memory_space<hbm>>
    tpu.wait_dma2 semaphore(%arg20 : memref<!tpu.dma_semaphore, #tpu.memory_space<semaphore_mem>>) src(%arg14 : memref<64x128xf32, #tpu.memory_space<vmem>>) dst(%dma_wait3A_502 : memref<64x128xf32, #tpu.memory_space<hbm>>)
    %dma_wait3A_503 = arith.constant 0 : i32
    %dma_wait3A_504 = arith.constant 0 : i32
    %dma_wait3A_505 = tpu.memref_slice %arg5[%shift_right_arithmetic3A_484, %dma_wait3A_503, %and3A_486, %dma_wait3A_504] : memref<8x64x8x128xf32, #tpu.memory_space<hbm>> -> memref<1x64x1x128xf32, #tpu.memory_space<hbm>>
    %dma_wait3A_506 = tpu.memref_squeeze %dma_wait3A_505 : memref<1x64x1x128xf32, #tpu.memory_space<hbm>> -> memref<64x128xf32, #tpu.memory_space<hbm>>
    %dma_wait3A_507 = arith.constant 0 : i32
    %dma_wait3A_508 = arith.constant 0 : i32
    %dma_wait3A_509 = tpu.memref_slice %arg5[%shift_right_arithmetic3A_484, %dma_wait3A_507, %and3A_486, %dma_wait3A_508] : memref<8x64x8x128xf32, #tpu.memory_space<hbm>> -> memref<1x64x1x128xf32, #tpu.memory_space<hbm>>
    %dma_wait3A_510 = tpu.memref_squeeze %dma_wait3A_509 : memref<1x64x1x128xf32, #tpu.memory_space<hbm>> -> memref<64x128xf32, #tpu.memory_space<hbm>>
    tpu.wait_dma2 semaphore(%arg21 : memref<!tpu.dma_semaphore, #tpu.memory_space<semaphore_mem>>) src(%arg15 : memref<64x128xf32, #tpu.memory_space<vmem>>) dst(%dma_wait3A_510 : memref<64x128xf32, #tpu.memory_space<hbm>>)
    return
  }
}

</mosaic_0001>

<sc_bundles>
// kernel: kernel.3.cloned.1.call-start
scs
__scs_entry_jumppad:
0x0: {  	(pc) =	sbr.rel $0x88, $3  }
0x1: {  	(tag) =	ssettag $0x0;
	lr =	simm.s32 $0x1  }
0x2: {  	[smem:$0x3F9F] =	sst lr;
	_ =	strace $0xD0000000  }
0x3: {  	_ = 	snop  }
0x4: {  	_ = 	snop  }
0x5: {  	_ = 	snop  }
0x6: {  	_ = 	snop  }
0x7: {  	_ = 	snop  }
__scs_overlays_trampoline_lowered:
0x8: {  	[smem:$0x3FAE] =	sst s0  }
0x9: {  	[smem:$0x3FAF] =	sst s1  }
0xa: {  	[smem:$0x3FB0] =	sst s2  }
0xb: {  	[smem:$0x3FB1] =	sst s3  }
0xc: {  	[smem:$0x3FB2] =	sst s4  }
0xd: {  	[smem:$0x3FB3] =	sst s5  }
0xe: {  	[smem:$0x3FB4] =	sst s6  }
0xf: {  	[smem:$0x3FB5] =	sst s7  }
0x10: {  	[smem:$0x3FB6] =	sst s8  }
0x11: {  	[smem:$0x3FB7] =	sst s9;
	s0 =	simm.s32 @!p0 $0x0  }
0x12: {  	s1 =	sld [smem:$0x3F9D];
	s0 =	simm.s32 @p0 $0x1  }
0x13: {  	[smem:$0x3FB8] =	sst s0;
	s0 =	simm.s32 @!p1 $0x0  }
0x14: {  	s2 =	sld [smem:$0x3F9C];
	s0 =	simm.s32 @p1 $0x1  }
0x15: {  	[smem:$0x3FB9] =	sst s0;
	s0 =	simm.s32 @!p2 $0x0  }
0x16: {  	s3 =	sld [smem:$0x3FDB];
	s0 =	simm.s32 @p2 $0x1  }
0x17: {  	s4 =	simm.s32 $0x1BF5;
	[smem:$0x3FBB] =	sst s0  }
0x18: {  	s0 =	sld [smem:$0x3F9E];
	_ =	swait.ge [sflag:s4], $0x0  }
0x19: {  	s7 =	sld [smem:$0x3F9F]  }
0x1a: {  	s8 =	sadd.s32 $0xFFFFE003, lr  }
0x1b: {  	s9 =	sadd.s32 $0xFFFFFEF7, lr;
	s5 =	simm.s32 $0xFFFFFFFF;
	p2 =	slt.u32 s8, $0xFFFFF086  }
0x1c: {  	p1 =	slt.u32 s9, $0xF7A;
	s5 =	simm.s32 @!p2 $0x0  }
0x1d: {  	s5 =	simm.s32 @p1 $0x1;
	p0 =	seq.s32 s7, s2  }
0x1e: {  	s7 =	smul.u32 @!p0 $0xF7A, s2;
	p2 =	seq.s32 @!p0 s5, $0x0  }
0x1f: {  	s9 =	smul.u32 $0xF7A, s1;
	s8 =	simm.s32 @!p0 $0x1BF5;
	p2 =	por !p2, p0  }
0x20: {  	[sflag:s8] =	ssyncset.s32 @!p0 $0xFFFFF086;
	s6 =	sadd.s32 @!p0 s3, s7;
	s7 =	simm.s32 @!p0 $0x108  }
0x21: {  	s3 =	sadd.s32 s3, s9;
	s6 =	sadd.s32 @!p0 $0x88, s6;
	s7 =	simm.s32 @p2 $0x1082  }
0x22: {  	[simem:s7], [sflag:s8] =	dma.local @!p0 [hbm:s6], $0xF7A  }
0x23: {  	s9 =	sor.u32 $0xD0000000, s2;
	s6 =	simm.s32 $0x108;
	_ =	swait.ge @!p0 [sflag:s8], $0x0  }
0x24: {  	s3 =	sadd.s32 $0x88, s3;
	s6 =	simm.s32 @!p1 $0x1082;
	[sflag:s4] =	ssyncset.s32 $0xFFFFF086  }
0x25: {  	[simem:s6], [sflag:s4] =	dma.local [hbm:s3], $0xF7A  }
0x26: {  	[smem:$0x3F9F] =	sst s1;
	(tag) =	ssettag s2;
	_ =	strace s9  }
0x27: {  	s1 =	sld [smem:$0x3FAF]  }
0x28: {  	s2 =	sld [smem:$0x3FB0]  }
0x29: {  	s4 =	sld [smem:$0x3FB2]  }
0x2a: {  	p0 =	seq.s32 s5, $0x0;
	s5 =	sld [smem:$0x3FB3]  }
0x2b: {  	s6 =	sld [smem:$0x3FB4]  }
0x2c: {  	s7 =	sld [smem:$0x3FB5]  }
0x2d: {  	s3 =	simm.s32 $0x108;
	s8 =	sld [smem:$0x3FB6]  }
0x2e: {  	s3 =	simm.s32 @!p0 $0x1082;
	s9 =	sld [smem:$0x3FB7]  }
0x2f: {  	lr =	sadd.s32 s0, s3;
	s0 =	sld [smem:$0x3FAE]  }
0x30: {  	s3 =	sld [smem:$0x3FB1]  }
0x31: {  	[smem:$0x3FBA] =	sst s10  }
0x32: {  	s10 =	sld [smem:$0x3FB8];
	_ =	sdelay $0x3  }
0x33: {  	p0 =	seq.s32 s10, $0x1;
	s10 =	sld [smem:$0x3FBA];
	_ =	sdelay $0x3  }
0x34: {  	[smem:$0x3FBA] =	sst s10  }
0x35: {  	s10 =	sld [smem:$0x3FB9];
	_ =	sdelay $0x3  }
0x36: {  	p1 =	seq.s32 s10, $0x1;
	s10 =	sld [smem:$0x3FBA];
	_ =	sdelay $0x3  }
0x37: {  	[smem:$0x3FBA] =	sst s10  }
0x38: {  	s10 =	sld [smem:$0x3FBB]  }
0x39: {  	_ = 	snop;
	(pc) =	sbr.ind lr, $3  }
0x3a: {  	_ = 	snop  }
0x3b: {  	_ = 	snop  }
0x3c: {  	p2 =	seq.s32 s10, $0x1;
	s10 =	sld [smem:$0x3FBA]  }
0x3d: {  	_ =	shalt  }
0x3e: {  	_ =	shalt  }
0x3f: {  	_ =	shalt  }
0x40: {  	_ =	shalt  }
0x41: {  	_ =	shalt  }
0x42: {  	_ =	shalt  }
0x43: {  	_ =	shalt  }
0x44: {  	_ =	shalt  }
0x45: {  	_ =	shalt  }
0x46: {  	_ =	shalt  }
0x47: {  	_ =	shalt  }
0x48: {  	_ =	shalt  }
0x49: {  	_ =	shalt  }
0x4a: {  	_ =	shalt  }
0x4b: {  	_ =	shalt  }
0x4c: {  	_ =	shalt  }
0x4d: {  	_ =	shalt  }
0x4e: {  	_ =	shalt  }
0x4f: {  	_ =	shalt  }
0x50: {  	_ =	shalt  }
0x51: {  	_ =	shalt  }
0x52: {  	_ =	shalt  }
0x53: {  	_ =	shalt  }
0x54: {  	_ =	shalt  }
0x55: {  	_ =	shalt  }
0x56: {  	_ =	shalt  }
0x57: {  	_ =	shalt  }
0x58: {  	_ =	shalt  }
0x59: {  	_ =	shalt  }
0x5a: {  	_ =	shalt  }
0x5b: {  	_ =	shalt  }
0x5c: {  	_ =	shalt  }
0x5d: {  	_ =	shalt  }
0x5e: {  	_ =	shalt  }
0x5f: {  	_ =	shalt  }
0x60: {  	_ =	shalt  }
0x61: {  	_ =	shalt  }
0x62: {  	_ =	shalt  }
0x63: {  	_ =	shalt  }
0x64: {  	_ =	shalt  }
0x65: {  	_ =	shalt  }
0x66: {  	_ =	shalt  }
0x67: {  	_ =	shalt  }
0x68: {  	_ =	shalt  }
0x69: {  	_ =	shalt  }
0x6a: {  	_ =	shalt  }
0x6b: {  	_ =	shalt  }
0x6c: {  	_ =	shalt  }
0x6d: {  	_ =	shalt  }
0x6e: {  	_ =	shalt  }
0x6f: {  	_ =	shalt  }
0x70: {  	_ =	shalt  }
0x71: {  	_ =	shalt  }
0x72: {  	_ =	shalt  }
0x73: {  	_ =	shalt  }
0x74: {  	_ =	shalt  }
0x75: {  	_ =	shalt  }
0x76: {  	_ =	shalt  }
0x77: {  	_ =	shalt  }
0x78: {  	_ =	shalt  }
0x79: {  	_ =	shalt  }
0x7a: {  	_ =	shalt  }
0x7b: {  	_ =	shalt  }
0x7c: {  	_ =	shalt  }
0x7d: {  	_ =	shalt  }
0x7e: {  	_ =	shalt  }
0x7f: {  	_ =	shalt  }
0x80: {  	_ =	shalt  }
0x81: {  	_ =	shalt  }
0x82: {  	_ =	shalt  }
0x83: {  	_ =	shalt  }
0x84: {  	_ =	shalt  }
0x85: {  	_ =	shalt  }
0x86: {  	_ =	shalt  }
0x87: {  	_ =	shalt  }
.Lfunc_end0:
.L_simem_size_0:
called_computation_lowered:
.L_overlay_start_0:
0x88: {  	s2 =	sld [smem:$0x3FD9]  }
0x89: {  	s3 =	sld [smem:$0x3FFE];
	_ =	sdelay $0x1  }
0x8a: {  	s1 =	srdreg.scid  }
0x8b: {  	s0 =	sand.u32 $0x1, s1  }
0x8c: {  	s14 =	sshll.u32 s0, $0xA;
	s2 =	sadd.s32 s3, s2  }
0x8d: {  	s2 =	sadd.s32 s2, s14  }
0x8e: {  	[smem:$0x3FC6] =	sst s2  }
0x8f: {  	_ = 	snop  }
0x90: {  	s2 =	sld [smem:$0x3FD0];
	_ =	sdelay $0x2  }
0x91: {  	s15 =	simm.s32 $0xA;
	s4 =	simm.s32 $0x10  }
0x92: {  	[smem:s4], [sflag:s15] =	dma.local [hbm:s2], $0x1  }
0x93: {  	_ =	swait.eq [sflag:s15], $0x1  }
0x94: {  	[sflag:s15] =	ssyncset.done $0x0  }
0x95: {  	s16 =	sld [smem:$0x10];
	[sflag:s15] =	ssyncadd.s32 $0xFFFFFFFF  }
0x96: {  	s17 =	sld [smem:$0x11];
	(tm) =	ssettm $0x1  }
0x97: {  	s18 =	sld [smem:$0x3FFB];
	_ =	sdelay $0x3  }
0x98: {  	_ =	strace s18  }
0x99: {  	s4 =	sld [smem:$0x3FFC];
	_ =	sdelay $0x3  }
0x9a: {  	_ =	strace s4  }
0x9b: {  	s4 =	sld [smem:$0x3FFD];
	_ =	sdelay $0x3  }
0x9c: {  	_ =	strace s4  }
0x9d: {  	_ =	strace $0x8FFFFFFF  }
0x9e: {  	s19 =	sld [smem:$0x3FDB];
	_ =	sdelay $0x1  }
0x9f: {  	s5 =	simm.s32 $_scs_section_size  }
0xa0: {  	s6 =	simm.s32 $_size__tile_overlayer_lowered;
	s7 =	simm.s32 $_tile_overlayer_lowered  }
0xa1: {  	s22 =	simm.s32 $0x1BFF;
	s21 =	sshll.u32 s7, $0x1;
	s4 =	sadd.s32 s5, s19  }
0xa2: {  	s8 =	simm.s32 $0x0;
	s20 =	sshll.u32 s6, $0x1;
	s6 =	sadd.s32 s21, s4  }
0xa3: {  	[timem:s8], [sflag:s22] =	dma.local [hbm:s6], s20  }
0xa4: {  	_ =	swait.ge [sflag:s22], s20  }
0xa5: {  	s5 =	ssub.s32 $0x0, s20;
	[sflag:s22] =	ssyncset.done $0x0  }
0xa6: {  	[sflag:s22] =	ssyncadd.s32 s5;
	_ =	sdelay $0x1  }
0xa7: {  	s23 =	simm.s32 $0x1B8B  }
0xa8: {  	_ =	swait.ge [sflag:s23], $0x1  }
0xa9: {  	[sflag:s23] =	ssyncset.done $0x0  }
0xaa: {  	s25 =	simm.s32 $0x1B8E;
	s24 =	sld [smem:$0x3FFE];
	[sflag:s23] =	ssyncadd.s32 $0xFFFFFFFF  }
0xab: {  	s26 =	simm.s32 $execute0_lowered;
	[smem:$0x3FD2] =	sst s25  }
0xac: {  	s6 =	sshll.u32 s26, $0x1;
	_ =	strace $0x80000046;
	[dreg:$0x1] =	wrdreg $0xFFFFFFFF  }
0xad: {  	s28 =	simm.s32 $_size_execute0_lowered;
	s4 =	sadd.s32 s4, s6;
	[dreg:$0x0] =	wrdreg $0x0  }
0xae: {  	s6 =	sshll.u32 s28, $0x1;
	[dreg:$0x2] =	wrdreg s4  }
0xaf: {  	[dreg:$0x3] =	wrdreg s6  }
0xb0: {  	[dreg:$0x4] =	wrdreg $0xC0  }
0xb1: {  	_ =	task [dreg:s8], $0x5FFFF  }
0xb2: {  	[dreg:$0x1] =	wrdreg $0xFFFFFFFF  }
0xb3: {  	[dreg:$0x0] =	wrdreg $0x60  }
0xb4: {  	[dreg:$0x2] =	wrdreg s24  }
0xb5: {  	[dreg:$0x3] =	wrdreg s16  }
0xb6: {  	[dreg:$0x4] =	wrdreg s17  }
0xb7: {  	[dreg:$0x5] =	wrdreg $0x9  }
0xb8: {  	_ =	task.clear_ibuf [dreg:s8], $0x6FFFF;
	_ =	strace $0x90000046  }
0xb9: {  	s29 =	simm.s32 $0x9;
	_ =	strace $0x80000048  }
0xba: {  	_ =	swait.ge [sflag:s29], $0x1  }
0xbb: {  	[sflag:s29] =	ssyncadd.s32 $0xFFFFFFFF  }
0xbc: {  	_ =	strace $0x90000048  }
0xbd: {  	_ =	sfence  }
0xbe: {  	s30 =	sld [smem:$0x0];
	_ =	sdelay $0x2  }
0xbf: {  	s31 =	sshll.u32 s1, $0xD;
	s1 =	sshrl.u32 s1, $0x2  }
0xc0: {  	s3 =	sand.u32 $0x4000, s31;
	s1 =	sadd.s32 s1, s30  }
0xc1: {  	s0 =	sor.u32 s3, s0;
	s1 =	sshll.u32 s1, $0x11  }
0xc2: {  	s0 =	sor.u32 s1, s0  }
0xc3: {  	s0 =	sadd.s32 $0x8F2B, s0  }
0xc4: {  	[sflag:s0] =	ssyncadd.remote.s32 $0x1  }
0xc5: {  	_ =	sfence.sel $0xFFFF  }
0xc6: {  	[dreg:$0x0] =	wrdreg $0xFFFFFFFF;
	(pc) =	sbr.abs _section_cstart, $3  }
0xc7: {  	[dreg:$0x1] =	wrdreg $0xFFFFFFFF  }
0xc8: {  	_ =	task.clear_ibuf [dreg:s8], $0x2FFFF;
	_ =	strace $0x9FFFFFFF  }
0xc9: {  	(tm) =	ssettm $0x7FFFFFFF  }
tec
execute0_lowered:
.L_overlay_start_1:
0x0: {  	(tag) =	ssettag $0x1  }
0x1: {  	s0 =	rddreg [dreg:$0x0]  }
0x2: {  	s1 =	rddreg [dreg:$0x1]  }
0x3: {  	s3 =	rddreg [dreg:$0x2]  }
0x4: {  	s2 =	simm.s32 $0x0;
	s4 =	srdreg.scid;
	s9 =	stileid.u32  }
0x5: {  	s13 =	simm.s32 $0x1;
	s15 =	simm.s32 $0x3;
	s16 =	simm.s32 $0x16080  }
0x6: {  	s17 =	simm.s32 $0x17080;
	s18 =	simm.s32 $0x18080;
	s19 =	simm.s32 $0x80  }
0x7: {  	s20 =	simm.s32 $0x400;
	[smem:$0x7FF] =	sst s2;
	s4 =	sand.u32 $0x1, s4  }
0x8: {  	s5 =	sshll.u32 s9, $0x2;
	s7 =	sadd.s32 $0x31000, s0;
	s0 =	sadd.s32 $0x1000, s0  }
0x9: {  	s23 =	sshll.u32 s9, $0xF;
	s6 =	sshll.u32 s4, $0x1;
	s4 =	ssub.s32 $0x2, s4  }
0xa: {  	_ =	strace $0x80000047;
	s5 =	sor.u32 s6, s5;
	s22 =	sshrl.u32 s4, $0x1  }
0xb: {  	s8 =	smul.u32 $0xC00, s5;
	s24 =	sshll.u32 s5, $0x7;
	s5 =	sor.u32 $0x1, s5  }
0xc: {  	s4 =	ssub.s32 s4, s22;
	s9 =	sor.u32 s23, s24;
	s25 =	smul.u32 $0xC00, s5  }
0xd: {  	s5 =	sshll.u32 s5, $0x7;
	s11 =	smax.u32 s4, $0x1;
	s24 =	simm.s32 $0x4  }
0xe: {  	s10 =	sadd.s32 s7, s8;
	s9 =	sand.u32 $0x70300, s9;
	s8 =	sadd.s32 s0, s8  }
0xf: {  	s5 =	sor.u32 s23, s5;
	s23 =	simm.s32 $0x2;
	[dreg:$0x4] =	wrdreg s10  }
0x10: {  	[dreg:$0x5] =	wrdreg s8;
	s26 =	sshrl.u32 s9, $0x3;
	s28 =	sadd.s32 s7, s25  }
0x11: {  	s5 =	sand.u32 $0x70380, s5;
	s8 =	sadd.s32 s0, s25;
	s25 =	simm.s32 $0x5  }
0x12: {  	[dreg:$0x6] =	wrdreg s28;
	s29 =	sadd.s32 s1, s26;
	s30 =	sadd.s32 s3, s26  }
0x13: {  	v0 =	vimm.s32 $0x0;
	v1 =	vlaneseq.u32;
	v2 =	vimm.s32 $0x1;
	s31 =	sshrl.u32 s5, $0x3;
	s26 =	simm.s32 $0x0;
	[dreg:$0x7] =	wrdreg s29  }
0x14: {  	v3 =	vimm.s32 $0x7FFFFFFF;
	v4 =	vimm.f32 $0.0e+00;
	v5 =	vimm.f32 $3.200000000e+01;
	[dreg:$0x8] =	wrdreg s30;
	s9 =	sadd.s32 s1, s31;
	s10 =	sadd.s32 s3, s31  }
.LBB2_1:
0x15: {  	s0 =	rddreg [dreg:$0x4]  }
0x16: {  	[tilespmem:s2], [sflag:$0x1] =	stream.linear.gather [hbm4b:s0+s2], $0x6000, $0x38;
	[tilespmem:$0x1D080] =	vst v63  }
0x17: {  	s29 =	rddreg [dreg:$0x5];
	s1 =	simm.s32 $0xC000  }
0x18: {  	[tilespmem:s1], [sflag:$0x3] =	stream.linear.gather [hbm4b:s29+s2], $0x6000, $0x38;
	[tilespmem:$0x1D080] =	vst v63  }
0x19: {  	_ =	swait.ge [sflag:s13], $0x6000  }
0x1a: {  	s31 =	simm.s32 $0x6000;
	[sflag:s13] =	ssyncset.done $0x0  }
0x1b: {  	s1 =	simm.s32 $0x160A0;
	s30 =	rddreg [dreg:$0x6];
	[sflag:s13] =	ssyncadd.s32 $0xFFFFA000  }
0x1c: {  	[tilespmem:s31], [sflag:$0x2] =	stream.linear.gather [hbm4b:s30+s2], $0x6000, $0x38;
	[tilespmem:$0x1D080] =	vst v63  }
0x1d: {  	[tilespmem:s1+$0xFFFFFFE0] =	vst v0  }
0x1e: {  	[tilespmem:s1+$0x10] =	vst v0  }
0x1f: {  	[tilespmem:s1+$0x0] =	vst v0  }
0x20: {  	s0 =	simm.s32 $0x0;
	[tilespmem:s1+$0xFFFFFFF0] =	vst v0  }
0x21: {  	v7 =	vld [tilespmem:s0+$0x2050]  }
0x22: {  	v6 =	vld [tilespmem:s0+$0x4070]  }
0x23: {  	v10 =	vld [tilespmem:s0+$0x20]  }
0x24: {  	v8 =	vld [tilespmem:s0+$0x2020]  }
0x25: {  	v9 =	vld [tilespmem:s0+$0x30]  }
0x26: {  	v13 =	vld [tilespmem:s0+$0x4050]  }
0x27: {  	v20 =	vld [tilespmem:s0+$0x0]  }
0x28: {  	v12 =	vld [tilespmem:s0+$0x2030]  }
0x29: {  	v11 =	vld [tilespmem:s0+$0x4020]  }
0x2a: {  	v19 =	vimm.f32 $0.0e+00;
	v18 =	vimm.f32 $0.0e+00;
	v15 =	vimm.f32 $0.0e+00;
	v21 =	vld [tilespmem:s0+$0x4030]  }
0x2b: {  	s14 =	simm.s32 $0x200;
	v14 =	vimm.f32 $0.0e+00;
	v17 =	vimm.f32 $0.0e+00;
	v16 =	vimm.f32 $0.0e+00;
	v22 =	vld [tilespmem:s0+$0x4010]  }
.LBB2_2:
0x2c: {  	p0 =	sne.s32 s14, $0x7E00  }
0x2d: {  	v23 =	vld [tilespmem:s0+$0x4000];
	s1 =	sadd.s32 $0x40, s1;
	s3 =	smov.u32 s14;
	s14 =	sadd.s32 $0x200, s14  }
0x2e: {  	v24 =	vld [tilespmem:s0+$0x2010]  }
0x2f: {  	v25 =	vld [tilespmem:s0+$0x10]  }
0x30: {  	v26 =	vld [tilespmem:s0+$0x2000]  }
0x31: {  	v19 =	vadd.f32 v22, v19;
	v22 =	vld [tilespmem:s0+$0x2040]  }
0x32: {  	v18 =	vadd.f32 v23, v18;
	v23 =	vld [tilespmem:s0+$0x40]  }
0x33: {  	v15 =	vadd.f32 v20, v15;
	v20 =	vld [tilespmem:s0+$0x4040]  }
0x34: {  	v19 =	vadd.f32 v21, v19;
	v21 =	vld [tilespmem:s0+$0x50]  }
0x35: {  	v17 =	vadd.f32 v24, v17;
	v14 =	vadd.f32 v25, v14;
	v24 =	vld [tilespmem:s0+$0x60]  }
0x36: {  	v16 =	vadd.f32 v26, v16;
	v13 =	vadd.f32 v13, v19;
	v19 =	vld [tilespmem:s0+$0x4060]  }
0x37: {  	v10 =	vadd.f32 v10, v15;
	v12 =	vadd.f32 v12, v17;
	v17 =	vld [tilespmem:s0+$0x70]  }
0x38: {  	v9 =	vadd.f32 v9, v14;
	v8 =	vadd.f32 v8, v16;
	v25 =	vld [tilespmem:s0+$0x2070]  }
0x39: {  	v11 =	vadd.f32 v11, v18;
	v10 =	vadd.f32 v23, v10;
	v16 =	vld [tilespmem:s0+$0x2060]  }
0x3a: {  	v8 =	vadd.f32 v22, v8;
	v9 =	vadd.f32 v21, v9;
	[tilespmem:s1+$0xFFFFFFE0] =	vst v0  }
0x3b: {  	v11 =	vadd.f32 v20, v11;
	v15 =	vadd.f32 v24, v10;
	[tilespmem:s1+$0x10] =	vst v0  }
0x3c: {  	v10 =	vadd.f32 v7, v12;
	[tilespmem:s1+$0x0] =	vst v0;
	v14 =	vadd.f32 v17, v9  }
0x3d: {  	s0 =	sshra.s32 s3, $0x2;
	v18 =	vadd.f32 v19, v11;
	v19 =	vadd.f32 v6, v13;
	[tilespmem:s1+$0xFFFFFFF0] =	vst v0  }
0x3e: {  	v17 =	vadd.f32 v25, v10;
	v7 =	vld [tilespmem:s0+$0x2050];
	v16 =	vadd.f32 v16, v8  }
0x3f: {  	v6 =	vld [tilespmem:s0+$0x4070]  }
0x40: {  	v10 =	vld [tilespmem:s0+$0x20]  }
0x41: {  	v8 =	vld [tilespmem:s0+$0x2020]  }
0x42: {  	v9 =	vld [tilespmem:s0+$0x30]  }
0x43: {  	v13 =	vld [tilespmem:s0+$0x4050]  }
.Ltmp0:
0x44: {  	v20 =	vld [tilespmem:s0+$0x0];
	(pc) =	sbr.rel @p0 .LBB2_2-.Ltmp0, $4  }
0x45: {  	v12 =	vld [tilespmem:s0+$0x2030]  }
0x46: {  	v11 =	vld [tilespmem:s0+$0x4020]  }
0x47: {  	v21 =	vld [tilespmem:s0+$0x4030]  }
0x48: {  	v22 =	vld [tilespmem:s0+$0x4010]  }
0x49: {  	v23 =	vld [tilespmem:s0+$0x4000]  }
0x4a: {  	v24 =	vld [tilespmem:s0+$0x2010]  }
0x4b: {  	v25 =	vld [tilespmem:s0+$0x10]  }
0x4c: {  	v26 =	vld [tilespmem:s0+$0x2000]  }
0x4d: {  	v28 =	vld [tilespmem:s0+$0x40];
	v15 =	vadd.f32 v20, v15  }
0x4e: {  	v27 =	vld [tilespmem:s0+$0x2040]  }
0x4f: {  	v57 =	vld [tilespmem:s0+$0x4040];
	v10 =	vadd.f32 v10, v15;
	v19 =	vadd.f32 v22, v19  }
0x50: {  	v59 =	vld [tilespmem:s0+$0x60];
	v18 =	vadd.f32 v23, v18;
	v14 =	vadd.f32 v25, v14  }
0x51: {  	v58 =	vld [tilespmem:s0+$0x50];
	v17 =	vadd.f32 v24, v17;
	v16 =	vadd.f32 v26, v16  }
0x52: {  	v61 =	vld [tilespmem:s0+$0x70];
	v10 =	vadd.f32 v28, v10;
	v19 =	vadd.f32 v21, v19  }
0x53: {  	v62 =	vld [tilespmem:s0+$0x2070];
	v12 =	vadd.f32 v12, v17;
	v8 =	vadd.f32 v8, v16  }
0x54: {  	v63 =	vld [tilespmem:s0+$0x2060];
	v9 =	vadd.f32 v9, v14;
	v11 =	vadd.f32 v11, v18  }
0x55: {  	v60 =	vld [tilespmem:s0+$0x4060];
	v10 =	vadd.f32 v59, v10;
	v13 =	vadd.f32 v13, v19  }
0x56: {  	v8 =	vadd.f32 v27, v8;
	v9 =	vadd.f32 v58, v9  }
0x57: {  	v11 =	vadd.f32 v57, v11;
	v7 =	vadd.f32 v7, v12  }
0x58: {  	v6 =	vadd.f32 v6, v13;
	v9 =	vadd.f32 v61, v9  }
0x59: {  	v8 =	vadd.f32 v63, v8;
	v7 =	vadd.f32 v62, v7  }
0x5a: {  	v11 =	vadd.f32 v60, v11;
	v9 =	vadd.f32 v9, v10  }
0x5b: {  	v7 =	vadd.f32 v7, v8  }
0x5c: {  	v6 =	vadd.f32 v6, v11;
	(xrf2) =	vadd.scan.msk.f32 $0xffff, v9  }
0x5d: {  	(xrf2) =	vadd.scan.msk.f32 $0xffff, v7  }
0x5e: {  	(xrf2) =	vadd.scan.msk.f32 $0xffff, v6;
	_ =	sdelay $0x7  }
0x5f: {  	v6, _, _ =	vpop (xrf2)  }
0x60: {  	v7, _, _ =	vpop (xrf2);
	(v2sf) =	vpush v6, $0xF  }
0x61: {  	(v2sf) =	vpush v7, $0xF;
	v6, _, _ =	vpop (xrf2)  }
0x62: {  	(v2sf) =	vpush v6, $0xF;
	_ =	sdelay $0xc  }
0x63: {  	s31 =	spop (v2sf)  }
0x64: {  	s1 =	spop (v2sf);
	s0 =	smul.f32 $1.220703130e-04, s31  }
0x65: {  	s1 =	smul.f32 $1.220703130e-04, s1;
	s3 =	spop (v2sf)  }
0x66: {  	s3 =	smul.f32 $1.220703130e-04, s3;
	_ =	swait.ge [sflag:s15], $0x6000  }
0x67: {  	[sflag:s15] =	ssyncset.done $0x0  }
0x68: {  	s28 =	simm.s32 $0x0;
	v6 =	vmov s0;
	s0 =	simm.s32 $0x0;
	v7 =	vmov s1;
	[sflag:s15] =	ssyncadd.s32 $0xFFFFA000;
	v8 =	vmov s3  }
.LBB2_4:
0x69: {  	s1 =	sshra.s32 s0, $0x2  }
0x6a: {  	v9 =	vld [tilespmem:s1+$0xC000]  }
0x6b: {  	v10 =	vld [tilespmem:s1+$0xE000];
	_ =	sdelay $0x1  }
0x6c: {  	v11 =	vld [tilespmem:s1+$0x10000];
	_ =	sdelay $0x2  }
0x6d: {  	v9 =	vsub.f32 v9, v6;
	v10 =	vsub.f32 v10, v7;
	_ =	sdelay $0x1  }
0x6e: {  	v11 =	vsub.f32 v11, v8;
	v9 =	vmul.f32 v9, v9;
	v10 =	vmul.f32 v10, v10;
	_ =	sdelay $0x1  }
0x6f: {  	v9 =	vadd.f32 v10, v9;
	v10 =	vmul.f32 v11, v11;
	_ =	sdelay $0x1  }
0x70: {  	v9 =	vadd.f32 v10, v9;
	_ =	sdelay $0x1  }
0x71: {  	v10 =	vshra.s32 v9, $0x13  }
0x72: {  	v10 =	vand.u32 $0xFFFFFFF0, v10  }
0x73: {  	v10 =	vor.u32 v1, v10;
	_ =	sdelay $0x3  }
0x74: {  	[tilespmem:s1+$0x12000] =	vst v9  }
0x75: {  	[tilespmem:v10+s16+$0x0] =	vst.idx.add.s32.msk $0xffff, v2  }
0x76: {  	v9 =	vld [tilespmem:s1+$0xC010]  }
0x77: {  	v10 =	vld [tilespmem:s1+$0xE010];
	_ =	sdelay $0x1  }
0x78: {  	v11 =	vld [tilespmem:s1+$0x10010];
	_ =	sdelay $0x2  }
0x79: {  	v9 =	vsub.f32 v9, v6;
	v10 =	vsub.f32 v10, v7;
	_ =	sdelay $0x1  }
0x7a: {  	v11 =	vsub.f32 v11, v8;
	v9 =	vmul.f32 v9, v9;
	v10 =	vmul.f32 v10, v10;
	_ =	sdelay $0x1  }
0x7b: {  	v9 =	vadd.f32 v10, v9;
	v10 =	vmul.f32 v11, v11;
	_ =	sdelay $0x1  }
0x7c: {  	v9 =	vadd.f32 v10, v9;
	_ =	sdelay $0x1  }
0x7d: {  	v10 =	vshra.s32 v9, $0x13  }
0x7e: {  	v10 =	vand.u32 $0xFFFFFFF0, v10  }
0x7f: {  	v10 =	vor.u32 v1, v10;
	_ =	sdelay $0x3  }
0x80: {  	[tilespmem:s1+$0x12010] =	vst v9  }
0x81: {  	[tilespmem:v10+s16+$0x0] =	vst.idx.add.s32.msk $0xffff, v2  }
0x82: {  	v9 =	vld [tilespmem:s1+$0xC020]  }
0x83: {  	v10 =	vld [tilespmem:s1+$0xE020];
	_ =	sdelay $0x1  }
0x84: {  	v11 =	vld [tilespmem:s1+$0x10020];
	_ =	sdelay $0x2  }
0x85: {  	v9 =	vsub.f32 v9, v6;
	v10 =	vsub.f32 v10, v7;
	_ =	sdelay $0x1  }
0x86: {  	v11 =	vsub.f32 v11, v8;
	v9 =	vmul.f32 v9, v9;
	v10 =	vmul.f32 v10, v10;
	_ =	sdelay $0x1  }
0x87: {  	v9 =	vadd.f32 v10, v9;
	v10 =	vmul.f32 v11, v11;
	_ =	sdelay $0x1  }
0x88: {  	v9 =	vadd.f32 v10, v9;
	_ =	sdelay $0x1  }
0x89: {  	v10 =	vshra.s32 v9, $0x13  }
0x8a: {  	v10 =	vand.u32 $0xFFFFFFF0, v10  }
0x8b: {  	v10 =	vor.u32 v1, v10;
	_ =	sdelay $0x3  }
0x8c: {  	[tilespmem:s1+$0x12020] =	vst v9  }
0x8d: {  	[tilespmem:v10+s16+$0x0] =	vst.idx.add.s32.msk $0xffff, v2  }
0x8e: {  	v9 =	vld [tilespmem:s1+$0xC030]  }
0x8f: {  	v10 =	vld [tilespmem:s1+$0xE030];
	_ =	sdelay $0x1  }
0x90: {  	v11 =	vld [tilespmem:s1+$0x10030];
	_ =	sdelay $0x2  }
0x91: {  	v9 =	vsub.f32 v9, v6;
	v10 =	vsub.f32 v10, v7;
	_ =	sdelay $0x1  }
0x92: {  	v11 =	vsub.f32 v11, v8;
	v9 =	vmul.f32 v9, v9;
	v10 =	vmul.f32 v10, v10;
	_ =	sdelay $0x1  }
0x93: {  	v9 =	vadd.f32 v10, v9;
	v10 =	vmul.f32 v11, v11;
	_ =	sdelay $0x1  }
0x94: {  	v9 =	vadd.f32 v10, v9;
	_ =	sdelay $0x1  }
0x95: {  	v10 =	vshra.s32 v9, $0x13  }
0x96: {  	v10 =	vand.u32 $0xFFFFFFF0, v10  }
0x97: {  	v10 =	vor.u32 v1, v10;
	_ =	sdelay $0x3  }
0x98: {  	[tilespmem:s1+$0x12030] =	vst v9  }
0x99: {  	[tilespmem:v10+s16+$0x0] =	vst.idx.add.s32.msk $0xffff, v2  }
0x9a: {  	v9 =	vld [tilespmem:s1+$0xC040]  }
0x9b: {  	v10 =	vld [tilespmem:s1+$0xE040];
	_ =	sdelay $0x1  }
0x9c: {  	v11 =	vld [tilespmem:s1+$0x10040];
	_ =	sdelay $0x2  }
0x9d: {  	v9 =	vsub.f32 v9, v6;
	v10 =	vsub.f32 v10, v7;
	_ =	sdelay $0x1  }
0x9e: {  	v11 =	vsub.f32 v11, v8;
	v9 =	vmul.f32 v9, v9;
	v10 =	vmul.f32 v10, v10;
	_ =	sdelay $0x1  }
0x9f: {  	v9 =	vadd.f32 v10, v9;
	v10 =	vmul.f32 v11, v11;
	_ =	sdelay $0x1  }
0xa0: {  	v9 =	vadd.f32 v10, v9;
	_ =	sdelay $0x1  }
0xa1: {  	v10 =	vshra.s32 v9, $0x13  }
0xa2: {  	v10 =	vand.u32 $0xFFFFFFF0, v10  }
0xa3: {  	v10 =	vor.u32 v1, v10;
	_ =	sdelay $0x3  }
0xa4: {  	[tilespmem:s1+$0x12040] =	vst v9  }
0xa5: {  	[tilespmem:v10+s16+$0x0] =	vst.idx.add.s32.msk $0xffff, v2  }
0xa6: {  	v9 =	vld [tilespmem:s1+$0xC050]  }
0xa7: {  	v10 =	vld [tilespmem:s1+$0xE050];
	_ =	sdelay $0x1  }
0xa8: {  	v11 =	vld [tilespmem:s1+$0x10050];
	_ =	sdelay $0x2  }
0xa9: {  	v9 =	vsub.f32 v9, v6;
	v10 =	vsub.f32 v10, v7;
	_ =	sdelay $0x1  }
0xaa: {  	v11 =	vsub.f32 v11, v8;
	v9 =	vmul.f32 v9, v9;
	v10 =	vmul.f32 v10, v10;
	_ =	sdelay $0x1  }
0xab: {  	v9 =	vadd.f32 v10, v9;
	v10 =	vmul.f32 v11, v11;
	_ =	sdelay $0x1  }
0xac: {  	v9 =	vadd.f32 v10, v9;
	_ =	sdelay $0x1  }
0xad: {  	v10 =	vshra.s32 v9, $0x13  }
0xae: {  	v10 =	vand.u32 $0xFFFFFFF0, v10  }
0xaf: {  	v10 =	vor.u32 v1, v10;
	_ =	sdelay $0x3  }
0xb0: {  	[tilespmem:s1+$0x12050] =	vst v9  }
0xb1: {  	[tilespmem:v10+s16+$0x0] =	vst.idx.add.s32.msk $0xffff, v2  }
0xb2: {  	v9 =	vld [tilespmem:s1+$0xC060]  }
0xb3: {  	v10 =	vld [tilespmem:s1+$0xE060];
	_ =	sdelay $0x1  }
0xb4: {  	v11 =	vld [tilespmem:s1+$0x10060];
	_ =	sdelay $0x2  }
0xb5: {  	v9 =	vsub.f32 v9, v6;
	v10 =	vsub.f32 v10, v7;
	_ =	sdelay $0x1  }
0xb6: {  	v11 =	vsub.f32 v11, v8;
	v9 =	vmul.f32 v9, v9;
	v10 =	vmul.f32 v10, v10;
	_ =	sdelay $0x1  }
0xb7: {  	v9 =	vadd.f32 v10, v9;
	v10 =	vmul.f32 v11, v11;
	_ =	sdelay $0x1  }
0xb8: {  	v9 =	vadd.f32 v10, v9;
	_ =	sdelay $0x1  }
0xb9: {  	v10 =	vshra.s32 v9, $0x13  }
0xba: {  	v10 =	vand.u32 $0xFFFFFFF0, v10  }
0xbb: {  	v10 =	vor.u32 v1, v10;
	_ =	sdelay $0x3  }
0xbc: {  	[tilespmem:s1+$0x12060] =	vst v9  }
0xbd: {  	[tilespmem:v10+s16+$0x0] =	vst.idx.add.s32.msk $0xffff, v2  }
0xbe: {  	v9 =	vld [tilespmem:s1+$0xC070]  }
0xbf: {  	v10 =	vld [tilespmem:s1+$0xE070];
	_ =	sdelay $0x1  }
0xc0: {  	v11 =	vld [tilespmem:s1+$0x10070];
	_ =	sdelay $0x2  }
0xc1: {  	v9 =	vsub.f32 v9, v6;
	v10 =	vsub.f32 v10, v7;
	_ =	sdelay $0x1  }
0xc2: {  	v11 =	vsub.f32 v11, v8;
	v9 =	vmul.f32 v9, v9;
	v10 =	vmul.f32 v10, v10;
	_ =	sdelay $0x1  }
0xc3: {  	v9 =	vadd.f32 v10, v9;
	v10 =	vmul.f32 v11, v11;
	_ =	sdelay $0x1  }
0xc4: {  	v9 =	vadd.f32 v10, v9;
	_ =	sdelay $0x1  }
0xc5: {  	v10 =	vshra.s32 v9, $0x13  }
0xc6: {  	v10 =	vand.u32 $0xFFFFFFF0, v10  }
0xc7: {  	p0 =	sne.s32 s0, $0x7E00;
	v10 =	vor.u32 v1, v10  }
.Ltmp1:
0xc8: {  	_ = 	snop;
	(pc) =	sbr.rel @p0 .LBB2_4-.Ltmp1, $3  }
0xc9: {  	_ =	sdelay $0x1  }
0xca: {  	[tilespmem:s1+$0x12070] =	vst v9  }
0xcb: {  	s0 =	sadd.s32 $0x200, s0;
	[tilespmem:v10+s16+$0x0] =	vst.idx.add.s32.msk $0xffff, v2  }
0xcc: {  	s0 =	simm.s32 $0x17090  }
0xcd: {  	s1 =	simm.s32 $0x16090;
	[tilespmem:s0+$0xFFFFFFF0] =	vst v0  }
0xce: {  	v6 =	vld [tilespmem:s1+$0xFFFFFFF0]  }
0xcf: {  	[tilespmem:s0+$0x0] =	vst v0  }
0xd0: {  	v7 =	vld [tilespmem:s1+$0x0];
	_ =	sdelay $0x2  }
0xd1: {  	(xrf0) =	vadd.scan.msk.s32 $0xffff, v6;
	_ =	sdelay $0x1  }
0xd2: {  	(xrf0) =	vadd.scan.msk.s32 $0xffff, v7;
	_ =	sdelay $0x3  }
0xd3: {  	v6, _, _ =	vpop (xrf0)  }
0xd4: {  	(v2sf) =	vpush v6, $0xF  }
0xd5: {  	s1 =	simm.s32 $0x170B0;
	v6, _, _ =	vpop (xrf0)  }
0xd6: {  	s3 =	simm.s32 $0x160B0;
	[tilespmem:s1+$0xFFFFFFF0] =	vst v0;
	(v2sf) =	vpush v6, $0xF  }
0xd7: {  	v6 =	vld [tilespmem:s3+$0xFFFFFFF0]  }
0xd8: {  	[tilespmem:s1+$0x0] =	vst v0  }
0xd9: {  	v7 =	vld [tilespmem:s3+$0x0];
	_ =	sdelay $0x1  }
0xda: {  	s4 =	simm.s32 $0x170D0  }
0xdb: {  	s5 =	simm.s32 $0x160D0;
	[tilespmem:s4+$0xFFFFFFF0] =	vst v0;
	(xrf0) =	vadd.scan.msk.s32 $0xffff, v6  }
0xdc: {  	v8 =	vld [tilespmem:s5+$0xFFFFFFF0]  }
0xdd: {  	(xrf0) =	vadd.scan.msk.s32 $0xffff, v7;
	_ =	sdelay $0x2  }
0xde: {  	[tilespmem:s4+$0x0] =	vst v0  }
0xdf: {  	v9 =	vld [tilespmem:s5+$0x0];
	(xrf0) =	vadd.scan.msk.s32 $0xffff, v8;
	v6, _, _ =	vpop (xrf0)  }
0xe0: {  	s6 =	spop (v2sf);
	(v2sf) =	vpush v6, $0xF  }
0xe1: {  	v7, _, _ =	vpop (xrf0)  }
0xe2: {  	s7 =	spop (v2sf);
	(v2sf) =	vpush v7, $0xF  }
0xe3: {  	p0 =	por $0x0, $0x0;
	s30 =	simm.s32 $0x2  }
0xe4: {  	s14 =	simm.s32 $0x4;
	s12 =	simm.s32 $0x8;
	s21 =	simm.s32 $0x160F0;
	(xrf0) =	vadd.scan.msk.s32 $0xffff, v9  }
0xe5: {  	s22 =	simm.s32 $0x170F0;
	s29 =	simm.s32 $0x0;
	v8, _, _ =	vpop (xrf0);
	s31 =	sadd.s32 $0x0, s6  }
0xe6: {  	p1 =	por !p0, !p0;
	s1 =	simm.s32 $0x6;
	p2 =	sgt.s32 s31, $0x15E7;
	(v2sf) =	vpush v8, $0xF  }
0xe7: {  	[tilespmem:s22+$0xFFFFFFF0] =	vst v0;
	s0 =	sadd.s32 s31, s7;
	p1 =	por !p2, !p1;
	p2 =	por p0, p2  }
0xe8: {  	s3 =	simm.s32 $0x1;
	v6 =	vld [tilespmem:s21+$0xFFFFFFF0];
	p3 =	sgt.s32 s0, $0x15E7;
	p6 =	por !p2, !p2  }
0xe9: {  	[tilespmem:s22+$0x0] =	vst v0;
	p0 =	por !p1, !p1;
	p1 =	por p2, p3;
	p4 =	por !p3, !p6  }
0xea: {  	v7 =	vld [tilespmem:s21+$0x0];
	v8, _, _ =	vpop (xrf0);
	s29 =	smov.u32 @p0 s29;
	s28 =	smov.u32 @p0 s28;
	p0 =	por !p4, !p4  }
.LBB2_6:
0xeb: {  	p2 =	sne.s32 s12, $0xFE;
	s29 =	smov.u32 @p0 s3;
	s28 =	smov.u32 @p0 s31  }
0xec: {  	(v2sf) =	vpush v8, $0xF;
	s4 =	smov.u32 s30;
	s30 =	smov.u32 s14;
	s14 =	smov.u32 s1  }
0xed: {  	s1 =	smov.u32 s12;
	s12 =	sadd.s32 $0x2, s12;
	s5 =	smov.u32 s0;
	(xrf0) =	vadd.scan.msk.s32 $0xffff, v6  }
0xee: {  	_ = 	snop  }
0xef: {  	s21 =	sadd.s32 $0x20, s21;
	(xrf0) =	vadd.scan.msk.s32 $0xffff, v7;
	s3 =	spop (v2sf)  }
0xf0: {  	s22 =	sadd.s32 $0x20, s22;
	p0 =	por !p1, !p1;
	s31 =	sadd.s32 s0, s3  }
.Ltmp2:
0xf1: {  	[tilespmem:s22+$0xFFFFFFF0] =	vst v0;
	p3 =	sgt.s32 s31, $0x15E7;
	s0 =	spop (v2sf);
	(pc) =	sbr.rel @p2 .LBB2_6-.Ltmp2, $4  }
0xf2: {  	v6 =	vld [tilespmem:s21+$0xFFFFFFF0];
	p0 =	por !p3, !p0;
	p1 =	por p1, p3;
	s0 =	sadd.s32 s31, s0  }
0xf3: {  	[tilespmem:s22+$0x0] =	vst v0;
	v8, _, _ =	vpop (xrf0);
	p0 =	por !p0, !p0;
	p3 =	por !p1, !p1;
	p4 =	sgt.s32 s0, $0x15E7  }
0xf4: {  	s3 =	sadd.s32 $0x1, s4;
	v7 =	vld [tilespmem:s21+$0x0];
	(v2sf) =	vpush v8, $0xF;
	p3 =	por !p4, !p3;
	p1 =	por p1, p4  }
0xf5: {  	s29 =	smov.u32 @p0 s4;
	s28 =	smov.u32 @p0 s5;
	v8, _, _ =	vpop (xrf0);
	p0 =	por !p3, !p3  }
0xf6: {  	_ = 	snop  }
0xf7: {  	(xrf0) =	vadd.scan.msk.s32 $0xffff, v6;
	_ =	sdelay $0x2  }
0xf8: {  	(xrf0) =	vadd.scan.msk.s32 $0xffff, v7;
	_ =	sdelay $0x1  }
0xf9: {  	(v2sf) =	vpush v8, $0xF  }
0xfa: {  	v6, _, _ =	vpop (xrf0)  }
0xfb: {  	(v2sf) =	vpush v6, $0xF;
	_ =	sdelay $0x1  }
0xfc: {  	v6, _, _ =	vpop (xrf0)  }
0xfd: {  	s4 =	spop (v2sf);
	(v2sf) =	vpush v6, $0xF  }
0xfe: {  	s12 =	sadd.s32 s0, s4  }
0xff: {  	p2 =	por !p1, !p1;
	p3 =	sgt.s32 s12, $0x15E7  }
0x100: {  	p2 =	por !p3, !p2;
	p3 =	por p1, p3  }
0x101: {  	s29 =	smov.u32 @p0 s3;
	p1 =	por !p2, !p2;
	p6 =	por !p3, !p3  }
0x102: {  	s5 =	spop (v2sf);
	s3 =	simm.s32 @!p1 $0x0;
	s29 =	smov.u32 @p1 s30  }
0x103: {  	s21 =	sadd.s32 s12, s5;
	s3 =	simm.s32 @p1 $0x1;
	s5 =	sadd.s32 $0x1, s30  }
0x104: {  	s30 =	simm.s32 $0x0;
	[smem:$0x7FD] =	sst s3;
	p4 =	sgt.s32 s21, $0x15E7  }
0x105: {  	p2 =	por !p4, !p6;
	p3 =	por p3, p4;
	s22 =	spop (v2sf)  }
0x106: {  	p4 =	por !p3, !p3;
	p2 =	por !p2, !p2;
	s22 =	sadd.s32 s21, s22  }
0x107: {  	s29 =	smov.u32 @p2 s5;
	p5 =	sgt.s32 s22, $0x15E7;
	s4 =	spop (v2sf)  }
0x108: {  	p4 =	por !p5, !p4;
	s3 =	sadd.s32 s22, s4;
	p3 =	por p3, p5  }
0x109: {  	p1 =	sgt.s32 s3, $0x15E7;
	p6 =	por !p3, !p3;
	s6 =	spop (v2sf)  }
0x10a: {  	p3 =	por p3, p1;
	p6 =	por !p1, !p6;
	s4 =	sadd.s32 s3, s6  }
0x10b: {  	p5 =	por !p3, !p3;
	s6 =	sadd.s32 $0x1, s14;
	p1 =	sgt.s32 s4, $0x15E7  }
0x10c: {  	s7 =	spop (v2sf);
	p5 =	por !p1, !p5;
	p1 =	por p3, p1  }
0x10d: {  	v7 =	vld [tilespmem:s30+$0x12000];
	p3 =	por !p4, !p4;
	s5 =	sadd.s32 s4, s7;
	p4 =	por !p6, !p6  }
0x10e: {  	s29 =	smov.u32 @p3 s14;
	p1 =	por !p1, !p1;
	p6 =	sgt.s32 s5, $0x15E7  }
0x10f: {  	p5 =	por !p5, !p5;
	p1 =	por !p6, !p1;
	s29 =	smov.u32 @p4 s6  }
0x110: {  	s29 =	smov.u32 @p5 s1;
	s1 =	sadd.s32 $0x1, s1;
	p6 =	por !p1, !p1  }
0x111: {  	s29 =	smov.u32 @p6 s1  }
0x112: {  	v8 =	vshra.s32 v7, $0x17;
	v6 =	vmov s29  }
0x113: {  	vm0 =	veq.s32 v8, v6  }
0x114: {  	[tilespmem:s30+$0x14000] =	vst.msk vm0, v7  }
0x115: {  	v7 =	vld [tilespmem:s30+$0x12010];
	_ =	sdelay $0x4  }
0x116: {  	v8 =	vshra.s32 v7, $0x17  }
0x117: {  	vm1 =	veq.s32 v8, v6  }
0x118: {  	[tilespmem:s30+$0x14010] =	vst.msk vm1, v7  }
0x119: {  	v7 =	vld [tilespmem:s30+$0x12020];
	_ =	sdelay $0x4  }
0x11a: {  	v8 =	vshra.s32 v7, $0x17  }
0x11b: {  	vm2 =	veq.s32 v8, v6  }
0x11c: {  	[tilespmem:s30+$0x14020] =	vst.msk vm2, v7  }
0x11d: {  	v7 =	vld [tilespmem:s30+$0x12030]  }
0x11e: {  	v8 =	vmpcnt.ones.xlane vm0;
	_ =	sdelay $0x1  }
0x11f: {  	v9 =	vmpcnt.ones.xlane vm2;
	(v2sf) =	vpush v8, $0x0;
	_ =	sdelay $0x1  }
0x120: {  	(v2sf) =	vpush v9, $0x0;
	v9 =	vmpcnt.ones.xlane vm1;
	v8 =	vshra.s32 v7, $0x17  }
0x121: {  	vm13 =	veq.s32 v8, v6  }
0x122: {  	s1 =	simm.s32 $0x40;
	(v2sf) =	vpush v9, $0x0;
	[tilespmem:s30+$0x14030] =	vst.msk vm13, v7;
	v7 =	vmpcnt.ones.xlane vm13  }
0x123: {  	v8 =	vld [tilespmem:s1+$0x12000]  }
0x124: {  	(v2sf) =	vpush v7, $0x0;
	_ =	sdelay $0x2  }
0x125: {  	s14 =	sld [smem:$0x7FD]  }
0x126: {  	v7 =	vshra.s32 v8, $0x17  }
0x127: {  	vm14 =	veq.s32 v7, v6  }
0x128: {  	s28 =	smov.u32 @p0 s31;
	p0 =	seq.s32 s14, $0x1;
	[tilespmem:s1+$0x14000] =	vst.msk vm14, v8  }
0x129: {  	s28 =	smov.u32 @p0 s0;
	v8 =	vmpcnt.ones.xlane vm14;
	v7 =	vld [tilespmem:s1+$0x12010]  }
0x12a: {  	s28 =	smov.u32 @p2 s12  }
0x12b: {  	s28 =	smov.u32 @p3 s21;
	s21 =	spop (v2sf);
	(v2sf) =	vpush v8, $0x0;
	_ =	sdelay $0x2  }
0x12c: {  	s28 =	smov.u32 @p4 s22;
	s22 =	spop (v2sf);
	[smem:$0x0] =	sst s21;
	v8 =	vshra.s32 v7, $0x17  }
0x12d: {  	s5 =	simm.s32 $0x200;
	s14 =	simm.s32 $0x2;
	s31 =	spop (v2sf);
	vm15 =	veq.s32 v8, v6  }
0x12e: {  	s0 =	simm.s32 $0x0;
	s28 =	smov.u32 @p5 s3;
	[tilespmem:s1+$0x14010] =	vst.msk vm15, v7;
	[smem:$0x1] =	sst s31  }
0x12f: {  	s28 =	smov.u32 @p6 s4;
	v7 =	vmpcnt.ones.xlane vm15;
	[smem:s14] =	sst s22;
	v8 =	vld [tilespmem:s1+$0x12020];
	s4 =	spop (v2sf)  }
.LBB2_8:
0x130: {  	[smem:s14+$0x1] =	sst s4  }
0x131: {  	s14 =	sadd.s32 $0x4, s14;
	s4 =	smov.u32 s5;
	s3 =	sadd.s32 $0x100, s5  }
0x132: {  	p0 =	sne.s32 s5, $0x7F00;
	_ =	sdelay $0x2  }
0x133: {  	v9 =	vshra.s32 v8, $0x17  }
0x134: {  	vm0 =	veq.s32 v9, v6  }
0x135: {  	[tilespmem:s1+$0x14020] =	vst.msk vm0, v8;
	v8 =	vmpcnt.ones.xlane vm0  }
0x136: {  	v9 =	vld [tilespmem:s1+$0x12030];
	s5 =	spop (v2sf)  }
0x137: {  	(v2sf) =	vpush v8, $0x0;
	_ =	sdelay $0x3  }
0x138: {  	v8 =	vshra.s32 v9, $0x17  }
0x139: {  	vm0 =	veq.s32 v8, v6  }
0x13a: {  	[tilespmem:s1+$0x14030] =	vst.msk vm0, v9;
	s1 =	sshra.s32 s4, $0x2;
	v8 =	vmpcnt.ones.xlane vm0;
	(v2sf) =	vpush v7, $0x0  }
0x13b: {  	v7 =	vld [tilespmem:s1+$0x12000]  }
0x13c: {  	(v2sf) =	vpush v8, $0x0;
	_ =	sdelay $0x3  }
0x13d: {  	v8 =	vshra.s32 v7, $0x17  }
0x13e: {  	vm0 =	veq.s32 v8, v6  }
0x13f: {  	[tilespmem:s1+$0x14000] =	vst.msk vm0, v7;
	v7 =	vmpcnt.ones.xlane vm0  }
0x140: {  	v8 =	vld [tilespmem:s1+$0x12010];
	s4 =	spop (v2sf)  }
0x141: {  	(v2sf) =	vpush v7, $0x0;
	_ =	sdelay $0x2  }
.Ltmp3:
0x142: {  	(pc) =	sbr.rel @p0 .LBB2_8-.Ltmp3, $4  }
0x143: {  	v7 =	vshra.s32 v8, $0x17  }
0x144: {  	vm0 =	veq.s32 v7, v6;
	[smem:s14+$0xFFFFFFFE] =	sst s5;
	s5 =	spop (v2sf)  }
0x145: {  	[tilespmem:s1+$0x14010] =	vst.msk vm0, v8;
	v7 =	vmpcnt.ones.xlane vm0;
	[smem:s14+$0xFFFFFFFF] =	sst s5  }
0x146: {  	s5 =	smov.u32 s3;
	v8 =	vld [tilespmem:s1+$0x12020];
	[smem:s14] =	sst s4;
	s4 =	spop (v2sf)  }
0x147: {  	_ =	sdelay $0x3  }
0x148: {  	v9 =	vshra.s32 v8, $0x17  }
0x149: {  	vm0 =	veq.s32 v9, v6  }
0x14a: {  	[tilespmem:s1+$0x14020] =	vst.msk vm0, v8  }
0x14b: {  	v8 =	vld [tilespmem:s1+$0x12030];
	_ =	sdelay $0x3  }
0x14c: {  	v9 =	vmpcnt.ones.xlane vm0  }
0x14d: {  	v10 =	vshra.s32 v8, $0x17  }
0x14e: {  	(v2sf) =	vpush v9, $0x0;
	vm15 =	veq.s32 v10, v6  }
0x14f: {  	(v2sf) =	vpush v7, $0x0;
	v7 =	vmpcnt.ones.xlane vm15;
	_ =	sdelay $0x1  }
0x150: {  	(v2sf) =	vpush v7, $0x0;
	_ =	sdelay $0x8  }
0x151: {  	s12 =	simm.s32 $0x14020;
	[tilespmem:s1+$0x14030] =	vst.msk vm15, v8  }
0x152: {  	v7 =	vld [tilespmem:s12+$0xFFFFFFE0]  }
0x153: {  	s3 =	spop (v2sf)  }
0x154: {  	[smem:s14+$0x1] =	sst s4;
	s14 =	sadd.s32 $0x4, s14;
	s5 =	spop (v2sf)  }
0x155: {  	[smem:s14+$0xFFFFFFFE] =	sst s3;
	s21 =	spop (v2sf)  }
0x156: {  	[smem:s14+$0xFFFFFFFF] =	sst s21  }
0x157: {  	[tilespmem:s0+$0x14000] =	vst v7;
	[smem:s14] =	sst s5;
	s22 =	spop (v2sf)  }
0x158: {  	v7 =	vld [tilespmem:s12+$0xFFFFFFF0];
	[smem:s14+$0x1] =	sst s22  }
0x159: {  	s0 =	sld [smem:$0x0];
	_ =	sdelay $0x2  }
0x15a: {  	s0 =	sadd.s32 $0x0, s0  }
0x15b: {  	[tilespmem:s0+$0x14000] =	vst v7  }
0x15c: {  	v7 =	vld [tilespmem:s12+$0x0]  }
0x15d: {  	s31 =	sld [smem:$0x1];
	_ =	sdelay $0x2  }
0x15e: {  	s0 =	sadd.s32 s0, s31  }
0x15f: {  	[tilespmem:s0+$0x14000] =	vst v7  }
0x160: {  	v7 =	vld [tilespmem:s12+$0x10]  }
0x161: {  	s1 =	sld [smem:$0x2];
	_ =	sdelay $0x2  }
0x162: {  	s4 =	sadd.s32 s0, s1  }
0x163: {  	s0 =	simm.s32 $0x14060;
	[tilespmem:s4+$0x14000] =	vst v7  }
0x164: {  	s3 =	simm.s32 $0x20;
	s1 =	simm.s32 $0x10;
	v7 =	vld [tilespmem:s0+$0xFFFFFFE0]  }
.LBB2_10:
0x165: {  	p0 =	sne.s32 s3, $0x7F0;
	s5 =	sld [smem:s30+$0x3];
	_ =	sdelay $0x2  }
0x166: {  	s4 =	sadd.s32 s4, s5  }
0x167: {  	[tilespmem:s4+$0x14000] =	vst v7  }
0x168: {  	s30 =	sshra.s32 s1, $0x2;
	s1 =	smov.u32 s3;
	v7 =	vld [tilespmem:s0+$0xFFFFFFF0]  }
0x169: {  	s5 =	sld [smem:s30+$0x0];
	_ =	sdelay $0x2  }
0x16a: {  	s4 =	sadd.s32 s4, s5  }
0x16b: {  	[tilespmem:s4+$0x14000] =	vst v7  }
0x16c: {  	v7 =	vld [tilespmem:s0+$0x0]  }
0x16d: {  	s5 =	sld [smem:s30+$0x1];
	_ =	sdelay $0x2  }
0x16e: {  	s4 =	sadd.s32 s4, s5  }
0x16f: {  	[tilespmem:s4+$0x14000] =	vst v7  }
0x170: {  	v7 =	vld [tilespmem:s0+$0x10]  }
0x171: {  	s5 =	sld [smem:s30+$0x2]  }
.Ltmp4:
0x172: {  	(pc) =	sbr.rel @p0 .LBB2_10-.Ltmp4, $4  }
0x173: {  	_ = 	snop  }
0x174: {  	s4 =	sadd.s32 s4, s5  }
0x175: {  	s0 =	sadd.s32 $0x40, s0;
	[tilespmem:s4+$0x14000] =	vst v7  }
0x176: {  	s3 =	sadd.s32 $0x10, s3;
	v7 =	vld [tilespmem:s0+$0xFFFFFFE0]  }
0x177: {  	s3 =	sld [smem:s30+$0x3];
	_ =	sdelay $0x2  }
0x178: {  	s3 =	sadd.s32 s4, s3  }
0x179: {  	[tilespmem:s3+$0x14000] =	vst v7  }
0x17a: {  	s1 =	sshra.s32 s1, $0x2;
	v7 =	vld [tilespmem:s0+$0xFFFFFFF0]  }
0x17b: {  	s12 =	sld [smem:s1+$0x0];
	_ =	sdelay $0x1  }
0x17c: {  	s14 =	sld [smem:s1+$0x1]  }
0x17d: {  	s5 =	sld [smem:s1+$0x2];
	s3 =	sadd.s32 s3, s12  }
0x17e: {  	s1 =	sld [smem:s1+$0x3];
	[tilespmem:s3+$0x14000] =	vst v7  }
0x17f: {  	s3 =	sadd.s32 s3, s14;
	v7 =	vld [tilespmem:s0+$0x0]  }
0x180: {  	s4 =	sadd.s32 s3, s5  }
0x181: {  	s1 =	sadd.s32 s4, s1  }
0x182: {  	s21 =	sadd.s32 $0xF, s1  }
0x183: {  	s22 =	sand.u32 $0xF, s21  }
0x184: {  	s31 =	sshra.s32 s21, $0x1F;
	p1 =	slt.s32 s21, $0x1;
	p0 =	sne.s32 s22, $0x0;
	[tilespmem:s3+$0x14000] =	vst v7  }
0x185: {  	p0 =	por !p1, !p0;
	v7 =	vld [tilespmem:s0+$0x10];
	s0 =	sshrl.u32 s31, $0x1C  }
0x186: {  	s3 =	simm.s32 $0x1;
	p0 =	por !p0, !p0;
	s0 =	sadd.s32 s0, s21  }
0x187: {  	s3 =	simm.s32 @!p0 $0x0;
	s0 =	sshra.s32 s0, $0x4  }
0x188: {  	s30 =	ssub.s32 s0, s3  }
0x189: {  	p0 =	slt.s32 s30, $0x1  }
.Ltmp5:
0x18a: {  	_ = 	snop;
	(pc) =	sbr.rel @p0 .LBB2_15-.Ltmp5, $3  }
0x18b: {  	_ =	sdelay $0x1  }
0x18c: {  	[tilespmem:s4+$0x14000] =	vst v7  }
0x18d: {  	s0 =	simm.s32 $0x14000;
	[tilespmem:s1+$0x14000] =	vst v3  }
0x18e: {  	p1 =	sne.s32 s30, $0x1  }
.Ltmp6:
0x18f: {  	_ = 	snop;
	(pc) =	sbr.rel @!p1 .LBB2_14-.Ltmp6, $2  }
0x190: {  	_ =	sdelay $0x2  }
0x191: {  	v7 =	vld [tilespmem:s0+$0x0];
	s1 =	sadd.s32 $0xFFFFFFFF, s30  }
.LBB2_13:
0x192: {  	p1 =	sne.s32 s1, $0x1;
	_ =	sdelay $0x3  }
0x193: {  	v8 =	vshra.s32 v7, $0x17;
	v7 =	vshrl.u32 v7, $0xB  }
0x194: {  	vm0 =	veq.s32 v8, v6;
	v7 =	vand.u32 $0xFF0, v7  }
0x195: {  	v7 =	vor.u32 v1, v7;
	_ =	sdelay $0x1  }
.Ltmp7:
0x196: {  	(pc) =	sbr.rel @p1 .LBB2_13-.Ltmp7, $3  }
0x197: {  	_ =	sdelay $0x1  }
0x198: {  	s0 =	sadd.s32 $0x10, s0;
	[tilespmem:v7+s17+$0x0] =	vst.idx.add.s32.msk vm0, v2  }
0x199: {  	s1 =	sadd.s32 $0xFFFFFFFF, s1;
	v7 =	vld [tilespmem:s0+$0x0]  }
.LBB2_14:
0x19a: {  	_ =	sdelay $0x3  }
0x19b: {  	v8 =	vshra.s32 v7, $0x17;
	v7 =	vshrl.u32 v7, $0xB  }
0x19c: {  	vm0 =	veq.s32 v8, v6;
	v6 =	vand.u32 $0xFF0, v7  }
0x19d: {  	v6 =	vor.u32 v1, v6;
	_ =	sdelay $0x4  }
0x19e: {  	[tilespmem:v6+s17+$0x0] =	vst.idx.add.s32.msk vm0, v2  }
.LBB2_15:
0x19f: {  	s0 =	simm.s32 $0x18080  }
0x1a0: {  	s1 =	simm.s32 $0x17080;
	[tilespmem:s0+$0x0] =	vst v0  }
0x1a1: {  	v6 =	vld [tilespmem:s1+$0x0];
	_ =	sdelay $0x2  }
0x1a2: {  	s7 =	simm.s32 $0x18090  }
0x1a3: {  	s12 =	simm.s32 $0x17090;
	s14 =	simm.s32 $0x180A0;
	[tilespmem:s7+$0x0] =	vst v0  }
0x1a4: {  	s21 =	simm.s32 $0x170A0;
	v7 =	vld [tilespmem:s12+$0x0];
	[tilespmem:s14+$0x0] =	vst v0;
	(xrf0) =	vadd.scan.msk.s32 $0xffff, v6  }
0x1a5: {  	v8 =	vld [tilespmem:s21+$0x0];
	_ =	sdelay $0x3  }
0x1a6: {  	(xrf0) =	vadd.scan.msk.s32 $0xffff, v7  }
0x1a7: {  	(xrf0) =	vadd.scan.msk.s32 $0xffff, v8;
	v7, _, _ =	vpop (xrf0)  }
0x1a8: {  	(v2sf) =	vpush v7, $0xF;
	_ =	sdelay $0x3  }
0x1a9: {  	v63, _, _ =	vpop (xrf0)  }
0x1aa: {  	(v2sf) =	vpush v63, $0xF;
	v7, _, _ =	vpop (xrf0)  }
0x1ab: {  	(v2sf) =	vpush v7, $0xF  }
0x1ac: {  	s22 =	simm.s32 $0x180B0  }
0x1ad: {  	s3 =	simm.s32 $0x170B0;
	[tilespmem:s22+$0x0] =	vst v0  }
0x1ae: {  	v6 =	vld [tilespmem:s3+$0x0]  }
0x1af: {  	s28 =	ssub.s32 $0x15E8, s28  }
0x1b0: {  	p1 =	por $0x0, $0x0;
	s31 =	simm.s32 $0x180C0;
	s5 =	simm.s32 $0x4  }
0x1b1: {  	s6 =	simm.s32 $0x0;
	s4 =	simm.s32 $0x0;
	p2 =	por !p1, !p1  }
0x1b2: {  	s0 =	simm.s32 $0x0;
	s1 =	simm.s32 $0x0;
	s12 =	simm.s32 $0x1  }
0x1b3: {  	s14 =	simm.s32 $0x3;
	s21 =	simm.s32 $0x2;
	s22 =	simm.s32 $0x0;
	(xrf0) =	vadd.scan.msk.s32 $0xffff, v6  }
.LBB2_16:
0x1b4: {  	[tilespmem:s31+$0x0] =	vst v0;
	p3 =	sne.s32 s5, $0xFF;
	s3 =	sadd.s32 $0x10, s3;
	s7 =	spop (v2sf)  }
0x1b5: {  	v6 =	vld [tilespmem:s3+$0x0];
	s22 =	sadd.s32 s22, s7;
	s7 =	smov.u32 s12;
	s12 =	smov.u32 s21  }
.Ltmp8:
0x1b6: {  	s21 =	smov.u32 s14;
	p4 =	sge.s32 s22, s28;
	(pc) =	sbr.rel @p3 .LBB2_16-.Ltmp8, $4  }
0x1b7: {  	s14 =	smov.u32 s5;
	p5 =	por !p4, !p2;
	p1 =	por p1, p4  }
0x1b8: {  	p2 =	por !p1, !p1;
	p4 =	por !p5, !p5  }
0x1b9: {  	v7, _, _ =	vpop (xrf0);
	s1 =	smov.u32 @p4 s6;
	s0 =	smov.u32 @p4 s4;
	s4 =	smov.u32 s22  }
0x1ba: {  	s31 =	sadd.s32 $0x10, s31;
	s5 =	sadd.s32 $0x1, s5;
	s6 =	smov.u32 s7;
	(xrf0) =	vadd.scan.msk.s32 $0xffff, v6;
	(v2sf) =	vpush v7, $0xF  }
0x1bb: {  	_ =	sdelay $0x4  }
0x1bc: {  	v6, _, _ =	vpop (xrf0)  }
0x1bd: {  	(v2sf) =	vpush v6, $0xF;
	_ =	sdelay $0x7  }
0x1be: {  	s3 =	spop (v2sf)  }
0x1bf: {  	s3 =	sadd.s32 s22, s3;
	s5 =	spop (v2sf)  }
0x1c0: {  	p3 =	sge.s32 s3, s28;
	s5 =	sadd.s32 s3, s5  }
0x1c1: {  	p2 =	por !p3, !p2;
	p1 =	por p1, p3;
	p5 =	sge.s32 s5, s28  }
0x1c2: {  	p2 =	por !p2, !p2;
	p3 =	por !p1, !p1;
	p1 =	por p1, p5  }
0x1c3: {  	s1 =	smov.u32 @p2 s6;
	s0 =	smov.u32 @p2 s4;
	s7 =	spop (v2sf)  }
0x1c4: {  	p3 =	por !p5, !p3;
	p2 =	por !p1, !p1;
	s4 =	sadd.s32 s5, s7  }
0x1c5: {  	p3 =	por !p3, !p3;
	p4 =	sge.s32 s4, s28;
	s22 =	spop (v2sf)  }
0x1c6: {  	p1 =	por p1, p4;
	p2 =	por !p4, !p2;
	s6 =	sadd.s32 s4, s22  }
.Ltmp9:
0x1c7: {  	p1 =	por !p1, !p1;
	p6 =	sge.s32 s6, s28;
	(pc) =	sbr.rel @p0 .LBB2_21-.Ltmp9, $4  }
0x1c8: {  	s1 =	smov.u32 @p3 s12;
	p2 =	por !p2, !p2;
	p1 =	por !p6, !p1  }
0x1c9: {  	s0 =	smov.u32 @p3 s3;
	s1 =	smov.u32 @p2 s21;
	p1 =	por !p1, !p1  }
0x1ca: {  	s31 =	sshll.u32 s29, $0x8;
	s0 =	smov.u32 @p2 s5;
	s1 =	smov.u32 @p1 s14  }
0x1cb: {  	s0 =	smov.u32 @p1 s4;
	p1 =	sne.s32 s30, $0x1;
	s29 =	sadd.s32 s31, s1  }
.Ltmp10:
0x1cc: {  	(pc) =	sbr.rel @!p1 .LBB2_20-.Ltmp10, $3  }
0x1cd: {  	_ =	sdelay $0x1  }
0x1ce: {  	s1 =	simm.s32 $0x14000  }
0x1cf: {  	v6 =	vmov s29;
	s3 =	sadd.s32 $0xFFFFFFFF, s30;
	v7 =	vld [tilespmem:s1+$0x0]  }
.LBB2_19:
0x1d0: {  	p2 =	sne.s32 s3, $0x1;
	_ =	sdelay $0x3  }
0x1d1: {  	v8 =	vshra.s32 v7, $0xF;
	v7 =	vshrl.u32 v7, $0x3  }
0x1d2: {  	vm0 =	veq.s32 v8, v6;
	v7 =	vand.u32 $0xFF0, v7  }
0x1d3: {  	v7 =	vor.u32 v1, v7;
	_ =	sdelay $0x1  }
.Ltmp11:
0x1d4: {  	(pc) =	sbr.rel @p2 .LBB2_19-.Ltmp11, $3  }
0x1d5: {  	_ =	sdelay $0x1  }
0x1d6: {  	s1 =	sadd.s32 $0x10, s1;
	[tilespmem:v7+s18+$0x0] =	vst.idx.add.s32.msk vm0, v2  }
0x1d7: {  	s3 =	sadd.s32 $0xFFFFFFFF, s3;
	v7 =	vld [tilespmem:s1+$0x0]  }
.LBB2_20:
0x1d8: {  	_ =	sdelay $0x3  }
0x1d9: {  	v8 =	vshra.s32 v7, $0xF;
	v7 =	vshrl.u32 v7, $0x3  }
0x1da: {  	vm0 =	veq.s32 v8, v6;
	v6 =	vand.u32 $0xFF0, v7  }
0x1db: {  	v6 =	vor.u32 v1, v6;
	_ =	sdelay $0x4  }
0x1dc: {  	[tilespmem:v6+s18+$0x0] =	vst.idx.add.s32.msk vm0, v2  }
.LBB2_21:
0x1dd: {  	s1 =	simm.s32 $0x17080  }
0x1de: {  	s3 =	simm.s32 $0x18080;
	[tilespmem:s1+$0x0] =	vst v0  }
0x1df: {  	v6 =	vld [tilespmem:s3+$0x0];
	_ =	sdelay $0x2  }
0x1e0: {  	s7 =	simm.s32 $0x17090  }
0x1e1: {  	s12 =	simm.s32 $0x18090;
	s14 =	simm.s32 $0x170A0;
	[tilespmem:s7+$0x0] =	vst v0  }
0x1e2: {  	s21 =	simm.s32 $0x180A0;
	v7 =	vld [tilespmem:s12+$0x0];
	[tilespmem:s14+$0x0] =	vst v0;
	(xrf0) =	vadd.scan.msk.s32 $0xffff, v6  }
0x1e3: {  	v8 =	vld [tilespmem:s21+$0x0];
	_ =	sdelay $0x3  }
0x1e4: {  	(xrf0) =	vadd.scan.msk.s32 $0xffff, v7  }
0x1e5: {  	(xrf0) =	vadd.scan.msk.s32 $0xffff, v8;
	v7, _, _ =	vpop (xrf0)  }
0x1e6: {  	(v2sf) =	vpush v7, $0xF;
	_ =	sdelay $0x3  }
0x1e7: {  	v63, _, _ =	vpop (xrf0)  }
0x1e8: {  	(v2sf) =	vpush v63, $0xF;
	v7, _, _ =	vpop (xrf0)  }
0x1e9: {  	(v2sf) =	vpush v7, $0xF  }
0x1ea: {  	s22 =	simm.s32 $0x170B0  }
0x1eb: {  	s3 =	simm.s32 $0x180B0;
	[tilespmem:s22+$0x0] =	vst v0  }
0x1ec: {  	v6 =	vld [tilespmem:s3+$0x0]  }
0x1ed: {  	s0 =	ssub.s32 s28, s0  }
0x1ee: {  	p2 =	por $0x0, $0x0;
	s31 =	simm.s32 $0x170C0;
	s5 =	simm.s32 $0x4  }
0x1ef: {  	s28 =	simm.s32 $0x0;
	s6 =	simm.s32 $0x0;
	s4 =	simm.s32 $0x0  }
0x1f0: {  	p3 =	por !p2, !p2;
	s1 =	simm.s32 $0x0;
	s14 =	simm.s32 $0x0  }
0x1f1: {  	s12 =	simm.s32 $0x1;
	s22 =	simm.s32 $0x2;
	s21 =	simm.s32 $0x3;
	(xrf0) =	vadd.scan.msk.s32 $0xffff, v6  }
.LBB2_22:
0x1f2: {  	[tilespmem:s31+$0x0] =	vst v0;
	p4 =	sne.s32 s5, $0xFF;
	s3 =	sadd.s32 $0x10, s3;
	s7 =	spop (v2sf)  }
0x1f3: {  	v6 =	vld [tilespmem:s3+$0x0];
	s28 =	sadd.s32 s28, s7;
	s7 =	smov.u32 s12;
	s12 =	smov.u32 s22  }
.Ltmp12:
0x1f4: {  	s22 =	smov.u32 s21;
	p5 =	sge.s32 s28, s0;
	(pc) =	sbr.rel @p4 .LBB2_22-.Ltmp12, $4  }
0x1f5: {  	s21 =	smov.u32 s5;
	p6 =	por !p5, !p3;
	p2 =	por p2, p5  }
0x1f6: {  	p3 =	por !p2, !p2;
	p5 =	por !p6, !p6  }
0x1f7: {  	v7, _, _ =	vpop (xrf0);
	s14 =	smov.u32 @p5 s6;
	s1 =	smov.u32 @p5 s4;
	s4 =	smov.u32 s28  }
0x1f8: {  	s31 =	sadd.s32 $0x10, s31;
	s5 =	sadd.s32 $0x1, s5;
	s6 =	smov.u32 s7;
	(xrf0) =	vadd.scan.msk.s32 $0xffff, v6;
	(v2sf) =	vpush v7, $0xF  }
0x1f9: {  	_ =	sdelay $0x4  }
0x1fa: {  	v6, _, _ =	vpop (xrf0)  }
0x1fb: {  	(v2sf) =	vpush v6, $0xF;
	_ =	sdelay $0x7  }
0x1fc: {  	s3 =	spop (v2sf)  }
0x1fd: {  	s3 =	sadd.s32 s28, s3;
	s5 =	spop (v2sf)  }
0x1fe: {  	p4 =	sge.s32 s3, s0;
	s5 =	sadd.s32 s3, s5  }
0x1ff: {  	p3 =	por !p4, !p3;
	p2 =	por p2, p4;
	p5 =	sge.s32 s5, s0  }
0x200: {  	p3 =	por !p3, !p3;
	p4 =	por !p2, !p2;
	p2 =	por p2, p5  }
0x201: {  	s14 =	smov.u32 @p3 s6;
	s1 =	smov.u32 @p3 s4;
	s6 =	spop (v2sf)  }
0x202: {  	p4 =	por !p5, !p4;
	p3 =	por !p2, !p2;
	s4 =	sadd.s32 s5, s6  }
0x203: {  	p4 =	por !p4, !p4;
	p5 =	sge.s32 s4, s0;
	s7 =	spop (v2sf)  }
0x204: {  	p2 =	por p2, p5;
	p3 =	por !p5, !p3;
	s6 =	sadd.s32 s4, s7  }
.Ltmp13:
0x205: {  	p2 =	por !p2, !p2;
	p6 =	sge.s32 s6, s0;
	(pc) =	sbr.rel @p0 .LBB2_27-.Ltmp13, $4  }
0x206: {  	s14 =	smov.u32 @p4 s12;
	p3 =	por !p3, !p3;
	p2 =	por !p6, !p2  }
0x207: {  	s1 =	smov.u32 @p4 s3;
	s14 =	smov.u32 @p3 s22;
	p2 =	por !p2, !p2  }
0x208: {  	s31 =	sshll.u32 s29, $0x8;
	s1 =	smov.u32 @p3 s5;
	s14 =	smov.u32 @p2 s21  }
0x209: {  	s1 =	smov.u32 @p2 s4;
	s28 =	sadd.s32 s31, s14  }
.Ltmp14:
0x20a: {  	(pc) =	sbr.rel @!p1 .LBB2_26-.Ltmp14, $3  }
0x20b: {  	_ =	sdelay $0x1  }
0x20c: {  	s3 =	simm.s32 $0x14000  }
0x20d: {  	v6 =	vmov s28;
	s4 =	sadd.s32 $0xFFFFFFFF, s30;
	v7 =	vld [tilespmem:s3+$0x0]  }
.LBB2_25:
0x20e: {  	p0 =	sne.s32 s4, $0x1;
	_ =	sdelay $0x3  }
0x20f: {  	v8 =	vshra.s32 v7, $0x7;
	v7 =	vshll.u32 v7, $0x4  }
0x210: {  	vm0 =	veq.s32 v8, v6;
	v7 =	vor.u32 v1, v7  }
0x211: {  	v7 =	vand.u32 $0x7FF, v7;
	_ =	sdelay $0x1  }
.Ltmp15:
0x212: {  	(pc) =	sbr.rel @p0 .LBB2_25-.Ltmp15, $3  }
0x213: {  	_ =	sdelay $0x1  }
0x214: {  	s3 =	sadd.s32 $0x10, s3;
	[tilespmem:v7+s17+$0x0] =	vst.idx.add.s32.msk vm0, v2  }
0x215: {  	s4 =	sadd.s32 $0xFFFFFFFF, s4;
	v7 =	vld [tilespmem:s3+$0x0]  }
.LBB2_26:
0x216: {  	_ =	sdelay $0x3  }
0x217: {  	v8 =	vshra.s32 v7, $0x7;
	v7 =	vshll.u32 v7, $0x4  }
0x218: {  	vm0 =	veq.s32 v8, v6;
	v6 =	vor.u32 v1, v7  }
0x219: {  	v6 =	vand.u32 $0x7FF, v6;
	_ =	sdelay $0x4  }
0x21a: {  	[tilespmem:v6+s17+$0x0] =	vst.idx.add.s32.msk vm0, v2  }
.LBB2_27:
0x21b: {  	s3 =	simm.s32 $0x17080  }
0x21c: {  	v6 =	vld [tilespmem:s3+$0x0];
	_ =	sdelay $0x4  }
0x21d: {  	(xrf0) =	vadd.scan.msk.s32 $0xffff, v6;
	_ =	sdelay $0x5  }
0x21e: {  	v6, _, _ =	vpop (xrf0)  }
0x21f: {  	(v2sf) =	vpush v6, $0xF;
	_ =	sdelay $0x1  }
0x220: {  	s22 =	simm.s32 $0x17090  }
0x221: {  	v6 =	vld [tilespmem:s22+$0x0]  }
0x222: {  	s29 =	simm.s32 $0x170A0  }
0x223: {  	v7 =	vld [tilespmem:s29+$0x0];
	_ =	sdelay $0x2  }
0x224: {  	(xrf0) =	vadd.scan.msk.s32 $0xffff, v6;
	_ =	sdelay $0x1  }
0x225: {  	(xrf0) =	vadd.scan.msk.s32 $0xffff, v7;
	_ =	sdelay $0x2  }
0x226: {  	s30 =	simm.s32 $0x170B0  }
0x227: {  	v8 =	vld [tilespmem:s30+$0x0];
	v7, _, _ =	vpop (xrf0)  }
0x228: {  	s7 =	spop (v2sf);
	(v2sf) =	vpush v7, $0xF  }
0x229: {  	v7, _, _ =	vpop (xrf0)  }
0x22a: {  	(v2sf) =	vpush v7, $0xF;
	_ =	sdelay $0x1  }
0x22b: {  	s31 =	simm.s32 $0x170C0;
	(xrf0) =	vadd.scan.msk.s32 $0xffff, v8  }
0x22c: {  	v6 =	vld [tilespmem:s31+$0x0]  }
0x22d: {  	s12 =	ssub.s32 s0, s1  }
0x22e: {  	p0 =	por $0x0, $0x0;
	s1 =	simm.s32 $0x0;
	s4 =	simm.s32 $0x1  }
0x22f: {  	s0 =	simm.s32 $0x2;
	s14 =	simm.s32 $0x4;
	s6 =	simm.s32 $0x5  }
0x230: {  	s5 =	simm.s32 $0x0;
	s3 =	simm.s32 $0x3;
	s21 =	sadd.s32 $0x0, s7  }
0x231: {  	s5 =	smov.u32 @p0 s5;
	s22 =	simm.s32 $0x170D0;
	(xrf0) =	vadd.scan.msk.s32 $0xffff, v6;
	v6, _, _ =	vpop (xrf0);
	p1 =	sge.s32 s21, s12  }
.LBB2_28:
0x232: {  	p0 =	por p0, p1  }
0x233: {  	v7 =	vld [tilespmem:s22+$0x0];
	(v2sf) =	vpush v6, $0xF;
	s7 =	smov.u32 s6;
	p2 =	sne.s32 s6, $0x7F;
	s6 =	sadd.s32 $0x1, s6  }
.Ltmp16:
0x234: {  	s1 =	smov.u32 @p1 s5;
	s5 =	smov.u32 s4;
	(pc) =	sbr.rel @p2 .LBB2_28-.Ltmp16, $4  }
0x235: {  	s4 =	smov.u32 s0;
	s0 =	smov.u32 s3;
	s5 =	smov.u32 @p0 s1  }
0x236: {  	s3 =	smov.u32 s14;
	s14 =	smov.u32 s7;
	s29 =	spop (v2sf)  }
0x237: {  	s21 =	sadd.s32 s21, s29  }
0x238: {  	s22 =	sadd.s32 $0x10, s22;
	(xrf0) =	vadd.scan.msk.s32 $0xffff, v7;
	v6, _, _ =	vpop (xrf0);
	p1 =	sge.s32 s21, s12  }
0x239: {  	_ =	sdelay $0x3  }
0x23a: {  	(v2sf) =	vpush v6, $0xF  }
0x23b: {  	v6, _, _ =	vpop (xrf0)  }
0x23c: {  	(v2sf) =	vpush v6, $0xF;
	_ =	sdelay $0x8  }
0x23d: {  	s1 =	smov.u32 @p1 s5;
	s7 =	spop (v2sf)  }
0x23e: {  	p0 =	por p0, p1;
	s5 =	sadd.s32 s21, s7;
	s6 =	spop (v2sf)  }
0x23f: {  	s4 =	smov.u32 @p0 s1;
	p1 =	sge.s32 s5, s12;
	s5 =	sadd.s32 s5, s6  }
0x240: {  	p0 =	por p0, p1;
	s1 =	smov.u32 @p1 s4;
	p1 =	sge.s32 s5, s12  }
0x241: {  	s0 =	smov.u32 @p0 s1;
	p0 =	por p0, p1;
	s22 =	spop (v2sf)  }
0x242: {  	s1 =	smov.u32 @p1 s0;
	s0 =	simm.s32 $0x0;
	s4 =	sadd.s32 s5, s22  }
0x243: {  	s3 =	smov.u32 @p0 s1;
	p1 =	sge.s32 s4, s12;
	s29 =	spop (v2sf)  }
0x244: {  	v7 =	vld [tilespmem:s0+$0x12070];
	p0 =	por p0, p1;
	s1 =	smov.u32 @p1 s3;
	s30 =	sadd.s32 s4, s29  }
0x245: {  	v8 =	vld [tilespmem:s0+$0x12000];
	s14 =	smov.u32 @p0 s1;
	p0 =	sge.s32 s30, s12  }
0x246: {  	s31 =	sshll.u32 s28, $0x7;
	v9 =	vld [tilespmem:s0+$0x12010];
	s1 =	smov.u32 @p0 s14  }
0x247: {  	v10 =	vld [tilespmem:s0+$0x12020];
	s1 =	sadd.s32 s31, s1  }
0x248: {  	v11 =	vld [tilespmem:s0+$0x12030];
	v6 =	vmov s1  }
0x249: {  	vm0 =	vgt.s32 v7, v6  }
0x24a: {  	v12 =	vld [tilespmem:s0+$0x12040];
	vm1 =	vgt.s32 v8, v6;
	v7 =	vsel vm0, $0x0, v5  }
0x24b: {  	v14 =	vld [tilespmem:s0+$0x12050];
	vm10 =	vgt.s32 v9, v6;
	v13 =	vsel vm1, $0x3F800000, v4;
	[tilespmem:s0+$0x1B0F0] =	vst v7  }
0x24c: {  	vm11 =	vgt.s32 v10, v6;
	v9 =	vsel vm10, $0x3F800000, v4;
	[tilespmem:s0+$0x19080] =	vst v13  }
0x24d: {  	v8 =	vld [tilespmem:s0+$0x12060];
	vm12 =	vgt.s32 v11, v6;
	v10 =	vsel vm11, $0x0, v5;
	[tilespmem:s0+$0x19090] =	vst v9  }
0x24e: {  	v15 =	vsel vm12, $0x3F800000, v4;
	[tilespmem:s0+$0x1B0A0] =	vst v10  }
0x24f: {  	vm13 =	vgt.s32 v12, v6;
	v16 =	vsel vm12, $0x0, v5;
	[tilespmem:s0+$0x190B0] =	vst v15  }
0x250: {  	vm14 =	vgt.s32 v14, v6;
	v11 =	vsel vm13, $0x0, v5;
	v7 =	vsel vm1, $0x0, v5;
	[tilespmem:s0+$0x1B0B0] =	vst v16  }
0x251: {  	v12 =	vsel vm14, $0x3F800000, v4;
	v13 =	vsel vm10, $0x0, v5;
	v9 =	vsel vm11, $0x3F800000, v4;
	[tilespmem:s0+$0x1B080] =	vst v7  }
0x252: {  	v7 =	vsel vm0, $0x3F800000, v4;
	[tilespmem:s0+$0x1B090] =	vst v13;
	v13 =	vsel vm13, $0x3F800000, v4;
	vm15 =	vgt.s32 v8, v6  }
0x253: {  	s12 =	simm.s32 $0x400;
	s1 =	simm.s32 $0x80;
	[tilespmem:s0+$0x190A0] =	vst v9;
	v9 =	vsel vm14, $0x0, v5;
	v10 =	vsel vm15, $0x3F800000, v4;
	v8 =	vsel vm15, $0x0, v5  }
.LBB2_30:
0x254: {  	p0 =	sne.s32 s12, $0x7E00;
	v14 =	vld [tilespmem:s1+$0x12070];
	[tilespmem:s0+$0x190C0] =	vst v13  }
0x255: {  	v13 =	vld [tilespmem:s1+$0x12000];
	[tilespmem:s0+$0x1B0C0] =	vst v11  }
0x256: {  	v11 =	vld [tilespmem:s1+$0x12010];
	[tilespmem:s0+$0x190D0] =	vst v12  }
0x257: {  	v12 =	vld [tilespmem:s1+$0x12020];
	[tilespmem:s0+$0x1B0D0] =	vst v9  }
0x258: {  	v9 =	vld [tilespmem:s1+$0x12030];
	[tilespmem:s0+$0x190E0] =	vst v10  }
0x259: {  	v10 =	vld [tilespmem:s1+$0x12040];
	vm0 =	vgt.s32 v14, v6;
	[tilespmem:s0+$0x1B0E0] =	vst v8  }
0x25a: {  	vm1 =	vgt.s32 v13, v6;
	v8 =	vld [tilespmem:s1+$0x12050];
	v13 =	vsel vm0, $0x0, v5;
	[tilespmem:s0+$0x190F0] =	vst v7;
	v7 =	vsel vm0, $0x3F800000, v4;
	s0 =	smov.u32 s1  }
0x25b: {  	v14 =	vsel vm1, $0x3F800000, v4;
	v15 =	vsel vm1, $0x0, v5;
	vm0 =	vgt.s32 v11, v6;
	v16 =	vld [tilespmem:s0+$0x12060];
	[tilespmem:s0+$0x1B0F0] =	vst v13  }
0x25c: {  	[tilespmem:s0+$0x19080] =	vst v14;
	v11 =	vsel vm0, $0x3F800000, v4;
	v13 =	vsel vm0, $0x0, v5;
	vm0 =	vgt.s32 v12, v6  }
0x25d: {  	[tilespmem:s0+$0x1B080] =	vst v15;
	v12 =	vsel vm0, $0x3F800000, v4;
	v14 =	vsel vm0, $0x0, v5;
	vm0 =	vgt.s32 v9, v6  }
0x25e: {  	[tilespmem:s0+$0x19090] =	vst v11;
	v15 =	vsel vm0, $0x3F800000, v4;
	v17 =	vsel vm0, $0x0, v5;
	vm0 =	vgt.s32 v10, v6  }
.Ltmp17:
0x25f: {  	[tilespmem:s0+$0x1B090] =	vst v13;
	v13 =	vsel vm0, $0x3F800000, v4;
	v11 =	vsel vm0, $0x0, v5;
	vm0 =	vgt.s32 v8, v6;
	(pc) =	sbr.rel @p0 .LBB2_30-.Ltmp17, $4  }
0x260: {  	[tilespmem:s0+$0x190A0] =	vst v12;
	v12 =	vsel vm0, $0x3F800000, v4;
	v9 =	vsel vm0, $0x0, v5;
	vm0 =	vgt.s32 v16, v6  }
0x261: {  	[tilespmem:s0+$0x1B0A0] =	vst v14;
	v10 =	vsel vm0, $0x3F800000, v4;
	v8 =	vsel vm0, $0x0, v5  }
0x262: {  	[tilespmem:s0+$0x190B0] =	vst v15  }
0x263: {  	s1 =	sshra.s32 s12, $0x2;
	s12 =	sadd.s32 $0x200, s12;
	[tilespmem:s0+$0x1B0B0] =	vst v17  }
0x264: {  	v14 =	vld [tilespmem:s1+$0x12070];
	[tilespmem:s0+$0x190C0] =	vst v13  }
0x265: {  	v13 =	vld [tilespmem:s1+$0x12000];
	[tilespmem:s0+$0x1B0C0] =	vst v11  }
0x266: {  	v11 =	vld [tilespmem:s1+$0x12010];
	[tilespmem:s0+$0x190D0] =	vst v12  }
0x267: {  	v12 =	vld [tilespmem:s1+$0x12020];
	[tilespmem:s0+$0x1B0D0] =	vst v9  }
0x268: {  	v9 =	vld [tilespmem:s1+$0x12030];
	[tilespmem:s0+$0x190E0] =	vst v10  }
0x269: {  	v10 =	vld [tilespmem:s1+$0x12040];
	[tilespmem:s0+$0x1B0E0] =	vst v8;
	vm0 =	vgt.s32 v14, v6  }
0x26a: {  	v8 =	vld [tilespmem:s1+$0x12050];
	[tilespmem:s0+$0x190F0] =	vst v7;
	vm1 =	vgt.s32 v13, v6;
	v7 =	vsel vm0, $0x0, v5  }
0x26b: {  	v14 =	vsel vm1, $0x3F800000, v4;
	[tilespmem:s1+$0x1B0F0] =	vst v7  }
0x26c: {  	v7 =	vsel vm1, $0x0, v5;
	vm10 =	vgt.s32 v11, v6;
	[tilespmem:s1+$0x19080] =	vst v14  }
0x26d: {  	v11 =	vsel vm10, $0x3F800000, v4;
	[tilespmem:s1+$0x1B080] =	vst v7  }
0x26e: {  	v7 =	vsel vm10, $0x0, v5;
	vm11 =	vgt.s32 v12, v6;
	[tilespmem:s1+$0x19090] =	vst v11  }
0x26f: {  	v11 =	vsel vm11, $0x3F800000, v4;
	[tilespmem:s1+$0x1B090] =	vst v7  }
0x270: {  	v7 =	vsel vm11, $0x0, v5;
	vm12 =	vgt.s32 v9, v6;
	[tilespmem:s1+$0x190A0] =	vst v11  }
0x271: {  	v13 =	vld [tilespmem:s1+$0x12060];
	v9 =	vsel vm12, $0x3F800000, v4;
	[tilespmem:s1+$0x1B0A0] =	vst v7  }
0x272: {  	v7 =	vsel vm12, $0x0, v5;
	vm13 =	vgt.s32 v10, v6;
	[tilespmem:s1+$0x190B0] =	vst v9  }
0x273: {  	v9 =	vsel vm13, $0x3F800000, v4;
	[tilespmem:s1+$0x1B0B0] =	vst v7  }
0x274: {  	v7 =	vsel vm13, $0x0, v5;
	vm14 =	vgt.s32 v8, v6;
	[tilespmem:s1+$0x190C0] =	vst v9  }
0x275: {  	v8 =	vsel vm14, $0x3F800000, v4;
	[tilespmem:s1+$0x1B0C0] =	vst v7  }
0x276: {  	v7 =	vsel vm14, $0x0, v5;
	vm15 =	vgt.s32 v13, v6;
	[tilespmem:s1+$0x190D0] =	vst v8  }
0x277: {  	v6 =	vsel vm15, $0x3F800000, v4;
	[tilespmem:s1+$0x1B0D0] =	vst v7  }
0x278: {  	v7 =	vsel vm15, $0x0, v5;
	[tilespmem:s1+$0x190E0] =	vst v6  }
0x279: {  	v6 =	vsel vm0, $0x3F800000, v4;
	[tilespmem:s1+$0x1B0E0] =	vst v7  }
0x27a: {  	s21 =	rddreg [dreg:$0x7];
	s22 =	simm.s32 $0x19080;
	[tilespmem:s1+$0x190F0] =	vst v6  }
0x27b: {  	[hbm4b:s21+s19] =	stream.strided.scatter [tilespmem:s22], [sflag:$0x4], $0x2000, s20, s19, $0x38;
	[tilespmem:$0x1D080] =	vst v63  }
0x27c: {  	s28 =	rddreg [dreg:$0x8];
	s29 =	simm.s32 $0x1B080  }
0x27d: {  	[hbm4b:s28+s19] =	stream.strided.scatter [tilespmem:s29], [sflag:$0x5], $0x2000, s20, s19, $0x38;
	[tilespmem:$0x1D080] =	vst v63  }
0x27e: {  	s30 =	simm.s32 $0x0;
	s31 =	simm.s32 $0xC000  }
0x27f: {  	[tilespmem:s31], [sflag:$0x3] =	stream.linear.gather [hbm4b:s8+s30], $0x6000, $0x38;
	[tilespmem:$0x1D080] =	vst v63  }
0x280: {  	_ =	swait.ge [sflag:s23], $0x6000  }
0x281: {  	[sflag:s23] =	ssyncset.done $0x0  }
0x282: {  	s1 =	simm.s32 $0x160A0;
	[sflag:s23] =	ssyncadd.s32 $0xFFFFA000  }
0x283: {  	[tilespmem:s1+$0xFFFFFFE0] =	vst v0  }
0x284: {  	[tilespmem:s1+$0x10] =	vst v0  }
0x285: {  	[tilespmem:s1+$0x0] =	vst v0  }
0x286: {  	s0 =	simm.s32 $0x0;
	[tilespmem:s1+$0xFFFFFFF0] =	vst v0  }
0x287: {  	v7 =	vld [tilespmem:s0+$0x8050]  }
0x288: {  	v6 =	vld [tilespmem:s0+$0xA070]  }
0x289: {  	v10 =	vld [tilespmem:s0+$0x6020]  }
0x28a: {  	v8 =	vld [tilespmem:s0+$0x8020]  }
0x28b: {  	v9 =	vld [tilespmem:s0+$0x6030]  }
0x28c: {  	v13 =	vld [tilespmem:s0+$0xA050]  }
0x28d: {  	v20 =	vld [tilespmem:s0+$0x6000]  }
0x28e: {  	v12 =	vld [tilespmem:s0+$0x8030]  }
0x28f: {  	v11 =	vld [tilespmem:s0+$0xA020]  }
0x290: {  	v19 =	vimm.f32 $0.0e+00;
	v18 =	vimm.f32 $0.0e+00;
	v15 =	vimm.f32 $0.0e+00;
	v21 =	vld [tilespmem:s0+$0xA030]  }
0x291: {  	s14 =	simm.s32 $0x200;
	v17 =	vimm.f32 $0.0e+00;
	v16 =	vimm.f32 $0.0e+00;
	v14 =	vimm.f32 $0.0e+00;
	v22 =	vld [tilespmem:s0+$0xA010]  }
.LBB2_32:
0x292: {  	p0 =	sne.s32 s14, $0x7E00  }
0x293: {  	v23 =	vld [tilespmem:s0+$0xA000];
	s1 =	sadd.s32 $0x40, s1;
	s3 =	smov.u32 s14;
	s14 =	sadd.s32 $0x200, s14  }
0x294: {  	v24 =	vld [tilespmem:s0+$0x8010]  }
0x295: {  	v25 =	vld [tilespmem:s0+$0x6010]  }
0x296: {  	v26 =	vld [tilespmem:s0+$0x8000]  }
0x297: {  	v19 =	vadd.f32 v22, v19;
	v22 =	vld [tilespmem:s0+$0x8040]  }
0x298: {  	v18 =	vadd.f32 v23, v18;
	v23 =	vld [tilespmem:s0+$0x6040]  }
0x299: {  	v15 =	vadd.f32 v20, v15;
	v20 =	vld [tilespmem:s0+$0xA040]  }
0x29a: {  	v19 =	vadd.f32 v21, v19;
	v21 =	vld [tilespmem:s0+$0x6050]  }
0x29b: {  	v17 =	vadd.f32 v24, v17;
	v14 =	vadd.f32 v25, v14;
	v24 =	vld [tilespmem:s0+$0x6060]  }
0x29c: {  	v16 =	vadd.f32 v26, v16;
	v13 =	vadd.f32 v13, v19;
	v19 =	vld [tilespmem:s0+$0xA060]  }
0x29d: {  	v10 =	vadd.f32 v10, v15;
	v12 =	vadd.f32 v12, v17;
	v17 =	vld [tilespmem:s0+$0x6070]  }
0x29e: {  	v9 =	vadd.f32 v9, v14;
	v8 =	vadd.f32 v8, v16;
	v25 =	vld [tilespmem:s0+$0x8070]  }
0x29f: {  	v11 =	vadd.f32 v11, v18;
	v10 =	vadd.f32 v23, v10;
	v16 =	vld [tilespmem:s0+$0x8060]  }
0x2a0: {  	v8 =	vadd.f32 v22, v8;
	v9 =	vadd.f32 v21, v9;
	[tilespmem:s1+$0xFFFFFFE0] =	vst v0  }
0x2a1: {  	v11 =	vadd.f32 v20, v11;
	v15 =	vadd.f32 v24, v10;
	[tilespmem:s1+$0x10] =	vst v0  }
0x2a2: {  	v10 =	vadd.f32 v7, v12;
	[tilespmem:s1+$0x0] =	vst v0;
	v14 =	vadd.f32 v17, v9  }
0x2a3: {  	s0 =	sshra.s32 s3, $0x2;
	v18 =	vadd.f32 v19, v11;
	v19 =	vadd.f32 v6, v13;
	[tilespmem:s1+$0xFFFFFFF0] =	vst v0  }
0x2a4: {  	v17 =	vadd.f32 v25, v10;
	v7 =	vld [tilespmem:s0+$0x8050];
	v16 =	vadd.f32 v16, v8  }
0x2a5: {  	v6 =	vld [tilespmem:s0+$0xA070]  }
0x2a6: {  	v10 =	vld [tilespmem:s0+$0x6020]  }
0x2a7: {  	v8 =	vld [tilespmem:s0+$0x8020]  }
0x2a8: {  	v9 =	vld [tilespmem:s0+$0x6030]  }
0x2a9: {  	v13 =	vld [tilespmem:s0+$0xA050]  }
.Ltmp18:
0x2aa: {  	v20 =	vld [tilespmem:s0+$0x6000];
	(pc) =	sbr.rel @p0 .LBB2_32-.Ltmp18, $4  }
0x2ab: {  	v12 =	vld [tilespmem:s0+$0x8030]  }
0x2ac: {  	v11 =	vld [tilespmem:s0+$0xA020]  }
0x2ad: {  	v21 =	vld [tilespmem:s0+$0xA030]  }
0x2ae: {  	v22 =	vld [tilespmem:s0+$0xA010]  }
0x2af: {  	v23 =	vld [tilespmem:s0+$0xA000]  }
0x2b0: {  	v24 =	vld [tilespmem:s0+$0x8010]  }
0x2b1: {  	v25 =	vld [tilespmem:s0+$0x6010]  }
0x2b2: {  	v26 =	vld [tilespmem:s0+$0x8000]  }
0x2b3: {  	v28 =	vld [tilespmem:s0+$0x6040];
	v15 =	vadd.f32 v20, v15  }
0x2b4: {  	v27 =	vld [tilespmem:s0+$0x8040]  }
0x2b5: {  	v57 =	vld [tilespmem:s0+$0xA040];
	v10 =	vadd.f32 v10, v15;
	v19 =	vadd.f32 v22, v19  }
0x2b6: {  	v59 =	vld [tilespmem:s0+$0x6060];
	v18 =	vadd.f32 v23, v18;
	v14 =	vadd.f32 v25, v14  }
0x2b7: {  	v58 =	vld [tilespmem:s0+$0x6050];
	v17 =	vadd.f32 v24, v17;
	v16 =	vadd.f32 v26, v16  }
0x2b8: {  	v61 =	vld [tilespmem:s0+$0x6070];
	v10 =	vadd.f32 v28, v10;
	v19 =	vadd.f32 v21, v19  }
0x2b9: {  	v62 =	vld [tilespmem:s0+$0x8070];
	v12 =	vadd.f32 v12, v17;
	v8 =	vadd.f32 v8, v16  }
0x2ba: {  	v63 =	vld [tilespmem:s0+$0x8060];
	v9 =	vadd.f32 v9, v14;
	v11 =	vadd.f32 v11, v18  }
0x2bb: {  	v60 =	vld [tilespmem:s0+$0xA060];
	v10 =	vadd.f32 v59, v10;
	v13 =	vadd.f32 v13, v19  }
0x2bc: {  	v8 =	vadd.f32 v27, v8;
	v9 =	vadd.f32 v58, v9  }
0x2bd: {  	v11 =	vadd.f32 v57, v11;
	v7 =	vadd.f32 v7, v12  }
0x2be: {  	v6 =	vadd.f32 v6, v13;
	v9 =	vadd.f32 v61, v9  }
0x2bf: {  	v8 =	vadd.f32 v63, v8;
	v7 =	vadd.f32 v62, v7  }
0x2c0: {  	v11 =	vadd.f32 v60, v11;
	v9 =	vadd.f32 v9, v10  }
0x2c1: {  	v7 =	vadd.f32 v7, v8  }
0x2c2: {  	v6 =	vadd.f32 v6, v11;
	(xrf2) =	vadd.scan.msk.f32 $0xffff, v9  }
0x2c3: {  	(xrf2) =	vadd.scan.msk.f32 $0xffff, v7  }
0x2c4: {  	(xrf2) =	vadd.scan.msk.f32 $0xffff, v6;
	_ =	sdelay $0x7  }
0x2c5: {  	v6, _, _ =	vpop (xrf2)  }
0x2c6: {  	v7, _, _ =	vpop (xrf2);
	(v2sf) =	vpush v6, $0xF  }
0x2c7: {  	(v2sf) =	vpush v7, $0xF;
	v6, _, _ =	vpop (xrf2)  }
0x2c8: {  	(v2sf) =	vpush v6, $0xF;
	_ =	sdelay $0xc  }
0x2c9: {  	s31 =	spop (v2sf)  }
0x2ca: {  	s1 =	spop (v2sf);
	s0 =	smul.f32 $1.220703130e-04, s31  }
0x2cb: {  	s1 =	smul.f32 $1.220703130e-04, s1;
	s3 =	spop (v2sf)  }
0x2cc: {  	s3 =	smul.f32 $1.220703130e-04, s3;
	_ =	swait.ge [sflag:s15], $0x6000  }
0x2cd: {  	[sflag:s15] =	ssyncset.done $0x0  }
0x2ce: {  	s28 =	simm.s32 $0x0;
	v6 =	vmov s0;
	s0 =	simm.s32 $0x0;
	v7 =	vmov s1;
	[sflag:s15] =	ssyncadd.s32 $0xFFFFA000;
	v8 =	vmov s3  }
.LBB2_34:
0x2cf: {  	s1 =	sshra.s32 s0, $0x2  }
0x2d0: {  	v9 =	vld [tilespmem:s1+$0xC000]  }
0x2d1: {  	v10 =	vld [tilespmem:s1+$0xE000];
	_ =	sdelay $0x1  }
0x2d2: {  	v11 =	vld [tilespmem:s1+$0x10000];
	_ =	sdelay $0x2  }
0x2d3: {  	v9 =	vsub.f32 v9, v6;
	v10 =	vsub.f32 v10, v7;
	_ =	sdelay $0x1  }
0x2d4: {  	v11 =	vsub.f32 v11, v8;
	v9 =	vmul.f32 v9, v9;
	v10 =	vmul.f32 v10, v10;
	_ =	sdelay $0x1  }
0x2d5: {  	v9 =	vadd.f32 v10, v9;
	v10 =	vmul.f32 v11, v11;
	_ =	sdelay $0x1  }
0x2d6: {  	v9 =	vadd.f32 v10, v9;
	_ =	sdelay $0x1  }
0x2d7: {  	v10 =	vshra.s32 v9, $0x13  }
0x2d8: {  	v10 =	vand.u32 $0xFFFFFFF0, v10  }
0x2d9: {  	v10 =	vor.u32 v1, v10;
	_ =	sdelay $0x3  }
0x2da: {  	[tilespmem:s1+$0x12000] =	vst v9  }
0x2db: {  	[tilespmem:v10+s16+$0x0] =	vst.idx.add.s32.msk $0xffff, v2  }
0x2dc: {  	v9 =	vld [tilespmem:s1+$0xC010]  }
0x2dd: {  	v10 =	vld [tilespmem:s1+$0xE010];
	_ =	sdelay $0x1  }
0x2de: {  	v11 =	vld [tilespmem:s1+$0x10010];
	_ =	sdelay $0x2  }
0x2df: {  	v9 =	vsub.f32 v9, v6;
	v10 =	vsub.f32 v10, v7;
	_ =	sdelay $0x1  }
0x2e0: {  	v11 =	vsub.f32 v11, v8;
	v9 =	vmul.f32 v9, v9;
	v10 =	vmul.f32 v10, v10;
	_ =	sdelay $0x1  }
0x2e1: {  	v9 =	vadd.f32 v10, v9;
	v10 =	vmul.f32 v11, v11;
	_ =	sdelay $0x1  }
0x2e2: {  	v9 =	vadd.f32 v10, v9;
	_ =	sdelay $0x1  }
0x2e3: {  	v10 =	vshra.s32 v9, $0x13  }
0x2e4: {  	v10 =	vand.u32 $0xFFFFFFF0, v10  }
0x2e5: {  	v10 =	vor.u32 v1, v10;
	_ =	sdelay $0x3  }
0x2e6: {  	[tilespmem:s1+$0x12010] =	vst v9  }
0x2e7: {  	[tilespmem:v10+s16+$0x0] =	vst.idx.add.s32.msk $0xffff, v2  }
0x2e8: {  	v9 =	vld [tilespmem:s1+$0xC020]  }
0x2e9: {  	v10 =	vld [tilespmem:s1+$0xE020];
	_ =	sdelay $0x1  }
0x2ea: {  	v11 =	vld [tilespmem:s1+$0x10020];
	_ =	sdelay $0x2  }
0x2eb: {  	v9 =	vsub.f32 v9, v6;
	v10 =	vsub.f32 v10, v7;
	_ =	sdelay $0x1  }
0x2ec: {  	v11 =	vsub.f32 v11, v8;
	v9 =	vmul.f32 v9, v9;
	v10 =	vmul.f32 v10, v10;
	_ =	sdelay $0x1  }
0x2ed: {  	v9 =	vadd.f32 v10, v9;
	v10 =	vmul.f32 v11, v11;
	_ =	sdelay $0x1  }
0x2ee: {  	v9 =	vadd.f32 v10, v9;
	_ =	sdelay $0x1  }
0x2ef: {  	v10 =	vshra.s32 v9, $0x13  }
0x2f0: {  	v10 =	vand.u32 $0xFFFFFFF0, v10  }
0x2f1: {  	v10 =	vor.u32 v1, v10;
	_ =	sdelay $0x3  }
0x2f2: {  	[tilespmem:s1+$0x12020] =	vst v9  }
0x2f3: {  	[tilespmem:v10+s16+$0x0] =	vst.idx.add.s32.msk $0xffff, v2  }
0x2f4: {  	v9 =	vld [tilespmem:s1+$0xC030]  }
0x2f5: {  	v10 =	vld [tilespmem:s1+$0xE030];
	_ =	sdelay $0x1  }
0x2f6: {  	v11 =	vld [tilespmem:s1+$0x10030];
	_ =	sdelay $0x2  }
0x2f7: {  	v9 =	vsub.f32 v9, v6;
	v10 =	vsub.f32 v10, v7;
	_ =	sdelay $0x1  }
0x2f8: {  	v11 =	vsub.f32 v11, v8;
	v9 =	vmul.f32 v9, v9;
	v10 =	vmul.f32 v10, v10;
	_ =	sdelay $0x1  }
0x2f9: {  	v9 =	vadd.f32 v10, v9;
	v10 =	vmul.f32 v11, v11;
	_ =	sdelay $0x1  }
0x2fa: {  	v9 =	vadd.f32 v10, v9;
	_ =	sdelay $0x1  }
0x2fb: {  	v10 =	vshra.s32 v9, $0x13  }
0x2fc: {  	v10 =	vand.u32 $0xFFFFFFF0, v10  }
0x2fd: {  	v10 =	vor.u32 v1, v10;
	_ =	sdelay $0x3  }
0x2fe: {  	[tilespmem:s1+$0x12030] =	vst v9  }
0x2ff: {  	[tilespmem:v10+s16+$0x0] =	vst.idx.add.s32.msk $0xffff, v2  }
0x300: {  	v9 =	vld [tilespmem:s1+$0xC040]  }
0x301: {  	v10 =	vld [tilespmem:s1+$0xE040];
	_ =	sdelay $0x1  }
0x302: {  	v11 =	vld [tilespmem:s1+$0x10040];
	_ =	sdelay $0x2  }
0x303: {  	v9 =	vsub.f32 v9, v6;
	v10 =	vsub.f32 v10, v7;
	_ =	sdelay $0x1  }
0x304: {  	v11 =	vsub.f32 v11, v8;
	v9 =	vmul.f32 v9, v9;
	v10 =	vmul.f32 v10, v10;
	_ =	sdelay $0x1  }
0x305: {  	v9 =	vadd.f32 v10, v9;
	v10 =	vmul.f32 v11, v11;
	_ =	sdelay $0x1  }
0x306: {  	v9 =	vadd.f32 v10, v9;
	_ =	sdelay $0x1  }
0x307: {  	v10 =	vshra.s32 v9, $0x13  }
0x308: {  	v10 =	vand.u32 $0xFFFFFFF0, v10  }
0x309: {  	v10 =	vor.u32 v1, v10;
	_ =	sdelay $0x3  }
0x30a: {  	[tilespmem:s1+$0x12040] =	vst v9  }
0x30b: {  	[tilespmem:v10+s16+$0x0] =	vst.idx.add.s32.msk $0xffff, v2  }
0x30c: {  	v9 =	vld [tilespmem:s1+$0xC050]  }
0x30d: {  	v10 =	vld [tilespmem:s1+$0xE050];
	_ =	sdelay $0x1  }
0x30e: {  	v11 =	vld [tilespmem:s1+$0x10050];
	_ =	sdelay $0x2  }
0x30f: {  	v9 =	vsub.f32 v9, v6;
	v10 =	vsub.f32 v10, v7;
	_ =	sdelay $0x1  }
0x310: {  	v11 =	vsub.f32 v11, v8;
	v9 =	vmul.f32 v9, v9;
	v10 =	vmul.f32 v10, v10;
	_ =	sdelay $0x1  }
0x311: {  	v9 =	vadd.f32 v10, v9;
	v10 =	vmul.f32 v11, v11;
	_ =	sdelay $0x1  }
0x312: {  	v9 =	vadd.f32 v10, v9;
	_ =	sdelay $0x1  }
0x313: {  	v10 =	vshra.s32 v9, $0x13  }
0x314: {  	v10 =	vand.u32 $0xFFFFFFF0, v10  }
0x315: {  	v10 =	vor.u32 v1, v10;
	_ =	sdelay $0x3  }
0x316: {  	[tilespmem:s1+$0x12050] =	vst v9  }
0x317: {  	[tilespmem:v10+s16+$0x0] =	vst.idx.add.s32.msk $0xffff, v2  }
0x318: {  	v9 =	vld [tilespmem:s1+$0xC060]  }
0x319: {  	v10 =	vld [tilespmem:s1+$0xE060];
	_ =	sdelay $0x1  }
0x31a: {  	v11 =	vld [tilespmem:s1+$0x10060];
	_ =	sdelay $0x2  }
0x31b: {  	v9 =	vsub.f32 v9, v6;
	v10 =	vsub.f32 v10, v7;
	_ =	sdelay $0x1  }
0x31c: {  	v11 =	vsub.f32 v11, v8;
	v9 =	vmul.f32 v9, v9;
	v10 =	vmul.f32 v10, v10;
	_ =	sdelay $0x1  }
0x31d: {  	v9 =	vadd.f32 v10, v9;
	v10 =	vmul.f32 v11, v11;
	_ =	sdelay $0x1  }
0x31e: {  	v9 =	vadd.f32 v10, v9;
	_ =	sdelay $0x1  }
0x31f: {  	v10 =	vshra.s32 v9, $0x13  }
0x320: {  	v10 =	vand.u32 $0xFFFFFFF0, v10  }
0x321: {  	v10 =	vor.u32 v1, v10;
	_ =	sdelay $0x3  }
0x322: {  	[tilespmem:s1+$0x12060] =	vst v9  }
0x323: {  	[tilespmem:v10+s16+$0x0] =	vst.idx.add.s32.msk $0xffff, v2  }
0x324: {  	v9 =	vld [tilespmem:s1+$0xC070]  }
0x325: {  	v10 =	vld [tilespmem:s1+$0xE070];
	_ =	sdelay $0x1  }
0x326: {  	v11 =	vld [tilespmem:s1+$0x10070];
	_ =	sdelay $0x2  }
0x327: {  	v9 =	vsub.f32 v9, v6;
	v10 =	vsub.f32 v10, v7;
	_ =	sdelay $0x1  }
0x328: {  	v11 =	vsub.f32 v11, v8;
	v9 =	vmul.f32 v9, v9;
	v10 =	vmul.f32 v10, v10;
	_ =	sdelay $0x1  }
0x329: {  	v9 =	vadd.f32 v10, v9;
	v10 =	vmul.f32 v11, v11;
	_ =	sdelay $0x1  }
0x32a: {  	v9 =	vadd.f32 v10, v9;
	_ =	sdelay $0x1  }
0x32b: {  	v10 =	vshra.s32 v9, $0x13  }
0x32c: {  	v10 =	vand.u32 $0xFFFFFFF0, v10  }
0x32d: {  	p0 =	sne.s32 s0, $0x7E00;
	v10 =	vor.u32 v1, v10  }
.Ltmp19:
0x32e: {  	_ = 	snop;
	(pc) =	sbr.rel @p0 .LBB2_34-.Ltmp19, $3  }
0x32f: {  	_ =	sdelay $0x1  }
0x330: {  	[tilespmem:s1+$0x12070] =	vst v9  }
0x331: {  	s0 =	sadd.s32 $0x200, s0;
	[tilespmem:v10+s16+$0x0] =	vst.idx.add.s32.msk $0xffff, v2  }
0x332: {  	s0 =	simm.s32 $0x17090  }
0x333: {  	s1 =	simm.s32 $0x16090;
	[tilespmem:s0+$0xFFFFFFF0] =	vst v0  }
0x334: {  	v6 =	vld [tilespmem:s1+$0xFFFFFFF0]  }
0x335: {  	[tilespmem:s0+$0x0] =	vst v0  }
0x336: {  	v7 =	vld [tilespmem:s1+$0x0];
	_ =	sdelay $0x2  }
0x337: {  	(xrf0) =	vadd.scan.msk.s32 $0xffff, v6;
	_ =	sdelay $0x1  }
0x338: {  	(xrf0) =	vadd.scan.msk.s32 $0xffff, v7;
	_ =	sdelay $0x3  }
0x339: {  	v6, _, _ =	vpop (xrf0)  }
0x33a: {  	(v2sf) =	vpush v6, $0xF  }
0x33b: {  	s1 =	simm.s32 $0x170B0;
	v6, _, _ =	vpop (xrf0)  }
0x33c: {  	s3 =	simm.s32 $0x160B0;
	[tilespmem:s1+$0xFFFFFFF0] =	vst v0;
	(v2sf) =	vpush v6, $0xF  }
0x33d: {  	v6 =	vld [tilespmem:s3+$0xFFFFFFF0]  }
0x33e: {  	[tilespmem:s1+$0x0] =	vst v0  }
0x33f: {  	v7 =	vld [tilespmem:s3+$0x0];
	_ =	sdelay $0x1  }
0x340: {  	s4 =	simm.s32 $0x170D0  }
0x341: {  	s5 =	simm.s32 $0x160D0;
	[tilespmem:s4+$0xFFFFFFF0] =	vst v0;
	(xrf0) =	vadd.scan.msk.s32 $0xffff, v6  }
0x342: {  	v8 =	vld [tilespmem:s5+$0xFFFFFFF0]  }
0x343: {  	(xrf0) =	vadd.scan.msk.s32 $0xffff, v7;
	_ =	sdelay $0x2  }
0x344: {  	[tilespmem:s4+$0x0] =	vst v0  }
0x345: {  	v9 =	vld [tilespmem:s5+$0x0];
	(xrf0) =	vadd.scan.msk.s32 $0xffff, v8;
	v6, _, _ =	vpop (xrf0)  }
0x346: {  	s6 =	spop (v2sf);
	(v2sf) =	vpush v6, $0xF  }
0x347: {  	v7, _, _ =	vpop (xrf0)  }
0x348: {  	s7 =	spop (v2sf);
	(v2sf) =	vpush v7, $0xF  }
0x349: {  	p0 =	por $0x0, $0x0;
	s30 =	simm.s32 $0x2  }
0x34a: {  	s14 =	simm.s32 $0x4;
	s12 =	simm.s32 $0x8;
	s21 =	simm.s32 $0x160F0;
	(xrf0) =	vadd.scan.msk.s32 $0xffff, v9  }
0x34b: {  	s22 =	simm.s32 $0x170F0;
	s29 =	simm.s32 $0x0;
	v8, _, _ =	vpop (xrf0);
	s31 =	sadd.s32 $0x0, s6  }
0x34c: {  	p1 =	por !p0, !p0;
	s1 =	simm.s32 $0x6;
	p2 =	sgt.s32 s31, $0x15E7;
	(v2sf) =	vpush v8, $0xF  }
0x34d: {  	[tilespmem:s22+$0xFFFFFFF0] =	vst v0;
	s0 =	sadd.s32 s31, s7;
	p1 =	por !p2, !p1;
	p2 =	por p0, p2  }
0x34e: {  	s3 =	simm.s32 $0x1;
	v6 =	vld [tilespmem:s21+$0xFFFFFFF0];
	p3 =	sgt.s32 s0, $0x15E7;
	p6 =	por !p2, !p2  }
0x34f: {  	[tilespmem:s22+$0x0] =	vst v0;
	p0 =	por !p1, !p1;
	p1 =	por p2, p3;
	p4 =	por !p3, !p6  }
0x350: {  	v7 =	vld [tilespmem:s21+$0x0];
	v8, _, _ =	vpop (xrf0);
	s29 =	smov.u32 @p0 s29;
	s28 =	smov.u32 @p0 s28;
	p0 =	por !p4, !p4  }
.LBB2_36:
0x351: {  	p2 =	sne.s32 s12, $0xFE;
	s29 =	smov.u32 @p0 s3;
	s28 =	smov.u32 @p0 s31  }
0x352: {  	(v2sf) =	vpush v8, $0xF;
	s4 =	smov.u32 s30;
	s30 =	smov.u32 s14;
	s14 =	smov.u32 s1  }
0x353: {  	s1 =	smov.u32 s12;
	s12 =	sadd.s32 $0x2, s12;
	s5 =	smov.u32 s0;
	(xrf0) =	vadd.scan.msk.s32 $0xffff, v6  }
0x354: {  	_ = 	snop  }
0x355: {  	s21 =	sadd.s32 $0x20, s21;
	(xrf0) =	vadd.scan.msk.s32 $0xffff, v7;
	s3 =	spop (v2sf)  }
0x356: {  	s22 =	sadd.s32 $0x20, s22;
	p0 =	por !p1, !p1;
	s31 =	sadd.s32 s0, s3  }
.Ltmp20:
0x357: {  	[tilespmem:s22+$0xFFFFFFF0] =	vst v0;
	p3 =	sgt.s32 s31, $0x15E7;
	s0 =	spop (v2sf);
	(pc) =	sbr.rel @p2 .LBB2_36-.Ltmp20, $4  }
0x358: {  	v6 =	vld [tilespmem:s21+$0xFFFFFFF0];
	p0 =	por !p3, !p0;
	p1 =	por p1, p3;
	s0 =	sadd.s32 s31, s0  }
0x359: {  	[tilespmem:s22+$0x0] =	vst v0;
	v8, _, _ =	vpop (xrf0);
	p0 =	por !p0, !p0;
	p3 =	por !p1, !p1;
	p4 =	sgt.s32 s0, $0x15E7  }
0x35a: {  	s3 =	sadd.s32 $0x1, s4;
	v7 =	vld [tilespmem:s21+$0x0];
	(v2sf) =	vpush v8, $0xF;
	p3 =	por !p4, !p3;
	p1 =	por p1, p4  }
0x35b: {  	s29 =	smov.u32 @p0 s4;
	s28 =	smov.u32 @p0 s5;
	v8, _, _ =	vpop (xrf0);
	p0 =	por !p3, !p3  }
0x35c: {  	_ = 	snop  }
0x35d: {  	(xrf0) =	vadd.scan.msk.s32 $0xffff, v6;
	_ =	sdelay $0x2  }
0x35e: {  	(xrf0) =	vadd.scan.msk.s32 $0xffff, v7;
	_ =	sdelay $0x1  }
0x35f: {  	(v2sf) =	vpush v8, $0xF  }
0x360: {  	v6, _, _ =	vpop (xrf0)  }
0x361: {  	(v2sf) =	vpush v6, $0xF;
	_ =	sdelay $0x1  }
0x362: {  	v6, _, _ =	vpop (xrf0)  }
0x363: {  	s4 =	spop (v2sf);
	(v2sf) =	vpush v6, $0xF  }
0x364: {  	s12 =	sadd.s32 s0, s4  }
0x365: {  	p2 =	por !p1, !p1;
	p3 =	sgt.s32 s12, $0x15E7  }
0x366: {  	p2 =	por !p3, !p2;
	p3 =	por p1, p3  }
0x367: {  	s29 =	smov.u32 @p0 s3;
	p1 =	por !p2, !p2;
	p6 =	por !p3, !p3  }
0x368: {  	s5 =	spop (v2sf);
	s3 =	simm.s32 @!p1 $0x0;
	s29 =	smov.u32 @p1 s30  }
0x369: {  	s21 =	sadd.s32 s12, s5;
	s3 =	simm.s32 @p1 $0x1;
	s5 =	sadd.s32 $0x1, s30  }
0x36a: {  	s30 =	simm.s32 $0x0;
	[smem:$0x7FC] =	sst s3;
	p4 =	sgt.s32 s21, $0x15E7  }
0x36b: {  	p2 =	por !p4, !p6;
	p3 =	por p3, p4;
	s22 =	spop (v2sf)  }
0x36c: {  	p4 =	por !p3, !p3;
	p2 =	por !p2, !p2;
	s22 =	sadd.s32 s21, s22  }
0x36d: {  	s29 =	smov.u32 @p2 s5;
	p5 =	sgt.s32 s22, $0x15E7;
	s4 =	spop (v2sf)  }
0x36e: {  	p4 =	por !p5, !p4;
	s3 =	sadd.s32 s22, s4;
	p3 =	por p3, p5  }
0x36f: {  	p1 =	sgt.s32 s3, $0x15E7;
	p6 =	por !p3, !p3;
	s6 =	spop (v2sf)  }
0x370: {  	p3 =	por p3, p1;
	p6 =	por !p1, !p6;
	s4 =	sadd.s32 s3, s6  }
0x371: {  	p5 =	por !p3, !p3;
	s6 =	sadd.s32 $0x1, s14;
	p1 =	sgt.s32 s4, $0x15E7  }
0x372: {  	s7 =	spop (v2sf);
	p5 =	por !p1, !p5;
	p1 =	por p3, p1  }
0x373: {  	v7 =	vld [tilespmem:s30+$0x12000];
	p3 =	por !p4, !p4;
	s5 =	sadd.s32 s4, s7;
	p4 =	por !p6, !p6  }
0x374: {  	s29 =	smov.u32 @p3 s14;
	p1 =	por !p1, !p1;
	p6 =	sgt.s32 s5, $0x15E7  }
0x375: {  	p5 =	por !p5, !p5;
	p1 =	por !p6, !p1;
	s29 =	smov.u32 @p4 s6  }
0x376: {  	s29 =	smov.u32 @p5 s1;
	s1 =	sadd.s32 $0x1, s1;
	p6 =	por !p1, !p1  }
0x377: {  	s29 =	smov.u32 @p6 s1  }
0x378: {  	v8 =	vshra.s32 v7, $0x17;
	v6 =	vmov s29  }
0x379: {  	vm0 =	veq.s32 v8, v6  }
0x37a: {  	[tilespmem:s30+$0x14000] =	vst.msk vm0, v7  }
0x37b: {  	v7 =	vld [tilespmem:s30+$0x12010];
	_ =	sdelay $0x4  }
0x37c: {  	v8 =	vshra.s32 v7, $0x17  }
0x37d: {  	vm1 =	veq.s32 v8, v6  }
0x37e: {  	[tilespmem:s30+$0x14010] =	vst.msk vm1, v7  }
0x37f: {  	v7 =	vld [tilespmem:s30+$0x12020];
	_ =	sdelay $0x4  }
0x380: {  	v8 =	vshra.s32 v7, $0x17  }
0x381: {  	vm2 =	veq.s32 v8, v6  }
0x382: {  	[tilespmem:s30+$0x14020] =	vst.msk vm2, v7  }
0x383: {  	v7 =	vld [tilespmem:s30+$0x12030]  }
0x384: {  	v8 =	vmpcnt.ones.xlane vm0;
	_ =	sdelay $0x1  }
0x385: {  	v9 =	vmpcnt.ones.xlane vm2;
	(v2sf) =	vpush v8, $0x0;
	_ =	sdelay $0x1  }
0x386: {  	(v2sf) =	vpush v9, $0x0;
	v9 =	vmpcnt.ones.xlane vm1;
	v8 =	vshra.s32 v7, $0x17  }
0x387: {  	vm13 =	veq.s32 v8, v6  }
0x388: {  	s1 =	simm.s32 $0x40;
	(v2sf) =	vpush v9, $0x0;
	[tilespmem:s30+$0x14030] =	vst.msk vm13, v7;
	v7 =	vmpcnt.ones.xlane vm13  }
0x389: {  	v8 =	vld [tilespmem:s1+$0x12000]  }
0x38a: {  	(v2sf) =	vpush v7, $0x0;
	_ =	sdelay $0x2  }
0x38b: {  	s14 =	sld [smem:$0x7FC]  }
0x38c: {  	v7 =	vshra.s32 v8, $0x17  }
0x38d: {  	vm14 =	veq.s32 v7, v6  }
0x38e: {  	s28 =	smov.u32 @p0 s31;
	p0 =	seq.s32 s14, $0x1;
	[tilespmem:s1+$0x14000] =	vst.msk vm14, v8  }
0x38f: {  	s28 =	smov.u32 @p0 s0;
	v8 =	vmpcnt.ones.xlane vm14;
	v7 =	vld [tilespmem:s1+$0x12010]  }
0x390: {  	s28 =	smov.u32 @p2 s12  }
0x391: {  	s28 =	smov.u32 @p3 s21;
	s21 =	spop (v2sf);
	(v2sf) =	vpush v8, $0x0;
	_ =	sdelay $0x2  }
0x392: {  	s28 =	smov.u32 @p4 s22;
	s22 =	spop (v2sf);
	[smem:$0x0] =	sst s21;
	v8 =	vshra.s32 v7, $0x17  }
0x393: {  	s5 =	simm.s32 $0x200;
	s14 =	simm.s32 $0x2;
	s31 =	spop (v2sf);
	vm15 =	veq.s32 v8, v6  }
0x394: {  	s0 =	simm.s32 $0x0;
	s28 =	smov.u32 @p5 s3;
	[tilespmem:s1+$0x14010] =	vst.msk vm15, v7;
	[smem:$0x1] =	sst s31  }
0x395: {  	s28 =	smov.u32 @p6 s4;
	v7 =	vmpcnt.ones.xlane vm15;
	[smem:s14] =	sst s22;
	v8 =	vld [tilespmem:s1+$0x12020];
	s4 =	spop (v2sf)  }
.LBB2_38:
0x396: {  	[smem:s14+$0x1] =	sst s4  }
0x397: {  	s14 =	sadd.s32 $0x4, s14;
	s4 =	smov.u32 s5;
	s3 =	sadd.s32 $0x100, s5  }
0x398: {  	p0 =	sne.s32 s5, $0x7F00;
	_ =	sdelay $0x2  }
0x399: {  	v9 =	vshra.s32 v8, $0x17  }
0x39a: {  	vm0 =	veq.s32 v9, v6  }
0x39b: {  	[tilespmem:s1+$0x14020] =	vst.msk vm0, v8;
	v8 =	vmpcnt.ones.xlane vm0  }
0x39c: {  	v9 =	vld [tilespmem:s1+$0x12030];
	s5 =	spop (v2sf)  }
0x39d: {  	(v2sf) =	vpush v8, $0x0;
	_ =	sdelay $0x3  }
0x39e: {  	v8 =	vshra.s32 v9, $0x17  }
0x39f: {  	vm0 =	veq.s32 v8, v6  }
0x3a0: {  	[tilespmem:s1+$0x14030] =	vst.msk vm0, v9;
	s1 =	sshra.s32 s4, $0x2;
	v8 =	vmpcnt.ones.xlane vm0;
	(v2sf) =	vpush v7, $0x0  }
0x3a1: {  	v7 =	vld [tilespmem:s1+$0x12000]  }
0x3a2: {  	(v2sf) =	vpush v8, $0x0;
	_ =	sdelay $0x3  }
0x3a3: {  	v8 =	vshra.s32 v7, $0x17  }
0x3a4: {  	vm0 =	veq.s32 v8, v6  }
0x3a5: {  	[tilespmem:s1+$0x14000] =	vst.msk vm0, v7;
	v7 =	vmpcnt.ones.xlane vm0  }
0x3a6: {  	v8 =	vld [tilespmem:s1+$0x12010];
	s4 =	spop (v2sf)  }
0x3a7: {  	(v2sf) =	vpush v7, $0x0;
	_ =	sdelay $0x2  }
.Ltmp21:
0x3a8: {  	(pc) =	sbr.rel @p0 .LBB2_38-.Ltmp21, $4  }
0x3a9: {  	v7 =	vshra.s32 v8, $0x17  }
0x3aa: {  	vm0 =	veq.s32 v7, v6;
	[smem:s14+$0xFFFFFFFE] =	sst s5;
	s5 =	spop (v2sf)  }
0x3ab: {  	[tilespmem:s1+$0x14010] =	vst.msk vm0, v8;
	v7 =	vmpcnt.ones.xlane vm0;
	[smem:s14+$0xFFFFFFFF] =	sst s5  }
0x3ac: {  	s5 =	smov.u32 s3;
	v8 =	vld [tilespmem:s1+$0x12020];
	[smem:s14] =	sst s4;
	s4 =	spop (v2sf)  }
0x3ad: {  	_ =	sdelay $0x3  }
0x3ae: {  	v9 =	vshra.s32 v8, $0x17  }
0x3af: {  	vm0 =	veq.s32 v9, v6  }
0x3b0: {  	[tilespmem:s1+$0x14020] =	vst.msk vm0, v8  }
0x3b1: {  	v8 =	vld [tilespmem:s1+$0x12030];
	_ =	sdelay $0x3  }
0x3b2: {  	v9 =	vmpcnt.ones.xlane vm0  }
0x3b3: {  	v10 =	vshra.s32 v8, $0x17  }
0x3b4: {  	(v2sf) =	vpush v9, $0x0;
	vm15 =	veq.s32 v10, v6  }
0x3b5: {  	(v2sf) =	vpush v7, $0x0;
	v7 =	vmpcnt.ones.xlane vm15;
	_ =	sdelay $0x1  }
0x3b6: {  	(v2sf) =	vpush v7, $0x0;
	_ =	sdelay $0x8  }
0x3b7: {  	s12 =	simm.s32 $0x14020;
	[tilespmem:s1+$0x14030] =	vst.msk vm15, v8  }
0x3b8: {  	v7 =	vld [tilespmem:s12+$0xFFFFFFE0]  }
0x3b9: {  	s3 =	spop (v2sf)  }
0x3ba: {  	[smem:s14+$0x1] =	sst s4;
	s14 =	sadd.s32 $0x4, s14;
	s5 =	spop (v2sf)  }
0x3bb: {  	[smem:s14+$0xFFFFFFFE] =	sst s3;
	s21 =	spop (v2sf)  }
0x3bc: {  	[smem:s14+$0xFFFFFFFF] =	sst s21  }
0x3bd: {  	[tilespmem:s0+$0x14000] =	vst v7;
	[smem:s14] =	sst s5;
	s22 =	spop (v2sf)  }
0x3be: {  	v7 =	vld [tilespmem:s12+$0xFFFFFFF0];
	[smem:s14+$0x1] =	sst s22  }
0x3bf: {  	s0 =	sld [smem:$0x0];
	_ =	sdelay $0x2  }
0x3c0: {  	s0 =	sadd.s32 $0x0, s0  }
0x3c1: {  	[tilespmem:s0+$0x14000] =	vst v7  }
0x3c2: {  	v7 =	vld [tilespmem:s12+$0x0]  }
0x3c3: {  	s31 =	sld [smem:$0x1];
	_ =	sdelay $0x2  }
0x3c4: {  	s0 =	sadd.s32 s0, s31  }
0x3c5: {  	[tilespmem:s0+$0x14000] =	vst v7  }
0x3c6: {  	v7 =	vld [tilespmem:s12+$0x10]  }
0x3c7: {  	s1 =	sld [smem:$0x2];
	_ =	sdelay $0x2  }
0x3c8: {  	s4 =	sadd.s32 s0, s1  }
0x3c9: {  	s0 =	simm.s32 $0x14060;
	[tilespmem:s4+$0x14000] =	vst v7  }
0x3ca: {  	s3 =	simm.s32 $0x20;
	s1 =	simm.s32 $0x10;
	v7 =	vld [tilespmem:s0+$0xFFFFFFE0]  }
.LBB2_40:
0x3cb: {  	p0 =	sne.s32 s3, $0x7F0;
	s5 =	sld [smem:s30+$0x3];
	_ =	sdelay $0x2  }
0x3cc: {  	s4 =	sadd.s32 s4, s5  }
0x3cd: {  	[tilespmem:s4+$0x14000] =	vst v7  }
0x3ce: {  	s30 =	sshra.s32 s1, $0x2;
	s1 =	smov.u32 s3;
	v7 =	vld [tilespmem:s0+$0xFFFFFFF0]  }
0x3cf: {  	s5 =	sld [smem:s30+$0x0];
	_ =	sdelay $0x2  }
0x3d0: {  	s4 =	sadd.s32 s4, s5  }
0x3d1: {  	[tilespmem:s4+$0x14000] =	vst v7  }
0x3d2: {  	v7 =	vld [tilespmem:s0+$0x0]  }
0x3d3: {  	s5 =	sld [smem:s30+$0x1];
	_ =	sdelay $0x2  }
0x3d4: {  	s4 =	sadd.s32 s4, s5  }
0x3d5: {  	[tilespmem:s4+$0x14000] =	vst v7  }
0x3d6: {  	v7 =	vld [tilespmem:s0+$0x10]  }
0x3d7: {  	s5 =	sld [smem:s30+$0x2]  }
.Ltmp22:
0x3d8: {  	(pc) =	sbr.rel @p0 .LBB2_40-.Ltmp22, $4  }
0x3d9: {  	_ = 	snop  }
0x3da: {  	s4 =	sadd.s32 s4, s5  }
0x3db: {  	s0 =	sadd.s32 $0x40, s0;
	[tilespmem:s4+$0x14000] =	vst v7  }
0x3dc: {  	s3 =	sadd.s32 $0x10, s3;
	v7 =	vld [tilespmem:s0+$0xFFFFFFE0]  }
0x3dd: {  	s3 =	sld [smem:s30+$0x3];
	_ =	sdelay $0x2  }
0x3de: {  	s3 =	sadd.s32 s4, s3  }
0x3df: {  	[tilespmem:s3+$0x14000] =	vst v7  }
0x3e0: {  	s1 =	sshra.s32 s1, $0x2;
	v7 =	vld [tilespmem:s0+$0xFFFFFFF0]  }
0x3e1: {  	s12 =	sld [smem:s1+$0x0];
	_ =	sdelay $0x1  }
0x3e2: {  	s14 =	sld [smem:s1+$0x1]  }
0x3e3: {  	s5 =	sld [smem:s1+$0x2];
	s3 =	sadd.s32 s3, s12  }
0x3e4: {  	s1 =	sld [smem:s1+$0x3];
	[tilespmem:s3+$0x14000] =	vst v7  }
0x3e5: {  	s3 =	sadd.s32 s3, s14;
	v7 =	vld [tilespmem:s0+$0x0]  }
0x3e6: {  	s4 =	sadd.s32 s3, s5  }
0x3e7: {  	s1 =	sadd.s32 s4, s1  }
0x3e8: {  	s21 =	sadd.s32 $0xF, s1  }
0x3e9: {  	s22 =	sand.u32 $0xF, s21  }
0x3ea: {  	s31 =	sshra.s32 s21, $0x1F;
	p1 =	slt.s32 s21, $0x1;
	p0 =	sne.s32 s22, $0x0;
	[tilespmem:s3+$0x14000] =	vst v7  }
0x3eb: {  	p0 =	por !p1, !p0;
	v7 =	vld [tilespmem:s0+$0x10];
	s0 =	sshrl.u32 s31, $0x1C  }
0x3ec: {  	s3 =	simm.s32 $0x1;
	p0 =	por !p0, !p0;
	s0 =	sadd.s32 s0, s21  }
0x3ed: {  	s3 =	simm.s32 @!p0 $0x0;
	s0 =	sshra.s32 s0, $0x4  }
0x3ee: {  	s30 =	ssub.s32 s0, s3  }
0x3ef: {  	p0 =	slt.s32 s30, $0x1  }
.Ltmp23:
0x3f0: {  	_ = 	snop;
	(pc) =	sbr.rel @p0 .LBB2_45-.Ltmp23, $3  }
0x3f1: {  	_ =	sdelay $0x1  }
0x3f2: {  	[tilespmem:s4+$0x14000] =	vst v7  }
0x3f3: {  	s0 =	simm.s32 $0x14000;
	[tilespmem:s1+$0x14000] =	vst v3  }
0x3f4: {  	p1 =	sne.s32 s30, $0x1  }
.Ltmp24:
0x3f5: {  	_ = 	snop;
	(pc) =	sbr.rel @!p1 .LBB2_44-.Ltmp24, $2  }
0x3f6: {  	_ =	sdelay $0x2  }
0x3f7: {  	v7 =	vld [tilespmem:s0+$0x0];
	s1 =	sadd.s32 $0xFFFFFFFF, s30  }
.LBB2_43:
0x3f8: {  	p1 =	sne.s32 s1, $0x1;
	_ =	sdelay $0x3  }
0x3f9: {  	v8 =	vshra.s32 v7, $0x17;
	v7 =	vshrl.u32 v7, $0xB  }
0x3fa: {  	vm0 =	veq.s32 v8, v6;
	v7 =	vand.u32 $0xFF0, v7  }
0x3fb: {  	v7 =	vor.u32 v1, v7;
	_ =	sdelay $0x1  }
.Ltmp25:
0x3fc: {  	(pc) =	sbr.rel @p1 .LBB2_43-.Ltmp25, $3  }
0x3fd: {  	_ =	sdelay $0x1  }
0x3fe: {  	s0 =	sadd.s32 $0x10, s0;
	[tilespmem:v7+s17+$0x0] =	vst.idx.add.s32.msk vm0, v2  }
0x3ff: {  	s1 =	sadd.s32 $0xFFFFFFFF, s1;
	v7 =	vld [tilespmem:s0+$0x0]  }
.LBB2_44:
0x400: {  	_ =	sdelay $0x3  }
0x401: {  	v8 =	vshra.s32 v7, $0x17;
	v7 =	vshrl.u32 v7, $0xB  }
0x402: {  	vm0 =	veq.s32 v8, v6;
	v6 =	vand.u32 $0xFF0, v7  }
0x403: {  	v6 =	vor.u32 v1, v6;
	_ =	sdelay $0x4  }
0x404: {  	[tilespmem:v6+s17+$0x0] =	vst.idx.add.s32.msk vm0, v2  }
.LBB2_45:
0x405: {  	s0 =	simm.s32 $0x18080  }
0x406: {  	s1 =	simm.s32 $0x17080;
	[tilespmem:s0+$0x0] =	vst v0  }
0x407: {  	v6 =	vld [tilespmem:s1+$0x0];
	_ =	sdelay $0x2  }
0x408: {  	s7 =	simm.s32 $0x18090  }
0x409: {  	s12 =	simm.s32 $0x17090;
	s14 =	simm.s32 $0x180A0;
	[tilespmem:s7+$0x0] =	vst v0  }
0x40a: {  	s21 =	simm.s32 $0x170A0;
	v7 =	vld [tilespmem:s12+$0x0];
	[tilespmem:s14+$0x0] =	vst v0;
	(xrf0) =	vadd.scan.msk.s32 $0xffff, v6  }
0x40b: {  	v8 =	vld [tilespmem:s21+$0x0];
	_ =	sdelay $0x3  }
0x40c: {  	(xrf0) =	vadd.scan.msk.s32 $0xffff, v7  }
0x40d: {  	(xrf0) =	vadd.scan.msk.s32 $0xffff, v8;
	v7, _, _ =	vpop (xrf0)  }
0x40e: {  	(v2sf) =	vpush v7, $0xF;
	_ =	sdelay $0x3  }
0x40f: {  	v63, _, _ =	vpop (xrf0)  }
0x410: {  	(v2sf) =	vpush v63, $0xF;
	v7, _, _ =	vpop (xrf0)  }
0x411: {  	(v2sf) =	vpush v7, $0xF  }
0x412: {  	s22 =	simm.s32 $0x180B0  }
0x413: {  	s3 =	simm.s32 $0x170B0;
	[tilespmem:s22+$0x0] =	vst v0  }
0x414: {  	v6 =	vld [tilespmem:s3+$0x0]  }
0x415: {  	s28 =	ssub.s32 $0x15E8, s28  }
0x416: {  	p1 =	por $0x0, $0x0;
	s31 =	simm.s32 $0x180C0;
	s5 =	simm.s32 $0x4  }
0x417: {  	s6 =	simm.s32 $0x0;
	s4 =	simm.s32 $0x0;
	p2 =	por !p1, !p1  }
0x418: {  	s0 =	simm.s32 $0x0;
	s1 =	simm.s32 $0x0;
	s12 =	simm.s32 $0x1  }
0x419: {  	s14 =	simm.s32 $0x3;
	s21 =	simm.s32 $0x2;
	s22 =	simm.s32 $0x0;
	(xrf0) =	vadd.scan.msk.s32 $0xffff, v6  }
.LBB2_46:
0x41a: {  	[tilespmem:s31+$0x0] =	vst v0;
	p3 =	sne.s32 s5, $0xFF;
	s3 =	sadd.s32 $0x10, s3;
	s7 =	spop (v2sf)  }
0x41b: {  	v6 =	vld [tilespmem:s3+$0x0];
	s22 =	sadd.s32 s22, s7;
	s7 =	smov.u32 s12;
	s12 =	smov.u32 s21  }
.Ltmp26:
0x41c: {  	s21 =	smov.u32 s14;
	p4 =	sge.s32 s22, s28;
	(pc) =	sbr.rel @p3 .LBB2_46-.Ltmp26, $4  }
0x41d: {  	s14 =	smov.u32 s5;
	p5 =	por !p4, !p2;
	p1 =	por p1, p4  }
0x41e: {  	p2 =	por !p1, !p1;
	p4 =	por !p5, !p5  }
0x41f: {  	v7, _, _ =	vpop (xrf0);
	s1 =	smov.u32 @p4 s6;
	s0 =	smov.u32 @p4 s4;
	s4 =	smov.u32 s22  }
0x420: {  	s31 =	sadd.s32 $0x10, s31;
	s5 =	sadd.s32 $0x1, s5;
	s6 =	smov.u32 s7;
	(xrf0) =	vadd.scan.msk.s32 $0xffff, v6;
	(v2sf) =	vpush v7, $0xF  }
0x421: {  	_ =	sdelay $0x4  }
0x422: {  	v6, _, _ =	vpop (xrf0)  }
0x423: {  	(v2sf) =	vpush v6, $0xF;
	_ =	sdelay $0x7  }
0x424: {  	s3 =	spop (v2sf)  }
0x425: {  	s3 =	sadd.s32 s22, s3;
	s5 =	spop (v2sf)  }
0x426: {  	p3 =	sge.s32 s3, s28;
	s5 =	sadd.s32 s3, s5  }
0x427: {  	p2 =	por !p3, !p2;
	p1 =	por p1, p3;
	p5 =	sge.s32 s5, s28  }
0x428: {  	p2 =	por !p2, !p2;
	p3 =	por !p1, !p1;
	p1 =	por p1, p5  }
0x429: {  	s1 =	smov.u32 @p2 s6;
	s0 =	smov.u32 @p2 s4;
	s7 =	spop (v2sf)  }
0x42a: {  	p3 =	por !p5, !p3;
	p2 =	por !p1, !p1;
	s4 =	sadd.s32 s5, s7  }
0x42b: {  	p3 =	por !p3, !p3;
	p4 =	sge.s32 s4, s28;
	s22 =	spop (v2sf)  }
0x42c: {  	p1 =	por p1, p4;
	p2 =	por !p4, !p2;
	s6 =	sadd.s32 s4, s22  }
.Ltmp27:
0x42d: {  	p1 =	por !p1, !p1;
	p6 =	sge.s32 s6, s28;
	(pc) =	sbr.rel @p0 .LBB2_51-.Ltmp27, $4  }
0x42e: {  	s1 =	smov.u32 @p3 s12;
	p2 =	por !p2, !p2;
	p1 =	por !p6, !p1  }
0x42f: {  	s0 =	smov.u32 @p3 s3;
	s1 =	smov.u32 @p2 s21;
	p1 =	por !p1, !p1  }
0x430: {  	s31 =	sshll.u32 s29, $0x8;
	s0 =	smov.u32 @p2 s5;
	s1 =	smov.u32 @p1 s14  }
0x431: {  	s0 =	smov.u32 @p1 s4;
	p1 =	sne.s32 s30, $0x1;
	s29 =	sadd.s32 s31, s1  }
.Ltmp28:
0x432: {  	(pc) =	sbr.rel @!p1 .LBB2_50-.Ltmp28, $3  }
0x433: {  	_ =	sdelay $0x1  }
0x434: {  	s1 =	simm.s32 $0x14000  }
0x435: {  	v6 =	vmov s29;
	s3 =	sadd.s32 $0xFFFFFFFF, s30;
	v7 =	vld [tilespmem:s1+$0x0]  }
.LBB2_49:
0x436: {  	p2 =	sne.s32 s3, $0x1;
	_ =	sdelay $0x3  }
0x437: {  	v8 =	vshra.s32 v7, $0xF;
	v7 =	vshrl.u32 v7, $0x3  }
0x438: {  	vm0 =	veq.s32 v8, v6;
	v7 =	vand.u32 $0xFF0, v7  }
0x439: {  	v7 =	vor.u32 v1, v7;
	_ =	sdelay $0x1  }
.Ltmp29:
0x43a: {  	(pc) =	sbr.rel @p2 .LBB2_49-.Ltmp29, $3  }
0x43b: {  	_ =	sdelay $0x1  }
0x43c: {  	s1 =	sadd.s32 $0x10, s1;
	[tilespmem:v7+s18+$0x0] =	vst.idx.add.s32.msk vm0, v2  }
0x43d: {  	s3 =	sadd.s32 $0xFFFFFFFF, s3;
	v7 =	vld [tilespmem:s1+$0x0]  }
.LBB2_50:
0x43e: {  	_ =	sdelay $0x3  }
0x43f: {  	v8 =	vshra.s32 v7, $0xF;
	v7 =	vshrl.u32 v7, $0x3  }
0x440: {  	vm0 =	veq.s32 v8, v6;
	v6 =	vand.u32 $0xFF0, v7  }
0x441: {  	v6 =	vor.u32 v1, v6;
	_ =	sdelay $0x4  }
0x442: {  	[tilespmem:v6+s18+$0x0] =	vst.idx.add.s32.msk vm0, v2  }
.LBB2_51:
0x443: {  	s1 =	simm.s32 $0x17080  }
0x444: {  	s3 =	simm.s32 $0x18080;
	[tilespmem:s1+$0x0] =	vst v0  }
0x445: {  	v6 =	vld [tilespmem:s3+$0x0];
	_ =	sdelay $0x2  }
0x446: {  	s7 =	simm.s32 $0x17090  }
0x447: {  	s12 =	simm.s32 $0x18090;
	s14 =	simm.s32 $0x170A0;
	[tilespmem:s7+$0x0] =	vst v0  }
0x448: {  	s21 =	simm.s32 $0x180A0;
	v7 =	vld [tilespmem:s12+$0x0];
	[tilespmem:s14+$0x0] =	vst v0;
	(xrf0) =	vadd.scan.msk.s32 $0xffff, v6  }
0x449: {  	v8 =	vld [tilespmem:s21+$0x0];
	_ =	sdelay $0x3  }
0x44a: {  	(xrf0) =	vadd.scan.msk.s32 $0xffff, v7  }
0x44b: {  	(xrf0) =	vadd.scan.msk.s32 $0xffff, v8;
	v7, _, _ =	vpop (xrf0)  }
0x44c: {  	(v2sf) =	vpush v7, $0xF;
	_ =	sdelay $0x3  }
0x44d: {  	v63, _, _ =	vpop (xrf0)  }
0x44e: {  	(v2sf) =	vpush v63, $0xF;
	v7, _, _ =	vpop (xrf0)  }
0x44f: {  	(v2sf) =	vpush v7, $0xF  }
0x450: {  	s22 =	simm.s32 $0x170B0  }
0x451: {  	s3 =	simm.s32 $0x180B0;
	[tilespmem:s22+$0x0] =	vst v0  }
0x452: {  	v6 =	vld [tilespmem:s3+$0x0]  }
0x453: {  	s0 =	ssub.s32 s28, s0  }
0x454: {  	p2 =	por $0x0, $0x0;
	s31 =	simm.s32 $0x170C0;
	s5 =	simm.s32 $0x4  }
0x455: {  	s28 =	simm.s32 $0x0;
	s6 =	simm.s32 $0x0;
	s4 =	simm.s32 $0x0  }
0x456: {  	p3 =	por !p2, !p2;
	s1 =	simm.s32 $0x0;
	s14 =	simm.s32 $0x0  }
0x457: {  	s12 =	simm.s32 $0x1;
	s22 =	simm.s32 $0x2;
	s21 =	simm.s32 $0x3;
	(xrf0) =	vadd.scan.msk.s32 $0xffff, v6  }
.LBB2_52:
0x458: {  	[tilespmem:s31+$0x0] =	vst v0;
	p4 =	sne.s32 s5, $0xFF;
	s3 =	sadd.s32 $0x10, s3;
	s7 =	spop (v2sf)  }
0x459: {  	v6 =	vld [tilespmem:s3+$0x0];
	s28 =	sadd.s32 s28, s7;
	s7 =	smov.u32 s12;
	s12 =	smov.u32 s22  }
.Ltmp30:
0x45a: {  	s22 =	smov.u32 s21;
	p5 =	sge.s32 s28, s0;
	(pc) =	sbr.rel @p4 .LBB2_52-.Ltmp30, $4  }
0x45b: {  	s21 =	smov.u32 s5;
	p6 =	por !p5, !p3;
	p2 =	por p2, p5  }
0x45c: {  	p3 =	por !p2, !p2;
	p5 =	por !p6, !p6  }
0x45d: {  	v7, _, _ =	vpop (xrf0);
	s14 =	smov.u32 @p5 s6;
	s1 =	smov.u32 @p5 s4;
	s4 =	smov.u32 s28  }
0x45e: {  	s31 =	sadd.s32 $0x10, s31;
	s5 =	sadd.s32 $0x1, s5;
	s6 =	smov.u32 s7;
	(xrf0) =	vadd.scan.msk.s32 $0xffff, v6;
	(v2sf) =	vpush v7, $0xF  }
0x45f: {  	_ =	sdelay $0x4  }
0x460: {  	v6, _, _ =	vpop (xrf0)  }
0x461: {  	(v2sf) =	vpush v6, $0xF;
	_ =	sdelay $0x7  }
0x462: {  	s3 =	spop (v2sf)  }
0x463: {  	s3 =	sadd.s32 s28, s3;
	s5 =	spop (v2sf)  }
0x464: {  	p4 =	sge.s32 s3, s0;
	s5 =	sadd.s32 s3, s5  }
0x465: {  	p3 =	por !p4, !p3;
	p2 =	por p2, p4;
	p5 =	sge.s32 s5, s0  }
0x466: {  	p3 =	por !p3, !p3;
	p4 =	por !p2, !p2;
	p2 =	por p2, p5  }
0x467: {  	s14 =	smov.u32 @p3 s6;
	s1 =	smov.u32 @p3 s4;
	s6 =	spop (v2sf)  }
0x468: {  	p4 =	por !p5, !p4;
	p3 =	por !p2, !p2;
	s4 =	sadd.s32 s5, s6  }
0x469: {  	p4 =	por !p4, !p4;
	p5 =	sge.s32 s4, s0;
	s7 =	spop (v2sf)  }
0x46a: {  	p2 =	por p2, p5;
	p3 =	por !p5, !p3;
	s6 =	sadd.s32 s4, s7  }
.Ltmp31:
0x46b: {  	p2 =	por !p2, !p2;
	p6 =	sge.s32 s6, s0;
	(pc) =	sbr.rel @p0 .LBB2_57-.Ltmp31, $4  }
0x46c: {  	s14 =	smov.u32 @p4 s12;
	p3 =	por !p3, !p3;
	p2 =	por !p6, !p2  }
0x46d: {  	s1 =	smov.u32 @p4 s3;
	s14 =	smov.u32 @p3 s22;
	p2 =	por !p2, !p2  }
0x46e: {  	s31 =	sshll.u32 s29, $0x8;
	s1 =	smov.u32 @p3 s5;
	s14 =	smov.u32 @p2 s21  }
0x46f: {  	s1 =	smov.u32 @p2 s4;
	s28 =	sadd.s32 s31, s14  }
.Ltmp32:
0x470: {  	(pc) =	sbr.rel @!p1 .LBB2_56-.Ltmp32, $3  }
0x471: {  	_ =	sdelay $0x1  }
0x472: {  	s3 =	simm.s32 $0x14000  }
0x473: {  	v6 =	vmov s28;
	s4 =	sadd.s32 $0xFFFFFFFF, s30;
	v7 =	vld [tilespmem:s3+$0x0]  }
.LBB2_55:
0x474: {  	p0 =	sne.s32 s4, $0x1;
	_ =	sdelay $0x3  }
0x475: {  	v8 =	vshra.s32 v7, $0x7;
	v7 =	vshll.u32 v7, $0x4  }
0x476: {  	vm0 =	veq.s32 v8, v6;
	v7 =	vor.u32 v1, v7  }
0x477: {  	v7 =	vand.u32 $0x7FF, v7;
	_ =	sdelay $0x1  }
.Ltmp33:
0x478: {  	(pc) =	sbr.rel @p0 .LBB2_55-.Ltmp33, $3  }
0x479: {  	_ =	sdelay $0x1  }
0x47a: {  	s3 =	sadd.s32 $0x10, s3;
	[tilespmem:v7+s17+$0x0] =	vst.idx.add.s32.msk vm0, v2  }
0x47b: {  	s4 =	sadd.s32 $0xFFFFFFFF, s4;
	v7 =	vld [tilespmem:s3+$0x0]  }
.LBB2_56:
0x47c: {  	_ =	sdelay $0x3  }
0x47d: {  	v8 =	vshra.s32 v7, $0x7;
	v7 =	vshll.u32 v7, $0x4  }
0x47e: {  	vm0 =	veq.s32 v8, v6;
	v6 =	vor.u32 v1, v7  }
0x47f: {  	v6 =	vand.u32 $0x7FF, v6;
	_ =	sdelay $0x4  }
0x480: {  	[tilespmem:v6+s17+$0x0] =	vst.idx.add.s32.msk vm0, v2  }
.LBB2_57:
0x481: {  	s3 =	simm.s32 $0x17080  }
0x482: {  	v6 =	vld [tilespmem:s3+$0x0];
	_ =	sdelay $0x4  }
0x483: {  	(xrf0) =	vadd.scan.msk.s32 $0xffff, v6;
	_ =	sdelay $0x5  }
0x484: {  	v6, _, _ =	vpop (xrf0)  }
0x485: {  	(v2sf) =	vpush v6, $0xF;
	_ =	sdelay $0x1  }
0x486: {  	s22 =	simm.s32 $0x17090  }
0x487: {  	v6 =	vld [tilespmem:s22+$0x0]  }
0x488: {  	s29 =	simm.s32 $0x170A0  }
0x489: {  	v7 =	vld [tilespmem:s29+$0x0];
	_ =	sdelay $0x2  }
0x48a: {  	(xrf0) =	vadd.scan.msk.s32 $0xffff, v6;
	_ =	sdelay $0x1  }
0x48b: {  	(xrf0) =	vadd.scan.msk.s32 $0xffff, v7;
	_ =	sdelay $0x2  }
0x48c: {  	s30 =	simm.s32 $0x170B0  }
0x48d: {  	v8 =	vld [tilespmem:s30+$0x0];
	v7, _, _ =	vpop (xrf0)  }
0x48e: {  	s4 =	spop (v2sf);
	(v2sf) =	vpush v7, $0xF  }
0x48f: {  	v7, _, _ =	vpop (xrf0)  }
0x490: {  	(v2sf) =	vpush v7, $0xF;
	_ =	sdelay $0x1  }
0x491: {  	s31 =	simm.s32 $0x170C0;
	(xrf0) =	vadd.scan.msk.s32 $0xffff, v8  }
0x492: {  	v6 =	vld [tilespmem:s31+$0x0]  }
0x493: {  	s14 =	ssub.s32 s0, s1  }
0x494: {  	p0 =	por $0x0, $0x0;
	s1 =	simm.s32 $0x0;
	s0 =	simm.s32 $0x2  }
0x495: {  	s21 =	simm.s32 $0x3;
	s12 =	simm.s32 $0x4;
	s6 =	simm.s32 $0x5  }
0x496: {  	s5 =	simm.s32 $0x0;
	s3 =	simm.s32 $0x1;
	s4 =	sadd.s32 $0x0, s4  }
0x497: {  	s5 =	smov.u32 @p0 s5;
	s22 =	simm.s32 $0x170D0;
	(xrf0) =	vadd.scan.msk.s32 $0xffff, v6;
	v6, _, _ =	vpop (xrf0);
	p1 =	sge.s32 s4, s14  }
.LBB2_58:
0x498: {  	p0 =	por p0, p1  }
0x499: {  	v7 =	vld [tilespmem:s22+$0x0];
	(v2sf) =	vpush v6, $0xF;
	s7 =	smov.u32 s6;
	p2 =	sne.s32 s6, $0x7F;
	s6 =	sadd.s32 $0x1, s6  }
.Ltmp34:
0x49a: {  	s1 =	smov.u32 @p1 s5;
	s5 =	smov.u32 s3;
	(pc) =	sbr.rel @p2 .LBB2_58-.Ltmp34, $4  }
0x49b: {  	s3 =	smov.u32 s0;
	s0 =	smov.u32 s21;
	s5 =	smov.u32 @p0 s1  }
0x49c: {  	s21 =	smov.u32 s12;
	s12 =	smov.u32 s7;
	s29 =	spop (v2sf)  }
0x49d: {  	s4 =	sadd.s32 s4, s29  }
0x49e: {  	s22 =	sadd.s32 $0x10, s22;
	(xrf0) =	vadd.scan.msk.s32 $0xffff, v7;
	v6, _, _ =	vpop (xrf0);
	p1 =	sge.s32 s4, s14  }
0x49f: {  	_ =	sdelay $0x4  }
0x4a0: {  	(v2sf) =	vpush v6, $0xF;
	v6, _, _ =	vpop (xrf0)  }
0x4a1: {  	(v2sf) =	vpush v6, $0xF;
	_ =	sdelay $0xb  }
0x4a2: {  	s6 =	spop (v2sf)  }
0x4a3: {  	s1 =	smov.u32 @p1 s5;
	s7 =	spop (v2sf)  }
0x4a4: {  	p0 =	por p0, p1;
	s4 =	sadd.s32 s4, s6;
	s22 =	spop (v2sf)  }
0x4a5: {  	s3 =	smov.u32 @p0 s1;
	p1 =	sge.s32 s4, s14;
	s29 =	spop (v2sf)  }
0x4a6: {  	s1 =	smov.u32 @p1 s3;
	_ =	swait.ge [sflag:s24], $0x2000  }
0x4a7: {  	p0 =	por p0, p1;
	s30 =	sadd.s32 s4, s7;
	[sflag:s24] =	ssyncset.done $0x0  }
0x4a8: {  	s0 =	smov.u32 @p0 s1;
	p1 =	sge.s32 s30, s14;
	[sflag:s24] =	ssyncadd.s32 $0xFFFFE000  }
0x4a9: {  	p0 =	por p0, p1;
	s1 =	smov.u32 @p1 s0;
	_ =	swait.ge [sflag:s25], $0x2000  }
0x4aa: {  	s0 =	simm.s32 $0x0;
	s3 =	sadd.s32 s30, s22;
	[sflag:s25] =	ssyncset.done $0x0  }
0x4ab: {  	s21 =	smov.u32 @p0 s1;
	p1 =	sge.s32 s3, s14;
	[sflag:s25] =	ssyncadd.s32 $0xFFFFE000  }
0x4ac: {  	p0 =	por p0, p1;
	s1 =	smov.u32 @p1 s21;
	s3 =	sadd.s32 s3, s29;
	v7 =	vld [tilespmem:s0+$0x12070]  }
0x4ad: {  	s12 =	smov.u32 @p0 s1;
	p0 =	sge.s32 s3, s14;
	v8 =	vld [tilespmem:s0+$0x12000]  }
0x4ae: {  	s31 =	sshll.u32 s28, $0x7;
	s1 =	smov.u32 @p0 s12;
	v9 =	vld [tilespmem:s0+$0x12010]  }
0x4af: {  	s1 =	sadd.s32 s31, s1;
	v10 =	vld [tilespmem:s0+$0x12020]  }
0x4b0: {  	v6 =	vmov s1;
	v11 =	vld [tilespmem:s0+$0x12030]  }
0x4b1: {  	vm0 =	vgt.s32 v7, v6  }
0x4b2: {  	v12 =	vld [tilespmem:s0+$0x12040];
	vm1 =	vgt.s32 v8, v6;
	v7 =	vsel vm0, $0x0, v5  }
0x4b3: {  	v14 =	vld [tilespmem:s0+$0x12050];
	vm10 =	vgt.s32 v9, v6;
	v13 =	vsel vm1, $0x3F800000, v4;
	[tilespmem:s0+$0x1B0F0] =	vst v7  }
0x4b4: {  	vm11 =	vgt.s32 v10, v6;
	v9 =	vsel vm10, $0x3F800000, v4;
	[tilespmem:s0+$0x19080] =	vst v13  }
0x4b5: {  	v8 =	vld [tilespmem:s0+$0x12060];
	vm12 =	vgt.s32 v11, v6;
	v10 =	vsel vm11, $0x0, v5;
	[tilespmem:s0+$0x19090] =	vst v9  }
0x4b6: {  	v15 =	vsel vm12, $0x3F800000, v4;
	[tilespmem:s0+$0x1B0A0] =	vst v10  }
0x4b7: {  	vm13 =	vgt.s32 v12, v6;
	v16 =	vsel vm12, $0x0, v5;
	[tilespmem:s0+$0x190B0] =	vst v15  }
0x4b8: {  	vm14 =	vgt.s32 v14, v6;
	v11 =	vsel vm13, $0x0, v5;
	v7 =	vsel vm1, $0x0, v5;
	[tilespmem:s0+$0x1B0B0] =	vst v16  }
0x4b9: {  	v12 =	vsel vm14, $0x3F800000, v4;
	v13 =	vsel vm10, $0x0, v5;
	v9 =	vsel vm11, $0x3F800000, v4;
	[tilespmem:s0+$0x1B080] =	vst v7  }
0x4ba: {  	v7 =	vsel vm0, $0x3F800000, v4;
	[tilespmem:s0+$0x1B090] =	vst v13;
	v13 =	vsel vm13, $0x3F800000, v4;
	vm15 =	vgt.s32 v8, v6  }
0x4bb: {  	s12 =	simm.s32 $0x400;
	s1 =	simm.s32 $0x80;
	[tilespmem:s0+$0x190A0] =	vst v9;
	v9 =	vsel vm14, $0x0, v5;
	v10 =	vsel vm15, $0x3F800000, v4;
	v8 =	vsel vm15, $0x0, v5  }
.LBB2_60:
0x4bc: {  	p0 =	sne.s32 s12, $0x7E00;
	v14 =	vld [tilespmem:s1+$0x12070];
	[tilespmem:s0+$0x190C0] =	vst v13  }
0x4bd: {  	v13 =	vld [tilespmem:s1+$0x12000];
	[tilespmem:s0+$0x1B0C0] =	vst v11  }
0x4be: {  	v11 =	vld [tilespmem:s1+$0x12010];
	[tilespmem:s0+$0x190D0] =	vst v12  }
0x4bf: {  	v12 =	vld [tilespmem:s1+$0x12020];
	[tilespmem:s0+$0x1B0D0] =	vst v9  }
0x4c0: {  	v9 =	vld [tilespmem:s1+$0x12030];
	[tilespmem:s0+$0x190E0] =	vst v10  }
0x4c1: {  	v10 =	vld [tilespmem:s1+$0x12040];
	vm0 =	vgt.s32 v14, v6;
	[tilespmem:s0+$0x1B0E0] =	vst v8  }
0x4c2: {  	vm1 =	vgt.s32 v13, v6;
	v8 =	vld [tilespmem:s1+$0x12050];
	v13 =	vsel vm0, $0x0, v5;
	[tilespmem:s0+$0x190F0] =	vst v7;
	v7 =	vsel vm0, $0x3F800000, v4;
	s0 =	smov.u32 s1  }
0x4c3: {  	v14 =	vsel vm1, $0x3F800000, v4;
	v15 =	vsel vm1, $0x0, v5;
	vm0 =	vgt.s32 v11, v6;
	v16 =	vld [tilespmem:s0+$0x12060];
	[tilespmem:s0+$0x1B0F0] =	vst v13  }
0x4c4: {  	[tilespmem:s0+$0x19080] =	vst v14;
	v11 =	vsel vm0, $0x3F800000, v4;
	v13 =	vsel vm0, $0x0, v5;
	vm0 =	vgt.s32 v12, v6  }
0x4c5: {  	[tilespmem:s0+$0x1B080] =	vst v15;
	v12 =	vsel vm0, $0x3F800000, v4;
	v14 =	vsel vm0, $0x0, v5;
	vm0 =	vgt.s32 v9, v6  }
0x4c6: {  	[tilespmem:s0+$0x19090] =	vst v11;
	v15 =	vsel vm0, $0x3F800000, v4;
	v17 =	vsel vm0, $0x0, v5;
	vm0 =	vgt.s32 v10, v6  }
.Ltmp35:
0x4c7: {  	[tilespmem:s0+$0x1B090] =	vst v13;
	v13 =	vsel vm0, $0x3F800000, v4;
	v11 =	vsel vm0, $0x0, v5;
	vm0 =	vgt.s32 v8, v6;
	(pc) =	sbr.rel @p0 .LBB2_60-.Ltmp35, $4  }
0x4c8: {  	[tilespmem:s0+$0x190A0] =	vst v12;
	v12 =	vsel vm0, $0x3F800000, v4;
	v9 =	vsel vm0, $0x0, v5;
	vm0 =	vgt.s32 v16, v6  }
0x4c9: {  	[tilespmem:s0+$0x1B0A0] =	vst v14;
	v10 =	vsel vm0, $0x3F800000, v4;
	v8 =	vsel vm0, $0x0, v5  }
0x4ca: {  	[tilespmem:s0+$0x190B0] =	vst v15  }
0x4cb: {  	s1 =	sshra.s32 s12, $0x2;
	s12 =	sadd.s32 $0x200, s12;
	[tilespmem:s0+$0x1B0B0] =	vst v17  }
0x4cc: {  	v14 =	vld [tilespmem:s1+$0x12070];
	[tilespmem:s0+$0x190C0] =	vst v13  }
0x4cd: {  	v13 =	vld [tilespmem:s1+$0x12000];
	[tilespmem:s0+$0x1B0C0] =	vst v11  }
0x4ce: {  	v11 =	vld [tilespmem:s1+$0x12010];
	[tilespmem:s0+$0x190D0] =	vst v12  }
0x4cf: {  	v12 =	vld [tilespmem:s1+$0x12020];
	[tilespmem:s0+$0x1B0D0] =	vst v9  }
0x4d0: {  	v9 =	vld [tilespmem:s1+$0x12030];
	[tilespmem:s0+$0x190E0] =	vst v10  }
0x4d1: {  	v10 =	vld [tilespmem:s1+$0x12040];
	[tilespmem:s0+$0x1B0E0] =	vst v8;
	vm0 =	vgt.s32 v14, v6  }
0x4d2: {  	v8 =	vld [tilespmem:s1+$0x12050];
	[tilespmem:s0+$0x190F0] =	vst v7;
	vm1 =	vgt.s32 v13, v6;
	v7 =	vsel vm0, $0x0, v5  }
0x4d3: {  	v61 =	vsel vm1, $0x3F800000, v4;
	[tilespmem:s1+$0x1B0F0] =	vst v7  }
0x4d4: {  	v7 =	vsel vm1, $0x0, v5;
	vm10 =	vgt.s32 v11, v6;
	[tilespmem:s1+$0x19080] =	vst v61  }
0x4d5: {  	v11 =	vsel vm10, $0x3F800000, v4;
	[tilespmem:s1+$0x1B080] =	vst v7  }
0x4d6: {  	v7 =	vsel vm10, $0x0, v5;
	vm11 =	vgt.s32 v12, v6;
	[tilespmem:s1+$0x19090] =	vst v11  }
0x4d7: {  	v62 =	vsel vm11, $0x3F800000, v4;
	[tilespmem:s1+$0x1B090] =	vst v7  }
0x4d8: {  	v7 =	vsel vm11, $0x0, v5;
	vm12 =	vgt.s32 v9, v6;
	[tilespmem:s1+$0x190A0] =	vst v62  }
0x4d9: {  	v60 =	vld [tilespmem:s1+$0x12060];
	v9 =	vsel vm12, $0x3F800000, v4;
	[tilespmem:s1+$0x1B0A0] =	vst v7  }
0x4da: {  	v7 =	vsel vm12, $0x0, v5;
	vm13 =	vgt.s32 v10, v6;
	[tilespmem:s1+$0x190B0] =	vst v9  }
0x4db: {  	v63 =	vsel vm13, $0x3F800000, v4;
	[tilespmem:s1+$0x1B0B0] =	vst v7  }
0x4dc: {  	v7 =	vsel vm13, $0x0, v5;
	vm14 =	vgt.s32 v8, v6;
	[tilespmem:s1+$0x190C0] =	vst v63  }
0x4dd: {  	v8 =	vsel vm14, $0x3F800000, v4;
	[tilespmem:s1+$0x1B0C0] =	vst v7  }
0x4de: {  	v7 =	vsel vm14, $0x0, v5;
	vm15 =	vgt.s32 v60, v6;
	[tilespmem:s1+$0x190D0] =	vst v8  }
0x4df: {  	v6 =	vsel vm15, $0x3F800000, v4;
	[tilespmem:s1+$0x1B0D0] =	vst v7  }
0x4e0: {  	v7 =	vsel vm15, $0x0, v5;
	[tilespmem:s1+$0x190E0] =	vst v6  }
0x4e1: {  	v6 =	vsel vm0, $0x3F800000, v4;
	[tilespmem:s1+$0x1B0E0] =	vst v7  }
0x4e2: {  	s30 =	simm.s32 $0x19080;
	[tilespmem:s1+$0x190F0] =	vst v6  }
0x4e3: {  	[hbm4b:s9+s19] =	stream.strided.scatter [tilespmem:s30], [sflag:$0x4], $0x2000, s20, s19, $0x38;
	[tilespmem:$0x1D080] =	vst v63  }
0x4e4: {  	s31 =	simm.s32 $0x1B080;
	s26 =	sadd.s32 $0x1, s26  }
0x4e5: {  	[hbm4b:s10+s19] =	stream.strided.scatter [tilespmem:s31], [sflag:$0x5], $0x2000, s20, s19, $0x38;
	[tilespmem:$0x1D080] =	vst v63  }
0x4e6: {  	p0 =	sne.s32 s26, s11;
	_ =	swait.ge [sflag:s24], $0x2000  }
.Ltmp36:
0x4e7: {  	[sflag:s24] =	ssyncset.done $0x0;
	(pc) =	sbr.rel @p0 .LBB2_1-.Ltmp36, $4  }
0x4e8: {  	[sflag:s24] =	ssyncadd.s32 $0xFFFFE000  }
0x4e9: {  	_ =	swait.ge [sflag:s25], $0x2000  }
0x4ea: {  	[sflag:s25] =	ssyncset.done $0x0  }
0x4eb: {  	[sflag:s25] =	ssyncadd.s32 $0xFFFFE000  }
0x4ec: {  	_ =	sfence.sel $0x180000  }
0x4ed: {  	[bflag:$0x0] =	sbarrier.arrive $0xFFFF  }
0x4ee: {  	_ =	strace $0x90000047  }
0x4ef: {  	s0 =	stileid.u32;
	[bflag:$0x2] =	sbarrier.arrive $0xFFFF  }
0x4f0: {  	p0 =	sne.s32 s0, $0x0;
	s0 =	rddreg [dreg:$0x3]  }
0x4f1: {  	s0 =	sadd.s32 @!p0 $0x100000, s0  }
0x4f2: {  	[sflag:s0] =	ssyncadd.tile.s32 @!p0 $0x1;
	_ =	shalt  }
.Lfunc_end2:
_tile_overlayer_lowered:
.L_overlay_start_2:
0x4f3: {  	(tag) =	ssettag $0x2  }
0x4f4: {  	s0 =	rddreg [dreg:$0x0];
	s2 =	stileid.u32  }
0x4f5: {  	s1 =	rddreg [dreg:$0x1];
	p0 =	sne.s32 s2, $0x0  }
0x4f6: {  	s3 =	rddreg [dreg:$0x2];
	[bflag:$0x3] =	sbarrier.arrive $0xFFFF;
	s2 =	simm.s32 @!p0 $0x1C06  }
0x4f7: {  	[timem:s3], [sflag:s2] =	dma.local @!p0 [hbm:s0], s1  }
0x4f8: {  	s0 =	simm.s32 @!p0 $0x6  }
0x4f9: {  	_ =	swait.ge @!p0 [sflag:s0], s1  }
0x4fa: {  	s1 =	ssub.s32 @!p0 $0x0, s1;
	[sflag:s0] =	ssyncset.done @!p0 $0x0  }
0x4fb: {  	[sflag:s0] =	ssyncadd.s32 @!p0 s1  }
0x4fc: {  	[bflag:$0x3] =	sbarrier.arrive $0xFFFF  }
0x4fd: {  	_ =	shalt  }

</sc_bundles>
